<compile_context>
chip_gen: v7x
topology: tpu7x:2x2x1
jax: 0.10.2.dev20260603
libtpu: 0.0.44.dev20260713+nightly
codegen_flags: <defaults>
</compile_context>

<pallas_src>
import functools

import jax
import jax.numpy as jnp
from jax import lax
from jax.experimental import pallas as pl
from jax.experimental.pallas import tpu as pltpu
from jax.experimental.pallas import tpu_sc as plsc

N = 10000
E = 160000
IN_DIM = 256
HIDDEN = 512
NUM_CLASSES = 128

NC = 2
NS = 16
BATCH = 128
N_ACC = 10240
N_PAD_ROWS = N_ACC - N
E_PAD = 16 * 80 * BATCH
NB32 = E_PAD // (32 * BATCH)
NB16 = E_PAD // (16 * BATCH)

STRIP = N_ACC // NS
STAGE_ROWS = 80

_MESH = dict(core_axis_name="c", subcore_axis_name="s")


def _row_span(s):
    start = s * STRIP
    nch = jnp.where(s < NS - 1, STRIP // STAGE_ROWS,
                    (N - (NS - 1) * STRIP) // STAGE_ROWS)
    return start, nch


def _sc_degree():

    @functools.partial(
        pl.kernel,
        out_type=jax.ShapeDtypeStruct((NC * N_ACC,), jnp.float32),
        mesh=plsc.VectorSubcoreMesh(**_MESH),
        scratch_types=[
            pltpu.VMEM((NB32, BATCH), jnp.int32),
            pltpu.VMEM((BATCH,), jnp.float32),
            pltpu.VMEM((STRIP,), jnp.float32),
            pltpu.VMEM_SHARED((N_ACC,), jnp.float32),
        ],
    )
    def deg_kernel(dst_hbm, out_hbm, idx_v, ones_v, stage_v, acc_sh):
        c = lax.axis_index("c")
        s = lax.axis_index("s")
        wid = c * NS + s
        for i in range(BATCH // 16):
            ones_v[pl.ds(i * 16, 16)] = jnp.ones((16,), jnp.float32)
        for i in range(STRIP // 16):
            stage_v[pl.ds(i * 16, 16)] = jnp.zeros((16,), jnp.float32)
        pltpu.sync_copy(dst_hbm.at[wid], idx_v)
        pltpu.sync_copy(stage_v, acc_sh.at[pl.ds(s * STRIP, STRIP)])
        plsc.subcore_barrier()

        def body(b, carry):
            pltpu.sync_copy(ones_v, acc_sh.at[idx_v.at[b]], add=True)
            return carry

        lax.fori_loop(0, NB32, body, 0)
        plsc.subcore_barrier()
        pltpu.sync_copy(acc_sh.at[pl.ds(s * STRIP, STRIP)],
                        out_hbm.at[pl.ds(c * N_ACC + s * STRIP, STRIP)])

    return deg_kernel


def _edge_pipeline(y_view, src_v, dst_v, gbuf0, gbuf1, gsem0, gsem1,
                   ssem0, ssem1, acc_sh, nb):
    pltpu.async_copy(y_view.at[src_v.at[0]], gbuf0, gsem0)

    def body(j, carry):
        b0 = 2 * j
        b1 = b0 + 1
        pltpu.make_async_copy(y_view.at[src_v.at[b0]], gbuf0, gsem0).wait()

        @pl.when(j > 0)
        def _drain1():
            pltpu.make_async_copy(
                gbuf1, acc_sh.at[dst_v.at[b0 - 1]], ssem1).wait()

        pltpu.async_copy(y_view.at[src_v.at[b1]], gbuf1, gsem1)
        pltpu.async_copy(gbuf0, acc_sh.at[dst_v.at[b0]], ssem0, add=True)
        pltpu.make_async_copy(y_view.at[src_v.at[b1]], gbuf1, gsem1).wait()
        pltpu.make_async_copy(gbuf0, acc_sh.at[dst_v.at[b0]], ssem0).wait()

        @pl.when(b1 + 1 < nb)
        def _next():
            pltpu.async_copy(y_view.at[src_v.at[b1 + 1]], gbuf0, gsem0)

        pltpu.async_copy(gbuf1, acc_sh.at[dst_v.at[b1]], ssem1, add=True)
        return carry

    lax.fori_loop(0, nb // 2, body, 0)
    pltpu.make_async_copy(gbuf1, acc_sh.at[dst_v.at[nb - 1]], ssem1).wait()


def _stage_rows(src_at_rows, dst_at_rows, s):
    start, nch = _row_span(s)

    def body(r, carry):
        row0 = start + r * STAGE_ROWS
        pltpu.sync_copy(src_at_rows(row0), dst_at_rows(row0))
        return carry

    lax.fori_loop(0, nch, body, 0)


def _sc_propagate_l1():
    kc, cw, kcpc = 4, 128, 2

    @functools.partial(
        pl.kernel,
        out_type=jax.ShapeDtypeStruct((kc, N, cw), jnp.float32),
        mesh=plsc.VectorSubcoreMesh(**_MESH),
        scratch_types=[
            pltpu.VMEM((NB32, BATCH), jnp.int32),
            pltpu.VMEM((NB32, BATCH), jnp.int32),
            pltpu.VMEM((BATCH, cw), jnp.float32),
            pltpu.VMEM((BATCH, cw), jnp.float32),
            pltpu.VMEM_SHARED((N_ACC, cw), jnp.float32),
            pltpu.SemaphoreType.DMA,
            pltpu.SemaphoreType.DMA,
            pltpu.SemaphoreType.DMA,
            pltpu.SemaphoreType.DMA,
        ],
    )
    def prop_kernel(y_hbm, src_hbm, dst_hbm, out_hbm,
                    src_v, dst_v, gbuf0, gbuf1, acc_sh,
                    gsem0, gsem1, ssem0, ssem1):
        c = lax.axis_index("c")
        s = lax.axis_index("s")
        for ck in range(kc):

            @pl.when(c == ck // kcpc)
            def _run(ck=ck):
                _stage_rows(lambda r0: y_hbm.at[ck, pl.ds(r0, STAGE_ROWS)],
                            lambda r0: acc_sh.at[pl.ds(r0, STAGE_ROWS)],
                            s)
                plsc.subcore_barrier()
                for p in range(2):
                    pltpu.sync_copy(src_hbm.at[s, pl.ds(p * NB32, NB32)], src_v)
                    pltpu.sync_copy(dst_hbm.at[s, pl.ds(p * NB32, NB32)], dst_v)
                    _edge_pipeline(y_hbm.at[ck], src_v, dst_v, gbuf0, gbuf1,
                                   gsem0, gsem1, ssem0, ssem1, acc_sh, NB32)
                plsc.subcore_barrier()
                _stage_rows(lambda r0: acc_sh.at[pl.ds(r0, STAGE_ROWS)],
                            lambda r0: out_hbm.at[ck, pl.ds(r0, STAGE_ROWS)],
                            s)
                plsc.subcore_barrier()

    return prop_kernel


def _sc_propagate_l2():
    cw = 128

    @functools.partial(
        pl.kernel,
        out_type=jax.ShapeDtypeStruct((NC, N, cw), jnp.float32),
        mesh=plsc.VectorSubcoreMesh(**_MESH),
        scratch_types=[
            pltpu.VMEM((NB32, BATCH), jnp.int32),
            pltpu.VMEM((NB32, BATCH), jnp.int32),
            pltpu.VMEM((BATCH, cw), jnp.float32),
            pltpu.VMEM((BATCH, cw), jnp.float32),
            pltpu.VMEM_SHARED((N_ACC, cw), jnp.float32),
            pltpu.SemaphoreType.DMA,
            pltpu.SemaphoreType.DMA,
            pltpu.SemaphoreType.DMA,
            pltpu.SemaphoreType.DMA,
        ],
    )
    def prop_kernel(y_hbm, src_hbm, dst_hbm, out_hbm,
                    src_v, dst_v, gbuf0, gbuf1, acc_sh,
                    gsem0, gsem1, ssem0, ssem1):
        c = lax.axis_index("c")
        s = lax.axis_index("s")
        wid = c * NS + s
        pltpu.sync_copy(src_hbm.at[wid], src_v)
        pltpu.sync_copy(dst_hbm.at[wid], dst_v)
        _stage_rows(lambda r0: y_hbm.at[pl.ds(r0, STAGE_ROWS)],
                    lambda r0: acc_sh.at[pl.ds(r0, STAGE_ROWS)],
                    s)
        plsc.subcore_barrier()
        _edge_pipeline(y_hbm, src_v, dst_v, gbuf0, gbuf1,
                       gsem0, gsem1, ssem0, ssem1, acc_sh, NB32)
        plsc.subcore_barrier()
        _stage_rows(lambda r0: acc_sh.at[pl.ds(r0, STAGE_ROWS)],
                    lambda r0: out_hbm.at[c, pl.ds(r0, STAGE_ROWS)],
                    s)

    return prop_kernel


def _dinv(deg_ref):
    deg = deg_ref[0, :] + deg_ref[1, :] + 1.0
    return lax.rsqrt(jnp.maximum(deg, 1.0))


BN = 2048


def _mm1_kernel(x_ref, w_ref, deg_ref, y_ref):
    dinv = _dinv(deg_ref)
    y = jnp.dot(x_ref[...], w_ref[...], preferred_element_type=jnp.float32)
    y = y * dinv[:, None]
    y_ref[0] = y[:, :128]
    y_ref[1] = y[:, 128:]


def _mid_kernel(acc_ref, deg_ref, b1_ref, w2_ref, h_ref, y2_ref):
    dinv = _dinv(deg_ref)
    hcat = jnp.concatenate([acc_ref[k] for k in range(4)], axis=1)
    h = jax.nn.relu(hcat * dinv[:, None] + b1_ref[0, :])
    h_ref[...] = h
    y2 = jnp.dot(h, w2_ref[...], preferred_element_type=jnp.float32)
    y2_ref[...] = y2 * dinv[:, None]


def _fin_kernel(acc_ref, y2_ref, deg_ref, b2_ref, out_ref):
    dinv = _dinv(deg_ref)
    tot = acc_ref[0] + acc_ref[1] - y2_ref[...]
    out_ref[...] = tot * dinv[:, None] + b2_ref[0, :]


def kernel(x, edge_index, W1, b1, W2, b2):
    src = edge_index[0].astype(jnp.int32)
    dst = edge_index[1].astype(jnp.int32)
    npad = E_PAD - E
    pad_src = jnp.arange(npad, dtype=jnp.int32) % N
    pad_dst = N + jnp.arange(npad, dtype=jnp.int32) % N_PAD_ROWS
    srcp = jnp.concatenate([src, pad_src])
    dstp = jnp.concatenate([dst, pad_dst])
    dst32 = dstp.reshape(32, NB32, BATCH)
    src32 = srcp.reshape(32, NB32, BATCH)
    src16 = srcp.reshape(16, NB16, BATCH)
    dst16 = dstp.reshape(16, NB16, BATCH)

    degp = _sc_degree()(dst32)
    degp = degp.reshape(2, N_ACC)

    y1 = pl.pallas_call(
        _mm1_kernel,
        grid=(5, HIDDEN // 256),
        in_specs=[
            pl.BlockSpec((BN, IN_DIM), lambda i, j: (i, 0)),
            pl.BlockSpec((IN_DIM, 256), lambda i, j: (0, j)),
            pl.BlockSpec((NC, BN), lambda i, j: (0, i)),
        ],
        out_specs=pl.BlockSpec((2, BN, 128), lambda i, j: (j, i, 0)),
        out_shape=jax.ShapeDtypeStruct((4, N, 128), jnp.float32),
    )(x, W1, degp)

    acc1 = _sc_propagate_l1()(y1, src16, dst16)

    h, y2 = pl.pallas_call(
        _mid_kernel,
        grid=(5,),
        in_specs=[
            pl.BlockSpec((4, BN, 128), lambda i: (0, i, 0)),
            pl.BlockSpec((NC, BN), lambda i: (0, i)),
            pl.BlockSpec((1, HIDDEN), lambda i: (0, 0)),
            pl.BlockSpec((HIDDEN, NUM_CLASSES), lambda i: (0, 0)),
        ],
        out_specs=[
            pl.BlockSpec((BN, HIDDEN), lambda i: (i, 0)),
            pl.BlockSpec((BN, NUM_CLASSES), lambda i: (i, 0)),
        ],
        out_shape=[
            jax.ShapeDtypeStruct((N, HIDDEN), jnp.float32),
            jax.ShapeDtypeStruct((N, NUM_CLASSES), jnp.float32),
        ],
    )(acc1, degp, b1.reshape(1, HIDDEN), W2)

    acc2 = _sc_propagate_l2()(y2, src32, dst32)

    logits = pl.pallas_call(
        _fin_kernel,
        grid=(5,),
        in_specs=[
            pl.BlockSpec((NC, BN, 128), lambda i: (0, i, 0)),
            pl.BlockSpec((BN, NUM_CLASSES), lambda i: (i, 0)),
            pl.BlockSpec((NC, BN), lambda i: (0, i)),
            pl.BlockSpec((1, NUM_CLASSES), lambda i: (0, 0)),
        ],
        out_specs=pl.BlockSpec((BN, NUM_CLASSES), lambda i: (i, 0)),
        out_shape=jax.ShapeDtypeStruct((N, NUM_CLASSES), jnp.float32),
    )(acc2, y2, degp, b2.reshape(1, NUM_CLASSES))

    return (logits, h)

# --- scband reference (transcript-rebuilt; emitter-appended) ---
"""Pipeline reference for scband-standard-gnn-19859928777442 (READ-ONLY COPY).

The authoritative reference and input builder live on the scoring server;
editing this copy changes nothing except your own understanding.
"""

import jax, jax.numpy as jnp
import numpy as np

N = 10000
E = 160000
IN_DIM = 256
HIDDEN = 512
NUM_CLASSES = 128


def setup_inputs(seed: int = 0) -> dict:
    key = jax.random.key(seed)
    ks = jax.random.split(key, 6)
    x = jax.random.normal(ks[0], (N, IN_DIM), dtype=jnp.float32)
    edge_index = jax.random.randint(ks[1], (2, E), 0, N, dtype=jnp.int32)
    W1 = jax.random.normal(ks[2], (IN_DIM, HIDDEN), dtype=jnp.float32) * (1.0 / np.sqrt(IN_DIM))
    b1 = jnp.zeros((HIDDEN,), dtype=jnp.float32)
    W2 = jax.random.normal(ks[3], (HIDDEN, NUM_CLASSES), dtype=jnp.float32) * (1.0 / np.sqrt(HIDDEN))
    b2 = jnp.zeros((NUM_CLASSES,), dtype=jnp.float32)
    return {"x": x, "edge_index": edge_index, "W1": W1, "b1": b1, "W2": W2, "b2": b2}


def gcn_conv(x, edge_index, W, b):
    # PyG GCNConv: add self-loops, symmetric D^{-1/2}(A+I)D^{-1/2} normalization
    n = x.shape[0]
    xw = x @ W
    loop = jnp.arange(n, dtype=edge_index.dtype)
    src = jnp.concatenate([edge_index[0], loop])
    dst = jnp.concatenate([edge_index[1], loop])
    deg = jnp.zeros((n,), dtype=xw.dtype).at[dst].add(1.0)
    dinv = jax.lax.rsqrt(jnp.maximum(deg, 1.0))
    norm = dinv[src] * dinv[dst]
    msg = jnp.take(xw, src, axis=0) * norm[:, None]
    out = jnp.zeros_like(xw).at[dst].add(msg)
    return out + b


def reference(x, edge_index, W1, b1, W2, b2):
    # GCNEncoder forward (eval mode: dropout is identity)
    h = jax.nn.relu(gcn_conv(x, edge_index, W1, b1))
    logits = gcn_conv(h, edge_index, W2, b2)
    return (logits, h)

if __name__ == "__main__":
    import jax
    _d = setup_inputs()
    print(jax.jit(kernel)(*tuple(_d.values())))

</pallas_src>

<mosaic_0001>
#map = affine_map<(d0, d1) -> (0, 0, 0)>
module attributes {stable_mosaic.version = 14 : i64} {
  func.func @prop_kernel(%arg0: i32, %arg1: i32, %arg2: memref<4x10000x128xf32, #tpu.memory_space<hbm>>, %arg3: memref<16x80x128xi32, #tpu.memory_space<hbm>>, %arg4: memref<16x80x128xi32, #tpu.memory_space<hbm>>, %arg5: memref<4x10000x128xf32, #tpu.memory_space<hbm>>, %arg6: memref<40x128xi32, #tpu.memory_space<vmem>>, %arg7: memref<40x128xi32, #tpu.memory_space<vmem>>, %arg8: memref<128x128xf32, #tpu.memory_space<vmem>>, %arg9: memref<128x128xf32, #tpu.memory_space<vmem>>, %arg10: memref<10240x128xf32, #tpu.memory_space<vmem_shared>>, %arg11: memref<!tpu.dma_semaphore, #tpu.memory_space<semaphore_mem>>, %arg12: memref<!tpu.dma_semaphore, #tpu.memory_space<semaphore_mem>>, %arg13: memref<!tpu.dma_semaphore, #tpu.memory_space<semaphore_mem>>, %arg14: memref<!tpu.dma_semaphore, #tpu.memory_space<semaphore_mem>>) attributes {dimension_semantics = [#tpu.dimension_semantics<core_parallel>, #tpu.dimension_semantics<subcore_parallel>], iteration_bounds = array<i64: 2, 16>, scalar_prefetch = 0 : i64, scratch_operands = 9 : i64, tpu.core_type = #tpu.core_type<sc_vector_subcore>, window_params = [{transform_indices = #map}, {transform_indices = #map}, {transform_indices = #map}, {transform_indices = #map}]} {
    %eq3A = arith.constant 0 : i32
    %eq3A_0 = arith.cmpi eq, %arg0, %eq3A : i32
    %convert_element_type3A = arith.extui %eq3A_0 : i1 to i32
    %cond3A = arith.constant 0 : i32
    %cond3A_1 = arith.cmpi ne, %convert_element_type3A, %cond3A : i32
    scf.if %cond3A_1 {
      %mul3A = arith.constant 640 : i32
      %mul3A_17 = arith.muli %arg1, %mul3A : i32
      %lt3A = arith.constant 15 : i32
      %lt3A_18 = arith.cmpi slt, %arg1, %lt3A : i32
      %jit3A = arith.constant 8 : i32
      %jit3A_19 = arith.constant 5 : i32
      %select_n3A = arith.select %lt3A_18, %jit3A, %jit3A_19 : i32
      %while3A = arith.constant 0 : i32
      %while3A_20 = arith.constant 0 : i32
      %while3A_21 = arith.subi %select_n3A, %while3A_20 : i32
      %while3A_22 = arith.addi %while3A_20, %while3A_21 : i32
      %while3A_23 = arith.constant 1 : i32
      %while3A_24 = arith.divsi %while3A_21, %while3A_23 : i32
      %while3A_25 = arith.muli %while3A_24, %while3A_23 : i32
      %while3A_26 = arith.addi %while3A_20, %while3A_25 : i32
      %while3A_27 = arith.constant 1 : i32
      scf.for %while3A_97 = %while3A_20 to %while3A_26 step %while3A_27  : i32 {
        %mul3A_98 = arith.constant 80 : i32
        %mul3A_99 = arith.muli %while3A_97, %mul3A_98 : i32
        %add3A = arith.addi %mul3A_17, %mul3A_99 : i32
        %run_scoped3A = arith.constant 0 : i32
        "tpu.region"() ({
          %run_scoped3A_100 = tpu.sem_alloc : memref<!tpu.dma_semaphore, #tpu.memory_space<semaphore_mem>>
          %dma_start3A_101 = arith.constant 0 : i32
          %dma_start3A_102 = tpu.memref_slice %arg10[%add3A, %dma_start3A_101] : memref<10240x128xf32, #tpu.memory_space<vmem_shared>> -> memref<80x128xf32, #tpu.memory_space<vmem_shared>>
          %dma_start3A_103 = arith.constant 0 : i32
          %dma_start3A_104 = tpu.memref_slice %arg2[%run_scoped3A, %add3A, %dma_start3A_103] : memref<4x10000x128xf32, #tpu.memory_space<hbm>> -> memref<1x80x128xf32, #tpu.memory_space<hbm>>
          %dma_start3A_105 = tpu.memref_squeeze %dma_start3A_104 : memref<1x80x128xf32, #tpu.memory_space<hbm>> -> memref<80x128xf32, #tpu.memory_space<hbm>>
          tpu.enqueue_dma source(%dma_start3A_105 : memref<80x128xf32, #tpu.memory_space<hbm>>) target(%dma_start3A_102 : memref<80x128xf32, #tpu.memory_space<vmem_shared>>) target_semaphore(%run_scoped3A_100 : memref<!tpu.dma_semaphore, #tpu.memory_space<semaphore_mem>>)
          %dma_wait3A_106 = arith.constant 0 : i32
          %dma_wait3A_107 = tpu.memref_slice %arg10[%add3A, %dma_wait3A_106] : memref<10240x128xf32, #tpu.memory_space<vmem_shared>> -> memref<80x128xf32, #tpu.memory_space<vmem_shared>>
          %dma_wait3A_108 = arith.constant 0 : i32
          %dma_wait3A_109 = tpu.memref_slice %arg2[%run_scoped3A, %add3A, %dma_wait3A_108] : memref<4x10000x128xf32, #tpu.memory_space<hbm>> -> memref<1x80x128xf32, #tpu.memory_space<hbm>>
          %dma_wait3A_110 = tpu.memref_squeeze %dma_wait3A_109 : memref<1x80x128xf32, #tpu.memory_space<hbm>> -> memref<80x128xf32, #tpu.memory_space<hbm>>
          tpu.wait_dma2 semaphore(%run_scoped3A_100 : memref<!tpu.dma_semaphore, #tpu.memory_space<semaphore_mem>>) src(%dma_wait3A_110 : memref<80x128xf32, #tpu.memory_space<hbm>>) dst(%dma_wait3A_107 : memref<80x128xf32, #tpu.memory_space<vmem_shared>>)
          tpu.yield
        }) : () -> ()
      }
      %while3A_28 = arith.constant 1 : i32
      scf.for %while3A_97 = %while3A_26 to %while3A_22 step %while3A_28  : i32 {
        %mul3A_98 = arith.constant 80 : i32
        %mul3A_99 = arith.muli %while3A_97, %mul3A_98 : i32
        %add3A = arith.addi %mul3A_17, %mul3A_99 : i32
        %run_scoped3A = arith.constant 0 : i32
        "tpu.region"() ({
          %run_scoped3A_100 = tpu.sem_alloc : memref<!tpu.dma_semaphore, #tpu.memory_space<semaphore_mem>>
          %dma_start3A_101 = arith.constant 0 : i32
          %dma_start3A_102 = tpu.memref_slice %arg10[%add3A, %dma_start3A_101] : memref<10240x128xf32, #tpu.memory_space<vmem_shared>> -> memref<80x128xf32, #tpu.memory_space<vmem_shared>>
          %dma_start3A_103 = arith.constant 0 : i32
          %dma_start3A_104 = tpu.memref_slice %arg2[%run_scoped3A, %add3A, %dma_start3A_103] : memref<4x10000x128xf32, #tpu.memory_space<hbm>> -> memref<1x80x128xf32, #tpu.memory_space<hbm>>
          %dma_start3A_105 = tpu.memref_squeeze %dma_start3A_104 : memref<1x80x128xf32, #tpu.memory_space<hbm>> -> memref<80x128xf32, #tpu.memory_space<hbm>>
          tpu.enqueue_dma source(%dma_start3A_105 : memref<80x128xf32, #tpu.memory_space<hbm>>) target(%dma_start3A_102 : memref<80x128xf32, #tpu.memory_space<vmem_shared>>) target_semaphore(%run_scoped3A_100 : memref<!tpu.dma_semaphore, #tpu.memory_space<semaphore_mem>>)
          %dma_wait3A_106 = arith.constant 0 : i32
          %dma_wait3A_107 = tpu.memref_slice %arg10[%add3A, %dma_wait3A_106] : memref<10240x128xf32, #tpu.memory_space<vmem_shared>> -> memref<80x128xf32, #tpu.memory_space<vmem_shared>>
          %dma_wait3A_108 = arith.constant 0 : i32
          %dma_wait3A_109 = tpu.memref_slice %arg2[%run_scoped3A, %add3A, %dma_wait3A_108] : memref<4x10000x128xf32, #tpu.memory_space<hbm>> -> memref<1x80x128xf32, #tpu.memory_space<hbm>>
          %dma_wait3A_110 = tpu.memref_squeeze %dma_wait3A_109 : memref<1x80x128xf32, #tpu.memory_space<hbm>> -> memref<80x128xf32, #tpu.memory_space<hbm>>
          tpu.wait_dma2 semaphore(%run_scoped3A_100 : memref<!tpu.dma_semaphore, #tpu.memory_space<semaphore_mem>>) src(%dma_wait3A_110 : memref<80x128xf32, #tpu.memory_space<hbm>>) dst(%dma_wait3A_107 : memref<80x128xf32, #tpu.memory_space<vmem_shared>>)
          tpu.yield
        }) : () -> ()
      }
      %barrier3A = arith.constant 0 : index
      tpu.barrier barrier_id(%barrier3A)
      "tpu.region"() ({
        %run_scoped3A = tpu.sem_alloc : memref<!tpu.dma_semaphore, #tpu.memory_space<semaphore_mem>>
        %dma_start3A_97 = arith.constant 0 : i32
        %dma_start3A_98 = arith.constant 0 : i32
        %dma_start3A_99 = tpu.memref_slice %arg3[%arg1, %dma_start3A_97, %dma_start3A_98] : memref<16x80x128xi32, #tpu.memory_space<hbm>> -> memref<1x40x128xi32, #tpu.memory_space<hbm>>
        %dma_start3A_100 = tpu.memref_squeeze %dma_start3A_99 : memref<1x40x128xi32, #tpu.memory_space<hbm>> -> memref<40x128xi32, #tpu.memory_space<hbm>>
        %dma_start3A_101 = arith.constant 0 : i32
        %dma_start3A_102 = arith.constant 0 : i32
        %dma_start3A_103 = tpu.memref_slice %arg3[%arg1, %dma_start3A_101, %dma_start3A_102] : memref<16x80x128xi32, #tpu.memory_space<hbm>> -> memref<1x40x128xi32, #tpu.memory_space<hbm>>
        %dma_start3A_104 = tpu.memref_squeeze %dma_start3A_103 : memref<1x40x128xi32, #tpu.memory_space<hbm>> -> memref<40x128xi32, #tpu.memory_space<hbm>>
        tpu.enqueue_dma source(%dma_start3A_104 : memref<40x128xi32, #tpu.memory_space<hbm>>) target(%arg6 : memref<40x128xi32, #tpu.memory_space<vmem>>) target_semaphore(%run_scoped3A : memref<!tpu.dma_semaphore, #tpu.memory_space<semaphore_mem>>)
        %dma_wait3A_105 = arith.constant 0 : i32
        %dma_wait3A_106 = arith.constant 0 : i32
        %dma_wait3A_107 = tpu.memref_slice %arg3[%arg1, %dma_wait3A_105, %dma_wait3A_106] : memref<16x80x128xi32, #tpu.memory_space<hbm>> -> memref<1x40x128xi32, #tpu.memory_space<hbm>>
        %dma_wait3A_108 = tpu.memref_squeeze %dma_wait3A_107 : memref<1x40x128xi32, #tpu.memory_space<hbm>> -> memref<40x128xi32, #tpu.memory_space<hbm>>
        %dma_wait3A_109 = arith.constant 0 : i32
        %dma_wait3A_110 = arith.constant 0 : i32
        %dma_wait3A_111 = tpu.memref_slice %arg3[%arg1, %dma_wait3A_109, %dma_wait3A_110] : memref<16x80x128xi32, #tpu.memory_space<hbm>> -> memref<1x40x128xi32, #tpu.memory_space<hbm>>
        %dma_wait3A_112 = tpu.memref_squeeze %dma_wait3A_111 : memref<1x40x128xi32, #tpu.memory_space<hbm>> -> memref<40x128xi32, #tpu.memory_space<hbm>>
        tpu.wait_dma2 semaphore(%run_scoped3A : memref<!tpu.dma_semaphore, #tpu.memory_space<semaphore_mem>>) src(%dma_wait3A_112 : memref<40x128xi32, #tpu.memory_space<hbm>>) dst(%arg6 : memref<40x128xi32, #tpu.memory_space<vmem>>)
        tpu.yield
      }) : () -> ()
      "tpu.region"() ({
        %run_scoped3A = tpu.sem_alloc : memref<!tpu.dma_semaphore, #tpu.memory_space<semaphore_mem>>
        %dma_start3A_97 = arith.constant 0 : i32
        %dma_start3A_98 = arith.constant 0 : i32
        %dma_start3A_99 = tpu.memref_slice %arg4[%arg1, %dma_start3A_97, %dma_start3A_98] : memref<16x80x128xi32, #tpu.memory_space<hbm>> -> memref<1x40x128xi32, #tpu.memory_space<hbm>>
        %dma_start3A_100 = tpu.memref_squeeze %dma_start3A_99 : memref<1x40x128xi32, #tpu.memory_space<hbm>> -> memref<40x128xi32, #tpu.memory_space<hbm>>
        %dma_start3A_101 = arith.constant 0 : i32
        %dma_start3A_102 = arith.constant 0 : i32
        %dma_start3A_103 = tpu.memref_slice %arg4[%arg1, %dma_start3A_101, %dma_start3A_102] : memref<16x80x128xi32, #tpu.memory_space<hbm>> -> memref<1x40x128xi32, #tpu.memory_space<hbm>>
        %dma_start3A_104 = tpu.memref_squeeze %dma_start3A_103 : memref<1x40x128xi32, #tpu.memory_space<hbm>> -> memref<40x128xi32, #tpu.memory_space<hbm>>
        tpu.enqueue_dma source(%dma_start3A_104 : memref<40x128xi32, #tpu.memory_space<hbm>>) target(%arg7 : memref<40x128xi32, #tpu.memory_space<vmem>>) target_semaphore(%run_scoped3A : memref<!tpu.dma_semaphore, #tpu.memory_space<semaphore_mem>>)
        %dma_wait3A_105 = arith.constant 0 : i32
        %dma_wait3A_106 = arith.constant 0 : i32
        %dma_wait3A_107 = tpu.memref_slice %arg4[%arg1, %dma_wait3A_105, %dma_wait3A_106] : memref<16x80x128xi32, #tpu.memory_space<hbm>> -> memref<1x40x128xi32, #tpu.memory_space<hbm>>
        %dma_wait3A_108 = tpu.memref_squeeze %dma_wait3A_107 : memref<1x40x128xi32, #tpu.memory_space<hbm>> -> memref<40x128xi32, #tpu.memory_space<hbm>>
        %dma_wait3A_109 = arith.constant 0 : i32
        %dma_wait3A_110 = arith.constant 0 : i32
        %dma_wait3A_111 = tpu.memref_slice %arg4[%arg1, %dma_wait3A_109, %dma_wait3A_110] : memref<16x80x128xi32, #tpu.memory_space<hbm>> -> memref<1x40x128xi32, #tpu.memory_space<hbm>>
        %dma_wait3A_112 = tpu.memref_squeeze %dma_wait3A_111 : memref<1x40x128xi32, #tpu.memory_space<hbm>> -> memref<40x128xi32, #tpu.memory_space<hbm>>
        tpu.wait_dma2 semaphore(%run_scoped3A : memref<!tpu.dma_semaphore, #tpu.memory_space<semaphore_mem>>) src(%dma_wait3A_112 : memref<40x128xi32, #tpu.memory_space<hbm>>) dst(%arg7 : memref<40x128xi32, #tpu.memory_space<vmem>>)
        tpu.yield
      }) : () -> ()
      %dma_start3A = arith.constant 0 : i32
      %dma_start3A_29 = arith.constant 0 : i32
      %dma_start3A_30 = arith.constant 0 : i32
      %dma_start3A_31 = tpu.memref_slice %arg6[%dma_start3A_29, %dma_start3A_30] : memref<40x128xi32, #tpu.memory_space<vmem>> -> memref<1x128xi32, #tpu.memory_space<vmem>>
      %dma_start3A_32 = tpu.memref_squeeze %dma_start3A_31 : memref<1x128xi32, #tpu.memory_space<vmem>> -> memref<128xi32, #tpu.memory_space<vmem>>
      %dma_start3A_33 = arith.constant 0 : i32
      %dma_start3A_34 = arith.constant 0 : i32
      %dma_start3A_35 = tpu.memref_slice %arg2[%dma_start3A, %dma_start3A_33, %dma_start3A_34] : memref<4x10000x128xf32, #tpu.memory_space<hbm>> -> memref<1x10000x128xf32, #tpu.memory_space<hbm>>
      %dma_start3A_36 = tpu.memref_squeeze %dma_start3A_35 : memref<1x10000x128xf32, #tpu.memory_space<hbm>> -> memref<10000x128xf32, #tpu.memory_space<hbm>>
      %dma_start3A_37 = arith.constant 0 : i32
      %dma_start3A_38 = arith.constant 0 : i32
      %dma_start3A_39 = tpu.memref_slice %dma_start3A_36[%dma_start3A_37, %dma_start3A_38] : memref<10000x128xf32, #tpu.memory_space<hbm>> -> memref<10000x128xf32, #tpu.memory_space<hbm>>
      tpu.enqueue_indirect_dma source(%dma_start3A_39 : memref<10000x128xf32, #tpu.memory_space<hbm>>) target(%arg8 : memref<128x128xf32, #tpu.memory_space<vmem>>) offsets(%dma_start3A_32 : memref<128xi32, #tpu.memory_space<vmem>>) semaphore(%arg11 : memref<!tpu.dma_semaphore, #tpu.memory_space<semaphore_mem>>)
      %scan3A = arith.constant 0 : i32
      %scan3A_40 = arith.constant 0 : i32
      %scan3A_41 = arith.constant 0 : i32
      %scan3A_42 = arith.constant 20 : i32
      %scan3A_43 = arith.addi %scan3A_41, %scan3A_42 : i32
      %scan3A_44 = arith.constant 1 : i32
      scf.for %scan3A_97 = %scan3A_41 to %scan3A_43 step %scan3A_44  : i32 {
        %mul3A_98 = arith.constant 2 : i32
        %mul3A_99 = arith.muli %mul3A_98, %scan3A_97 : i32
        %add3A = arith.constant 1 : i32
        %add3A_100 = arith.addi %mul3A_99, %add3A : i32
        %dma_wait3A_101 = arith.constant 0 : i32
        %dma_wait3A_102 = tpu.memref_slice %arg6[%mul3A_99, %dma_wait3A_101] : memref<40x128xi32, #tpu.memory_space<vmem>> -> memref<1x128xi32, #tpu.memory_space<vmem>>
        %dma_wait3A_103 = tpu.memref_squeeze %dma_wait3A_102 : memref<1x128xi32, #tpu.memory_space<vmem>> -> memref<128xi32, #tpu.memory_space<vmem>>
        %dma_wait3A_104 = arith.constant 0 : i32
        %dma_wait3A_105 = arith.constant 0 : i32
        %dma_wait3A_106 = tpu.memref_slice %arg2[%scan3A_40, %dma_wait3A_104, %dma_wait3A_105] : memref<4x10000x128xf32, #tpu.memory_space<hbm>> -> memref<1x10000x128xf32, #tpu.memory_space<hbm>>
        %dma_wait3A_107 = tpu.memref_squeeze %dma_wait3A_106 : memref<1x10000x128xf32, #tpu.memory_space<hbm>> -> memref<10000x128xf32, #tpu.memory_space<hbm>>
        %dma_wait3A_108 = arith.constant 0 : i32
        %dma_wait3A_109 = arith.constant 0 : i32
        %dma_wait3A_110 = tpu.memref_slice %dma_wait3A_107[%dma_wait3A_108, %dma_wait3A_109] : memref<10000x128xf32, #tpu.memory_space<hbm>> -> memref<10000x128xf32, #tpu.memory_space<hbm>>
        tpu.wait_indirect_dma semaphore(%arg11 : memref<!tpu.dma_semaphore, #tpu.memory_space<semaphore_mem>>) src(%dma_wait3A_110 : memref<10000x128xf32, #tpu.memory_space<hbm>>) dst(%arg8 : memref<128x128xf32, #tpu.memory_space<vmem>>)
        %gt3A = arith.constant 0 : i32
        %gt3A_111 = arith.cmpi sgt, %scan3A_97, %gt3A : i32
        %convert_element_type3A_112 = arith.extui %gt3A_111 : i1 to i32
        %cond3A_113 = arith.constant 0 : i32
        %cond3A_114 = arith.cmpi ne, %convert_element_type3A_112, %cond3A_113 : i32
        scf.if %cond3A_114 {
          %sub3A = arith.constant 1 : i32
          %sub3A_160 = arith.subi %mul3A_99, %sub3A : i32
          %dma_wait3A_161 = arith.constant 0 : i32
          %dma_wait3A_162 = tpu.memref_slice %arg7[%sub3A_160, %dma_wait3A_161] : memref<40x128xi32, #tpu.memory_space<vmem>> -> memref<1x128xi32, #tpu.memory_space<vmem>>
          %dma_wait3A_163 = tpu.memref_squeeze %dma_wait3A_162 : memref<1x128xi32, #tpu.memory_space<vmem>> -> memref<128xi32, #tpu.memory_space<vmem>>
          %dma_wait3A_164 = arith.constant 0 : i32
          %dma_wait3A_165 = arith.constant 0 : i32
          %dma_wait3A_166 = tpu.memref_slice %arg10[%dma_wait3A_164, %dma_wait3A_165] : memref<10240x128xf32, #tpu.memory_space<vmem_shared>> -> memref<10240x128xf32, #tpu.memory_space<vmem_shared>>
          tpu.wait_indirect_dma semaphore(%arg14 : memref<!tpu.dma_semaphore, #tpu.memory_space<semaphore_mem>>) src(%arg9 : memref<128x128xf32, #tpu.memory_space<vmem>>) dst(%dma_wait3A_166 : memref<10240x128xf32, #tpu.memory_space<vmem_shared>>)
        } else {
        }
        %dma_start3A_115 = arith.constant 0 : i32
        %dma_start3A_116 = tpu.memref_slice %arg6[%add3A_100, %dma_start3A_115] : memref<40x128xi32, #tpu.memory_space<vmem>> -> memref<1x128xi32, #tpu.memory_space<vmem>>
        %dma_start3A_117 = tpu.memref_squeeze %dma_start3A_116 : memref<1x128xi32, #tpu.memory_space<vmem>> -> memref<128xi32, #tpu.memory_space<vmem>>
        %dma_start3A_118 = arith.constant 0 : i32
        %dma_start3A_119 = arith.constant 0 : i32
        %dma_start3A_120 = tpu.memref_slice %arg2[%scan3A_40, %dma_start3A_118, %dma_start3A_119] : memref<4x10000x128xf32, #tpu.memory_space<hbm>> -> memref<1x10000x128xf32, #tpu.memory_space<hbm>>
        %dma_start3A_121 = tpu.memref_squeeze %dma_start3A_120 : memref<1x10000x128xf32, #tpu.memory_space<hbm>> -> memref<10000x128xf32, #tpu.memory_space<hbm>>
        %dma_start3A_122 = arith.constant 0 : i32
        %dma_start3A_123 = arith.constant 0 : i32
        %dma_start3A_124 = tpu.memref_slice %dma_start3A_121[%dma_start3A_122, %dma_start3A_123] : memref<10000x128xf32, #tpu.memory_space<hbm>> -> memref<10000x128xf32, #tpu.memory_space<hbm>>
        tpu.enqueue_indirect_dma source(%dma_start3A_124 : memref<10000x128xf32, #tpu.memory_space<hbm>>) target(%arg9 : memref<128x128xf32, #tpu.memory_space<vmem>>) offsets(%dma_start3A_117 : memref<128xi32, #tpu.memory_space<vmem>>) semaphore(%arg12 : memref<!tpu.dma_semaphore, #tpu.memory_space<semaphore_mem>>)
        %dma_start3A_125 = arith.constant 0 : i32
        %dma_start3A_126 = tpu.memref_slice %arg7[%mul3A_99, %dma_start3A_125] : memref<40x128xi32, #tpu.memory_space<vmem>> -> memref<1x128xi32, #tpu.memory_space<vmem>>
        %dma_start3A_127 = tpu.memref_squeeze %dma_start3A_126 : memref<1x128xi32, #tpu.memory_space<vmem>> -> memref<128xi32, #tpu.memory_space<vmem>>
        %dma_start3A_128 = arith.constant 0 : i32
        %dma_start3A_129 = arith.constant 0 : i32
        %dma_start3A_130 = tpu.memref_slice %arg10[%dma_start3A_128, %dma_start3A_129] : memref<10240x128xf32, #tpu.memory_space<vmem_shared>> -> memref<10240x128xf32, #tpu.memory_space<vmem_shared>>
        tpu.enqueue_indirect_dma source(%arg8 : memref<128x128xf32, #tpu.memory_space<vmem>>) target(%dma_start3A_130 : memref<10240x128xf32, #tpu.memory_space<vmem_shared>>) offsets(%dma_start3A_127 : memref<128xi32, #tpu.memory_space<vmem>>) semaphore(%arg13 : memref<!tpu.dma_semaphore, #tpu.memory_space<semaphore_mem>>) {add = true}
        %dma_wait3A_131 = arith.constant 0 : i32
        %dma_wait3A_132 = tpu.memref_slice %arg6[%add3A_100, %dma_wait3A_131] : memref<40x128xi32, #tpu.memory_space<vmem>> -> memref<1x128xi32, #tpu.memory_space<vmem>>
        %dma_wait3A_133 = tpu.memref_squeeze %dma_wait3A_132 : memref<1x128xi32, #tpu.memory_space<vmem>> -> memref<128xi32, #tpu.memory_space<vmem>>
        %dma_wait3A_134 = arith.constant 0 : i32
        %dma_wait3A_135 = arith.constant 0 : i32
        %dma_wait3A_136 = tpu.memref_slice %arg2[%scan3A_40, %dma_wait3A_134, %dma_wait3A_135] : memref<4x10000x128xf32, #tpu.memory_space<hbm>> -> memref<1x10000x128xf32, #tpu.memory_space<hbm>>
        %dma_wait3A_137 = tpu.memref_squeeze %dma_wait3A_136 : memref<1x10000x128xf32, #tpu.memory_space<hbm>> -> memref<10000x128xf32, #tpu.memory_space<hbm>>
        %dma_wait3A_138 = arith.constant 0 : i32
        %dma_wait3A_139 = arith.constant 0 : i32
        %dma_wait3A_140 = tpu.memref_slice %dma_wait3A_137[%dma_wait3A_138, %dma_wait3A_139] : memref<10000x128xf32, #tpu.memory_space<hbm>> -> memref<10000x128xf32, #tpu.memory_space<hbm>>
        tpu.wait_indirect_dma semaphore(%arg12 : memref<!tpu.dma_semaphore, #tpu.memory_space<semaphore_mem>>) src(%dma_wait3A_140 : memref<10000x128xf32, #tpu.memory_space<hbm>>) dst(%arg9 : memref<128x128xf32, #tpu.memory_space<vmem>>)
        %dma_wait3A_141 = arith.constant 0 : i32
        %dma_wait3A_142 = tpu.memref_slice %arg7[%mul3A_99, %dma_wait3A_141] : memref<40x128xi32, #tpu.memory_space<vmem>> -> memref<1x128xi32, #tpu.memory_space<vmem>>
        %dma_wait3A_143 = tpu.memref_squeeze %dma_wait3A_142 : memref<1x128xi32, #tpu.memory_space<vmem>> -> memref<128xi32, #tpu.memory_space<vmem>>
        %dma_wait3A_144 = arith.constant 0 : i32
        %dma_wait3A_145 = arith.constant 0 : i32
        %dma_wait3A_146 = tpu.memref_slice %arg10[%dma_wait3A_144, %dma_wait3A_145] : memref<10240x128xf32, #tpu.memory_space<vmem_shared>> -> memref<10240x128xf32, #tpu.memory_space<vmem_shared>>
        tpu.wait_indirect_dma semaphore(%arg13 : memref<!tpu.dma_semaphore, #tpu.memory_space<semaphore_mem>>) src(%arg8 : memref<128x128xf32, #tpu.memory_space<vmem>>) dst(%dma_wait3A_146 : memref<10240x128xf32, #tpu.memory_space<vmem_shared>>)
        %add3A_147 = arith.constant 1 : i32
        %add3A_148 = arith.addi %add3A_100, %add3A_147 : i32
        %lt3A_149 = arith.constant 40 : i32
        %lt3A_150 = arith.cmpi slt, %add3A_148, %lt3A_149 : i32
        %convert_element_type3A_151 = arith.extui %lt3A_150 : i1 to i32
        %cond3A_152 = arith.constant 0 : i32
        %cond3A_153 = arith.cmpi ne, %convert_element_type3A_151, %cond3A_152 : i32
        scf.if %cond3A_153 {
          %add3A_160 = arith.constant 1 : i32
          %add3A_161 = arith.addi %add3A_100, %add3A_160 : i32
          %dma_start3A_162 = arith.constant 0 : i32
          %dma_start3A_163 = tpu.memref_slice %arg6[%add3A_161, %dma_start3A_162] : memref<40x128xi32, #tpu.memory_space<vmem>> -> memref<1x128xi32, #tpu.memory_space<vmem>>
          %dma_start3A_164 = tpu.memref_squeeze %dma_start3A_163 : memref<1x128xi32, #tpu.memory_space<vmem>> -> memref<128xi32, #tpu.memory_space<vmem>>
          %dma_start3A_165 = arith.constant 0 : i32
          %dma_start3A_166 = arith.constant 0 : i32
          %dma_start3A_167 = tpu.memref_slice %arg2[%scan3A_40, %dma_start3A_165, %dma_start3A_166] : memref<4x10000x128xf32, #tpu.memory_space<hbm>> -> memref<1x10000x128xf32, #tpu.memory_space<hbm>>
          %dma_start3A_168 = tpu.memref_squeeze %dma_start3A_167 : memref<1x10000x128xf32, #tpu.memory_space<hbm>> -> memref<10000x128xf32, #tpu.memory_space<hbm>>
          %dma_start3A_169 = arith.constant 0 : i32
          %dma_start3A_170 = arith.constant 0 : i32
          %dma_start3A_171 = tpu.memref_slice %dma_start3A_168[%dma_start3A_169, %dma_start3A_170] : memref<10000x128xf32, #tpu.memory_space<hbm>> -> memref<10000x128xf32, #tpu.memory_space<hbm>>
          tpu.enqueue_indirect_dma source(%dma_start3A_171 : memref<10000x128xf32, #tpu.memory_space<hbm>>) target(%arg8 : memref<128x128xf32, #tpu.memory_space<vmem>>) offsets(%dma_start3A_164 : memref<128xi32, #tpu.memory_space<vmem>>) semaphore(%arg11 : memref<!tpu.dma_semaphore, #tpu.memory_space<semaphore_mem>>)
        } else {
        }
        %dma_start3A_154 = arith.constant 0 : i32
        %dma_start3A_155 = tpu.memref_slice %arg7[%add3A_100, %dma_start3A_154] : memref<40x128xi32, #tpu.memory_space<vmem>> -> memref<1x128xi32, #tpu.memory_space<vmem>>
        %dma_start3A_156 = tpu.memref_squeeze %dma_start3A_155 : memref<1x128xi32, #tpu.memory_space<vmem>> -> memref<128xi32, #tpu.memory_space<vmem>>
        %dma_start3A_157 = arith.constant 0 : i32
        %dma_start3A_158 = arith.constant 0 : i32
        %dma_start3A_159 = tpu.memref_slice %arg10[%dma_start3A_157, %dma_start3A_158] : memref<10240x128xf32, #tpu.memory_space<vmem_shared>> -> memref<10240x128xf32, #tpu.memory_space<vmem_shared>>
        tpu.enqueue_indirect_dma source(%arg9 : memref<128x128xf32, #tpu.memory_space<vmem>>) target(%dma_start3A_159 : memref<10240x128xf32, #tpu.memory_space<vmem_shared>>) offsets(%dma_start3A_156 : memref<128xi32, #tpu.memory_space<vmem>>) semaphore(%arg14 : memref<!tpu.dma_semaphore, #tpu.memory_space<semaphore_mem>>) {add = true}
      }
      %scan3A_45 = arith.constant 20 : i32
      %dma_wait3A = arith.constant 39 : i32
      %dma_wait3A_46 = arith.constant 0 : i32
      %dma_wait3A_47 = tpu.memref_slice %arg7[%dma_wait3A, %dma_wait3A_46] : memref<40x128xi32, #tpu.memory_space<vmem>> -> memref<1x128xi32, #tpu.memory_space<vmem>>
      %dma_wait3A_48 = tpu.memref_squeeze %dma_wait3A_47 : memref<1x128xi32, #tpu.memory_space<vmem>> -> memref<128xi32, #tpu.memory_space<vmem>>
      %dma_wait3A_49 = arith.constant 0 : i32
      %dma_wait3A_50 = arith.constant 0 : i32
      %dma_wait3A_51 = tpu.memref_slice %arg10[%dma_wait3A_49, %dma_wait3A_50] : memref<10240x128xf32, #tpu.memory_space<vmem_shared>> -> memref<10240x128xf32, #tpu.memory_space<vmem_shared>>
      tpu.wait_indirect_dma semaphore(%arg14 : memref<!tpu.dma_semaphore, #tpu.memory_space<semaphore_mem>>) src(%arg9 : memref<128x128xf32, #tpu.memory_space<vmem>>) dst(%dma_wait3A_51 : memref<10240x128xf32, #tpu.memory_space<vmem_shared>>)
      "tpu.region"() ({
        %run_scoped3A = tpu.sem_alloc : memref<!tpu.dma_semaphore, #tpu.memory_space<semaphore_mem>>
        %dma_start3A_97 = arith.constant 40 : i32
        %dma_start3A_98 = arith.constant 0 : i32
        %dma_start3A_99 = tpu.memref_slice %arg3[%arg1, %dma_start3A_97, %dma_start3A_98] : memref<16x80x128xi32, #tpu.memory_space<hbm>> -> memref<1x40x128xi32, #tpu.memory_space<hbm>>
        %dma_start3A_100 = tpu.memref_squeeze %dma_start3A_99 : memref<1x40x128xi32, #tpu.memory_space<hbm>> -> memref<40x128xi32, #tpu.memory_space<hbm>>
        %dma_start3A_101 = arith.constant 40 : i32
        %dma_start3A_102 = arith.constant 0 : i32
        %dma_start3A_103 = tpu.memref_slice %arg3[%arg1, %dma_start3A_101, %dma_start3A_102] : memref<16x80x128xi32, #tpu.memory_space<hbm>> -> memref<1x40x128xi32, #tpu.memory_space<hbm>>
        %dma_start3A_104 = tpu.memref_squeeze %dma_start3A_103 : memref<1x40x128xi32, #tpu.memory_space<hbm>> -> memref<40x128xi32, #tpu.memory_space<hbm>>
        tpu.enqueue_dma source(%dma_start3A_104 : memref<40x128xi32, #tpu.memory_space<hbm>>) target(%arg6 : memref<40x128xi32, #tpu.memory_space<vmem>>) target_semaphore(%run_scoped3A : memref<!tpu.dma_semaphore, #tpu.memory_space<semaphore_mem>>)
        %dma_wait3A_105 = arith.constant 40 : i32
        %dma_wait3A_106 = arith.constant 0 : i32
        %dma_wait3A_107 = tpu.memref_slice %arg3[%arg1, %dma_wait3A_105, %dma_wait3A_106] : memref<16x80x128xi32, #tpu.memory_space<hbm>> -> memref<1x40x128xi32, #tpu.memory_space<hbm>>
        %dma_wait3A_108 = tpu.memref_squeeze %dma_wait3A_107 : memref<1x40x128xi32, #tpu.memory_space<hbm>> -> memref<40x128xi32, #tpu.memory_space<hbm>>
        %dma_wait3A_109 = arith.constant 40 : i32
        %dma_wait3A_110 = arith.constant 0 : i32
        %dma_wait3A_111 = tpu.memref_slice %arg3[%arg1, %dma_wait3A_109, %dma_wait3A_110] : memref<16x80x128xi32, #tpu.memory_space<hbm>> -> memref<1x40x128xi32, #tpu.memory_space<hbm>>
        %dma_wait3A_112 = tpu.memref_squeeze %dma_wait3A_111 : memref<1x40x128xi32, #tpu.memory_space<hbm>> -> memref<40x128xi32, #tpu.memory_space<hbm>>
        tpu.wait_dma2 semaphore(%run_scoped3A : memref<!tpu.dma_semaphore, #tpu.memory_space<semaphore_mem>>) src(%dma_wait3A_112 : memref<40x128xi32, #tpu.memory_space<hbm>>) dst(%arg6 : memref<40x128xi32, #tpu.memory_space<vmem>>)
        tpu.yield
      }) : () -> ()
      "tpu.region"() ({
        %run_scoped3A = tpu.sem_alloc : memref<!tpu.dma_semaphore, #tpu.memory_space<semaphore_mem>>
        %dma_start3A_97 = arith.constant 40 : i32
        %dma_start3A_98 = arith.constant 0 : i32
        %dma_start3A_99 = tpu.memref_slice %arg4[%arg1, %dma_start3A_97, %dma_start3A_98] : memref<16x80x128xi32, #tpu.memory_space<hbm>> -> memref<1x40x128xi32, #tpu.memory_space<hbm>>
        %dma_start3A_100 = tpu.memref_squeeze %dma_start3A_99 : memref<1x40x128xi32, #tpu.memory_space<hbm>> -> memref<40x128xi32, #tpu.memory_space<hbm>>
        %dma_start3A_101 = arith.constant 40 : i32
        %dma_start3A_102 = arith.constant 0 : i32
        %dma_start3A_103 = tpu.memref_slice %arg4[%arg1, %dma_start3A_101, %dma_start3A_102] : memref<16x80x128xi32, #tpu.memory_space<hbm>> -> memref<1x40x128xi32, #tpu.memory_space<hbm>>
        %dma_start3A_104 = tpu.memref_squeeze %dma_start3A_103 : memref<1x40x128xi32, #tpu.memory_space<hbm>> -> memref<40x128xi32, #tpu.memory_space<hbm>>
        tpu.enqueue_dma source(%dma_start3A_104 : memref<40x128xi32, #tpu.memory_space<hbm>>) target(%arg7 : memref<40x128xi32, #tpu.memory_space<vmem>>) target_semaphore(%run_scoped3A : memref<!tpu.dma_semaphore, #tpu.memory_space<semaphore_mem>>)
        %dma_wait3A_105 = arith.constant 40 : i32
        %dma_wait3A_106 = arith.constant 0 : i32
        %dma_wait3A_107 = tpu.memref_slice %arg4[%arg1, %dma_wait3A_105, %dma_wait3A_106] : memref<16x80x128xi32, #tpu.memory_space<hbm>> -> memref<1x40x128xi32, #tpu.memory_space<hbm>>
        %dma_wait3A_108 = tpu.memref_squeeze %dma_wait3A_107 : memref<1x40x128xi32, #tpu.memory_space<hbm>> -> memref<40x128xi32, #tpu.memory_space<hbm>>
        %dma_wait3A_109 = arith.constant 40 : i32
        %dma_wait3A_110 = arith.constant 0 : i32
        %dma_wait3A_111 = tpu.memref_slice %arg4[%arg1, %dma_wait3A_109, %dma_wait3A_110] : memref<16x80x128xi32, #tpu.memory_space<hbm>> -> memref<1x40x128xi32, #tpu.memory_space<hbm>>
        %dma_wait3A_112 = tpu.memref_squeeze %dma_wait3A_111 : memref<1x40x128xi32, #tpu.memory_space<hbm>> -> memref<40x128xi32, #tpu.memory_space<hbm>>
        tpu.wait_dma2 semaphore(%run_scoped3A : memref<!tpu.dma_semaphore, #tpu.memory_space<semaphore_mem>>) src(%dma_wait3A_112 : memref<40x128xi32, #tpu.memory_space<hbm>>) dst(%arg7 : memref<40x128xi32, #tpu.memory_space<vmem>>)
        tpu.yield
      }) : () -> ()
      %dma_start3A_52 = arith.constant 0 : i32
      %dma_start3A_53 = arith.constant 0 : i32
      %dma_start3A_54 = arith.constant 0 : i32
      %dma_start3A_55 = tpu.memref_slice %arg6[%dma_start3A_53, %dma_start3A_54] : memref<40x128xi32, #tpu.memory_space<vmem>> -> memref<1x128xi32, #tpu.memory_space<vmem>>
      %dma_start3A_56 = tpu.memref_squeeze %dma_start3A_55 : memref<1x128xi32, #tpu.memory_space<vmem>> -> memref<128xi32, #tpu.memory_space<vmem>>
      %dma_start3A_57 = arith.constant 0 : i32
      %dma_start3A_58 = arith.constant 0 : i32
      %dma_start3A_59 = tpu.memref_slice %arg2[%dma_start3A_52, %dma_start3A_57, %dma_start3A_58] : memref<4x10000x128xf32, #tpu.memory_space<hbm>> -> memref<1x10000x128xf32, #tpu.memory_space<hbm>>
      %dma_start3A_60 = tpu.memref_squeeze %dma_start3A_59 : memref<1x10000x128xf32, #tpu.memory_space<hbm>> -> memref<10000x128xf32, #tpu.memory_space<hbm>>
      %dma_start3A_61 = arith.constant 0 : i32
      %dma_start3A_62 = arith.constant 0 : i32
      %dma_start3A_63 = tpu.memref_slice %dma_start3A_60[%dma_start3A_61, %dma_start3A_62] : memref<10000x128xf32, #tpu.memory_space<hbm>> -> memref<10000x128xf32, #tpu.memory_space<hbm>>
      tpu.enqueue_indirect_dma source(%dma_start3A_63 : memref<10000x128xf32, #tpu.memory_space<hbm>>) target(%arg8 : memref<128x128xf32, #tpu.memory_space<vmem>>) offsets(%dma_start3A_56 : memref<128xi32, #tpu.memory_space<vmem>>) semaphore(%arg11 : memref<!tpu.dma_semaphore, #tpu.memory_space<semaphore_mem>>)
      %scan3A_64 = arith.constant 0 : i32
      %scan3A_65 = arith.constant 0 : i32
      %scan3A_66 = arith.constant 0 : i32
      %scan3A_67 = arith.constant 20 : i32
      %scan3A_68 = arith.addi %scan3A_66, %scan3A_67 : i32
      %scan3A_69 = arith.constant 1 : i32
      scf.for %scan3A_97 = %scan3A_66 to %scan3A_68 step %scan3A_69  : i32 {
        %mul3A_98 = arith.constant 2 : i32
        %mul3A_99 = arith.muli %mul3A_98, %scan3A_97 : i32
        %add3A = arith.constant 1 : i32
        %add3A_100 = arith.addi %mul3A_99, %add3A : i32
        %dma_wait3A_101 = arith.constant 0 : i32
        %dma_wait3A_102 = tpu.memref_slice %arg6[%mul3A_99, %dma_wait3A_101] : memref<40x128xi32, #tpu.memory_space<vmem>> -> memref<1x128xi32, #tpu.memory_space<vmem>>
        %dma_wait3A_103 = tpu.memref_squeeze %dma_wait3A_102 : memref<1x128xi32, #tpu.memory_space<vmem>> -> memref<128xi32, #tpu.memory_space<vmem>>
        %dma_wait3A_104 = arith.constant 0 : i32
        %dma_wait3A_105 = arith.constant 0 : i32
        %dma_wait3A_106 = tpu.memref_slice %arg2[%scan3A_65, %dma_wait3A_104, %dma_wait3A_105] : memref<4x10000x128xf32, #tpu.memory_space<hbm>> -> memref<1x10000x128xf32, #tpu.memory_space<hbm>>
        %dma_wait3A_107 = tpu.memref_squeeze %dma_wait3A_106 : memref<1x10000x128xf32, #tpu.memory_space<hbm>> -> memref<10000x128xf32, #tpu.memory_space<hbm>>
        %dma_wait3A_108 = arith.constant 0 : i32
        %dma_wait3A_109 = arith.constant 0 : i32
        %dma_wait3A_110 = tpu.memref_slice %dma_wait3A_107[%dma_wait3A_108, %dma_wait3A_109] : memref<10000x128xf32, #tpu.memory_space<hbm>> -> memref<10000x128xf32, #tpu.memory_space<hbm>>
        tpu.wait_indirect_dma semaphore(%arg11 : memref<!tpu.dma_semaphore, #tpu.memory_space<semaphore_mem>>) src(%dma_wait3A_110 : memref<10000x128xf32, #tpu.memory_space<hbm>>) dst(%arg8 : memref<128x128xf32, #tpu.memory_space<vmem>>)
        %gt3A = arith.constant 0 : i32
        %gt3A_111 = arith.cmpi sgt, %scan3A_97, %gt3A : i32
        %convert_element_type3A_112 = arith.extui %gt3A_111 : i1 to i32
        %cond3A_113 = arith.constant 0 : i32
        %cond3A_114 = arith.cmpi ne, %convert_element_type3A_112, %cond3A_113 : i32
        scf.if %cond3A_114 {
          %sub3A = arith.constant 1 : i32
          %sub3A_160 = arith.subi %mul3A_99, %sub3A : i32
          %dma_wait3A_161 = arith.constant 0 : i32
          %dma_wait3A_162 = tpu.memref_slice %arg7[%sub3A_160, %dma_wait3A_161] : memref<40x128xi32, #tpu.memory_space<vmem>> -> memref<1x128xi32, #tpu.memory_space<vmem>>
          %dma_wait3A_163 = tpu.memref_squeeze %dma_wait3A_162 : memref<1x128xi32, #tpu.memory_space<vmem>> -> memref<128xi32, #tpu.memory_space<vmem>>
          %dma_wait3A_164 = arith.constant 0 : i32
          %dma_wait3A_165 = arith.constant 0 : i32
          %dma_wait3A_166 = tpu.memref_slice %arg10[%dma_wait3A_164, %dma_wait3A_165] : memref<10240x128xf32, #tpu.memory_space<vmem_shared>> -> memref<10240x128xf32, #tpu.memory_space<vmem_shared>>
          tpu.wait_indirect_dma semaphore(%arg14 : memref<!tpu.dma_semaphore, #tpu.memory_space<semaphore_mem>>) src(%arg9 : memref<128x128xf32, #tpu.memory_space<vmem>>) dst(%dma_wait3A_166 : memref<10240x128xf32, #tpu.memory_space<vmem_shared>>)
        } else {
        }
        %dma_start3A_115 = arith.constant 0 : i32
        %dma_start3A_116 = tpu.memref_slice %arg6[%add3A_100, %dma_start3A_115] : memref<40x128xi32, #tpu.memory_space<vmem>> -> memref<1x128xi32, #tpu.memory_space<vmem>>
        %dma_start3A_117 = tpu.memref_squeeze %dma_start3A_116 : memref<1x128xi32, #tpu.memory_space<vmem>> -> memref<128xi32, #tpu.memory_space<vmem>>
        %dma_start3A_118 = arith.constant 0 : i32
        %dma_start3A_119 = arith.constant 0 : i32
        %dma_start3A_120 = tpu.memref_slice %arg2[%scan3A_65, %dma_start3A_118, %dma_start3A_119] : memref<4x10000x128xf32, #tpu.memory_space<hbm>> -> memref<1x10000x128xf32, #tpu.memory_space<hbm>>
        %dma_start3A_121 = tpu.memref_squeeze %dma_start3A_120 : memref<1x10000x128xf32, #tpu.memory_space<hbm>> -> memref<10000x128xf32, #tpu.memory_space<hbm>>
        %dma_start3A_122 = arith.constant 0 : i32
        %dma_start3A_123 = arith.constant 0 : i32
        %dma_start3A_124 = tpu.memref_slice %dma_start3A_121[%dma_start3A_122, %dma_start3A_123] : memref<10000x128xf32, #tpu.memory_space<hbm>> -> memref<10000x128xf32, #tpu.memory_space<hbm>>
        tpu.enqueue_indirect_dma source(%dma_start3A_124 : memref<10000x128xf32, #tpu.memory_space<hbm>>) target(%arg9 : memref<128x128xf32, #tpu.memory_space<vmem>>) offsets(%dma_start3A_117 : memref<128xi32, #tpu.memory_space<vmem>>) semaphore(%arg12 : memref<!tpu.dma_semaphore, #tpu.memory_space<semaphore_mem>>)
        %dma_start3A_125 = arith.constant 0 : i32
        %dma_start3A_126 = tpu.memref_slice %arg7[%mul3A_99, %dma_start3A_125] : memref<40x128xi32, #tpu.memory_space<vmem>> -> memref<1x128xi32, #tpu.memory_space<vmem>>
        %dma_start3A_127 = tpu.memref_squeeze %dma_start3A_126 : memref<1x128xi32, #tpu.memory_space<vmem>> -> memref<128xi32, #tpu.memory_space<vmem>>
        %dma_start3A_128 = arith.constant 0 : i32
        %dma_start3A_129 = arith.constant 0 : i32
        %dma_start3A_130 = tpu.memref_slice %arg10[%dma_start3A_128, %dma_start3A_129] : memref<10240x128xf32, #tpu.memory_space<vmem_shared>> -> memref<10240x128xf32, #tpu.memory_space<vmem_shared>>
        tpu.enqueue_indirect_dma source(%arg8 : memref<128x128xf32, #tpu.memory_space<vmem>>) target(%dma_start3A_130 : memref<10240x128xf32, #tpu.memory_space<vmem_shared>>) offsets(%dma_start3A_127 : memref<128xi32, #tpu.memory_space<vmem>>) semaphore(%arg13 : memref<!tpu.dma_semaphore, #tpu.memory_space<semaphore_mem>>) {add = true}
        %dma_wait3A_131 = arith.constant 0 : i32
        %dma_wait3A_132 = tpu.memref_slice %arg6[%add3A_100, %dma_wait3A_131] : memref<40x128xi32, #tpu.memory_space<vmem>> -> memref<1x128xi32, #tpu.memory_space<vmem>>
        %dma_wait3A_133 = tpu.memref_squeeze %dma_wait3A_132 : memref<1x128xi32, #tpu.memory_space<vmem>> -> memref<128xi32, #tpu.memory_space<vmem>>
        %dma_wait3A_134 = arith.constant 0 : i32
        %dma_wait3A_135 = arith.constant 0 : i32
        %dma_wait3A_136 = tpu.memref_slice %arg2[%scan3A_65, %dma_wait3A_134, %dma_wait3A_135] : memref<4x10000x128xf32, #tpu.memory_space<hbm>> -> memref<1x10000x128xf32, #tpu.memory_space<hbm>>
        %dma_wait3A_137 = tpu.memref_squeeze %dma_wait3A_136 : memref<1x10000x128xf32, #tpu.memory_space<hbm>> -> memref<10000x128xf32, #tpu.memory_space<hbm>>
        %dma_wait3A_138 = arith.constant 0 : i32
        %dma_wait3A_139 = arith.constant 0 : i32
        %dma_wait3A_140 = tpu.memref_slice %dma_wait3A_137[%dma_wait3A_138, %dma_wait3A_139] : memref<10000x128xf32, #tpu.memory_space<hbm>> -> memref<10000x128xf32, #tpu.memory_space<hbm>>
        tpu.wait_indirect_dma semaphore(%arg12 : memref<!tpu.dma_semaphore, #tpu.memory_space<semaphore_mem>>) src(%dma_wait3A_140 : memref<10000x128xf32, #tpu.memory_space<hbm>>) dst(%arg9 : memref<128x128xf32, #tpu.memory_space<vmem>>)
        %dma_wait3A_141 = arith.constant 0 : i32
        %dma_wait3A_142 = tpu.memref_slice %arg7[%mul3A_99, %dma_wait3A_141] : memref<40x128xi32, #tpu.memory_space<vmem>> -> memref<1x128xi32, #tpu.memory_space<vmem>>
        %dma_wait3A_143 = tpu.memref_squeeze %dma_wait3A_142 : memref<1x128xi32, #tpu.memory_space<vmem>> -> memref<128xi32, #tpu.memory_space<vmem>>
        %dma_wait3A_144 = arith.constant 0 : i32
        %dma_wait3A_145 = arith.constant 0 : i32
        %dma_wait3A_146 = tpu.memref_slice %arg10[%dma_wait3A_144, %dma_wait3A_145] : memref<10240x128xf32, #tpu.memory_space<vmem_shared>> -> memref<10240x128xf32, #tpu.memory_space<vmem_shared>>
        tpu.wait_indirect_dma semaphore(%arg13 : memref<!tpu.dma_semaphore, #tpu.memory_space<semaphore_mem>>) src(%arg8 : memref<128x128xf32, #tpu.memory_space<vmem>>) dst(%dma_wait3A_146 : memref<10240x128xf32, #tpu.memory_space<vmem_shared>>)
        %add3A_147 = arith.constant 1 : i32
        %add3A_148 = arith.addi %add3A_100, %add3A_147 : i32
        %lt3A_149 = arith.constant 40 : i32
        %lt3A_150 = arith.cmpi slt, %add3A_148, %lt3A_149 : i32
        %convert_element_type3A_151 = arith.extui %lt3A_150 : i1 to i32
        %cond3A_152 = arith.constant 0 : i32
        %cond3A_153 = arith.cmpi ne, %convert_element_type3A_151, %cond3A_152 : i32
        scf.if %cond3A_153 {
          %add3A_160 = arith.constant 1 : i32
          %add3A_161 = arith.addi %add3A_100, %add3A_160 : i32
          %dma_start3A_162 = arith.constant 0 : i32
          %dma_start3A_163 = tpu.memref_slice %arg6[%add3A_161, %dma_start3A_162] : memref<40x128xi32, #tpu.memory_space<vmem>> -> memref<1x128xi32, #tpu.memory_space<vmem>>
          %dma_start3A_164 = tpu.memref_squeeze %dma_start3A_163 : memref<1x128xi32, #tpu.memory_space<vmem>> -> memref<128xi32, #tpu.memory_space<vmem>>
          %dma_start3A_165 = arith.constant 0 : i32
          %dma_start3A_166 = arith.constant 0 : i32
          %dma_start3A_167 = tpu.memref_slice %arg2[%scan3A_65, %dma_start3A_165, %dma_start3A_166] : memref<4x10000x128xf32, #tpu.memory_space<hbm>> -> memref<1x10000x128xf32, #tpu.memory_space<hbm>>
          %dma_start3A_168 = tpu.memref_squeeze %dma_start3A_167 : memref<1x10000x128xf32, #tpu.memory_space<hbm>> -> memref<10000x128xf32, #tpu.memory_space<hbm>>
          %dma_start3A_169 = arith.constant 0 : i32
          %dma_start3A_170 = arith.constant 0 : i32
          %dma_start3A_171 = tpu.memref_slice %dma_start3A_168[%dma_start3A_169, %dma_start3A_170] : memref<10000x128xf32, #tpu.memory_space<hbm>> -> memref<10000x128xf32, #tpu.memory_space<hbm>>
          tpu.enqueue_indirect_dma source(%dma_start3A_171 : memref<10000x128xf32, #tpu.memory_space<hbm>>) target(%arg8 : memref<128x128xf32, #tpu.memory_space<vmem>>) offsets(%dma_start3A_164 : memref<128xi32, #tpu.memory_space<vmem>>) semaphore(%arg11 : memref<!tpu.dma_semaphore, #tpu.memory_space<semaphore_mem>>)
        } else {
        }
        %dma_start3A_154 = arith.constant 0 : i32
        %dma_start3A_155 = tpu.memref_slice %arg7[%add3A_100, %dma_start3A_154] : memref<40x128xi32, #tpu.memory_space<vmem>> -> memref<1x128xi32, #tpu.memory_space<vmem>>
        %dma_start3A_156 = tpu.memref_squeeze %dma_start3A_155 : memref<1x128xi32, #tpu.memory_space<vmem>> -> memref<128xi32, #tpu.memory_space<vmem>>
        %dma_start3A_157 = arith.constant 0 : i32
        %dma_start3A_158 = arith.constant 0 : i32
        %dma_start3A_159 = tpu.memref_slice %arg10[%dma_start3A_157, %dma_start3A_158] : memref<10240x128xf32, #tpu.memory_space<vmem_shared>> -> memref<10240x128xf32, #tpu.memory_space<vmem_shared>>
        tpu.enqueue_indirect_dma source(%arg9 : memref<128x128xf32, #tpu.memory_space<vmem>>) target(%dma_start3A_159 : memref<10240x128xf32, #tpu.memory_space<vmem_shared>>) offsets(%dma_start3A_156 : memref<128xi32, #tpu.memory_space<vmem>>) semaphore(%arg14 : memref<!tpu.dma_semaphore, #tpu.memory_space<semaphore_mem>>) {add = true}
      }
      %scan3A_70 = arith.constant 20 : i32
      %dma_wait3A_71 = arith.constant 39 : i32
      %dma_wait3A_72 = arith.constant 0 : i32
      %dma_wait3A_73 = tpu.memref_slice %arg7[%dma_wait3A_71, %dma_wait3A_72] : memref<40x128xi32, #tpu.memory_space<vmem>> -> memref<1x128xi32, #tpu.memory_space<vmem>>
      %dma_wait3A_74 = tpu.memref_squeeze %dma_wait3A_73 : memref<1x128xi32, #tpu.memory_space<vmem>> -> memref<128xi32, #tpu.memory_space<vmem>>
      %dma_wait3A_75 = arith.constant 0 : i32
      %dma_wait3A_76 = arith.constant 0 : i32
      %dma_wait3A_77 = tpu.memref_slice %arg10[%dma_wait3A_75, %dma_wait3A_76] : memref<10240x128xf32, #tpu.memory_space<vmem_shared>> -> memref<10240x128xf32, #tpu.memory_space<vmem_shared>>
      tpu.wait_indirect_dma semaphore(%arg14 : memref<!tpu.dma_semaphore, #tpu.memory_space<semaphore_mem>>) src(%arg9 : memref<128x128xf32, #tpu.memory_space<vmem>>) dst(%dma_wait3A_77 : memref<10240x128xf32, #tpu.memory_space<vmem_shared>>)
      %barrier3A_78 = arith.constant 0 : index
      tpu.barrier barrier_id(%barrier3A_78)
      %mul3A_79 = arith.constant 640 : i32
      %mul3A_80 = arith.muli %arg1, %mul3A_79 : i32
      %lt3A_81 = arith.constant 15 : i32
      %lt3A_82 = arith.cmpi slt, %arg1, %lt3A_81 : i32
      %jit3A_83 = arith.constant 8 : i32
      %jit3A_84 = arith.constant 5 : i32
      %select_n3A_85 = arith.select %lt3A_82, %jit3A_83, %jit3A_84 : i32
      %while3A_86 = arith.constant 0 : i32
      %while3A_87 = arith.constant 0 : i32
      %while3A_88 = arith.subi %select_n3A_85, %while3A_87 : i32
      %while3A_89 = arith.addi %while3A_87, %while3A_88 : i32
      %while3A_90 = arith.constant 1 : i32
      %while3A_91 = arith.divsi %while3A_88, %while3A_90 : i32
      %while3A_92 = arith.muli %while3A_91, %while3A_90 : i32
      %while3A_93 = arith.addi %while3A_87, %while3A_92 : i32
      %while3A_94 = arith.constant 1 : i32
      scf.for %while3A_97 = %while3A_87 to %while3A_93 step %while3A_94  : i32 {
        %mul3A_98 = arith.constant 80 : i32
        %mul3A_99 = arith.muli %while3A_97, %mul3A_98 : i32
        %add3A = arith.addi %mul3A_80, %mul3A_99 : i32
        %run_scoped3A = arith.constant 0 : i32
        "tpu.region"() ({
          %run_scoped3A_100 = tpu.sem_alloc : memref<!tpu.dma_semaphore, #tpu.memory_space<semaphore_mem>>
          %dma_start3A_101 = arith.constant 0 : i32
          %dma_start3A_102 = tpu.memref_slice %arg5[%run_scoped3A, %add3A, %dma_start3A_101] : memref<4x10000x128xf32, #tpu.memory_space<hbm>> -> memref<1x80x128xf32, #tpu.memory_space<hbm>>
          %dma_start3A_103 = tpu.memref_squeeze %dma_start3A_102 : memref<1x80x128xf32, #tpu.memory_space<hbm>> -> memref<80x128xf32, #tpu.memory_space<hbm>>
          %dma_start3A_104 = arith.constant 0 : i32
          %dma_start3A_105 = tpu.memref_slice %arg10[%add3A, %dma_start3A_104] : memref<10240x128xf32, #tpu.memory_space<vmem_shared>> -> memref<80x128xf32, #tpu.memory_space<vmem_shared>>
          tpu.enqueue_dma source(%dma_start3A_105 : memref<80x128xf32, #tpu.memory_space<vmem_shared>>) target(%dma_start3A_103 : memref<80x128xf32, #tpu.memory_space<hbm>>) target_semaphore(%run_scoped3A_100 : memref<!tpu.dma_semaphore, #tpu.memory_space<semaphore_mem>>)
          %dma_wait3A_106 = arith.constant 0 : i32
          %dma_wait3A_107 = tpu.memref_slice %arg5[%run_scoped3A, %add3A, %dma_wait3A_106] : memref<4x10000x128xf32, #tpu.memory_space<hbm>> -> memref<1x80x128xf32, #tpu.memory_space<hbm>>
          %dma_wait3A_108 = tpu.memref_squeeze %dma_wait3A_107 : memref<1x80x128xf32, #tpu.memory_space<hbm>> -> memref<80x128xf32, #tpu.memory_space<hbm>>
          %dma_wait3A_109 = arith.constant 0 : i32
          %dma_wait3A_110 = tpu.memref_slice %arg10[%add3A, %dma_wait3A_109] : memref<10240x128xf32, #tpu.memory_space<vmem_shared>> -> memref<80x128xf32, #tpu.memory_space<vmem_shared>>
          tpu.wait_dma2 semaphore(%run_scoped3A_100 : memref<!tpu.dma_semaphore, #tpu.memory_space<semaphore_mem>>) src(%dma_wait3A_110 : memref<80x128xf32, #tpu.memory_space<vmem_shared>>) dst(%dma_wait3A_108 : memref<80x128xf32, #tpu.memory_space<hbm>>)
          tpu.yield
        }) : () -> ()
      }
      %while3A_95 = arith.constant 1 : i32
      scf.for %while3A_97 = %while3A_93 to %while3A_89 step %while3A_95  : i32 {
        %mul3A_98 = arith.constant 80 : i32
        %mul3A_99 = arith.muli %while3A_97, %mul3A_98 : i32
        %add3A = arith.addi %mul3A_80, %mul3A_99 : i32
        %run_scoped3A = arith.constant 0 : i32
        "tpu.region"() ({
          %run_scoped3A_100 = tpu.sem_alloc : memref<!tpu.dma_semaphore, #tpu.memory_space<semaphore_mem>>
          %dma_start3A_101 = arith.constant 0 : i32
          %dma_start3A_102 = tpu.memref_slice %arg5[%run_scoped3A, %add3A, %dma_start3A_101] : memref<4x10000x128xf32, #tpu.memory_space<hbm>> -> memref<1x80x128xf32, #tpu.memory_space<hbm>>
          %dma_start3A_103 = tpu.memref_squeeze %dma_start3A_102 : memref<1x80x128xf32, #tpu.memory_space<hbm>> -> memref<80x128xf32, #tpu.memory_space<hbm>>
          %dma_start3A_104 = arith.constant 0 : i32
          %dma_start3A_105 = tpu.memref_slice %arg10[%add3A, %dma_start3A_104] : memref<10240x128xf32, #tpu.memory_space<vmem_shared>> -> memref<80x128xf32, #tpu.memory_space<vmem_shared>>
          tpu.enqueue_dma source(%dma_start3A_105 : memref<80x128xf32, #tpu.memory_space<vmem_shared>>) target(%dma_start3A_103 : memref<80x128xf32, #tpu.memory_space<hbm>>) target_semaphore(%run_scoped3A_100 : memref<!tpu.dma_semaphore, #tpu.memory_space<semaphore_mem>>)
          %dma_wait3A_106 = arith.constant 0 : i32
          %dma_wait3A_107 = tpu.memref_slice %arg5[%run_scoped3A, %add3A, %dma_wait3A_106] : memref<4x10000x128xf32, #tpu.memory_space<hbm>> -> memref<1x80x128xf32, #tpu.memory_space<hbm>>
          %dma_wait3A_108 = tpu.memref_squeeze %dma_wait3A_107 : memref<1x80x128xf32, #tpu.memory_space<hbm>> -> memref<80x128xf32, #tpu.memory_space<hbm>>
          %dma_wait3A_109 = arith.constant 0 : i32
          %dma_wait3A_110 = tpu.memref_slice %arg10[%add3A, %dma_wait3A_109] : memref<10240x128xf32, #tpu.memory_space<vmem_shared>> -> memref<80x128xf32, #tpu.memory_space<vmem_shared>>
          tpu.wait_dma2 semaphore(%run_scoped3A_100 : memref<!tpu.dma_semaphore, #tpu.memory_space<semaphore_mem>>) src(%dma_wait3A_110 : memref<80x128xf32, #tpu.memory_space<vmem_shared>>) dst(%dma_wait3A_108 : memref<80x128xf32, #tpu.memory_space<hbm>>)
          tpu.yield
        }) : () -> ()
      }
      %barrier3A_96 = arith.constant 0 : index
      tpu.barrier barrier_id(%barrier3A_96)
    } else {
    }
    %eq3A_2 = arith.constant 0 : i32
    %eq3A_3 = arith.cmpi eq, %arg0, %eq3A_2 : i32
    %convert_element_type3A_4 = arith.extui %eq3A_3 : i1 to i32
    %cond3A_5 = arith.constant 0 : i32
    %cond3A_6 = arith.cmpi ne, %convert_element_type3A_4, %cond3A_5 : i32
    scf.if %cond3A_6 {
      %mul3A = arith.constant 640 : i32
      %mul3A_17 = arith.muli %arg1, %mul3A : i32
      %lt3A = arith.constant 15 : i32
      %lt3A_18 = arith.cmpi slt, %arg1, %lt3A : i32
      %jit3A = arith.constant 8 : i32
      %jit3A_19 = arith.constant 5 : i32
      %select_n3A = arith.select %lt3A_18, %jit3A, %jit3A_19 : i32
      %while3A = arith.constant 0 : i32
      %while3A_20 = arith.constant 0 : i32
      %while3A_21 = arith.subi %select_n3A, %while3A_20 : i32
      %while3A_22 = arith.addi %while3A_20, %while3A_21 : i32
      %while3A_23 = arith.constant 1 : i32
      %while3A_24 = arith.divsi %while3A_21, %while3A_23 : i32
      %while3A_25 = arith.muli %while3A_24, %while3A_23 : i32
      %while3A_26 = arith.addi %while3A_20, %while3A_25 : i32
      %while3A_27 = arith.constant 1 : i32
      scf.for %while3A_97 = %while3A_20 to %while3A_26 step %while3A_27  : i32 {
        %mul3A_98 = arith.constant 80 : i32
        %mul3A_99 = arith.muli %while3A_97, %mul3A_98 : i32
        %add3A = arith.addi %mul3A_17, %mul3A_99 : i32
        %run_scoped3A = arith.constant 1 : i32
        "tpu.region"() ({
          %run_scoped3A_100 = tpu.sem_alloc : memref<!tpu.dma_semaphore, #tpu.memory_space<semaphore_mem>>
          %dma_start3A_101 = arith.constant 0 : i32
          %dma_start3A_102 = tpu.memref_slice %arg10[%add3A, %dma_start3A_101] : memref<10240x128xf32, #tpu.memory_space<vmem_shared>> -> memref<80x128xf32, #tpu.memory_space<vmem_shared>>
          %dma_start3A_103 = arith.constant 0 : i32
          %dma_start3A_104 = tpu.memref_slice %arg2[%run_scoped3A, %add3A, %dma_start3A_103] : memref<4x10000x128xf32, #tpu.memory_space<hbm>> -> memref<1x80x128xf32, #tpu.memory_space<hbm>>
          %dma_start3A_105 = tpu.memref_squeeze %dma_start3A_104 : memref<1x80x128xf32, #tpu.memory_space<hbm>> -> memref<80x128xf32, #tpu.memory_space<hbm>>
          tpu.enqueue_dma source(%dma_start3A_105 : memref<80x128xf32, #tpu.memory_space<hbm>>) target(%dma_start3A_102 : memref<80x128xf32, #tpu.memory_space<vmem_shared>>) target_semaphore(%run_scoped3A_100 : memref<!tpu.dma_semaphore, #tpu.memory_space<semaphore_mem>>)
          %dma_wait3A_106 = arith.constant 0 : i32
          %dma_wait3A_107 = tpu.memref_slice %arg10[%add3A, %dma_wait3A_106] : memref<10240x128xf32, #tpu.memory_space<vmem_shared>> -> memref<80x128xf32, #tpu.memory_space<vmem_shared>>
          %dma_wait3A_108 = arith.constant 0 : i32
          %dma_wait3A_109 = tpu.memref_slice %arg2[%run_scoped3A, %add3A, %dma_wait3A_108] : memref<4x10000x128xf32, #tpu.memory_space<hbm>> -> memref<1x80x128xf32, #tpu.memory_space<hbm>>
          %dma_wait3A_110 = tpu.memref_squeeze %dma_wait3A_109 : memref<1x80x128xf32, #tpu.memory_space<hbm>> -> memref<80x128xf32, #tpu.memory_space<hbm>>
          tpu.wait_dma2 semaphore(%run_scoped3A_100 : memref<!tpu.dma_semaphore, #tpu.memory_space<semaphore_mem>>) src(%dma_wait3A_110 : memref<80x128xf32, #tpu.memory_space<hbm>>) dst(%dma_wait3A_107 : memref<80x128xf32, #tpu.memory_space<vmem_shared>>)
          tpu.yield
        }) : () -> ()
      }
      %while3A_28 = arith.constant 1 : i32
      scf.for %while3A_97 = %while3A_26 to %while3A_22 step %while3A_28  : i32 {
        %mul3A_98 = arith.constant 80 : i32
        %mul3A_99 = arith.muli %while3A_97, %mul3A_98 : i32
        %add3A = arith.addi %mul3A_17, %mul3A_99 : i32
        %run_scoped3A = arith.constant 1 : i32
        "tpu.region"() ({
          %run_scoped3A_100 = tpu.sem_alloc : memref<!tpu.dma_semaphore, #tpu.memory_space<semaphore_mem>>
          %dma_start3A_101 = arith.constant 0 : i32
          %dma_start3A_102 = tpu.memref_slice %arg10[%add3A, %dma_start3A_101] : memref<10240x128xf32, #tpu.memory_space<vmem_shared>> -> memref<80x128xf32, #tpu.memory_space<vmem_shared>>
          %dma_start3A_103 = arith.constant 0 : i32
          %dma_start3A_104 = tpu.memref_slice %arg2[%run_scoped3A, %add3A, %dma_start3A_103] : memref<4x10000x128xf32, #tpu.memory_space<hbm>> -> memref<1x80x128xf32, #tpu.memory_space<hbm>>
          %dma_start3A_105 = tpu.memref_squeeze %dma_start3A_104 : memref<1x80x128xf32, #tpu.memory_space<hbm>> -> memref<80x128xf32, #tpu.memory_space<hbm>>
          tpu.enqueue_dma source(%dma_start3A_105 : memref<80x128xf32, #tpu.memory_space<hbm>>) target(%dma_start3A_102 : memref<80x128xf32, #tpu.memory_space<vmem_shared>>) target_semaphore(%run_scoped3A_100 : memref<!tpu.dma_semaphore, #tpu.memory_space<semaphore_mem>>)
          %dma_wait3A_106 = arith.constant 0 : i32
          %dma_wait3A_107 = tpu.memref_slice %arg10[%add3A, %dma_wait3A_106] : memref<10240x128xf32, #tpu.memory_space<vmem_shared>> -> memref<80x128xf32, #tpu.memory_space<vmem_shared>>
          %dma_wait3A_108 = arith.constant 0 : i32
          %dma_wait3A_109 = tpu.memref_slice %arg2[%run_scoped3A, %add3A, %dma_wait3A_108] : memref<4x10000x128xf32, #tpu.memory_space<hbm>> -> memref<1x80x128xf32, #tpu.memory_space<hbm>>
          %dma_wait3A_110 = tpu.memref_squeeze %dma_wait3A_109 : memref<1x80x128xf32, #tpu.memory_space<hbm>> -> memref<80x128xf32, #tpu.memory_space<hbm>>
          tpu.wait_dma2 semaphore(%run_scoped3A_100 : memref<!tpu.dma_semaphore, #tpu.memory_space<semaphore_mem>>) src(%dma_wait3A_110 : memref<80x128xf32, #tpu.memory_space<hbm>>) dst(%dma_wait3A_107 : memref<80x128xf32, #tpu.memory_space<vmem_shared>>)
          tpu.yield
        }) : () -> ()
      }
      %barrier3A = arith.constant 0 : index
      tpu.barrier barrier_id(%barrier3A)
      "tpu.region"() ({
        %run_scoped3A = tpu.sem_alloc : memref<!tpu.dma_semaphore, #tpu.memory_space<semaphore_mem>>
        %dma_start3A_97 = arith.constant 0 : i32
        %dma_start3A_98 = arith.constant 0 : i32
        %dma_start3A_99 = tpu.memref_slice %arg3[%arg1, %dma_start3A_97, %dma_start3A_98] : memref<16x80x128xi32, #tpu.memory_space<hbm>> -> memref<1x40x128xi32, #tpu.memory_space<hbm>>
        %dma_start3A_100 = tpu.memref_squeeze %dma_start3A_99 : memref<1x40x128xi32, #tpu.memory_space<hbm>> -> memref<40x128xi32, #tpu.memory_space<hbm>>
        %dma_start3A_101 = arith.constant 0 : i32
        %dma_start3A_102 = arith.constant 0 : i32
        %dma_start3A_103 = tpu.memref_slice %arg3[%arg1, %dma_start3A_101, %dma_start3A_102] : memref<16x80x128xi32, #tpu.memory_space<hbm>> -> memref<1x40x128xi32, #tpu.memory_space<hbm>>
        %dma_start3A_104 = tpu.memref_squeeze %dma_start3A_103 : memref<1x40x128xi32, #tpu.memory_space<hbm>> -> memref<40x128xi32, #tpu.memory_space<hbm>>
        tpu.enqueue_dma source(%dma_start3A_104 : memref<40x128xi32, #tpu.memory_space<hbm>>) target(%arg6 : memref<40x128xi32, #tpu.memory_space<vmem>>) target_semaphore(%run_scoped3A : memref<!tpu.dma_semaphore, #tpu.memory_space<semaphore_mem>>)
        %dma_wait3A_105 = arith.constant 0 : i32
        %dma_wait3A_106 = arith.constant 0 : i32
        %dma_wait3A_107 = tpu.memref_slice %arg3[%arg1, %dma_wait3A_105, %dma_wait3A_106] : memref<16x80x128xi32, #tpu.memory_space<hbm>> -> memref<1x40x128xi32, #tpu.memory_space<hbm>>
        %dma_wait3A_108 = tpu.memref_squeeze %dma_wait3A_107 : memref<1x40x128xi32, #tpu.memory_space<hbm>> -> memref<40x128xi32, #tpu.memory_space<hbm>>
        %dma_wait3A_109 = arith.constant 0 : i32
        %dma_wait3A_110 = arith.constant 0 : i32
        %dma_wait3A_111 = tpu.memref_slice %arg3[%arg1, %dma_wait3A_109, %dma_wait3A_110] : memref<16x80x128xi32, #tpu.memory_space<hbm>> -> memref<1x40x128xi32, #tpu.memory_space<hbm>>
        %dma_wait3A_112 = tpu.memref_squeeze %dma_wait3A_111 : memref<1x40x128xi32, #tpu.memory_space<hbm>> -> memref<40x128xi32, #tpu.memory_space<hbm>>
        tpu.wait_dma2 semaphore(%run_scoped3A : memref<!tpu.dma_semaphore, #tpu.memory_space<semaphore_mem>>) src(%dma_wait3A_112 : memref<40x128xi32, #tpu.memory_space<hbm>>) dst(%arg6 : memref<40x128xi32, #tpu.memory_space<vmem>>)
        tpu.yield
      }) : () -> ()
      "tpu.region"() ({
        %run_scoped3A = tpu.sem_alloc : memref<!tpu.dma_semaphore, #tpu.memory_space<semaphore_mem>>
        %dma_start3A_97 = arith.constant 0 : i32
        %dma_start3A_98 = arith.constant 0 : i32
        %dma_start3A_99 = tpu.memref_slice %arg4[%arg1, %dma_start3A_97, %dma_start3A_98] : memref<16x80x128xi32, #tpu.memory_space<hbm>> -> memref<1x40x128xi32, #tpu.memory_space<hbm>>
        %dma_start3A_100 = tpu.memref_squeeze %dma_start3A_99 : memref<1x40x128xi32, #tpu.memory_space<hbm>> -> memref<40x128xi32, #tpu.memory_space<hbm>>
        %dma_start3A_101 = arith.constant 0 : i32
        %dma_start3A_102 = arith.constant 0 : i32
        %dma_start3A_103 = tpu.memref_slice %arg4[%arg1, %dma_start3A_101, %dma_start3A_102] : memref<16x80x128xi32, #tpu.memory_space<hbm>> -> memref<1x40x128xi32, #tpu.memory_space<hbm>>
        %dma_start3A_104 = tpu.memref_squeeze %dma_start3A_103 : memref<1x40x128xi32, #tpu.memory_space<hbm>> -> memref<40x128xi32, #tpu.memory_space<hbm>>
        tpu.enqueue_dma source(%dma_start3A_104 : memref<40x128xi32, #tpu.memory_space<hbm>>) target(%arg7 : memref<40x128xi32, #tpu.memory_space<vmem>>) target_semaphore(%run_scoped3A : memref<!tpu.dma_semaphore, #tpu.memory_space<semaphore_mem>>)
        %dma_wait3A_105 = arith.constant 0 : i32
        %dma_wait3A_106 = arith.constant 0 : i32
        %dma_wait3A_107 = tpu.memref_slice %arg4[%arg1, %dma_wait3A_105, %dma_wait3A_106] : memref<16x80x128xi32, #tpu.memory_space<hbm>> -> memref<1x40x128xi32, #tpu.memory_space<hbm>>
        %dma_wait3A_108 = tpu.memref_squeeze %dma_wait3A_107 : memref<1x40x128xi32, #tpu.memory_space<hbm>> -> memref<40x128xi32, #tpu.memory_space<hbm>>
        %dma_wait3A_109 = arith.constant 0 : i32
        %dma_wait3A_110 = arith.constant 0 : i32
        %dma_wait3A_111 = tpu.memref_slice %arg4[%arg1, %dma_wait3A_109, %dma_wait3A_110] : memref<16x80x128xi32, #tpu.memory_space<hbm>> -> memref<1x40x128xi32, #tpu.memory_space<hbm>>
        %dma_wait3A_112 = tpu.memref_squeeze %dma_wait3A_111 : memref<1x40x128xi32, #tpu.memory_space<hbm>> -> memref<40x128xi32, #tpu.memory_space<hbm>>
        tpu.wait_dma2 semaphore(%run_scoped3A : memref<!tpu.dma_semaphore, #tpu.memory_space<semaphore_mem>>) src(%dma_wait3A_112 : memref<40x128xi32, #tpu.memory_space<hbm>>) dst(%arg7 : memref<40x128xi32, #tpu.memory_space<vmem>>)
        tpu.yield
      }) : () -> ()
      %dma_start3A = arith.constant 1 : i32
      %dma_start3A_29 = arith.constant 0 : i32
      %dma_start3A_30 = arith.constant 0 : i32
      %dma_start3A_31 = tpu.memref_slice %arg6[%dma_start3A_29, %dma_start3A_30] : memref<40x128xi32, #tpu.memory_space<vmem>> -> memref<1x128xi32, #tpu.memory_space<vmem>>
      %dma_start3A_32 = tpu.memref_squeeze %dma_start3A_31 : memref<1x128xi32, #tpu.memory_space<vmem>> -> memref<128xi32, #tpu.memory_space<vmem>>
      %dma_start3A_33 = arith.constant 0 : i32
      %dma_start3A_34 = arith.constant 0 : i32
      %dma_start3A_35 = tpu.memref_slice %arg2[%dma_start3A, %dma_start3A_33, %dma_start3A_34] : memref<4x10000x128xf32, #tpu.memory_space<hbm>> -> memref<1x10000x128xf32, #tpu.memory_space<hbm>>
      %dma_start3A_36 = tpu.memref_squeeze %dma_start3A_35 : memref<1x10000x128xf32, #tpu.memory_space<hbm>> -> memref<10000x128xf32, #tpu.memory_space<hbm>>
      %dma_start3A_37 = arith.constant 0 : i32
      %dma_start3A_38 = arith.constant 0 : i32
      %dma_start3A_39 = tpu.memref_slice %dma_start3A_36[%dma_start3A_37, %dma_start3A_38] : memref<10000x128xf32, #tpu.memory_space<hbm>> -> memref<10000x128xf32, #tpu.memory_space<hbm>>
      tpu.enqueue_indirect_dma source(%dma_start3A_39 : memref<10000x128xf32, #tpu.memory_space<hbm>>) target(%arg8 : memref<128x128xf32, #tpu.memory_space<vmem>>) offsets(%dma_start3A_32 : memref<128xi32, #tpu.memory_space<vmem>>) semaphore(%arg11 : memref<!tpu.dma_semaphore, #tpu.memory_space<semaphore_mem>>)
      %scan3A = arith.constant 0 : i32
      %scan3A_40 = arith.constant 1 : i32
      %scan3A_41 = arith.constant 0 : i32
      %scan3A_42 = arith.constant 20 : i32
      %scan3A_43 = arith.addi %scan3A_41, %scan3A_42 : i32
      %scan3A_44 = arith.constant 1 : i32
      scf.for %scan3A_97 = %scan3A_41 to %scan3A_43 step %scan3A_44  : i32 {
        %mul3A_98 = arith.constant 2 : i32
        %mul3A_99 = arith.muli %mul3A_98, %scan3A_97 : i32
        %add3A = arith.constant 1 : i32
        %add3A_100 = arith.addi %mul3A_99, %add3A : i32
        %dma_wait3A_101 = arith.constant 0 : i32
        %dma_wait3A_102 = tpu.memref_slice %arg6[%mul3A_99, %dma_wait3A_101] : memref<40x128xi32, #tpu.memory_space<vmem>> -> memref<1x128xi32, #tpu.memory_space<vmem>>
        %dma_wait3A_103 = tpu.memref_squeeze %dma_wait3A_102 : memref<1x128xi32, #tpu.memory_space<vmem>> -> memref<128xi32, #tpu.memory_space<vmem>>
        %dma_wait3A_104 = arith.constant 0 : i32
        %dma_wait3A_105 = arith.constant 0 : i32
        %dma_wait3A_106 = tpu.memref_slice %arg2[%scan3A_40, %dma_wait3A_104, %dma_wait3A_105] : memref<4x10000x128xf32, #tpu.memory_space<hbm>> -> memref<1x10000x128xf32, #tpu.memory_space<hbm>>
        %dma_wait3A_107 = tpu.memref_squeeze %dma_wait3A_106 : memref<1x10000x128xf32, #tpu.memory_space<hbm>> -> memref<10000x128xf32, #tpu.memory_space<hbm>>
        %dma_wait3A_108 = arith.constant 0 : i32
        %dma_wait3A_109 = arith.constant 0 : i32
        %dma_wait3A_110 = tpu.memref_slice %dma_wait3A_107[%dma_wait3A_108, %dma_wait3A_109] : memref<10000x128xf32, #tpu.memory_space<hbm>> -> memref<10000x128xf32, #tpu.memory_space<hbm>>
        tpu.wait_indirect_dma semaphore(%arg11 : memref<!tpu.dma_semaphore, #tpu.memory_space<semaphore_mem>>) src(%dma_wait3A_110 : memref<10000x128xf32, #tpu.memory_space<hbm>>) dst(%arg8 : memref<128x128xf32, #tpu.memory_space<vmem>>)
        %gt3A = arith.constant 0 : i32
        %gt3A_111 = arith.cmpi sgt, %scan3A_97, %gt3A : i32
        %convert_element_type3A_112 = arith.extui %gt3A_111 : i1 to i32
        %cond3A_113 = arith.constant 0 : i32
        %cond3A_114 = arith.cmpi ne, %convert_element_type3A_112, %cond3A_113 : i32
        scf.if %cond3A_114 {
          %sub3A = arith.constant 1 : i32
          %sub3A_160 = arith.subi %mul3A_99, %sub3A : i32
          %dma_wait3A_161 = arith.constant 0 : i32
          %dma_wait3A_162 = tpu.memref_slice %arg7[%sub3A_160, %dma_wait3A_161] : memref<40x128xi32, #tpu.memory_space<vmem>> -> memref<1x128xi32, #tpu.memory_space<vmem>>
          %dma_wait3A_163 = tpu.memref_squeeze %dma_wait3A_162 : memref<1x128xi32, #tpu.memory_space<vmem>> -> memref<128xi32, #tpu.memory_space<vmem>>
          %dma_wait3A_164 = arith.constant 0 : i32
          %dma_wait3A_165 = arith.constant 0 : i32
          %dma_wait3A_166 = tpu.memref_slice %arg10[%dma_wait3A_164, %dma_wait3A_165] : memref<10240x128xf32, #tpu.memory_space<vmem_shared>> -> memref<10240x128xf32, #tpu.memory_space<vmem_shared>>
          tpu.wait_indirect_dma semaphore(%arg14 : memref<!tpu.dma_semaphore, #tpu.memory_space<semaphore_mem>>) src(%arg9 : memref<128x128xf32, #tpu.memory_space<vmem>>) dst(%dma_wait3A_166 : memref<10240x128xf32, #tpu.memory_space<vmem_shared>>)
        } else {
        }
        %dma_start3A_115 = arith.constant 0 : i32
        %dma_start3A_116 = tpu.memref_slice %arg6[%add3A_100, %dma_start3A_115] : memref<40x128xi32, #tpu.memory_space<vmem>> -> memref<1x128xi32, #tpu.memory_space<vmem>>
        %dma_start3A_117 = tpu.memref_squeeze %dma_start3A_116 : memref<1x128xi32, #tpu.memory_space<vmem>> -> memref<128xi32, #tpu.memory_space<vmem>>
        %dma_start3A_118 = arith.constant 0 : i32
        %dma_start3A_119 = arith.constant 0 : i32
        %dma_start3A_120 = tpu.memref_slice %arg2[%scan3A_40, %dma_start3A_118, %dma_start3A_119] : memref<4x10000x128xf32, #tpu.memory_space<hbm>> -> memref<1x10000x128xf32, #tpu.memory_space<hbm>>
        %dma_start3A_121 = tpu.memref_squeeze %dma_start3A_120 : memref<1x10000x128xf32, #tpu.memory_space<hbm>> -> memref<10000x128xf32, #tpu.memory_space<hbm>>
        %dma_start3A_122 = arith.constant 0 : i32
        %dma_start3A_123 = arith.constant 0 : i32
        %dma_start3A_124 = tpu.memref_slice %dma_start3A_121[%dma_start3A_122, %dma_start3A_123] : memref<10000x128xf32, #tpu.memory_space<hbm>> -> memref<10000x128xf32, #tpu.memory_space<hbm>>
        tpu.enqueue_indirect_dma source(%dma_start3A_124 : memref<10000x128xf32, #tpu.memory_space<hbm>>) target(%arg9 : memref<128x128xf32, #tpu.memory_space<vmem>>) offsets(%dma_start3A_117 : memref<128xi32, #tpu.memory_space<vmem>>) semaphore(%arg12 : memref<!tpu.dma_semaphore, #tpu.memory_space<semaphore_mem>>)
        %dma_start3A_125 = arith.constant 0 : i32
        %dma_start3A_126 = tpu.memref_slice %arg7[%mul3A_99, %dma_start3A_125] : memref<40x128xi32, #tpu.memory_space<vmem>> -> memref<1x128xi32, #tpu.memory_space<vmem>>
        %dma_start3A_127 = tpu.memref_squeeze %dma_start3A_126 : memref<1x128xi32, #tpu.memory_space<vmem>> -> memref<128xi32, #tpu.memory_space<vmem>>
        %dma_start3A_128 = arith.constant 0 : i32
        %dma_start3A_129 = arith.constant 0 : i32
        %dma_start3A_130 = tpu.memref_slice %arg10[%dma_start3A_128, %dma_start3A_129] : memref<10240x128xf32, #tpu.memory_space<vmem_shared>> -> memref<10240x128xf32, #tpu.memory_space<vmem_shared>>
        tpu.enqueue_indirect_dma source(%arg8 : memref<128x128xf32, #tpu.memory_space<vmem>>) target(%dma_start3A_130 : memref<10240x128xf32, #tpu.memory_space<vmem_shared>>) offsets(%dma_start3A_127 : memref<128xi32, #tpu.memory_space<vmem>>) semaphore(%arg13 : memref<!tpu.dma_semaphore, #tpu.memory_space<semaphore_mem>>) {add = true}
        %dma_wait3A_131 = arith.constant 0 : i32
        %dma_wait3A_132 = tpu.memref_slice %arg6[%add3A_100, %dma_wait3A_131] : memref<40x128xi32, #tpu.memory_space<vmem>> -> memref<1x128xi32, #tpu.memory_space<vmem>>
        %dma_wait3A_133 = tpu.memref_squeeze %dma_wait3A_132 : memref<1x128xi32, #tpu.memory_space<vmem>> -> memref<128xi32, #tpu.memory_space<vmem>>
        %dma_wait3A_134 = arith.constant 0 : i32
        %dma_wait3A_135 = arith.constant 0 : i32
        %dma_wait3A_136 = tpu.memref_slice %arg2[%scan3A_40, %dma_wait3A_134, %dma_wait3A_135] : memref<4x10000x128xf32, #tpu.memory_space<hbm>> -> memref<1x10000x128xf32, #tpu.memory_space<hbm>>
        %dma_wait3A_137 = tpu.memref_squeeze %dma_wait3A_136 : memref<1x10000x128xf32, #tpu.memory_space<hbm>> -> memref<10000x128xf32, #tpu.memory_space<hbm>>
        %dma_wait3A_138 = arith.constant 0 : i32
        %dma_wait3A_139 = arith.constant 0 : i32
        %dma_wait3A_140 = tpu.memref_slice %dma_wait3A_137[%dma_wait3A_138, %dma_wait3A_139] : memref<10000x128xf32, #tpu.memory_space<hbm>> -> memref<10000x128xf32, #tpu.memory_space<hbm>>
        tpu.wait_indirect_dma semaphore(%arg12 : memref<!tpu.dma_semaphore, #tpu.memory_space<semaphore_mem>>) src(%dma_wait3A_140 : memref<10000x128xf32, #tpu.memory_space<hbm>>) dst(%arg9 : memref<128x128xf32, #tpu.memory_space<vmem>>)
        %dma_wait3A_141 = arith.constant 0 : i32
        %dma_wait3A_142 = tpu.memref_slice %arg7[%mul3A_99, %dma_wait3A_141] : memref<40x128xi32, #tpu.memory_space<vmem>> -> memref<1x128xi32, #tpu.memory_space<vmem>>
        %dma_wait3A_143 = tpu.memref_squeeze %dma_wait3A_142 : memref<1x128xi32, #tpu.memory_space<vmem>> -> memref<128xi32, #tpu.memory_space<vmem>>
        %dma_wait3A_144 = arith.constant 0 : i32
        %dma_wait3A_145 = arith.constant 0 : i32
        %dma_wait3A_146 = tpu.memref_slice %arg10[%dma_wait3A_144, %dma_wait3A_145] : memref<10240x128xf32, #tpu.memory_space<vmem_shared>> -> memref<10240x128xf32, #tpu.memory_space<vmem_shared>>
        tpu.wait_indirect_dma semaphore(%arg13 : memref<!tpu.dma_semaphore, #tpu.memory_space<semaphore_mem>>) src(%arg8 : memref<128x128xf32, #tpu.memory_space<vmem>>) dst(%dma_wait3A_146 : memref<10240x128xf32, #tpu.memory_space<vmem_shared>>)
        %add3A_147 = arith.constant 1 : i32
        %add3A_148 = arith.addi %add3A_100, %add3A_147 : i32
        %lt3A_149 = arith.constant 40 : i32
        %lt3A_150 = arith.cmpi slt, %add3A_148, %lt3A_149 : i32
        %convert_element_type3A_151 = arith.extui %lt3A_150 : i1 to i32
        %cond3A_152 = arith.constant 0 : i32
        %cond3A_153 = arith.cmpi ne, %convert_element_type3A_151, %cond3A_152 : i32
        scf.if %cond3A_153 {
          %add3A_160 = arith.constant 1 : i32
          %add3A_161 = arith.addi %add3A_100, %add3A_160 : i32
          %dma_start3A_162 = arith.constant 0 : i32
          %dma_start3A_163 = tpu.memref_slice %arg6[%add3A_161, %dma_start3A_162] : memref<40x128xi32, #tpu.memory_space<vmem>> -> memref<1x128xi32, #tpu.memory_space<vmem>>
          %dma_start3A_164 = tpu.memref_squeeze %dma_start3A_163 : memref<1x128xi32, #tpu.memory_space<vmem>> -> memref<128xi32, #tpu.memory_space<vmem>>
          %dma_start3A_165 = arith.constant 0 : i32
          %dma_start3A_166 = arith.constant 0 : i32
          %dma_start3A_167 = tpu.memref_slice %arg2[%scan3A_40, %dma_start3A_165, %dma_start3A_166] : memref<4x10000x128xf32, #tpu.memory_space<hbm>> -> memref<1x10000x128xf32, #tpu.memory_space<hbm>>
          %dma_start3A_168 = tpu.memref_squeeze %dma_start3A_167 : memref<1x10000x128xf32, #tpu.memory_space<hbm>> -> memref<10000x128xf32, #tpu.memory_space<hbm>>
          %dma_start3A_169 = arith.constant 0 : i32
          %dma_start3A_170 = arith.constant 0 : i32
          %dma_start3A_171 = tpu.memref_slice %dma_start3A_168[%dma_start3A_169, %dma_start3A_170] : memref<10000x128xf32, #tpu.memory_space<hbm>> -> memref<10000x128xf32, #tpu.memory_space<hbm>>
          tpu.enqueue_indirect_dma source(%dma_start3A_171 : memref<10000x128xf32, #tpu.memory_space<hbm>>) target(%arg8 : memref<128x128xf32, #tpu.memory_space<vmem>>) offsets(%dma_start3A_164 : memref<128xi32, #tpu.memory_space<vmem>>) semaphore(%arg11 : memref<!tpu.dma_semaphore, #tpu.memory_space<semaphore_mem>>)
        } else {
        }
        %dma_start3A_154 = arith.constant 0 : i32
        %dma_start3A_155 = tpu.memref_slice %arg7[%add3A_100, %dma_start3A_154] : memref<40x128xi32, #tpu.memory_space<vmem>> -> memref<1x128xi32, #tpu.memory_space<vmem>>
        %dma_start3A_156 = tpu.memref_squeeze %dma_start3A_155 : memref<1x128xi32, #tpu.memory_space<vmem>> -> memref<128xi32, #tpu.memory_space<vmem>>
        %dma_start3A_157 = arith.constant 0 : i32
        %dma_start3A_158 = arith.constant 0 : i32
        %dma_start3A_159 = tpu.memref_slice %arg10[%dma_start3A_157, %dma_start3A_158] : memref<10240x128xf32, #tpu.memory_space<vmem_shared>> -> memref<10240x128xf32, #tpu.memory_space<vmem_shared>>
        tpu.enqueue_indirect_dma source(%arg9 : memref<128x128xf32, #tpu.memory_space<vmem>>) target(%dma_start3A_159 : memref<10240x128xf32, #tpu.memory_space<vmem_shared>>) offsets(%dma_start3A_156 : memref<128xi32, #tpu.memory_space<vmem>>) semaphore(%arg14 : memref<!tpu.dma_semaphore, #tpu.memory_space<semaphore_mem>>) {add = true}
      }
      %scan3A_45 = arith.constant 20 : i32
      %dma_wait3A = arith.constant 39 : i32
      %dma_wait3A_46 = arith.constant 0 : i32
      %dma_wait3A_47 = tpu.memref_slice %arg7[%dma_wait3A, %dma_wait3A_46] : memref<40x128xi32, #tpu.memory_space<vmem>> -> memref<1x128xi32, #tpu.memory_space<vmem>>
      %dma_wait3A_48 = tpu.memref_squeeze %dma_wait3A_47 : memref<1x128xi32, #tpu.memory_space<vmem>> -> memref<128xi32, #tpu.memory_space<vmem>>
      %dma_wait3A_49 = arith.constant 0 : i32
      %dma_wait3A_50 = arith.constant 0 : i32
      %dma_wait3A_51 = tpu.memref_slice %arg10[%dma_wait3A_49, %dma_wait3A_50] : memref<10240x128xf32, #tpu.memory_space<vmem_shared>> -> memref<10240x128xf32, #tpu.memory_space<vmem_shared>>
      tpu.wait_indirect_dma semaphore(%arg14 : memref<!tpu.dma_semaphore, #tpu.memory_space<semaphore_mem>>) src(%arg9 : memref<128x128xf32, #tpu.memory_space<vmem>>) dst(%dma_wait3A_51 : memref<10240x128xf32, #tpu.memory_space<vmem_shared>>)
      "tpu.region"() ({
        %run_scoped3A = tpu.sem_alloc : memref<!tpu.dma_semaphore, #tpu.memory_space<semaphore_mem>>
        %dma_start3A_97 = arith.constant 40 : i32
        %dma_start3A_98 = arith.constant 0 : i32
        %dma_start3A_99 = tpu.memref_slice %arg3[%arg1, %dma_start3A_97, %dma_start3A_98] : memref<16x80x128xi32, #tpu.memory_space<hbm>> -> memref<1x40x128xi32, #tpu.memory_space<hbm>>
        %dma_start3A_100 = tpu.memref_squeeze %dma_start3A_99 : memref<1x40x128xi32, #tpu.memory_space<hbm>> -> memref<40x128xi32, #tpu.memory_space<hbm>>
        %dma_start3A_101 = arith.constant 40 : i32
        %dma_start3A_102 = arith.constant 0 : i32
        %dma_start3A_103 = tpu.memref_slice %arg3[%arg1, %dma_start3A_101, %dma_start3A_102] : memref<16x80x128xi32, #tpu.memory_space<hbm>> -> memref<1x40x128xi32, #tpu.memory_space<hbm>>
        %dma_start3A_104 = tpu.memref_squeeze %dma_start3A_103 : memref<1x40x128xi32, #tpu.memory_space<hbm>> -> memref<40x128xi32, #tpu.memory_space<hbm>>
        tpu.enqueue_dma source(%dma_start3A_104 : memref<40x128xi32, #tpu.memory_space<hbm>>) target(%arg6 : memref<40x128xi32, #tpu.memory_space<vmem>>) target_semaphore(%run_scoped3A : memref<!tpu.dma_semaphore, #tpu.memory_space<semaphore_mem>>)
        %dma_wait3A_105 = arith.constant 40 : i32
        %dma_wait3A_106 = arith.constant 0 : i32
        %dma_wait3A_107 = tpu.memref_slice %arg3[%arg1, %dma_wait3A_105, %dma_wait3A_106] : memref<16x80x128xi32, #tpu.memory_space<hbm>> -> memref<1x40x128xi32, #tpu.memory_space<hbm>>
        %dma_wait3A_108 = tpu.memref_squeeze %dma_wait3A_107 : memref<1x40x128xi32, #tpu.memory_space<hbm>> -> memref<40x128xi32, #tpu.memory_space<hbm>>
        %dma_wait3A_109 = arith.constant 40 : i32
        %dma_wait3A_110 = arith.constant 0 : i32
        %dma_wait3A_111 = tpu.memref_slice %arg3[%arg1, %dma_wait3A_109, %dma_wait3A_110] : memref<16x80x128xi32, #tpu.memory_space<hbm>> -> memref<1x40x128xi32, #tpu.memory_space<hbm>>
        %dma_wait3A_112 = tpu.memref_squeeze %dma_wait3A_111 : memref<1x40x128xi32, #tpu.memory_space<hbm>> -> memref<40x128xi32, #tpu.memory_space<hbm>>
        tpu.wait_dma2 semaphore(%run_scoped3A : memref<!tpu.dma_semaphore, #tpu.memory_space<semaphore_mem>>) src(%dma_wait3A_112 : memref<40x128xi32, #tpu.memory_space<hbm>>) dst(%arg6 : memref<40x128xi32, #tpu.memory_space<vmem>>)
        tpu.yield
      }) : () -> ()
      "tpu.region"() ({
        %run_scoped3A = tpu.sem_alloc : memref<!tpu.dma_semaphore, #tpu.memory_space<semaphore_mem>>
        %dma_start3A_97 = arith.constant 40 : i32
        %dma_start3A_98 = arith.constant 0 : i32
        %dma_start3A_99 = tpu.memref_slice %arg4[%arg1, %dma_start3A_97, %dma_start3A_98] : memref<16x80x128xi32, #tpu.memory_space<hbm>> -> memref<1x40x128xi32, #tpu.memory_space<hbm>>
        %dma_start3A_100 = tpu.memref_squeeze %dma_start3A_99 : memref<1x40x128xi32, #tpu.memory_space<hbm>> -> memref<40x128xi32, #tpu.memory_space<hbm>>
        %dma_start3A_101 = arith.constant 40 : i32
        %dma_start3A_102 = arith.constant 0 : i32
        %dma_start3A_103 = tpu.memref_slice %arg4[%arg1, %dma_start3A_101, %dma_start3A_102] : memref<16x80x128xi32, #tpu.memory_space<hbm>> -> memref<1x40x128xi32, #tpu.memory_space<hbm>>
        %dma_start3A_104 = tpu.memref_squeeze %dma_start3A_103 : memref<1x40x128xi32, #tpu.memory_space<hbm>> -> memref<40x128xi32, #tpu.memory_space<hbm>>
        tpu.enqueue_dma source(%dma_start3A_104 : memref<40x128xi32, #tpu.memory_space<hbm>>) target(%arg7 : memref<40x128xi32, #tpu.memory_space<vmem>>) target_semaphore(%run_scoped3A : memref<!tpu.dma_semaphore, #tpu.memory_space<semaphore_mem>>)
        %dma_wait3A_105 = arith.constant 40 : i32
        %dma_wait3A_106 = arith.constant 0 : i32
        %dma_wait3A_107 = tpu.memref_slice %arg4[%arg1, %dma_wait3A_105, %dma_wait3A_106] : memref<16x80x128xi32, #tpu.memory_space<hbm>> -> memref<1x40x128xi32, #tpu.memory_space<hbm>>
        %dma_wait3A_108 = tpu.memref_squeeze %dma_wait3A_107 : memref<1x40x128xi32, #tpu.memory_space<hbm>> -> memref<40x128xi32, #tpu.memory_space<hbm>>
        %dma_wait3A_109 = arith.constant 40 : i32
        %dma_wait3A_110 = arith.constant 0 : i32
        %dma_wait3A_111 = tpu.memref_slice %arg4[%arg1, %dma_wait3A_109, %dma_wait3A_110] : memref<16x80x128xi32, #tpu.memory_space<hbm>> -> memref<1x40x128xi32, #tpu.memory_space<hbm>>
        %dma_wait3A_112 = tpu.memref_squeeze %dma_wait3A_111 : memref<1x40x128xi32, #tpu.memory_space<hbm>> -> memref<40x128xi32, #tpu.memory_space<hbm>>
        tpu.wait_dma2 semaphore(%run_scoped3A : memref<!tpu.dma_semaphore, #tpu.memory_space<semaphore_mem>>) src(%dma_wait3A_112 : memref<40x128xi32, #tpu.memory_space<hbm>>) dst(%arg7 : memref<40x128xi32, #tpu.memory_space<vmem>>)
        tpu.yield
      }) : () -> ()
      %dma_start3A_52 = arith.constant 1 : i32
      %dma_start3A_53 = arith.constant 0 : i32
      %dma_start3A_54 = arith.constant 0 : i32
      %dma_start3A_55 = tpu.memref_slice %arg6[%dma_start3A_53, %dma_start3A_54] : memref<40x128xi32, #tpu.memory_space<vmem>> -> memref<1x128xi32, #tpu.memory_space<vmem>>
      %dma_start3A_56 = tpu.memref_squeeze %dma_start3A_55 : memref<1x128xi32, #tpu.memory_space<vmem>> -> memref<128xi32, #tpu.memory_space<vmem>>
      %dma_start3A_57 = arith.constant 0 : i32
      %dma_start3A_58 = arith.constant 0 : i32
      %dma_start3A_59 = tpu.memref_slice %arg2[%dma_start3A_52, %dma_start3A_57, %dma_start3A_58] : memref<4x10000x128xf32, #tpu.memory_space<hbm>> -> memref<1x10000x128xf32, #tpu.memory_space<hbm>>
      %dma_start3A_60 = tpu.memref_squeeze %dma_start3A_59 : memref<1x10000x128xf32, #tpu.memory_space<hbm>> -> memref<10000x128xf32, #tpu.memory_space<hbm>>
      %dma_start3A_61 = arith.constant 0 : i32
      %dma_start3A_62 = arith.constant 0 : i32
      %dma_start3A_63 = tpu.memref_slice %dma_start3A_60[%dma_start3A_61, %dma_start3A_62] : memref<10000x128xf32, #tpu.memory_space<hbm>> -> memref<10000x128xf32, #tpu.memory_space<hbm>>
      tpu.enqueue_indirect_dma source(%dma_start3A_63 : memref<10000x128xf32, #tpu.memory_space<hbm>>) target(%arg8 : memref<128x128xf32, #tpu.memory_space<vmem>>) offsets(%dma_start3A_56 : memref<128xi32, #tpu.memory_space<vmem>>) semaphore(%arg11 : memref<!tpu.dma_semaphore, #tpu.memory_space<semaphore_mem>>)
      %scan3A_64 = arith.constant 0 : i32
      %scan3A_65 = arith.constant 1 : i32
      %scan3A_66 = arith.constant 0 : i32
      %scan3A_67 = arith.constant 20 : i32
      %scan3A_68 = arith.addi %scan3A_66, %scan3A_67 : i32
      %scan3A_69 = arith.constant 1 : i32
      scf.for %scan3A_97 = %scan3A_66 to %scan3A_68 step %scan3A_69  : i32 {
        %mul3A_98 = arith.constant 2 : i32
        %mul3A_99 = arith.muli %mul3A_98, %scan3A_97 : i32
        %add3A = arith.constant 1 : i32
        %add3A_100 = arith.addi %mul3A_99, %add3A : i32
        %dma_wait3A_101 = arith.constant 0 : i32
        %dma_wait3A_102 = tpu.memref_slice %arg6[%mul3A_99, %dma_wait3A_101] : memref<40x128xi32, #tpu.memory_space<vmem>> -> memref<1x128xi32, #tpu.memory_space<vmem>>
        %dma_wait3A_103 = tpu.memref_squeeze %dma_wait3A_102 : memref<1x128xi32, #tpu.memory_space<vmem>> -> memref<128xi32, #tpu.memory_space<vmem>>
        %dma_wait3A_104 = arith.constant 0 : i32
        %dma_wait3A_105 = arith.constant 0 : i32
        %dma_wait3A_106 = tpu.memref_slice %arg2[%scan3A_65, %dma_wait3A_104, %dma_wait3A_105] : memref<4x10000x128xf32, #tpu.memory_space<hbm>> -> memref<1x10000x128xf32, #tpu.memory_space<hbm>>
        %dma_wait3A_107 = tpu.memref_squeeze %dma_wait3A_106 : memref<1x10000x128xf32, #tpu.memory_space<hbm>> -> memref<10000x128xf32, #tpu.memory_space<hbm>>
        %dma_wait3A_108 = arith.constant 0 : i32
        %dma_wait3A_109 = arith.constant 0 : i32
        %dma_wait3A_110 = tpu.memref_slice %dma_wait3A_107[%dma_wait3A_108, %dma_wait3A_109] : memref<10000x128xf32, #tpu.memory_space<hbm>> -> memref<10000x128xf32, #tpu.memory_space<hbm>>
        tpu.wait_indirect_dma semaphore(%arg11 : memref<!tpu.dma_semaphore, #tpu.memory_space<semaphore_mem>>) src(%dma_wait3A_110 : memref<10000x128xf32, #tpu.memory_space<hbm>>) dst(%arg8 : memref<128x128xf32, #tpu.memory_space<vmem>>)
        %gt3A = arith.constant 0 : i32
        %gt3A_111 = arith.cmpi sgt, %scan3A_97, %gt3A : i32
        %convert_element_type3A_112 = arith.extui %gt3A_111 : i1 to i32
        %cond3A_113 = arith.constant 0 : i32
        %cond3A_114 = arith.cmpi ne, %convert_element_type3A_112, %cond3A_113 : i32
        scf.if %cond3A_114 {
          %sub3A = arith.constant 1 : i32
          %sub3A_160 = arith.subi %mul3A_99, %sub3A : i32
          %dma_wait3A_161 = arith.constant 0 : i32
          %dma_wait3A_162 = tpu.memref_slice %arg7[%sub3A_160, %dma_wait3A_161] : memref<40x128xi32, #tpu.memory_space<vmem>> -> memref<1x128xi32, #tpu.memory_space<vmem>>
          %dma_wait3A_163 = tpu.memref_squeeze %dma_wait3A_162 : memref<1x128xi32, #tpu.memory_space<vmem>> -> memref<128xi32, #tpu.memory_space<vmem>>
          %dma_wait3A_164 = arith.constant 0 : i32
          %dma_wait3A_165 = arith.constant 0 : i32
          %dma_wait3A_166 = tpu.memref_slice %arg10[%dma_wait3A_164, %dma_wait3A_165] : memref<10240x128xf32, #tpu.memory_space<vmem_shared>> -> memref<10240x128xf32, #tpu.memory_space<vmem_shared>>
          tpu.wait_indirect_dma semaphore(%arg14 : memref<!tpu.dma_semaphore, #tpu.memory_space<semaphore_mem>>) src(%arg9 : memref<128x128xf32, #tpu.memory_space<vmem>>) dst(%dma_wait3A_166 : memref<10240x128xf32, #tpu.memory_space<vmem_shared>>)
        } else {
        }
        %dma_start3A_115 = arith.constant 0 : i32
        %dma_start3A_116 = tpu.memref_slice %arg6[%add3A_100, %dma_start3A_115] : memref<40x128xi32, #tpu.memory_space<vmem>> -> memref<1x128xi32, #tpu.memory_space<vmem>>
        %dma_start3A_117 = tpu.memref_squeeze %dma_start3A_116 : memref<1x128xi32, #tpu.memory_space<vmem>> -> memref<128xi32, #tpu.memory_space<vmem>>
        %dma_start3A_118 = arith.constant 0 : i32
        %dma_start3A_119 = arith.constant 0 : i32
        %dma_start3A_120 = tpu.memref_slice %arg2[%scan3A_65, %dma_start3A_118, %dma_start3A_119] : memref<4x10000x128xf32, #tpu.memory_space<hbm>> -> memref<1x10000x128xf32, #tpu.memory_space<hbm>>
        %dma_start3A_121 = tpu.memref_squeeze %dma_start3A_120 : memref<1x10000x128xf32, #tpu.memory_space<hbm>> -> memref<10000x128xf32, #tpu.memory_space<hbm>>
        %dma_start3A_122 = arith.constant 0 : i32
        %dma_start3A_123 = arith.constant 0 : i32
        %dma_start3A_124 = tpu.memref_slice %dma_start3A_121[%dma_start3A_122, %dma_start3A_123] : memref<10000x128xf32, #tpu.memory_space<hbm>> -> memref<10000x128xf32, #tpu.memory_space<hbm>>
        tpu.enqueue_indirect_dma source(%dma_start3A_124 : memref<10000x128xf32, #tpu.memory_space<hbm>>) target(%arg9 : memref<128x128xf32, #tpu.memory_space<vmem>>) offsets(%dma_start3A_117 : memref<128xi32, #tpu.memory_space<vmem>>) semaphore(%arg12 : memref<!tpu.dma_semaphore, #tpu.memory_space<semaphore_mem>>)
        %dma_start3A_125 = arith.constant 0 : i32
        %dma_start3A_126 = tpu.memref_slice %arg7[%mul3A_99, %dma_start3A_125] : memref<40x128xi32, #tpu.memory_space<vmem>> -> memref<1x128xi32, #tpu.memory_space<vmem>>
        %dma_start3A_127 = tpu.memref_squeeze %dma_start3A_126 : memref<1x128xi32, #tpu.memory_space<vmem>> -> memref<128xi32, #tpu.memory_space<vmem>>
        %dma_start3A_128 = arith.constant 0 : i32
        %dma_start3A_129 = arith.constant 0 : i32
        %dma_start3A_130 = tpu.memref_slice %arg10[%dma_start3A_128, %dma_start3A_129] : memref<10240x128xf32, #tpu.memory_space<vmem_shared>> -> memref<10240x128xf32, #tpu.memory_space<vmem_shared>>
        tpu.enqueue_indirect_dma source(%arg8 : memref<128x128xf32, #tpu.memory_space<vmem>>) target(%dma_start3A_130 : memref<10240x128xf32, #tpu.memory_space<vmem_shared>>) offsets(%dma_start3A_127 : memref<128xi32, #tpu.memory_space<vmem>>) semaphore(%arg13 : memref<!tpu.dma_semaphore, #tpu.memory_space<semaphore_mem>>) {add = true}
        %dma_wait3A_131 = arith.constant 0 : i32
        %dma_wait3A_132 = tpu.memref_slice %arg6[%add3A_100, %dma_wait3A_131] : memref<40x128xi32, #tpu.memory_space<vmem>> -> memref<1x128xi32, #tpu.memory_space<vmem>>
        %dma_wait3A_133 = tpu.memref_squeeze %dma_wait3A_132 : memref<1x128xi32, #tpu.memory_space<vmem>> -> memref<128xi32, #tpu.memory_space<vmem>>
        %dma_wait3A_134 = arith.constant 0 : i32
        %dma_wait3A_135 = arith.constant 0 : i32
        %dma_wait3A_136 = tpu.memref_slice %arg2[%scan3A_65, %dma_wait3A_134, %dma_wait3A_135] : memref<4x10000x128xf32, #tpu.memory_space<hbm>> -> memref<1x10000x128xf32, #tpu.memory_space<hbm>>
        %dma_wait3A_137 = tpu.memref_squeeze %dma_wait3A_136 : memref<1x10000x128xf32, #tpu.memory_space<hbm>> -> memref<10000x128xf32, #tpu.memory_space<hbm>>
        %dma_wait3A_138 = arith.constant 0 : i32
        %dma_wait3A_139 = arith.constant 0 : i32
        %dma_wait3A_140 = tpu.memref_slice %dma_wait3A_137[%dma_wait3A_138, %dma_wait3A_139] : memref<10000x128xf32, #tpu.memory_space<hbm>> -> memref<10000x128xf32, #tpu.memory_space<hbm>>
        tpu.wait_indirect_dma semaphore(%arg12 : memref<!tpu.dma_semaphore, #tpu.memory_space<semaphore_mem>>) src(%dma_wait3A_140 : memref<10000x128xf32, #tpu.memory_space<hbm>>) dst(%arg9 : memref<128x128xf32, #tpu.memory_space<vmem>>)
        %dma_wait3A_141 = arith.constant 0 : i32
        %dma_wait3A_142 = tpu.memref_slice %arg7[%mul3A_99, %dma_wait3A_141] : memref<40x128xi32, #tpu.memory_space<vmem>> -> memref<1x128xi32, #tpu.memory_space<vmem>>
        %dma_wait3A_143 = tpu.memref_squeeze %dma_wait3A_142 : memref<1x128xi32, #tpu.memory_space<vmem>> -> memref<128xi32, #tpu.memory_space<vmem>>
        %dma_wait3A_144 = arith.constant 0 : i32
        %dma_wait3A_145 = arith.constant 0 : i32
        %dma_wait3A_146 = tpu.memref_slice %arg10[%dma_wait3A_144, %dma_wait3A_145] : memref<10240x128xf32, #tpu.memory_space<vmem_shared>> -> memref<10240x128xf32, #tpu.memory_space<vmem_shared>>
        tpu.wait_indirect_dma semaphore(%arg13 : memref<!tpu.dma_semaphore, #tpu.memory_space<semaphore_mem>>) src(%arg8 : memref<128x128xf32, #tpu.memory_space<vmem>>) dst(%dma_wait3A_146 : memref<10240x128xf32, #tpu.memory_space<vmem_shared>>)
        %add3A_147 = arith.constant 1 : i32
        %add3A_148 = arith.addi %add3A_100, %add3A_147 : i32
        %lt3A_149 = arith.constant 40 : i32
        %lt3A_150 = arith.cmpi slt, %add3A_148, %lt3A_149 : i32
        %convert_element_type3A_151 = arith.extui %lt3A_150 : i1 to i32
        %cond3A_152 = arith.constant 0 : i32
        %cond3A_153 = arith.cmpi ne, %convert_element_type3A_151, %cond3A_152 : i32
        scf.if %cond3A_153 {
          %add3A_160 = arith.constant 1 : i32
          %add3A_161 = arith.addi %add3A_100, %add3A_160 : i32
          %dma_start3A_162 = arith.constant 0 : i32
          %dma_start3A_163 = tpu.memref_slice %arg6[%add3A_161, %dma_start3A_162] : memref<40x128xi32, #tpu.memory_space<vmem>> -> memref<1x128xi32, #tpu.memory_space<vmem>>
          %dma_start3A_164 = tpu.memref_squeeze %dma_start3A_163 : memref<1x128xi32, #tpu.memory_space<vmem>> -> memref<128xi32, #tpu.memory_space<vmem>>
          %dma_start3A_165 = arith.constant 0 : i32
          %dma_start3A_166 = arith.constant 0 : i32
          %dma_start3A_167 = tpu.memref_slice %arg2[%scan3A_65, %dma_start3A_165, %dma_start3A_166] : memref<4x10000x128xf32, #tpu.memory_space<hbm>> -> memref<1x10000x128xf32, #tpu.memory_space<hbm>>
          %dma_start3A_168 = tpu.memref_squeeze %dma_start3A_167 : memref<1x10000x128xf32, #tpu.memory_space<hbm>> -> memref<10000x128xf32, #tpu.memory_space<hbm>>
          %dma_start3A_169 = arith.constant 0 : i32
          %dma_start3A_170 = arith.constant 0 : i32
          %dma_start3A_171 = tpu.memref_slice %dma_start3A_168[%dma_start3A_169, %dma_start3A_170] : memref<10000x128xf32, #tpu.memory_space<hbm>> -> memref<10000x128xf32, #tpu.memory_space<hbm>>
          tpu.enqueue_indirect_dma source(%dma_start3A_171 : memref<10000x128xf32, #tpu.memory_space<hbm>>) target(%arg8 : memref<128x128xf32, #tpu.memory_space<vmem>>) offsets(%dma_start3A_164 : memref<128xi32, #tpu.memory_space<vmem>>) semaphore(%arg11 : memref<!tpu.dma_semaphore, #tpu.memory_space<semaphore_mem>>)
        } else {
        }
        %dma_start3A_154 = arith.constant 0 : i32
        %dma_start3A_155 = tpu.memref_slice %arg7[%add3A_100, %dma_start3A_154] : memref<40x128xi32, #tpu.memory_space<vmem>> -> memref<1x128xi32, #tpu.memory_space<vmem>>
        %dma_start3A_156 = tpu.memref_squeeze %dma_start3A_155 : memref<1x128xi32, #tpu.memory_space<vmem>> -> memref<128xi32, #tpu.memory_space<vmem>>
        %dma_start3A_157 = arith.constant 0 : i32
        %dma_start3A_158 = arith.constant 0 : i32
        %dma_start3A_159 = tpu.memref_slice %arg10[%dma_start3A_157, %dma_start3A_158] : memref<10240x128xf32, #tpu.memory_space<vmem_shared>> -> memref<10240x128xf32, #tpu.memory_space<vmem_shared>>
        tpu.enqueue_indirect_dma source(%arg9 : memref<128x128xf32, #tpu.memory_space<vmem>>) target(%dma_start3A_159 : memref<10240x128xf32, #tpu.memory_space<vmem_shared>>) offsets(%dma_start3A_156 : memref<128xi32, #tpu.memory_space<vmem>>) semaphore(%arg14 : memref<!tpu.dma_semaphore, #tpu.memory_space<semaphore_mem>>) {add = true}
      }
      %scan3A_70 = arith.constant 20 : i32
      %dma_wait3A_71 = arith.constant 39 : i32
      %dma_wait3A_72 = arith.constant 0 : i32
      %dma_wait3A_73 = tpu.memref_slice %arg7[%dma_wait3A_71, %dma_wait3A_72] : memref<40x128xi32, #tpu.memory_space<vmem>> -> memref<1x128xi32, #tpu.memory_space<vmem>>
      %dma_wait3A_74 = tpu.memref_squeeze %dma_wait3A_73 : memref<1x128xi32, #tpu.memory_space<vmem>> -> memref<128xi32, #tpu.memory_space<vmem>>
      %dma_wait3A_75 = arith.constant 0 : i32
      %dma_wait3A_76 = arith.constant 0 : i32
      %dma_wait3A_77 = tpu.memref_slice %arg10[%dma_wait3A_75, %dma_wait3A_76] : memref<10240x128xf32, #tpu.memory_space<vmem_shared>> -> memref<10240x128xf32, #tpu.memory_space<vmem_shared>>
      tpu.wait_indirect_dma semaphore(%arg14 : memref<!tpu.dma_semaphore, #tpu.memory_space<semaphore_mem>>) src(%arg9 : memref<128x128xf32, #tpu.memory_space<vmem>>) dst(%dma_wait3A_77 : memref<10240x128xf32, #tpu.memory_space<vmem_shared>>)
      %barrier3A_78 = arith.constant 0 : index
      tpu.barrier barrier_id(%barrier3A_78)
      %mul3A_79 = arith.constant 640 : i32
      %mul3A_80 = arith.muli %arg1, %mul3A_79 : i32
      %lt3A_81 = arith.constant 15 : i32
      %lt3A_82 = arith.cmpi slt, %arg1, %lt3A_81 : i32
      %jit3A_83 = arith.constant 8 : i32
      %jit3A_84 = arith.constant 5 : i32
      %select_n3A_85 = arith.select %lt3A_82, %jit3A_83, %jit3A_84 : i32
      %while3A_86 = arith.constant 0 : i32
      %while3A_87 = arith.constant 0 : i32
      %while3A_88 = arith.subi %select_n3A_85, %while3A_87 : i32
      %while3A_89 = arith.addi %while3A_87, %while3A_88 : i32
      %while3A_90 = arith.constant 1 : i32
      %while3A_91 = arith.divsi %while3A_88, %while3A_90 : i32
      %while3A_92 = arith.muli %while3A_91, %while3A_90 : i32
      %while3A_93 = arith.addi %while3A_87, %while3A_92 : i32
      %while3A_94 = arith.constant 1 : i32
      scf.for %while3A_97 = %while3A_87 to %while3A_93 step %while3A_94  : i32 {
        %mul3A_98 = arith.constant 80 : i32
        %mul3A_99 = arith.muli %while3A_97, %mul3A_98 : i32
        %add3A = arith.addi %mul3A_80, %mul3A_99 : i32
        %run_scoped3A = arith.constant 1 : i32
        "tpu.region"() ({
          %run_scoped3A_100 = tpu.sem_alloc : memref<!tpu.dma_semaphore, #tpu.memory_space<semaphore_mem>>
          %dma_start3A_101 = arith.constant 0 : i32
          %dma_start3A_102 = tpu.memref_slice %arg5[%run_scoped3A, %add3A, %dma_start3A_101] : memref<4x10000x128xf32, #tpu.memory_space<hbm>> -> memref<1x80x128xf32, #tpu.memory_space<hbm>>
          %dma_start3A_103 = tpu.memref_squeeze %dma_start3A_102 : memref<1x80x128xf32, #tpu.memory_space<hbm>> -> memref<80x128xf32, #tpu.memory_space<hbm>>
          %dma_start3A_104 = arith.constant 0 : i32
          %dma_start3A_105 = tpu.memref_slice %arg10[%add3A, %dma_start3A_104] : memref<10240x128xf32, #tpu.memory_space<vmem_shared>> -> memref<80x128xf32, #tpu.memory_space<vmem_shared>>
          tpu.enqueue_dma source(%dma_start3A_105 : memref<80x128xf32, #tpu.memory_space<vmem_shared>>) target(%dma_start3A_103 : memref<80x128xf32, #tpu.memory_space<hbm>>) target_semaphore(%run_scoped3A_100 : memref<!tpu.dma_semaphore, #tpu.memory_space<semaphore_mem>>)
          %dma_wait3A_106 = arith.constant 0 : i32
          %dma_wait3A_107 = tpu.memref_slice %arg5[%run_scoped3A, %add3A, %dma_wait3A_106] : memref<4x10000x128xf32, #tpu.memory_space<hbm>> -> memref<1x80x128xf32, #tpu.memory_space<hbm>>
          %dma_wait3A_108 = tpu.memref_squeeze %dma_wait3A_107 : memref<1x80x128xf32, #tpu.memory_space<hbm>> -> memref<80x128xf32, #tpu.memory_space<hbm>>
          %dma_wait3A_109 = arith.constant 0 : i32
          %dma_wait3A_110 = tpu.memref_slice %arg10[%add3A, %dma_wait3A_109] : memref<10240x128xf32, #tpu.memory_space<vmem_shared>> -> memref<80x128xf32, #tpu.memory_space<vmem_shared>>
          tpu.wait_dma2 semaphore(%run_scoped3A_100 : memref<!tpu.dma_semaphore, #tpu.memory_space<semaphore_mem>>) src(%dma_wait3A_110 : memref<80x128xf32, #tpu.memory_space<vmem_shared>>) dst(%dma_wait3A_108 : memref<80x128xf32, #tpu.memory_space<hbm>>)
          tpu.yield
        }) : () -> ()
      }
      %while3A_95 = arith.constant 1 : i32
      scf.for %while3A_97 = %while3A_93 to %while3A_89 step %while3A_95  : i32 {
        %mul3A_98 = arith.constant 80 : i32
        %mul3A_99 = arith.muli %while3A_97, %mul3A_98 : i32
        %add3A = arith.addi %mul3A_80, %mul3A_99 : i32
        %run_scoped3A = arith.constant 1 : i32
        "tpu.region"() ({
          %run_scoped3A_100 = tpu.sem_alloc : memref<!tpu.dma_semaphore, #tpu.memory_space<semaphore_mem>>
          %dma_start3A_101 = arith.constant 0 : i32
          %dma_start3A_102 = tpu.memref_slice %arg5[%run_scoped3A, %add3A, %dma_start3A_101] : memref<4x10000x128xf32, #tpu.memory_space<hbm>> -> memref<1x80x128xf32, #tpu.memory_space<hbm>>
          %dma_start3A_103 = tpu.memref_squeeze %dma_start3A_102 : memref<1x80x128xf32, #tpu.memory_space<hbm>> -> memref<80x128xf32, #tpu.memory_space<hbm>>
          %dma_start3A_104 = arith.constant 0 : i32
          %dma_start3A_105 = tpu.memref_slice %arg10[%add3A, %dma_start3A_104] : memref<10240x128xf32, #tpu.memory_space<vmem_shared>> -> memref<80x128xf32, #tpu.memory_space<vmem_shared>>
          tpu.enqueue_dma source(%dma_start3A_105 : memref<80x128xf32, #tpu.memory_space<vmem_shared>>) target(%dma_start3A_103 : memref<80x128xf32, #tpu.memory_space<hbm>>) target_semaphore(%run_scoped3A_100 : memref<!tpu.dma_semaphore, #tpu.memory_space<semaphore_mem>>)
          %dma_wait3A_106 = arith.constant 0 : i32
          %dma_wait3A_107 = tpu.memref_slice %arg5[%run_scoped3A, %add3A, %dma_wait3A_106] : memref<4x10000x128xf32, #tpu.memory_space<hbm>> -> memref<1x80x128xf32, #tpu.memory_space<hbm>>
          %dma_wait3A_108 = tpu.memref_squeeze %dma_wait3A_107 : memref<1x80x128xf32, #tpu.memory_space<hbm>> -> memref<80x128xf32, #tpu.memory_space<hbm>>
          %dma_wait3A_109 = arith.constant 0 : i32
          %dma_wait3A_110 = tpu.memref_slice %arg10[%add3A, %dma_wait3A_109] : memref<10240x128xf32, #tpu.memory_space<vmem_shared>> -> memref<80x128xf32, #tpu.memory_space<vmem_shared>>
          tpu.wait_dma2 semaphore(%run_scoped3A_100 : memref<!tpu.dma_semaphore, #tpu.memory_space<semaphore_mem>>) src(%dma_wait3A_110 : memref<80x128xf32, #tpu.memory_space<vmem_shared>>) dst(%dma_wait3A_108 : memref<80x128xf32, #tpu.memory_space<hbm>>)
          tpu.yield
        }) : () -> ()
      }
      %barrier3A_96 = arith.constant 0 : index
      tpu.barrier barrier_id(%barrier3A_96)
    } else {
    }
    %eq3A_7 = arith.constant 1 : i32
    %eq3A_8 = arith.cmpi eq, %arg0, %eq3A_7 : i32
    %convert_element_type3A_9 = arith.extui %eq3A_8 : i1 to i32
    %cond3A_10 = arith.constant 0 : i32
    %cond3A_11 = arith.cmpi ne, %convert_element_type3A_9, %cond3A_10 : i32
    scf.if %cond3A_11 {
      %mul3A = arith.constant 640 : i32
      %mul3A_17 = arith.muli %arg1, %mul3A : i32
      %lt3A = arith.constant 15 : i32
      %lt3A_18 = arith.cmpi slt, %arg1, %lt3A : i32
      %jit3A = arith.constant 8 : i32
      %jit3A_19 = arith.constant 5 : i32
      %select_n3A = arith.select %lt3A_18, %jit3A, %jit3A_19 : i32
      %while3A = arith.constant 0 : i32
      %while3A_20 = arith.constant 0 : i32
      %while3A_21 = arith.subi %select_n3A, %while3A_20 : i32
      %while3A_22 = arith.addi %while3A_20, %while3A_21 : i32
      %while3A_23 = arith.constant 1 : i32
      %while3A_24 = arith.divsi %while3A_21, %while3A_23 : i32
      %while3A_25 = arith.muli %while3A_24, %while3A_23 : i32
      %while3A_26 = arith.addi %while3A_20, %while3A_25 : i32
      %while3A_27 = arith.constant 1 : i32
      scf.for %while3A_97 = %while3A_20 to %while3A_26 step %while3A_27  : i32 {
        %mul3A_98 = arith.constant 80 : i32
        %mul3A_99 = arith.muli %while3A_97, %mul3A_98 : i32
        %add3A = arith.addi %mul3A_17, %mul3A_99 : i32
        %run_scoped3A = arith.constant 2 : i32
        "tpu.region"() ({
          %run_scoped3A_100 = tpu.sem_alloc : memref<!tpu.dma_semaphore, #tpu.memory_space<semaphore_mem>>
          %dma_start3A_101 = arith.constant 0 : i32
          %dma_start3A_102 = tpu.memref_slice %arg10[%add3A, %dma_start3A_101] : memref<10240x128xf32, #tpu.memory_space<vmem_shared>> -> memref<80x128xf32, #tpu.memory_space<vmem_shared>>
          %dma_start3A_103 = arith.constant 0 : i32
          %dma_start3A_104 = tpu.memref_slice %arg2[%run_scoped3A, %add3A, %dma_start3A_103] : memref<4x10000x128xf32, #tpu.memory_space<hbm>> -> memref<1x80x128xf32, #tpu.memory_space<hbm>>
          %dma_start3A_105 = tpu.memref_squeeze %dma_start3A_104 : memref<1x80x128xf32, #tpu.memory_space<hbm>> -> memref<80x128xf32, #tpu.memory_space<hbm>>
          tpu.enqueue_dma source(%dma_start3A_105 : memref<80x128xf32, #tpu.memory_space<hbm>>) target(%dma_start3A_102 : memref<80x128xf32, #tpu.memory_space<vmem_shared>>) target_semaphore(%run_scoped3A_100 : memref<!tpu.dma_semaphore, #tpu.memory_space<semaphore_mem>>)
          %dma_wait3A_106 = arith.constant 0 : i32
          %dma_wait3A_107 = tpu.memref_slice %arg10[%add3A, %dma_wait3A_106] : memref<10240x128xf32, #tpu.memory_space<vmem_shared>> -> memref<80x128xf32, #tpu.memory_space<vmem_shared>>
          %dma_wait3A_108 = arith.constant 0 : i32
          %dma_wait3A_109 = tpu.memref_slice %arg2[%run_scoped3A, %add3A, %dma_wait3A_108] : memref<4x10000x128xf32, #tpu.memory_space<hbm>> -> memref<1x80x128xf32, #tpu.memory_space<hbm>>
          %dma_wait3A_110 = tpu.memref_squeeze %dma_wait3A_109 : memref<1x80x128xf32, #tpu.memory_space<hbm>> -> memref<80x128xf32, #tpu.memory_space<hbm>>
          tpu.wait_dma2 semaphore(%run_scoped3A_100 : memref<!tpu.dma_semaphore, #tpu.memory_space<semaphore_mem>>) src(%dma_wait3A_110 : memref<80x128xf32, #tpu.memory_space<hbm>>) dst(%dma_wait3A_107 : memref<80x128xf32, #tpu.memory_space<vmem_shared>>)
          tpu.yield
        }) : () -> ()
      }
      %while3A_28 = arith.constant 1 : i32
      scf.for %while3A_97 = %while3A_26 to %while3A_22 step %while3A_28  : i32 {
        %mul3A_98 = arith.constant 80 : i32
        %mul3A_99 = arith.muli %while3A_97, %mul3A_98 : i32
        %add3A = arith.addi %mul3A_17, %mul3A_99 : i32
        %run_scoped3A = arith.constant 2 : i32
        "tpu.region"() ({
          %run_scoped3A_100 = tpu.sem_alloc : memref<!tpu.dma_semaphore, #tpu.memory_space<semaphore_mem>>
          %dma_start3A_101 = arith.constant 0 : i32
          %dma_start3A_102 = tpu.memref_slice %arg10[%add3A, %dma_start3A_101] : memref<10240x128xf32, #tpu.memory_space<vmem_shared>> -> memref<80x128xf32, #tpu.memory_space<vmem_shared>>
          %dma_start3A_103 = arith.constant 0 : i32
          %dma_start3A_104 = tpu.memref_slice %arg2[%run_scoped3A, %add3A, %dma_start3A_103] : memref<4x10000x128xf32, #tpu.memory_space<hbm>> -> memref<1x80x128xf32, #tpu.memory_space<hbm>>
          %dma_start3A_105 = tpu.memref_squeeze %dma_start3A_104 : memref<1x80x128xf32, #tpu.memory_space<hbm>> -> memref<80x128xf32, #tpu.memory_space<hbm>>
          tpu.enqueue_dma source(%dma_start3A_105 : memref<80x128xf32, #tpu.memory_space<hbm>>) target(%dma_start3A_102 : memref<80x128xf32, #tpu.memory_space<vmem_shared>>) target_semaphore(%run_scoped3A_100 : memref<!tpu.dma_semaphore, #tpu.memory_space<semaphore_mem>>)
          %dma_wait3A_106 = arith.constant 0 : i32
          %dma_wait3A_107 = tpu.memref_slice %arg10[%add3A, %dma_wait3A_106] : memref<10240x128xf32, #tpu.memory_space<vmem_shared>> -> memref<80x128xf32, #tpu.memory_space<vmem_shared>>
          %dma_wait3A_108 = arith.constant 0 : i32
          %dma_wait3A_109 = tpu.memref_slice %arg2[%run_scoped3A, %add3A, %dma_wait3A_108] : memref<4x10000x128xf32, #tpu.memory_space<hbm>> -> memref<1x80x128xf32, #tpu.memory_space<hbm>>
          %dma_wait3A_110 = tpu.memref_squeeze %dma_wait3A_109 : memref<1x80x128xf32, #tpu.memory_space<hbm>> -> memref<80x128xf32, #tpu.memory_space<hbm>>
          tpu.wait_dma2 semaphore(%run_scoped3A_100 : memref<!tpu.dma_semaphore, #tpu.memory_space<semaphore_mem>>) src(%dma_wait3A_110 : memref<80x128xf32, #tpu.memory_space<hbm>>) dst(%dma_wait3A_107 : memref<80x128xf32, #tpu.memory_space<vmem_shared>>)
          tpu.yield
        }) : () -> ()
      }
      %barrier3A = arith.constant 0 : index
      tpu.barrier barrier_id(%barrier3A)
      "tpu.region"() ({
        %run_scoped3A = tpu.sem_alloc : memref<!tpu.dma_semaphore, #tpu.memory_space<semaphore_mem>>
        %dma_start3A_97 = arith.constant 0 : i32
        %dma_start3A_98 = arith.constant 0 : i32
        %dma_start3A_99 = tpu.memref_slice %arg3[%arg1, %dma_start3A_97, %dma_start3A_98] : memref<16x80x128xi32, #tpu.memory_space<hbm>> -> memref<1x40x128xi32, #tpu.memory_space<hbm>>
        %dma_start3A_100 = tpu.memref_squeeze %dma_start3A_99 : memref<1x40x128xi32, #tpu.memory_space<hbm>> -> memref<40x128xi32, #tpu.memory_space<hbm>>
        %dma_start3A_101 = arith.constant 0 : i32
        %dma_start3A_102 = arith.constant 0 : i32
        %dma_start3A_103 = tpu.memref_slice %arg3[%arg1, %dma_start3A_101, %dma_start3A_102] : memref<16x80x128xi32, #tpu.memory_space<hbm>> -> memref<1x40x128xi32, #tpu.memory_space<hbm>>
        %dma_start3A_104 = tpu.memref_squeeze %dma_start3A_103 : memref<1x40x128xi32, #tpu.memory_space<hbm>> -> memref<40x128xi32, #tpu.memory_space<hbm>>
        tpu.enqueue_dma source(%dma_start3A_104 : memref<40x128xi32, #tpu.memory_space<hbm>>) target(%arg6 : memref<40x128xi32, #tpu.memory_space<vmem>>) target_semaphore(%run_scoped3A : memref<!tpu.dma_semaphore, #tpu.memory_space<semaphore_mem>>)
        %dma_wait3A_105 = arith.constant 0 : i32
        %dma_wait3A_106 = arith.constant 0 : i32
        %dma_wait3A_107 = tpu.memref_slice %arg3[%arg1, %dma_wait3A_105, %dma_wait3A_106] : memref<16x80x128xi32, #tpu.memory_space<hbm>> -> memref<1x40x128xi32, #tpu.memory_space<hbm>>
        %dma_wait3A_108 = tpu.memref_squeeze %dma_wait3A_107 : memref<1x40x128xi32, #tpu.memory_space<hbm>> -> memref<40x128xi32, #tpu.memory_space<hbm>>
        %dma_wait3A_109 = arith.constant 0 : i32
        %dma_wait3A_110 = arith.constant 0 : i32
        %dma_wait3A_111 = tpu.memref_slice %arg3[%arg1, %dma_wait3A_109, %dma_wait3A_110] : memref<16x80x128xi32, #tpu.memory_space<hbm>> -> memref<1x40x128xi32, #tpu.memory_space<hbm>>
        %dma_wait3A_112 = tpu.memref_squeeze %dma_wait3A_111 : memref<1x40x128xi32, #tpu.memory_space<hbm>> -> memref<40x128xi32, #tpu.memory_space<hbm>>
        tpu.wait_dma2 semaphore(%run_scoped3A : memref<!tpu.dma_semaphore, #tpu.memory_space<semaphore_mem>>) src(%dma_wait3A_112 : memref<40x128xi32, #tpu.memory_space<hbm>>) dst(%arg6 : memref<40x128xi32, #tpu.memory_space<vmem>>)
        tpu.yield
      }) : () -> ()
      "tpu.region"() ({
        %run_scoped3A = tpu.sem_alloc : memref<!tpu.dma_semaphore, #tpu.memory_space<semaphore_mem>>
        %dma_start3A_97 = arith.constant 0 : i32
        %dma_start3A_98 = arith.constant 0 : i32
        %dma_start3A_99 = tpu.memref_slice %arg4[%arg1, %dma_start3A_97, %dma_start3A_98] : memref<16x80x128xi32, #tpu.memory_space<hbm>> -> memref<1x40x128xi32, #tpu.memory_space<hbm>>
        %dma_start3A_100 = tpu.memref_squeeze %dma_start3A_99 : memref<1x40x128xi32, #tpu.memory_space<hbm>> -> memref<40x128xi32, #tpu.memory_space<hbm>>
        %dma_start3A_101 = arith.constant 0 : i32
        %dma_start3A_102 = arith.constant 0 : i32
        %dma_start3A_103 = tpu.memref_slice %arg4[%arg1, %dma_start3A_101, %dma_start3A_102] : memref<16x80x128xi32, #tpu.memory_space<hbm>> -> memref<1x40x128xi32, #tpu.memory_space<hbm>>
        %dma_start3A_104 = tpu.memref_squeeze %dma_start3A_103 : memref<1x40x128xi32, #tpu.memory_space<hbm>> -> memref<40x128xi32, #tpu.memory_space<hbm>>
        tpu.enqueue_dma source(%dma_start3A_104 : memref<40x128xi32, #tpu.memory_space<hbm>>) target(%arg7 : memref<40x128xi32, #tpu.memory_space<vmem>>) target_semaphore(%run_scoped3A : memref<!tpu.dma_semaphore, #tpu.memory_space<semaphore_mem>>)
        %dma_wait3A_105 = arith.constant 0 : i32
        %dma_wait3A_106 = arith.constant 0 : i32
        %dma_wait3A_107 = tpu.memref_slice %arg4[%arg1, %dma_wait3A_105, %dma_wait3A_106] : memref<16x80x128xi32, #tpu.memory_space<hbm>> -> memref<1x40x128xi32, #tpu.memory_space<hbm>>
        %dma_wait3A_108 = tpu.memref_squeeze %dma_wait3A_107 : memref<1x40x128xi32, #tpu.memory_space<hbm>> -> memref<40x128xi32, #tpu.memory_space<hbm>>
        %dma_wait3A_109 = arith.constant 0 : i32
        %dma_wait3A_110 = arith.constant 0 : i32
        %dma_wait3A_111 = tpu.memref_slice %arg4[%arg1, %dma_wait3A_109, %dma_wait3A_110] : memref<16x80x128xi32, #tpu.memory_space<hbm>> -> memref<1x40x128xi32, #tpu.memory_space<hbm>>
        %dma_wait3A_112 = tpu.memref_squeeze %dma_wait3A_111 : memref<1x40x128xi32, #tpu.memory_space<hbm>> -> memref<40x128xi32, #tpu.memory_space<hbm>>
        tpu.wait_dma2 semaphore(%run_scoped3A : memref<!tpu.dma_semaphore, #tpu.memory_space<semaphore_mem>>) src(%dma_wait3A_112 : memref<40x128xi32, #tpu.memory_space<hbm>>) dst(%arg7 : memref<40x128xi32, #tpu.memory_space<vmem>>)
        tpu.yield
      }) : () -> ()
      %dma_start3A = arith.constant 2 : i32
      %dma_start3A_29 = arith.constant 0 : i32
      %dma_start3A_30 = arith.constant 0 : i32
      %dma_start3A_31 = tpu.memref_slice %arg6[%dma_start3A_29, %dma_start3A_30] : memref<40x128xi32, #tpu.memory_space<vmem>> -> memref<1x128xi32, #tpu.memory_space<vmem>>
      %dma_start3A_32 = tpu.memref_squeeze %dma_start3A_31 : memref<1x128xi32, #tpu.memory_space<vmem>> -> memref<128xi32, #tpu.memory_space<vmem>>
      %dma_start3A_33 = arith.constant 0 : i32
      %dma_start3A_34 = arith.constant 0 : i32
      %dma_start3A_35 = tpu.memref_slice %arg2[%dma_start3A, %dma_start3A_33, %dma_start3A_34] : memref<4x10000x128xf32, #tpu.memory_space<hbm>> -> memref<1x10000x128xf32, #tpu.memory_space<hbm>>
      %dma_start3A_36 = tpu.memref_squeeze %dma_start3A_35 : memref<1x10000x128xf32, #tpu.memory_space<hbm>> -> memref<10000x128xf32, #tpu.memory_space<hbm>>
      %dma_start3A_37 = arith.constant 0 : i32
      %dma_start3A_38 = arith.constant 0 : i32
      %dma_start3A_39 = tpu.memref_slice %dma_start3A_36[%dma_start3A_37, %dma_start3A_38] : memref<10000x128xf32, #tpu.memory_space<hbm>> -> memref<10000x128xf32, #tpu.memory_space<hbm>>
      tpu.enqueue_indirect_dma source(%dma_start3A_39 : memref<10000x128xf32, #tpu.memory_space<hbm>>) target(%arg8 : memref<128x128xf32, #tpu.memory_space<vmem>>) offsets(%dma_start3A_32 : memref<128xi32, #tpu.memory_space<vmem>>) semaphore(%arg11 : memref<!tpu.dma_semaphore, #tpu.memory_space<semaphore_mem>>)
      %scan3A = arith.constant 0 : i32
      %scan3A_40 = arith.constant 2 : i32
      %scan3A_41 = arith.constant 0 : i32
      %scan3A_42 = arith.constant 20 : i32
      %scan3A_43 = arith.addi %scan3A_41, %scan3A_42 : i32
      %scan3A_44 = arith.constant 1 : i32
      scf.for %scan3A_97 = %scan3A_41 to %scan3A_43 step %scan3A_44  : i32 {
        %mul3A_98 = arith.constant 2 : i32
        %mul3A_99 = arith.muli %mul3A_98, %scan3A_97 : i32
        %add3A = arith.constant 1 : i32
        %add3A_100 = arith.addi %mul3A_99, %add3A : i32
        %dma_wait3A_101 = arith.constant 0 : i32
        %dma_wait3A_102 = tpu.memref_slice %arg6[%mul3A_99, %dma_wait3A_101] : memref<40x128xi32, #tpu.memory_space<vmem>> -> memref<1x128xi32, #tpu.memory_space<vmem>>
        %dma_wait3A_103 = tpu.memref_squeeze %dma_wait3A_102 : memref<1x128xi32, #tpu.memory_space<vmem>> -> memref<128xi32, #tpu.memory_space<vmem>>
        %dma_wait3A_104 = arith.constant 0 : i32
        %dma_wait3A_105 = arith.constant 0 : i32
        %dma_wait3A_106 = tpu.memref_slice %arg2[%scan3A_40, %dma_wait3A_104, %dma_wait3A_105] : memref<4x10000x128xf32, #tpu.memory_space<hbm>> -> memref<1x10000x128xf32, #tpu.memory_space<hbm>>
        %dma_wait3A_107 = tpu.memref_squeeze %dma_wait3A_106 : memref<1x10000x128xf32, #tpu.memory_space<hbm>> -> memref<10000x128xf32, #tpu.memory_space<hbm>>
        %dma_wait3A_108 = arith.constant 0 : i32
        %dma_wait3A_109 = arith.constant 0 : i32
        %dma_wait3A_110 = tpu.memref_slice %dma_wait3A_107[%dma_wait3A_108, %dma_wait3A_109] : memref<10000x128xf32, #tpu.memory_space<hbm>> -> memref<10000x128xf32, #tpu.memory_space<hbm>>
        tpu.wait_indirect_dma semaphore(%arg11 : memref<!tpu.dma_semaphore, #tpu.memory_space<semaphore_mem>>) src(%dma_wait3A_110 : memref<10000x128xf32, #tpu.memory_space<hbm>>) dst(%arg8 : memref<128x128xf32, #tpu.memory_space<vmem>>)
        %gt3A = arith.constant 0 : i32
        %gt3A_111 = arith.cmpi sgt, %scan3A_97, %gt3A : i32
        %convert_element_type3A_112 = arith.extui %gt3A_111 : i1 to i32
        %cond3A_113 = arith.constant 0 : i32
        %cond3A_114 = arith.cmpi ne, %convert_element_type3A_112, %cond3A_113 : i32
        scf.if %cond3A_114 {
          %sub3A = arith.constant 1 : i32
          %sub3A_160 = arith.subi %mul3A_99, %sub3A : i32
          %dma_wait3A_161 = arith.constant 0 : i32
          %dma_wait3A_162 = tpu.memref_slice %arg7[%sub3A_160, %dma_wait3A_161] : memref<40x128xi32, #tpu.memory_space<vmem>> -> memref<1x128xi32, #tpu.memory_space<vmem>>
          %dma_wait3A_163 = tpu.memref_squeeze %dma_wait3A_162 : memref<1x128xi32, #tpu.memory_space<vmem>> -> memref<128xi32, #tpu.memory_space<vmem>>
          %dma_wait3A_164 = arith.constant 0 : i32
          %dma_wait3A_165 = arith.constant 0 : i32
          %dma_wait3A_166 = tpu.memref_slice %arg10[%dma_wait3A_164, %dma_wait3A_165] : memref<10240x128xf32, #tpu.memory_space<vmem_shared>> -> memref<10240x128xf32, #tpu.memory_space<vmem_shared>>
          tpu.wait_indirect_dma semaphore(%arg14 : memref<!tpu.dma_semaphore, #tpu.memory_space<semaphore_mem>>) src(%arg9 : memref<128x128xf32, #tpu.memory_space<vmem>>) dst(%dma_wait3A_166 : memref<10240x128xf32, #tpu.memory_space<vmem_shared>>)
        } else {
        }
        %dma_start3A_115 = arith.constant 0 : i32
        %dma_start3A_116 = tpu.memref_slice %arg6[%add3A_100, %dma_start3A_115] : memref<40x128xi32, #tpu.memory_space<vmem>> -> memref<1x128xi32, #tpu.memory_space<vmem>>
        %dma_start3A_117 = tpu.memref_squeeze %dma_start3A_116 : memref<1x128xi32, #tpu.memory_space<vmem>> -> memref<128xi32, #tpu.memory_space<vmem>>
        %dma_start3A_118 = arith.constant 0 : i32
        %dma_start3A_119 = arith.constant 0 : i32
        %dma_start3A_120 = tpu.memref_slice %arg2[%scan3A_40, %dma_start3A_118, %dma_start3A_119] : memref<4x10000x128xf32, #tpu.memory_space<hbm>> -> memref<1x10000x128xf32, #tpu.memory_space<hbm>>
        %dma_start3A_121 = tpu.memref_squeeze %dma_start3A_120 : memref<1x10000x128xf32, #tpu.memory_space<hbm>> -> memref<10000x128xf32, #tpu.memory_space<hbm>>
        %dma_start3A_122 = arith.constant 0 : i32
        %dma_start3A_123 = arith.constant 0 : i32
        %dma_start3A_124 = tpu.memref_slice %dma_start3A_121[%dma_start3A_122, %dma_start3A_123] : memref<10000x128xf32, #tpu.memory_space<hbm>> -> memref<10000x128xf32, #tpu.memory_space<hbm>>
        tpu.enqueue_indirect_dma source(%dma_start3A_124 : memref<10000x128xf32, #tpu.memory_space<hbm>>) target(%arg9 : memref<128x128xf32, #tpu.memory_space<vmem>>) offsets(%dma_start3A_117 : memref<128xi32, #tpu.memory_space<vmem>>) semaphore(%arg12 : memref<!tpu.dma_semaphore, #tpu.memory_space<semaphore_mem>>)
        %dma_start3A_125 = arith.constant 0 : i32
        %dma_start3A_126 = tpu.memref_slice %arg7[%mul3A_99, %dma_start3A_125] : memref<40x128xi32, #tpu.memory_space<vmem>> -> memref<1x128xi32, #tpu.memory_space<vmem>>
        %dma_start3A_127 = tpu.memref_squeeze %dma_start3A_126 : memref<1x128xi32, #tpu.memory_space<vmem>> -> memref<128xi32, #tpu.memory_space<vmem>>
        %dma_start3A_128 = arith.constant 0 : i32
        %dma_start3A_129 = arith.constant 0 : i32
        %dma_start3A_130 = tpu.memref_slice %arg10[%dma_start3A_128, %dma_start3A_129] : memref<10240x128xf32, #tpu.memory_space<vmem_shared>> -> memref<10240x128xf32, #tpu.memory_space<vmem_shared>>
        tpu.enqueue_indirect_dma source(%arg8 : memref<128x128xf32, #tpu.memory_space<vmem>>) target(%dma_start3A_130 : memref<10240x128xf32, #tpu.memory_space<vmem_shared>>) offsets(%dma_start3A_127 : memref<128xi32, #tpu.memory_space<vmem>>) semaphore(%arg13 : memref<!tpu.dma_semaphore, #tpu.memory_space<semaphore_mem>>) {add = true}
        %dma_wait3A_131 = arith.constant 0 : i32
        %dma_wait3A_132 = tpu.memref_slice %arg6[%add3A_100, %dma_wait3A_131] : memref<40x128xi32, #tpu.memory_space<vmem>> -> memref<1x128xi32, #tpu.memory_space<vmem>>
        %dma_wait3A_133 = tpu.memref_squeeze %dma_wait3A_132 : memref<1x128xi32, #tpu.memory_space<vmem>> -> memref<128xi32, #tpu.memory_space<vmem>>
        %dma_wait3A_134 = arith.constant 0 : i32
        %dma_wait3A_135 = arith.constant 0 : i32
        %dma_wait3A_136 = tpu.memref_slice %arg2[%scan3A_40, %dma_wait3A_134, %dma_wait3A_135] : memref<4x10000x128xf32, #tpu.memory_space<hbm>> -> memref<1x10000x128xf32, #tpu.memory_space<hbm>>
        %dma_wait3A_137 = tpu.memref_squeeze %dma_wait3A_136 : memref<1x10000x128xf32, #tpu.memory_space<hbm>> -> memref<10000x128xf32, #tpu.memory_space<hbm>>
        %dma_wait3A_138 = arith.constant 0 : i32
        %dma_wait3A_139 = arith.constant 0 : i32
        %dma_wait3A_140 = tpu.memref_slice %dma_wait3A_137[%dma_wait3A_138, %dma_wait3A_139] : memref<10000x128xf32, #tpu.memory_space<hbm>> -> memref<10000x128xf32, #tpu.memory_space<hbm>>
        tpu.wait_indirect_dma semaphore(%arg12 : memref<!tpu.dma_semaphore, #tpu.memory_space<semaphore_mem>>) src(%dma_wait3A_140 : memref<10000x128xf32, #tpu.memory_space<hbm>>) dst(%arg9 : memref<128x128xf32, #tpu.memory_space<vmem>>)
        %dma_wait3A_141 = arith.constant 0 : i32
        %dma_wait3A_142 = tpu.memref_slice %arg7[%mul3A_99, %dma_wait3A_141] : memref<40x128xi32, #tpu.memory_space<vmem>> -> memref<1x128xi32, #tpu.memory_space<vmem>>
        %dma_wait3A_143 = tpu.memref_squeeze %dma_wait3A_142 : memref<1x128xi32, #tpu.memory_space<vmem>> -> memref<128xi32, #tpu.memory_space<vmem>>
        %dma_wait3A_144 = arith.constant 0 : i32
        %dma_wait3A_145 = arith.constant 0 : i32
        %dma_wait3A_146 = tpu.memref_slice %arg10[%dma_wait3A_144, %dma_wait3A_145] : memref<10240x128xf32, #tpu.memory_space<vmem_shared>> -> memref<10240x128xf32, #tpu.memory_space<vmem_shared>>
        tpu.wait_indirect_dma semaphore(%arg13 : memref<!tpu.dma_semaphore, #tpu.memory_space<semaphore_mem>>) src(%arg8 : memref<128x128xf32, #tpu.memory_space<vmem>>) dst(%dma_wait3A_146 : memref<10240x128xf32, #tpu.memory_space<vmem_shared>>)
        %add3A_147 = arith.constant 1 : i32
        %add3A_148 = arith.addi %add3A_100, %add3A_147 : i32
        %lt3A_149 = arith.constant 40 : i32
        %lt3A_150 = arith.cmpi slt, %add3A_148, %lt3A_149 : i32
        %convert_element_type3A_151 = arith.extui %lt3A_150 : i1 to i32
        %cond3A_152 = arith.constant 0 : i32
        %cond3A_153 = arith.cmpi ne, %convert_element_type3A_151, %cond3A_152 : i32
        scf.if %cond3A_153 {
          %add3A_160 = arith.constant 1 : i32
          %add3A_161 = arith.addi %add3A_100, %add3A_160 : i32
          %dma_start3A_162 = arith.constant 0 : i32
          %dma_start3A_163 = tpu.memref_slice %arg6[%add3A_161, %dma_start3A_162] : memref<40x128xi32, #tpu.memory_space<vmem>> -> memref<1x128xi32, #tpu.memory_space<vmem>>
          %dma_start3A_164 = tpu.memref_squeeze %dma_start3A_163 : memref<1x128xi32, #tpu.memory_space<vmem>> -> memref<128xi32, #tpu.memory_space<vmem>>
          %dma_start3A_165 = arith.constant 0 : i32
          %dma_start3A_166 = arith.constant 0 : i32
          %dma_start3A_167 = tpu.memref_slice %arg2[%scan3A_40, %dma_start3A_165, %dma_start3A_166] : memref<4x10000x128xf32, #tpu.memory_space<hbm>> -> memref<1x10000x128xf32, #tpu.memory_space<hbm>>
          %dma_start3A_168 = tpu.memref_squeeze %dma_start3A_167 : memref<1x10000x128xf32, #tpu.memory_space<hbm>> -> memref<10000x128xf32, #tpu.memory_space<hbm>>
          %dma_start3A_169 = arith.constant 0 : i32
          %dma_start3A_170 = arith.constant 0 : i32
          %dma_start3A_171 = tpu.memref_slice %dma_start3A_168[%dma_start3A_169, %dma_start3A_170] : memref<10000x128xf32, #tpu.memory_space<hbm>> -> memref<10000x128xf32, #tpu.memory_space<hbm>>
          tpu.enqueue_indirect_dma source(%dma_start3A_171 : memref<10000x128xf32, #tpu.memory_space<hbm>>) target(%arg8 : memref<128x128xf32, #tpu.memory_space<vmem>>) offsets(%dma_start3A_164 : memref<128xi32, #tpu.memory_space<vmem>>) semaphore(%arg11 : memref<!tpu.dma_semaphore, #tpu.memory_space<semaphore_mem>>)
        } else {
        }
        %dma_start3A_154 = arith.constant 0 : i32
        %dma_start3A_155 = tpu.memref_slice %arg7[%add3A_100, %dma_start3A_154] : memref<40x128xi32, #tpu.memory_space<vmem>> -> memref<1x128xi32, #tpu.memory_space<vmem>>
        %dma_start3A_156 = tpu.memref_squeeze %dma_start3A_155 : memref<1x128xi32, #tpu.memory_space<vmem>> -> memref<128xi32, #tpu.memory_space<vmem>>
        %dma_start3A_157 = arith.constant 0 : i32
        %dma_start3A_158 = arith.constant 0 : i32
        %dma_start3A_159 = tpu.memref_slice %arg10[%dma_start3A_157, %dma_start3A_158] : memref<10240x128xf32, #tpu.memory_space<vmem_shared>> -> memref<10240x128xf32, #tpu.memory_space<vmem_shared>>
        tpu.enqueue_indirect_dma source(%arg9 : memref<128x128xf32, #tpu.memory_space<vmem>>) target(%dma_start3A_159 : memref<10240x128xf32, #tpu.memory_space<vmem_shared>>) offsets(%dma_start3A_156 : memref<128xi32, #tpu.memory_space<vmem>>) semaphore(%arg14 : memref<!tpu.dma_semaphore, #tpu.memory_space<semaphore_mem>>) {add = true}
      }
      %scan3A_45 = arith.constant 20 : i32
      %dma_wait3A = arith.constant 39 : i32
      %dma_wait3A_46 = arith.constant 0 : i32
      %dma_wait3A_47 = tpu.memref_slice %arg7[%dma_wait3A, %dma_wait3A_46] : memref<40x128xi32, #tpu.memory_space<vmem>> -> memref<1x128xi32, #tpu.memory_space<vmem>>
      %dma_wait3A_48 = tpu.memref_squeeze %dma_wait3A_47 : memref<1x128xi32, #tpu.memory_space<vmem>> -> memref<128xi32, #tpu.memory_space<vmem>>
      %dma_wait3A_49 = arith.constant 0 : i32
      %dma_wait3A_50 = arith.constant 0 : i32
      %dma_wait3A_51 = tpu.memref_slice %arg10[%dma_wait3A_49, %dma_wait3A_50] : memref<10240x128xf32, #tpu.memory_space<vmem_shared>> -> memref<10240x128xf32, #tpu.memory_space<vmem_shared>>
      tpu.wait_indirect_dma semaphore(%arg14 : memref<!tpu.dma_semaphore, #tpu.memory_space<semaphore_mem>>) src(%arg9 : memref<128x128xf32, #tpu.memory_space<vmem>>) dst(%dma_wait3A_51 : memref<10240x128xf32, #tpu.memory_space<vmem_shared>>)
      "tpu.region"() ({
        %run_scoped3A = tpu.sem_alloc : memref<!tpu.dma_semaphore, #tpu.memory_space<semaphore_mem>>
        %dma_start3A_97 = arith.constant 40 : i32
        %dma_start3A_98 = arith.constant 0 : i32
        %dma_start3A_99 = tpu.memref_slice %arg3[%arg1, %dma_start3A_97, %dma_start3A_98] : memref<16x80x128xi32, #tpu.memory_space<hbm>> -> memref<1x40x128xi32, #tpu.memory_space<hbm>>
        %dma_start3A_100 = tpu.memref_squeeze %dma_start3A_99 : memref<1x40x128xi32, #tpu.memory_space<hbm>> -> memref<40x128xi32, #tpu.memory_space<hbm>>
        %dma_start3A_101 = arith.constant 40 : i32
        %dma_start3A_102 = arith.constant 0 : i32
        %dma_start3A_103 = tpu.memref_slice %arg3[%arg1, %dma_start3A_101, %dma_start3A_102] : memref<16x80x128xi32, #tpu.memory_space<hbm>> -> memref<1x40x128xi32, #tpu.memory_space<hbm>>
        %dma_start3A_104 = tpu.memref_squeeze %dma_start3A_103 : memref<1x40x128xi32, #tpu.memory_space<hbm>> -> memref<40x128xi32, #tpu.memory_space<hbm>>
        tpu.enqueue_dma source(%dma_start3A_104 : memref<40x128xi32, #tpu.memory_space<hbm>>) target(%arg6 : memref<40x128xi32, #tpu.memory_space<vmem>>) target_semaphore(%run_scoped3A : memref<!tpu.dma_semaphore, #tpu.memory_space<semaphore_mem>>)
        %dma_wait3A_105 = arith.constant 40 : i32
        %dma_wait3A_106 = arith.constant 0 : i32
        %dma_wait3A_107 = tpu.memref_slice %arg3[%arg1, %dma_wait3A_105, %dma_wait3A_106] : memref<16x80x128xi32, #tpu.memory_space<hbm>> -> memref<1x40x128xi32, #tpu.memory_space<hbm>>
        %dma_wait3A_108 = tpu.memref_squeeze %dma_wait3A_107 : memref<1x40x128xi32, #tpu.memory_space<hbm>> -> memref<40x128xi32, #tpu.memory_space<hbm>>
        %dma_wait3A_109 = arith.constant 40 : i32
        %dma_wait3A_110 = arith.constant 0 : i32
        %dma_wait3A_111 = tpu.memref_slice %arg3[%arg1, %dma_wait3A_109, %dma_wait3A_110] : memref<16x80x128xi32, #tpu.memory_space<hbm>> -> memref<1x40x128xi32, #tpu.memory_space<hbm>>
        %dma_wait3A_112 = tpu.memref_squeeze %dma_wait3A_111 : memref<1x40x128xi32, #tpu.memory_space<hbm>> -> memref<40x128xi32, #tpu.memory_space<hbm>>
        tpu.wait_dma2 semaphore(%run_scoped3A : memref<!tpu.dma_semaphore, #tpu.memory_space<semaphore_mem>>) src(%dma_wait3A_112 : memref<40x128xi32, #tpu.memory_space<hbm>>) dst(%arg6 : memref<40x128xi32, #tpu.memory_space<vmem>>)
        tpu.yield
      }) : () -> ()
      "tpu.region"() ({
        %run_scoped3A = tpu.sem_alloc : memref<!tpu.dma_semaphore, #tpu.memory_space<semaphore_mem>>
        %dma_start3A_97 = arith.constant 40 : i32
        %dma_start3A_98 = arith.constant 0 : i32
        %dma_start3A_99 = tpu.memref_slice %arg4[%arg1, %dma_start3A_97, %dma_start3A_98] : memref<16x80x128xi32, #tpu.memory_space<hbm>> -> memref<1x40x128xi32, #tpu.memory_space<hbm>>
        %dma_start3A_100 = tpu.memref_squeeze %dma_start3A_99 : memref<1x40x128xi32, #tpu.memory_space<hbm>> -> memref<40x128xi32, #tpu.memory_space<hbm>>
        %dma_start3A_101 = arith.constant 40 : i32
        %dma_start3A_102 = arith.constant 0 : i32
        %dma_start3A_103 = tpu.memref_slice %arg4[%arg1, %dma_start3A_101, %dma_start3A_102] : memref<16x80x128xi32, #tpu.memory_space<hbm>> -> memref<1x40x128xi32, #tpu.memory_space<hbm>>
        %dma_start3A_104 = tpu.memref_squeeze %dma_start3A_103 : memref<1x40x128xi32, #tpu.memory_space<hbm>> -> memref<40x128xi32, #tpu.memory_space<hbm>>
        tpu.enqueue_dma source(%dma_start3A_104 : memref<40x128xi32, #tpu.memory_space<hbm>>) target(%arg7 : memref<40x128xi32, #tpu.memory_space<vmem>>) target_semaphore(%run_scoped3A : memref<!tpu.dma_semaphore, #tpu.memory_space<semaphore_mem>>)
        %dma_wait3A_105 = arith.constant 40 : i32
        %dma_wait3A_106 = arith.constant 0 : i32
        %dma_wait3A_107 = tpu.memref_slice %arg4[%arg1, %dma_wait3A_105, %dma_wait3A_106] : memref<16x80x128xi32, #tpu.memory_space<hbm>> -> memref<1x40x128xi32, #tpu.memory_space<hbm>>
        %dma_wait3A_108 = tpu.memref_squeeze %dma_wait3A_107 : memref<1x40x128xi32, #tpu.memory_space<hbm>> -> memref<40x128xi32, #tpu.memory_space<hbm>>
        %dma_wait3A_109 = arith.constant 40 : i32
        %dma_wait3A_110 = arith.constant 0 : i32
        %dma_wait3A_111 = tpu.memref_slice %arg4[%arg1, %dma_wait3A_109, %dma_wait3A_110] : memref<16x80x128xi32, #tpu.memory_space<hbm>> -> memref<1x40x128xi32, #tpu.memory_space<hbm>>
        %dma_wait3A_112 = tpu.memref_squeeze %dma_wait3A_111 : memref<1x40x128xi32, #tpu.memory_space<hbm>> -> memref<40x128xi32, #tpu.memory_space<hbm>>
        tpu.wait_dma2 semaphore(%run_scoped3A : memref<!tpu.dma_semaphore, #tpu.memory_space<semaphore_mem>>) src(%dma_wait3A_112 : memref<40x128xi32, #tpu.memory_space<hbm>>) dst(%arg7 : memref<40x128xi32, #tpu.memory_space<vmem>>)
        tpu.yield
      }) : () -> ()
      %dma_start3A_52 = arith.constant 2 : i32
      %dma_start3A_53 = arith.constant 0 : i32
      %dma_start3A_54 = arith.constant 0 : i32
      %dma_start3A_55 = tpu.memref_slice %arg6[%dma_start3A_53, %dma_start3A_54] : memref<40x128xi32, #tpu.memory_space<vmem>> -> memref<1x128xi32, #tpu.memory_space<vmem>>
      %dma_start3A_56 = tpu.memref_squeeze %dma_start3A_55 : memref<1x128xi32, #tpu.memory_space<vmem>> -> memref<128xi32, #tpu.memory_space<vmem>>
      %dma_start3A_57 = arith.constant 0 : i32
      %dma_start3A_58 = arith.constant 0 : i32
      %dma_start3A_59 = tpu.memref_slice %arg2[%dma_start3A_52, %dma_start3A_57, %dma_start3A_58] : memref<4x10000x128xf32, #tpu.memory_space<hbm>> -> memref<1x10000x128xf32, #tpu.memory_space<hbm>>
      %dma_start3A_60 = tpu.memref_squeeze %dma_start3A_59 : memref<1x10000x128xf32, #tpu.memory_space<hbm>> -> memref<10000x128xf32, #tpu.memory_space<hbm>>
      %dma_start3A_61 = arith.constant 0 : i32
      %dma_start3A_62 = arith.constant 0 : i32
      %dma_start3A_63 = tpu.memref_slice %dma_start3A_60[%dma_start3A_61, %dma_start3A_62] : memref<10000x128xf32, #tpu.memory_space<hbm>> -> memref<10000x128xf32, #tpu.memory_space<hbm>>
      tpu.enqueue_indirect_dma source(%dma_start3A_63 : memref<10000x128xf32, #tpu.memory_space<hbm>>) target(%arg8 : memref<128x128xf32, #tpu.memory_space<vmem>>) offsets(%dma_start3A_56 : memref<128xi32, #tpu.memory_space<vmem>>) semaphore(%arg11 : memref<!tpu.dma_semaphore, #tpu.memory_space<semaphore_mem>>)
      %scan3A_64 = arith.constant 0 : i32
      %scan3A_65 = arith.constant 2 : i32
      %scan3A_66 = arith.constant 0 : i32
      %scan3A_67 = arith.constant 20 : i32
      %scan3A_68 = arith.addi %scan3A_66, %scan3A_67 : i32
      %scan3A_69 = arith.constant 1 : i32
      scf.for %scan3A_97 = %scan3A_66 to %scan3A_68 step %scan3A_69  : i32 {
        %mul3A_98 = arith.constant 2 : i32
        %mul3A_99 = arith.muli %mul3A_98, %scan3A_97 : i32
        %add3A = arith.constant 1 : i32
        %add3A_100 = arith.addi %mul3A_99, %add3A : i32
        %dma_wait3A_101 = arith.constant 0 : i32
        %dma_wait3A_102 = tpu.memref_slice %arg6[%mul3A_99, %dma_wait3A_101] : memref<40x128xi32, #tpu.memory_space<vmem>> -> memref<1x128xi32, #tpu.memory_space<vmem>>
        %dma_wait3A_103 = tpu.memref_squeeze %dma_wait3A_102 : memref<1x128xi32, #tpu.memory_space<vmem>> -> memref<128xi32, #tpu.memory_space<vmem>>
        %dma_wait3A_104 = arith.constant 0 : i32
        %dma_wait3A_105 = arith.constant 0 : i32
        %dma_wait3A_106 = tpu.memref_slice %arg2[%scan3A_65, %dma_wait3A_104, %dma_wait3A_105] : memref<4x10000x128xf32, #tpu.memory_space<hbm>> -> memref<1x10000x128xf32, #tpu.memory_space<hbm>>
        %dma_wait3A_107 = tpu.memref_squeeze %dma_wait3A_106 : memref<1x10000x128xf32, #tpu.memory_space<hbm>> -> memref<10000x128xf32, #tpu.memory_space<hbm>>
        %dma_wait3A_108 = arith.constant 0 : i32
        %dma_wait3A_109 = arith.constant 0 : i32
        %dma_wait3A_110 = tpu.memref_slice %dma_wait3A_107[%dma_wait3A_108, %dma_wait3A_109] : memref<10000x128xf32, #tpu.memory_space<hbm>> -> memref<10000x128xf32, #tpu.memory_space<hbm>>
        tpu.wait_indirect_dma semaphore(%arg11 : memref<!tpu.dma_semaphore, #tpu.memory_space<semaphore_mem>>) src(%dma_wait3A_110 : memref<10000x128xf32, #tpu.memory_space<hbm>>) dst(%arg8 : memref<128x128xf32, #tpu.memory_space<vmem>>)
        %gt3A = arith.constant 0 : i32
        %gt3A_111 = arith.cmpi sgt, %scan3A_97, %gt3A : i32
        %convert_element_type3A_112 = arith.extui %gt3A_111 : i1 to i32
        %cond3A_113 = arith.constant 0 : i32
        %cond3A_114 = arith.cmpi ne, %convert_element_type3A_112, %cond3A_113 : i32
        scf.if %cond3A_114 {
          %sub3A = arith.constant 1 : i32
          %sub3A_160 = arith.subi %mul3A_99, %sub3A : i32
          %dma_wait3A_161 = arith.constant 0 : i32
          %dma_wait3A_162 = tpu.memref_slice %arg7[%sub3A_160, %dma_wait3A_161] : memref<40x128xi32, #tpu.memory_space<vmem>> -> memref<1x128xi32, #tpu.memory_space<vmem>>
          %dma_wait3A_163 = tpu.memref_squeeze %dma_wait3A_162 : memref<1x128xi32, #tpu.memory_space<vmem>> -> memref<128xi32, #tpu.memory_space<vmem>>
          %dma_wait3A_164 = arith.constant 0 : i32
          %dma_wait3A_165 = arith.constant 0 : i32
          %dma_wait3A_166 = tpu.memref_slice %arg10[%dma_wait3A_164, %dma_wait3A_165] : memref<10240x128xf32, #tpu.memory_space<vmem_shared>> -> memref<10240x128xf32, #tpu.memory_space<vmem_shared>>
          tpu.wait_indirect_dma semaphore(%arg14 : memref<!tpu.dma_semaphore, #tpu.memory_space<semaphore_mem>>) src(%arg9 : memref<128x128xf32, #tpu.memory_space<vmem>>) dst(%dma_wait3A_166 : memref<10240x128xf32, #tpu.memory_space<vmem_shared>>)
        } else {
        }
        %dma_start3A_115 = arith.constant 0 : i32
        %dma_start3A_116 = tpu.memref_slice %arg6[%add3A_100, %dma_start3A_115] : memref<40x128xi32, #tpu.memory_space<vmem>> -> memref<1x128xi32, #tpu.memory_space<vmem>>
        %dma_start3A_117 = tpu.memref_squeeze %dma_start3A_116 : memref<1x128xi32, #tpu.memory_space<vmem>> -> memref<128xi32, #tpu.memory_space<vmem>>
        %dma_start3A_118 = arith.constant 0 : i32
        %dma_start3A_119 = arith.constant 0 : i32
        %dma_start3A_120 = tpu.memref_slice %arg2[%scan3A_65, %dma_start3A_118, %dma_start3A_119] : memref<4x10000x128xf32, #tpu.memory_space<hbm>> -> memref<1x10000x128xf32, #tpu.memory_space<hbm>>
        %dma_start3A_121 = tpu.memref_squeeze %dma_start3A_120 : memref<1x10000x128xf32, #tpu.memory_space<hbm>> -> memref<10000x128xf32, #tpu.memory_space<hbm>>
        %dma_start3A_122 = arith.constant 0 : i32
        %dma_start3A_123 = arith.constant 0 : i32
        %dma_start3A_124 = tpu.memref_slice %dma_start3A_121[%dma_start3A_122, %dma_start3A_123] : memref<10000x128xf32, #tpu.memory_space<hbm>> -> memref<10000x128xf32, #tpu.memory_space<hbm>>
        tpu.enqueue_indirect_dma source(%dma_start3A_124 : memref<10000x128xf32, #tpu.memory_space<hbm>>) target(%arg9 : memref<128x128xf32, #tpu.memory_space<vmem>>) offsets(%dma_start3A_117 : memref<128xi32, #tpu.memory_space<vmem>>) semaphore(%arg12 : memref<!tpu.dma_semaphore, #tpu.memory_space<semaphore_mem>>)
        %dma_start3A_125 = arith.constant 0 : i32
        %dma_start3A_126 = tpu.memref_slice %arg7[%mul3A_99, %dma_start3A_125] : memref<40x128xi32, #tpu.memory_space<vmem>> -> memref<1x128xi32, #tpu.memory_space<vmem>>
        %dma_start3A_127 = tpu.memref_squeeze %dma_start3A_126 : memref<1x128xi32, #tpu.memory_space<vmem>> -> memref<128xi32, #tpu.memory_space<vmem>>
        %dma_start3A_128 = arith.constant 0 : i32
        %dma_start3A_129 = arith.constant 0 : i32
        %dma_start3A_130 = tpu.memref_slice %arg10[%dma_start3A_128, %dma_start3A_129] : memref<10240x128xf32, #tpu.memory_space<vmem_shared>> -> memref<10240x128xf32, #tpu.memory_space<vmem_shared>>
        tpu.enqueue_indirect_dma source(%arg8 : memref<128x128xf32, #tpu.memory_space<vmem>>) target(%dma_start3A_130 : memref<10240x128xf32, #tpu.memory_space<vmem_shared>>) offsets(%dma_start3A_127 : memref<128xi32, #tpu.memory_space<vmem>>) semaphore(%arg13 : memref<!tpu.dma_semaphore, #tpu.memory_space<semaphore_mem>>) {add = true}
        %dma_wait3A_131 = arith.constant 0 : i32
        %dma_wait3A_132 = tpu.memref_slice %arg6[%add3A_100, %dma_wait3A_131] : memref<40x128xi32, #tpu.memory_space<vmem>> -> memref<1x128xi32, #tpu.memory_space<vmem>>
        %dma_wait3A_133 = tpu.memref_squeeze %dma_wait3A_132 : memref<1x128xi32, #tpu.memory_space<vmem>> -> memref<128xi32, #tpu.memory_space<vmem>>
        %dma_wait3A_134 = arith.constant 0 : i32
        %dma_wait3A_135 = arith.constant 0 : i32
        %dma_wait3A_136 = tpu.memref_slice %arg2[%scan3A_65, %dma_wait3A_134, %dma_wait3A_135] : memref<4x10000x128xf32, #tpu.memory_space<hbm>> -> memref<1x10000x128xf32, #tpu.memory_space<hbm>>
        %dma_wait3A_137 = tpu.memref_squeeze %dma_wait3A_136 : memref<1x10000x128xf32, #tpu.memory_space<hbm>> -> memref<10000x128xf32, #tpu.memory_space<hbm>>
        %dma_wait3A_138 = arith.constant 0 : i32
        %dma_wait3A_139 = arith.constant 0 : i32
        %dma_wait3A_140 = tpu.memref_slice %dma_wait3A_137[%dma_wait3A_138, %dma_wait3A_139] : memref<10000x128xf32, #tpu.memory_space<hbm>> -> memref<10000x128xf32, #tpu.memory_space<hbm>>
        tpu.wait_indirect_dma semaphore(%arg12 : memref<!tpu.dma_semaphore, #tpu.memory_space<semaphore_mem>>) src(%dma_wait3A_140 : memref<10000x128xf32, #tpu.memory_space<hbm>>) dst(%arg9 : memref<128x128xf32, #tpu.memory_space<vmem>>)
        %dma_wait3A_141 = arith.constant 0 : i32
        %dma_wait3A_142 = tpu.memref_slice %arg7[%mul3A_99, %dma_wait3A_141] : memref<40x128xi32, #tpu.memory_space<vmem>> -> memref<1x128xi32, #tpu.memory_space<vmem>>
        %dma_wait3A_143 = tpu.memref_squeeze %dma_wait3A_142 : memref<1x128xi32, #tpu.memory_space<vmem>> -> memref<128xi32, #tpu.memory_space<vmem>>
        %dma_wait3A_144 = arith.constant 0 : i32
        %dma_wait3A_145 = arith.constant 0 : i32
        %dma_wait3A_146 = tpu.memref_slice %arg10[%dma_wait3A_144, %dma_wait3A_145] : memref<10240x128xf32, #tpu.memory_space<vmem_shared>> -> memref<10240x128xf32, #tpu.memory_space<vmem_shared>>
        tpu.wait_indirect_dma semaphore(%arg13 : memref<!tpu.dma_semaphore, #tpu.memory_space<semaphore_mem>>) src(%arg8 : memref<128x128xf32, #tpu.memory_space<vmem>>) dst(%dma_wait3A_146 : memref<10240x128xf32, #tpu.memory_space<vmem_shared>>)
        %add3A_147 = arith.constant 1 : i32
        %add3A_148 = arith.addi %add3A_100, %add3A_147 : i32
        %lt3A_149 = arith.constant 40 : i32
        %lt3A_150 = arith.cmpi slt, %add3A_148, %lt3A_149 : i32
        %convert_element_type3A_151 = arith.extui %lt3A_150 : i1 to i32
        %cond3A_152 = arith.constant 0 : i32
        %cond3A_153 = arith.cmpi ne, %convert_element_type3A_151, %cond3A_152 : i32
        scf.if %cond3A_153 {
          %add3A_160 = arith.constant 1 : i32
          %add3A_161 = arith.addi %add3A_100, %add3A_160 : i32
          %dma_start3A_162 = arith.constant 0 : i32
          %dma_start3A_163 = tpu.memref_slice %arg6[%add3A_161, %dma_start3A_162] : memref<40x128xi32, #tpu.memory_space<vmem>> -> memref<1x128xi32, #tpu.memory_space<vmem>>
          %dma_start3A_164 = tpu.memref_squeeze %dma_start3A_163 : memref<1x128xi32, #tpu.memory_space<vmem>> -> memref<128xi32, #tpu.memory_space<vmem>>
          %dma_start3A_165 = arith.constant 0 : i32
          %dma_start3A_166 = arith.constant 0 : i32
          %dma_start3A_167 = tpu.memref_slice %arg2[%scan3A_65, %dma_start3A_165, %dma_start3A_166] : memref<4x10000x128xf32, #tpu.memory_space<hbm>> -> memref<1x10000x128xf32, #tpu.memory_space<hbm>>
          %dma_start3A_168 = tpu.memref_squeeze %dma_start3A_167 : memref<1x10000x128xf32, #tpu.memory_space<hbm>> -> memref<10000x128xf32, #tpu.memory_space<hbm>>
          %dma_start3A_169 = arith.constant 0 : i32
          %dma_start3A_170 = arith.constant 0 : i32
          %dma_start3A_171 = tpu.memref_slice %dma_start3A_168[%dma_start3A_169, %dma_start3A_170] : memref<10000x128xf32, #tpu.memory_space<hbm>> -> memref<10000x128xf32, #tpu.memory_space<hbm>>
          tpu.enqueue_indirect_dma source(%dma_start3A_171 : memref<10000x128xf32, #tpu.memory_space<hbm>>) target(%arg8 : memref<128x128xf32, #tpu.memory_space<vmem>>) offsets(%dma_start3A_164 : memref<128xi32, #tpu.memory_space<vmem>>) semaphore(%arg11 : memref<!tpu.dma_semaphore, #tpu.memory_space<semaphore_mem>>)
        } else {
        }
        %dma_start3A_154 = arith.constant 0 : i32
        %dma_start3A_155 = tpu.memref_slice %arg7[%add3A_100, %dma_start3A_154] : memref<40x128xi32, #tpu.memory_space<vmem>> -> memref<1x128xi32, #tpu.memory_space<vmem>>
        %dma_start3A_156 = tpu.memref_squeeze %dma_start3A_155 : memref<1x128xi32, #tpu.memory_space<vmem>> -> memref<128xi32, #tpu.memory_space<vmem>>
        %dma_start3A_157 = arith.constant 0 : i32
        %dma_start3A_158 = arith.constant 0 : i32
        %dma_start3A_159 = tpu.memref_slice %arg10[%dma_start3A_157, %dma_start3A_158] : memref<10240x128xf32, #tpu.memory_space<vmem_shared>> -> memref<10240x128xf32, #tpu.memory_space<vmem_shared>>
        tpu.enqueue_indirect_dma source(%arg9 : memref<128x128xf32, #tpu.memory_space<vmem>>) target(%dma_start3A_159 : memref<10240x128xf32, #tpu.memory_space<vmem_shared>>) offsets(%dma_start3A_156 : memref<128xi32, #tpu.memory_space<vmem>>) semaphore(%arg14 : memref<!tpu.dma_semaphore, #tpu.memory_space<semaphore_mem>>) {add = true}
      }
      %scan3A_70 = arith.constant 20 : i32
      %dma_wait3A_71 = arith.constant 39 : i32
      %dma_wait3A_72 = arith.constant 0 : i32
      %dma_wait3A_73 = tpu.memref_slice %arg7[%dma_wait3A_71, %dma_wait3A_72] : memref<40x128xi32, #tpu.memory_space<vmem>> -> memref<1x128xi32, #tpu.memory_space<vmem>>
      %dma_wait3A_74 = tpu.memref_squeeze %dma_wait3A_73 : memref<1x128xi32, #tpu.memory_space<vmem>> -> memref<128xi32, #tpu.memory_space<vmem>>
      %dma_wait3A_75 = arith.constant 0 : i32
      %dma_wait3A_76 = arith.constant 0 : i32
      %dma_wait3A_77 = tpu.memref_slice %arg10[%dma_wait3A_75, %dma_wait3A_76] : memref<10240x128xf32, #tpu.memory_space<vmem_shared>> -> memref<10240x128xf32, #tpu.memory_space<vmem_shared>>
      tpu.wait_indirect_dma semaphore(%arg14 : memref<!tpu.dma_semaphore, #tpu.memory_space<semaphore_mem>>) src(%arg9 : memref<128x128xf32, #tpu.memory_space<vmem>>) dst(%dma_wait3A_77 : memref<10240x128xf32, #tpu.memory_space<vmem_shared>>)
      %barrier3A_78 = arith.constant 0 : index
      tpu.barrier barrier_id(%barrier3A_78)
      %mul3A_79 = arith.constant 640 : i32
      %mul3A_80 = arith.muli %arg1, %mul3A_79 : i32
      %lt3A_81 = arith.constant 15 : i32
      %lt3A_82 = arith.cmpi slt, %arg1, %lt3A_81 : i32
      %jit3A_83 = arith.constant 8 : i32
      %jit3A_84 = arith.constant 5 : i32
      %select_n3A_85 = arith.select %lt3A_82, %jit3A_83, %jit3A_84 : i32
      %while3A_86 = arith.constant 0 : i32
      %while3A_87 = arith.constant 0 : i32
      %while3A_88 = arith.subi %select_n3A_85, %while3A_87 : i32
      %while3A_89 = arith.addi %while3A_87, %while3A_88 : i32
      %while3A_90 = arith.constant 1 : i32
      %while3A_91 = arith.divsi %while3A_88, %while3A_90 : i32
      %while3A_92 = arith.muli %while3A_91, %while3A_90 : i32
      %while3A_93 = arith.addi %while3A_87, %while3A_92 : i32
      %while3A_94 = arith.constant 1 : i32
      scf.for %while3A_97 = %while3A_87 to %while3A_93 step %while3A_94  : i32 {
        %mul3A_98 = arith.constant 80 : i32
        %mul3A_99 = arith.muli %while3A_97, %mul3A_98 : i32
        %add3A = arith.addi %mul3A_80, %mul3A_99 : i32
        %run_scoped3A = arith.constant 2 : i32
        "tpu.region"() ({
          %run_scoped3A_100 = tpu.sem_alloc : memref<!tpu.dma_semaphore, #tpu.memory_space<semaphore_mem>>
          %dma_start3A_101 = arith.constant 0 : i32
          %dma_start3A_102 = tpu.memref_slice %arg5[%run_scoped3A, %add3A, %dma_start3A_101] : memref<4x10000x128xf32, #tpu.memory_space<hbm>> -> memref<1x80x128xf32, #tpu.memory_space<hbm>>
          %dma_start3A_103 = tpu.memref_squeeze %dma_start3A_102 : memref<1x80x128xf32, #tpu.memory_space<hbm>> -> memref<80x128xf32, #tpu.memory_space<hbm>>
          %dma_start3A_104 = arith.constant 0 : i32
          %dma_start3A_105 = tpu.memref_slice %arg10[%add3A, %dma_start3A_104] : memref<10240x128xf32, #tpu.memory_space<vmem_shared>> -> memref<80x128xf32, #tpu.memory_space<vmem_shared>>
          tpu.enqueue_dma source(%dma_start3A_105 : memref<80x128xf32, #tpu.memory_space<vmem_shared>>) target(%dma_start3A_103 : memref<80x128xf32, #tpu.memory_space<hbm>>) target_semaphore(%run_scoped3A_100 : memref<!tpu.dma_semaphore, #tpu.memory_space<semaphore_mem>>)
          %dma_wait3A_106 = arith.constant 0 : i32
          %dma_wait3A_107 = tpu.memref_slice %arg5[%run_scoped3A, %add3A, %dma_wait3A_106] : memref<4x10000x128xf32, #tpu.memory_space<hbm>> -> memref<1x80x128xf32, #tpu.memory_space<hbm>>
          %dma_wait3A_108 = tpu.memref_squeeze %dma_wait3A_107 : memref<1x80x128xf32, #tpu.memory_space<hbm>> -> memref<80x128xf32, #tpu.memory_space<hbm>>
          %dma_wait3A_109 = arith.constant 0 : i32
          %dma_wait3A_110 = tpu.memref_slice %arg10[%add3A, %dma_wait3A_109] : memref<10240x128xf32, #tpu.memory_space<vmem_shared>> -> memref<80x128xf32, #tpu.memory_space<vmem_shared>>
          tpu.wait_dma2 semaphore(%run_scoped3A_100 : memref<!tpu.dma_semaphore, #tpu.memory_space<semaphore_mem>>) src(%dma_wait3A_110 : memref<80x128xf32, #tpu.memory_space<vmem_shared>>) dst(%dma_wait3A_108 : memref<80x128xf32, #tpu.memory_space<hbm>>)
          tpu.yield
        }) : () -> ()
      }
      %while3A_95 = arith.constant 1 : i32
      scf.for %while3A_97 = %while3A_93 to %while3A_89 step %while3A_95  : i32 {
        %mul3A_98 = arith.constant 80 : i32
        %mul3A_99 = arith.muli %while3A_97, %mul3A_98 : i32
        %add3A = arith.addi %mul3A_80, %mul3A_99 : i32
        %run_scoped3A = arith.constant 2 : i32
        "tpu.region"() ({
          %run_scoped3A_100 = tpu.sem_alloc : memref<!tpu.dma_semaphore, #tpu.memory_space<semaphore_mem>>
          %dma_start3A_101 = arith.constant 0 : i32
          %dma_start3A_102 = tpu.memref_slice %arg5[%run_scoped3A, %add3A, %dma_start3A_101] : memref<4x10000x128xf32, #tpu.memory_space<hbm>> -> memref<1x80x128xf32, #tpu.memory_space<hbm>>
          %dma_start3A_103 = tpu.memref_squeeze %dma_start3A_102 : memref<1x80x128xf32, #tpu.memory_space<hbm>> -> memref<80x128xf32, #tpu.memory_space<hbm>>
          %dma_start3A_104 = arith.constant 0 : i32
          %dma_start3A_105 = tpu.memref_slice %arg10[%add3A, %dma_start3A_104] : memref<10240x128xf32, #tpu.memory_space<vmem_shared>> -> memref<80x128xf32, #tpu.memory_space<vmem_shared>>
          tpu.enqueue_dma source(%dma_start3A_105 : memref<80x128xf32, #tpu.memory_space<vmem_shared>>) target(%dma_start3A_103 : memref<80x128xf32, #tpu.memory_space<hbm>>) target_semaphore(%run_scoped3A_100 : memref<!tpu.dma_semaphore, #tpu.memory_space<semaphore_mem>>)
          %dma_wait3A_106 = arith.constant 0 : i32
          %dma_wait3A_107 = tpu.memref_slice %arg5[%run_scoped3A, %add3A, %dma_wait3A_106] : memref<4x10000x128xf32, #tpu.memory_space<hbm>> -> memref<1x80x128xf32, #tpu.memory_space<hbm>>
          %dma_wait3A_108 = tpu.memref_squeeze %dma_wait3A_107 : memref<1x80x128xf32, #tpu.memory_space<hbm>> -> memref<80x128xf32, #tpu.memory_space<hbm>>
          %dma_wait3A_109 = arith.constant 0 : i32
          %dma_wait3A_110 = tpu.memref_slice %arg10[%add3A, %dma_wait3A_109] : memref<10240x128xf32, #tpu.memory_space<vmem_shared>> -> memref<80x128xf32, #tpu.memory_space<vmem_shared>>
          tpu.wait_dma2 semaphore(%run_scoped3A_100 : memref<!tpu.dma_semaphore, #tpu.memory_space<semaphore_mem>>) src(%dma_wait3A_110 : memref<80x128xf32, #tpu.memory_space<vmem_shared>>) dst(%dma_wait3A_108 : memref<80x128xf32, #tpu.memory_space<hbm>>)
          tpu.yield
        }) : () -> ()
      }
      %barrier3A_96 = arith.constant 0 : index
      tpu.barrier barrier_id(%barrier3A_96)
    } else {
    }
    %eq3A_12 = arith.constant 1 : i32
    %eq3A_13 = arith.cmpi eq, %arg0, %eq3A_12 : i32
    %convert_element_type3A_14 = arith.extui %eq3A_13 : i1 to i32
    %cond3A_15 = arith.constant 0 : i32
    %cond3A_16 = arith.cmpi ne, %convert_element_type3A_14, %cond3A_15 : i32
    scf.if %cond3A_16 {
      %mul3A = arith.constant 640 : i32
      %mul3A_17 = arith.muli %arg1, %mul3A : i32
      %lt3A = arith.constant 15 : i32
      %lt3A_18 = arith.cmpi slt, %arg1, %lt3A : i32
      %jit3A = arith.constant 8 : i32
      %jit3A_19 = arith.constant 5 : i32
      %select_n3A = arith.select %lt3A_18, %jit3A, %jit3A_19 : i32
      %while3A = arith.constant 0 : i32
      %while3A_20 = arith.constant 0 : i32
      %while3A_21 = arith.subi %select_n3A, %while3A_20 : i32
      %while3A_22 = arith.addi %while3A_20, %while3A_21 : i32
      %while3A_23 = arith.constant 1 : i32
      %while3A_24 = arith.divsi %while3A_21, %while3A_23 : i32
      %while3A_25 = arith.muli %while3A_24, %while3A_23 : i32
      %while3A_26 = arith.addi %while3A_20, %while3A_25 : i32
      %while3A_27 = arith.constant 1 : i32
      scf.for %while3A_97 = %while3A_20 to %while3A_26 step %while3A_27  : i32 {
        %mul3A_98 = arith.constant 80 : i32
        %mul3A_99 = arith.muli %while3A_97, %mul3A_98 : i32
        %add3A = arith.addi %mul3A_17, %mul3A_99 : i32
        %run_scoped3A = arith.constant 3 : i32
        "tpu.region"() ({
          %run_scoped3A_100 = tpu.sem_alloc : memref<!tpu.dma_semaphore, #tpu.memory_space<semaphore_mem>>
          %dma_start3A_101 = arith.constant 0 : i32
          %dma_start3A_102 = tpu.memref_slice %arg10[%add3A, %dma_start3A_101] : memref<10240x128xf32, #tpu.memory_space<vmem_shared>> -> memref<80x128xf32, #tpu.memory_space<vmem_shared>>
          %dma_start3A_103 = arith.constant 0 : i32
          %dma_start3A_104 = tpu.memref_slice %arg2[%run_scoped3A, %add3A, %dma_start3A_103] : memref<4x10000x128xf32, #tpu.memory_space<hbm>> -> memref<1x80x128xf32, #tpu.memory_space<hbm>>
          %dma_start3A_105 = tpu.memref_squeeze %dma_start3A_104 : memref<1x80x128xf32, #tpu.memory_space<hbm>> -> memref<80x128xf32, #tpu.memory_space<hbm>>
          tpu.enqueue_dma source(%dma_start3A_105 : memref<80x128xf32, #tpu.memory_space<hbm>>) target(%dma_start3A_102 : memref<80x128xf32, #tpu.memory_space<vmem_shared>>) target_semaphore(%run_scoped3A_100 : memref<!tpu.dma_semaphore, #tpu.memory_space<semaphore_mem>>)
          %dma_wait3A_106 = arith.constant 0 : i32
          %dma_wait3A_107 = tpu.memref_slice %arg10[%add3A, %dma_wait3A_106] : memref<10240x128xf32, #tpu.memory_space<vmem_shared>> -> memref<80x128xf32, #tpu.memory_space<vmem_shared>>
          %dma_wait3A_108 = arith.constant 0 : i32
          %dma_wait3A_109 = tpu.memref_slice %arg2[%run_scoped3A, %add3A, %dma_wait3A_108] : memref<4x10000x128xf32, #tpu.memory_space<hbm>> -> memref<1x80x128xf32, #tpu.memory_space<hbm>>
          %dma_wait3A_110 = tpu.memref_squeeze %dma_wait3A_109 : memref<1x80x128xf32, #tpu.memory_space<hbm>> -> memref<80x128xf32, #tpu.memory_space<hbm>>
          tpu.wait_dma2 semaphore(%run_scoped3A_100 : memref<!tpu.dma_semaphore, #tpu.memory_space<semaphore_mem>>) src(%dma_wait3A_110 : memref<80x128xf32, #tpu.memory_space<hbm>>) dst(%dma_wait3A_107 : memref<80x128xf32, #tpu.memory_space<vmem_shared>>)
          tpu.yield
        }) : () -> ()
      }
      %while3A_28 = arith.constant 1 : i32
      scf.for %while3A_97 = %while3A_26 to %while3A_22 step %while3A_28  : i32 {
        %mul3A_98 = arith.constant 80 : i32
        %mul3A_99 = arith.muli %while3A_97, %mul3A_98 : i32
        %add3A = arith.addi %mul3A_17, %mul3A_99 : i32
        %run_scoped3A = arith.constant 3 : i32
        "tpu.region"() ({
          %run_scoped3A_100 = tpu.sem_alloc : memref<!tpu.dma_semaphore, #tpu.memory_space<semaphore_mem>>
          %dma_start3A_101 = arith.constant 0 : i32
          %dma_start3A_102 = tpu.memref_slice %arg10[%add3A, %dma_start3A_101] : memref<10240x128xf32, #tpu.memory_space<vmem_shared>> -> memref<80x128xf32, #tpu.memory_space<vmem_shared>>
          %dma_start3A_103 = arith.constant 0 : i32
          %dma_start3A_104 = tpu.memref_slice %arg2[%run_scoped3A, %add3A, %dma_start3A_103] : memref<4x10000x128xf32, #tpu.memory_space<hbm>> -> memref<1x80x128xf32, #tpu.memory_space<hbm>>
          %dma_start3A_105 = tpu.memref_squeeze %dma_start3A_104 : memref<1x80x128xf32, #tpu.memory_space<hbm>> -> memref<80x128xf32, #tpu.memory_space<hbm>>
          tpu.enqueue_dma source(%dma_start3A_105 : memref<80x128xf32, #tpu.memory_space<hbm>>) target(%dma_start3A_102 : memref<80x128xf32, #tpu.memory_space<vmem_shared>>) target_semaphore(%run_scoped3A_100 : memref<!tpu.dma_semaphore, #tpu.memory_space<semaphore_mem>>)
          %dma_wait3A_106 = arith.constant 0 : i32
          %dma_wait3A_107 = tpu.memref_slice %arg10[%add3A, %dma_wait3A_106] : memref<10240x128xf32, #tpu.memory_space<vmem_shared>> -> memref<80x128xf32, #tpu.memory_space<vmem_shared>>
          %dma_wait3A_108 = arith.constant 0 : i32
          %dma_wait3A_109 = tpu.memref_slice %arg2[%run_scoped3A, %add3A, %dma_wait3A_108] : memref<4x10000x128xf32, #tpu.memory_space<hbm>> -> memref<1x80x128xf32, #tpu.memory_space<hbm>>
          %dma_wait3A_110 = tpu.memref_squeeze %dma_wait3A_109 : memref<1x80x128xf32, #tpu.memory_space<hbm>> -> memref<80x128xf32, #tpu.memory_space<hbm>>
          tpu.wait_dma2 semaphore(%run_scoped3A_100 : memref<!tpu.dma_semaphore, #tpu.memory_space<semaphore_mem>>) src(%dma_wait3A_110 : memref<80x128xf32, #tpu.memory_space<hbm>>) dst(%dma_wait3A_107 : memref<80x128xf32, #tpu.memory_space<vmem_shared>>)
          tpu.yield
        }) : () -> ()
      }
      %barrier3A = arith.constant 0 : index
      tpu.barrier barrier_id(%barrier3A)
      "tpu.region"() ({
        %run_scoped3A = tpu.sem_alloc : memref<!tpu.dma_semaphore, #tpu.memory_space<semaphore_mem>>
        %dma_start3A_97 = arith.constant 0 : i32
        %dma_start3A_98 = arith.constant 0 : i32
        %dma_start3A_99 = tpu.memref_slice %arg3[%arg1, %dma_start3A_97, %dma_start3A_98] : memref<16x80x128xi32, #tpu.memory_space<hbm>> -> memref<1x40x128xi32, #tpu.memory_space<hbm>>
        %dma_start3A_100 = tpu.memref_squeeze %dma_start3A_99 : memref<1x40x128xi32, #tpu.memory_space<hbm>> -> memref<40x128xi32, #tpu.memory_space<hbm>>
        %dma_start3A_101 = arith.constant 0 : i32
        %dma_start3A_102 = arith.constant 0 : i32
        %dma_start3A_103 = tpu.memref_slice %arg3[%arg1, %dma_start3A_101, %dma_start3A_102] : memref<16x80x128xi32, #tpu.memory_space<hbm>> -> memref<1x40x128xi32, #tpu.memory_space<hbm>>
        %dma_start3A_104 = tpu.memref_squeeze %dma_start3A_103 : memref<1x40x128xi32, #tpu.memory_space<hbm>> -> memref<40x128xi32, #tpu.memory_space<hbm>>
        tpu.enqueue_dma source(%dma_start3A_104 : memref<40x128xi32, #tpu.memory_space<hbm>>) target(%arg6 : memref<40x128xi32, #tpu.memory_space<vmem>>) target_semaphore(%run_scoped3A : memref<!tpu.dma_semaphore, #tpu.memory_space<semaphore_mem>>)
        %dma_wait3A_105 = arith.constant 0 : i32
        %dma_wait3A_106 = arith.constant 0 : i32
        %dma_wait3A_107 = tpu.memref_slice %arg3[%arg1, %dma_wait3A_105, %dma_wait3A_106] : memref<16x80x128xi32, #tpu.memory_space<hbm>> -> memref<1x40x128xi32, #tpu.memory_space<hbm>>
        %dma_wait3A_108 = tpu.memref_squeeze %dma_wait3A_107 : memref<1x40x128xi32, #tpu.memory_space<hbm>> -> memref<40x128xi32, #tpu.memory_space<hbm>>
        %dma_wait3A_109 = arith.constant 0 : i32
        %dma_wait3A_110 = arith.constant 0 : i32
        %dma_wait3A_111 = tpu.memref_slice %arg3[%arg1, %dma_wait3A_109, %dma_wait3A_110] : memref<16x80x128xi32, #tpu.memory_space<hbm>> -> memref<1x40x128xi32, #tpu.memory_space<hbm>>
        %dma_wait3A_112 = tpu.memref_squeeze %dma_wait3A_111 : memref<1x40x128xi32, #tpu.memory_space<hbm>> -> memref<40x128xi32, #tpu.memory_space<hbm>>
        tpu.wait_dma2 semaphore(%run_scoped3A : memref<!tpu.dma_semaphore, #tpu.memory_space<semaphore_mem>>) src(%dma_wait3A_112 : memref<40x128xi32, #tpu.memory_space<hbm>>) dst(%arg6 : memref<40x128xi32, #tpu.memory_space<vmem>>)
        tpu.yield
      }) : () -> ()
      "tpu.region"() ({
        %run_scoped3A = tpu.sem_alloc : memref<!tpu.dma_semaphore, #tpu.memory_space<semaphore_mem>>
        %dma_start3A_97 = arith.constant 0 : i32
        %dma_start3A_98 = arith.constant 0 : i32
        %dma_start3A_99 = tpu.memref_slice %arg4[%arg1, %dma_start3A_97, %dma_start3A_98] : memref<16x80x128xi32, #tpu.memory_space<hbm>> -> memref<1x40x128xi32, #tpu.memory_space<hbm>>
        %dma_start3A_100 = tpu.memref_squeeze %dma_start3A_99 : memref<1x40x128xi32, #tpu.memory_space<hbm>> -> memref<40x128xi32, #tpu.memory_space<hbm>>
        %dma_start3A_101 = arith.constant 0 : i32
        %dma_start3A_102 = arith.constant 0 : i32
        %dma_start3A_103 = tpu.memref_slice %arg4[%arg1, %dma_start3A_101, %dma_start3A_102] : memref<16x80x128xi32, #tpu.memory_space<hbm>> -> memref<1x40x128xi32, #tpu.memory_space<hbm>>
        %dma_start3A_104 = tpu.memref_squeeze %dma_start3A_103 : memref<1x40x128xi32, #tpu.memory_space<hbm>> -> memref<40x128xi32, #tpu.memory_space<hbm>>
        tpu.enqueue_dma source(%dma_start3A_104 : memref<40x128xi32, #tpu.memory_space<hbm>>) target(%arg7 : memref<40x128xi32, #tpu.memory_space<vmem>>) target_semaphore(%run_scoped3A : memref<!tpu.dma_semaphore, #tpu.memory_space<semaphore_mem>>)
        %dma_wait3A_105 = arith.constant 0 : i32
        %dma_wait3A_106 = arith.constant 0 : i32
        %dma_wait3A_107 = tpu.memref_slice %arg4[%arg1, %dma_wait3A_105, %dma_wait3A_106] : memref<16x80x128xi32, #tpu.memory_space<hbm>> -> memref<1x40x128xi32, #tpu.memory_space<hbm>>
        %dma_wait3A_108 = tpu.memref_squeeze %dma_wait3A_107 : memref<1x40x128xi32, #tpu.memory_space<hbm>> -> memref<40x128xi32, #tpu.memory_space<hbm>>
        %dma_wait3A_109 = arith.constant 0 : i32
        %dma_wait3A_110 = arith.constant 0 : i32
        %dma_wait3A_111 = tpu.memref_slice %arg4[%arg1, %dma_wait3A_109, %dma_wait3A_110] : memref<16x80x128xi32, #tpu.memory_space<hbm>> -> memref<1x40x128xi32, #tpu.memory_space<hbm>>
        %dma_wait3A_112 = tpu.memref_squeeze %dma_wait3A_111 : memref<1x40x128xi32, #tpu.memory_space<hbm>> -> memref<40x128xi32, #tpu.memory_space<hbm>>
        tpu.wait_dma2 semaphore(%run_scoped3A : memref<!tpu.dma_semaphore, #tpu.memory_space<semaphore_mem>>) src(%dma_wait3A_112 : memref<40x128xi32, #tpu.memory_space<hbm>>) dst(%arg7 : memref<40x128xi32, #tpu.memory_space<vmem>>)
        tpu.yield
      }) : () -> ()
      %dma_start3A = arith.constant 3 : i32
      %dma_start3A_29 = arith.constant 0 : i32
      %dma_start3A_30 = arith.constant 0 : i32
      %dma_start3A_31 = tpu.memref_slice %arg6[%dma_start3A_29, %dma_start3A_30] : memref<40x128xi32, #tpu.memory_space<vmem>> -> memref<1x128xi32, #tpu.memory_space<vmem>>
      %dma_start3A_32 = tpu.memref_squeeze %dma_start3A_31 : memref<1x128xi32, #tpu.memory_space<vmem>> -> memref<128xi32, #tpu.memory_space<vmem>>
      %dma_start3A_33 = arith.constant 0 : i32
      %dma_start3A_34 = arith.constant 0 : i32
      %dma_start3A_35 = tpu.memref_slice %arg2[%dma_start3A, %dma_start3A_33, %dma_start3A_34] : memref<4x10000x128xf32, #tpu.memory_space<hbm>> -> memref<1x10000x128xf32, #tpu.memory_space<hbm>>
      %dma_start3A_36 = tpu.memref_squeeze %dma_start3A_35 : memref<1x10000x128xf32, #tpu.memory_space<hbm>> -> memref<10000x128xf32, #tpu.memory_space<hbm>>
      %dma_start3A_37 = arith.constant 0 : i32
      %dma_start3A_38 = arith.constant 0 : i32
      %dma_start3A_39 = tpu.memref_slice %dma_start3A_36[%dma_start3A_37, %dma_start3A_38] : memref<10000x128xf32, #tpu.memory_space<hbm>> -> memref<10000x128xf32, #tpu.memory_space<hbm>>
      tpu.enqueue_indirect_dma source(%dma_start3A_39 : memref<10000x128xf32, #tpu.memory_space<hbm>>) target(%arg8 : memref<128x128xf32, #tpu.memory_space<vmem>>) offsets(%dma_start3A_32 : memref<128xi32, #tpu.memory_space<vmem>>) semaphore(%arg11 : memref<!tpu.dma_semaphore, #tpu.memory_space<semaphore_mem>>)
      %scan3A = arith.constant 0 : i32
      %scan3A_40 = arith.constant 3 : i32
      %scan3A_41 = arith.constant 0 : i32
      %scan3A_42 = arith.constant 20 : i32
      %scan3A_43 = arith.addi %scan3A_41, %scan3A_42 : i32
      %scan3A_44 = arith.constant 1 : i32
      scf.for %scan3A_97 = %scan3A_41 to %scan3A_43 step %scan3A_44  : i32 {
        %mul3A_98 = arith.constant 2 : i32
        %mul3A_99 = arith.muli %mul3A_98, %scan3A_97 : i32
        %add3A = arith.constant 1 : i32
        %add3A_100 = arith.addi %mul3A_99, %add3A : i32
        %dma_wait3A_101 = arith.constant 0 : i32
        %dma_wait3A_102 = tpu.memref_slice %arg6[%mul3A_99, %dma_wait3A_101] : memref<40x128xi32, #tpu.memory_space<vmem>> -> memref<1x128xi32, #tpu.memory_space<vmem>>
        %dma_wait3A_103 = tpu.memref_squeeze %dma_wait3A_102 : memref<1x128xi32, #tpu.memory_space<vmem>> -> memref<128xi32, #tpu.memory_space<vmem>>
        %dma_wait3A_104 = arith.constant 0 : i32
        %dma_wait3A_105 = arith.constant 0 : i32
        %dma_wait3A_106 = tpu.memref_slice %arg2[%scan3A_40, %dma_wait3A_104, %dma_wait3A_105] : memref<4x10000x128xf32, #tpu.memory_space<hbm>> -> memref<1x10000x128xf32, #tpu.memory_space<hbm>>
        %dma_wait3A_107 = tpu.memref_squeeze %dma_wait3A_106 : memref<1x10000x128xf32, #tpu.memory_space<hbm>> -> memref<10000x128xf32, #tpu.memory_space<hbm>>
        %dma_wait3A_108 = arith.constant 0 : i32
        %dma_wait3A_109 = arith.constant 0 : i32
        %dma_wait3A_110 = tpu.memref_slice %dma_wait3A_107[%dma_wait3A_108, %dma_wait3A_109] : memref<10000x128xf32, #tpu.memory_space<hbm>> -> memref<10000x128xf32, #tpu.memory_space<hbm>>
        tpu.wait_indirect_dma semaphore(%arg11 : memref<!tpu.dma_semaphore, #tpu.memory_space<semaphore_mem>>) src(%dma_wait3A_110 : memref<10000x128xf32, #tpu.memory_space<hbm>>) dst(%arg8 : memref<128x128xf32, #tpu.memory_space<vmem>>)
        %gt3A = arith.constant 0 : i32
        %gt3A_111 = arith.cmpi sgt, %scan3A_97, %gt3A : i32
        %convert_element_type3A_112 = arith.extui %gt3A_111 : i1 to i32
        %cond3A_113 = arith.constant 0 : i32
        %cond3A_114 = arith.cmpi ne, %convert_element_type3A_112, %cond3A_113 : i32
        scf.if %cond3A_114 {
          %sub3A = arith.constant 1 : i32
          %sub3A_160 = arith.subi %mul3A_99, %sub3A : i32
          %dma_wait3A_161 = arith.constant 0 : i32
          %dma_wait3A_162 = tpu.memref_slice %arg7[%sub3A_160, %dma_wait3A_161] : memref<40x128xi32, #tpu.memory_space<vmem>> -> memref<1x128xi32, #tpu.memory_space<vmem>>
          %dma_wait3A_163 = tpu.memref_squeeze %dma_wait3A_162 : memref<1x128xi32, #tpu.memory_space<vmem>> -> memref<128xi32, #tpu.memory_space<vmem>>
          %dma_wait3A_164 = arith.constant 0 : i32
          %dma_wait3A_165 = arith.constant 0 : i32
          %dma_wait3A_166 = tpu.memref_slice %arg10[%dma_wait3A_164, %dma_wait3A_165] : memref<10240x128xf32, #tpu.memory_space<vmem_shared>> -> memref<10240x128xf32, #tpu.memory_space<vmem_shared>>
          tpu.wait_indirect_dma semaphore(%arg14 : memref<!tpu.dma_semaphore, #tpu.memory_space<semaphore_mem>>) src(%arg9 : memref<128x128xf32, #tpu.memory_space<vmem>>) dst(%dma_wait3A_166 : memref<10240x128xf32, #tpu.memory_space<vmem_shared>>)
        } else {
        }
        %dma_start3A_115 = arith.constant 0 : i32
        %dma_start3A_116 = tpu.memref_slice %arg6[%add3A_100, %dma_start3A_115] : memref<40x128xi32, #tpu.memory_space<vmem>> -> memref<1x128xi32, #tpu.memory_space<vmem>>
        %dma_start3A_117 = tpu.memref_squeeze %dma_start3A_116 : memref<1x128xi32, #tpu.memory_space<vmem>> -> memref<128xi32, #tpu.memory_space<vmem>>
        %dma_start3A_118 = arith.constant 0 : i32
        %dma_start3A_119 = arith.constant 0 : i32
        %dma_start3A_120 = tpu.memref_slice %arg2[%scan3A_40, %dma_start3A_118, %dma_start3A_119] : memref<4x10000x128xf32, #tpu.memory_space<hbm>> -> memref<1x10000x128xf32, #tpu.memory_space<hbm>>
        %dma_start3A_121 = tpu.memref_squeeze %dma_start3A_120 : memref<1x10000x128xf32, #tpu.memory_space<hbm>> -> memref<10000x128xf32, #tpu.memory_space<hbm>>
        %dma_start3A_122 = arith.constant 0 : i32
        %dma_start3A_123 = arith.constant 0 : i32
        %dma_start3A_124 = tpu.memref_slice %dma_start3A_121[%dma_start3A_122, %dma_start3A_123] : memref<10000x128xf32, #tpu.memory_space<hbm>> -> memref<10000x128xf32, #tpu.memory_space<hbm>>
        tpu.enqueue_indirect_dma source(%dma_start3A_124 : memref<10000x128xf32, #tpu.memory_space<hbm>>) target(%arg9 : memref<128x128xf32, #tpu.memory_space<vmem>>) offsets(%dma_start3A_117 : memref<128xi32, #tpu.memory_space<vmem>>) semaphore(%arg12 : memref<!tpu.dma_semaphore, #tpu.memory_space<semaphore_mem>>)
        %dma_start3A_125 = arith.constant 0 : i32
        %dma_start3A_126 = tpu.memref_slice %arg7[%mul3A_99, %dma_start3A_125] : memref<40x128xi32, #tpu.memory_space<vmem>> -> memref<1x128xi32, #tpu.memory_space<vmem>>
        %dma_start3A_127 = tpu.memref_squeeze %dma_start3A_126 : memref<1x128xi32, #tpu.memory_space<vmem>> -> memref<128xi32, #tpu.memory_space<vmem>>
        %dma_start3A_128 = arith.constant 0 : i32
        %dma_start3A_129 = arith.constant 0 : i32
        %dma_start3A_130 = tpu.memref_slice %arg10[%dma_start3A_128, %dma_start3A_129] : memref<10240x128xf32, #tpu.memory_space<vmem_shared>> -> memref<10240x128xf32, #tpu.memory_space<vmem_shared>>
        tpu.enqueue_indirect_dma source(%arg8 : memref<128x128xf32, #tpu.memory_space<vmem>>) target(%dma_start3A_130 : memref<10240x128xf32, #tpu.memory_space<vmem_shared>>) offsets(%dma_start3A_127 : memref<128xi32, #tpu.memory_space<vmem>>) semaphore(%arg13 : memref<!tpu.dma_semaphore, #tpu.memory_space<semaphore_mem>>) {add = true}
        %dma_wait3A_131 = arith.constant 0 : i32
        %dma_wait3A_132 = tpu.memref_slice %arg6[%add3A_100, %dma_wait3A_131] : memref<40x128xi32, #tpu.memory_space<vmem>> -> memref<1x128xi32, #tpu.memory_space<vmem>>
        %dma_wait3A_133 = tpu.memref_squeeze %dma_wait3A_132 : memref<1x128xi32, #tpu.memory_space<vmem>> -> memref<128xi32, #tpu.memory_space<vmem>>
        %dma_wait3A_134 = arith.constant 0 : i32
        %dma_wait3A_135 = arith.constant 0 : i32
        %dma_wait3A_136 = tpu.memref_slice %arg2[%scan3A_40, %dma_wait3A_134, %dma_wait3A_135] : memref<4x10000x128xf32, #tpu.memory_space<hbm>> -> memref<1x10000x128xf32, #tpu.memory_space<hbm>>
        %dma_wait3A_137 = tpu.memref_squeeze %dma_wait3A_136 : memref<1x10000x128xf32, #tpu.memory_space<hbm>> -> memref<10000x128xf32, #tpu.memory_space<hbm>>
        %dma_wait3A_138 = arith.constant 0 : i32
        %dma_wait3A_139 = arith.constant 0 : i32
        %dma_wait3A_140 = tpu.memref_slice %dma_wait3A_137[%dma_wait3A_138, %dma_wait3A_139] : memref<10000x128xf32, #tpu.memory_space<hbm>> -> memref<10000x128xf32, #tpu.memory_space<hbm>>
        tpu.wait_indirect_dma semaphore(%arg12 : memref<!tpu.dma_semaphore, #tpu.memory_space<semaphore_mem>>) src(%dma_wait3A_140 : memref<10000x128xf32, #tpu.memory_space<hbm>>) dst(%arg9 : memref<128x128xf32, #tpu.memory_space<vmem>>)
        %dma_wait3A_141 = arith.constant 0 : i32
        %dma_wait3A_142 = tpu.memref_slice %arg7[%mul3A_99, %dma_wait3A_141] : memref<40x128xi32, #tpu.memory_space<vmem>> -> memref<1x128xi32, #tpu.memory_space<vmem>>
        %dma_wait3A_143 = tpu.memref_squeeze %dma_wait3A_142 : memref<1x128xi32, #tpu.memory_space<vmem>> -> memref<128xi32, #tpu.memory_space<vmem>>
        %dma_wait3A_144 = arith.constant 0 : i32
        %dma_wait3A_145 = arith.constant 0 : i32
        %dma_wait3A_146 = tpu.memref_slice %arg10[%dma_wait3A_144, %dma_wait3A_145] : memref<10240x128xf32, #tpu.memory_space<vmem_shared>> -> memref<10240x128xf32, #tpu.memory_space<vmem_shared>>
        tpu.wait_indirect_dma semaphore(%arg13 : memref<!tpu.dma_semaphore, #tpu.memory_space<semaphore_mem>>) src(%arg8 : memref<128x128xf32, #tpu.memory_space<vmem>>) dst(%dma_wait3A_146 : memref<10240x128xf32, #tpu.memory_space<vmem_shared>>)
        %add3A_147 = arith.constant 1 : i32
        %add3A_148 = arith.addi %add3A_100, %add3A_147 : i32
        %lt3A_149 = arith.constant 40 : i32
        %lt3A_150 = arith.cmpi slt, %add3A_148, %lt3A_149 : i32
        %convert_element_type3A_151 = arith.extui %lt3A_150 : i1 to i32
        %cond3A_152 = arith.constant 0 : i32
        %cond3A_153 = arith.cmpi ne, %convert_element_type3A_151, %cond3A_152 : i32
        scf.if %cond3A_153 {
          %add3A_160 = arith.constant 1 : i32
          %add3A_161 = arith.addi %add3A_100, %add3A_160 : i32
          %dma_start3A_162 = arith.constant 0 : i32
          %dma_start3A_163 = tpu.memref_slice %arg6[%add3A_161, %dma_start3A_162] : memref<40x128xi32, #tpu.memory_space<vmem>> -> memref<1x128xi32, #tpu.memory_space<vmem>>
          %dma_start3A_164 = tpu.memref_squeeze %dma_start3A_163 : memref<1x128xi32, #tpu.memory_space<vmem>> -> memref<128xi32, #tpu.memory_space<vmem>>
          %dma_start3A_165 = arith.constant 0 : i32
          %dma_start3A_166 = arith.constant 0 : i32
          %dma_start3A_167 = tpu.memref_slice %arg2[%scan3A_40, %dma_start3A_165, %dma_start3A_166] : memref<4x10000x128xf32, #tpu.memory_space<hbm>> -> memref<1x10000x128xf32, #tpu.memory_space<hbm>>
          %dma_start3A_168 = tpu.memref_squeeze %dma_start3A_167 : memref<1x10000x128xf32, #tpu.memory_space<hbm>> -> memref<10000x128xf32, #tpu.memory_space<hbm>>
          %dma_start3A_169 = arith.constant 0 : i32
          %dma_start3A_170 = arith.constant 0 : i32
          %dma_start3A_171 = tpu.memref_slice %dma_start3A_168[%dma_start3A_169, %dma_start3A_170] : memref<10000x128xf32, #tpu.memory_space<hbm>> -> memref<10000x128xf32, #tpu.memory_space<hbm>>
          tpu.enqueue_indirect_dma source(%dma_start3A_171 : memref<10000x128xf32, #tpu.memory_space<hbm>>) target(%arg8 : memref<128x128xf32, #tpu.memory_space<vmem>>) offsets(%dma_start3A_164 : memref<128xi32, #tpu.memory_space<vmem>>) semaphore(%arg11 : memref<!tpu.dma_semaphore, #tpu.memory_space<semaphore_mem>>)
        } else {
        }
        %dma_start3A_154 = arith.constant 0 : i32
        %dma_start3A_155 = tpu.memref_slice %arg7[%add3A_100, %dma_start3A_154] : memref<40x128xi32, #tpu.memory_space<vmem>> -> memref<1x128xi32, #tpu.memory_space<vmem>>
        %dma_start3A_156 = tpu.memref_squeeze %dma_start3A_155 : memref<1x128xi32, #tpu.memory_space<vmem>> -> memref<128xi32, #tpu.memory_space<vmem>>
        %dma_start3A_157 = arith.constant 0 : i32
        %dma_start3A_158 = arith.constant 0 : i32
        %dma_start3A_159 = tpu.memref_slice %arg10[%dma_start3A_157, %dma_start3A_158] : memref<10240x128xf32, #tpu.memory_space<vmem_shared>> -> memref<10240x128xf32, #tpu.memory_space<vmem_shared>>
        tpu.enqueue_indirect_dma source(%arg9 : memref<128x128xf32, #tpu.memory_space<vmem>>) target(%dma_start3A_159 : memref<10240x128xf32, #tpu.memory_space<vmem_shared>>) offsets(%dma_start3A_156 : memref<128xi32, #tpu.memory_space<vmem>>) semaphore(%arg14 : memref<!tpu.dma_semaphore, #tpu.memory_space<semaphore_mem>>) {add = true}
      }
      %scan3A_45 = arith.constant 20 : i32
      %dma_wait3A = arith.constant 39 : i32
      %dma_wait3A_46 = arith.constant 0 : i32
      %dma_wait3A_47 = tpu.memref_slice %arg7[%dma_wait3A, %dma_wait3A_46] : memref<40x128xi32, #tpu.memory_space<vmem>> -> memref<1x128xi32, #tpu.memory_space<vmem>>
      %dma_wait3A_48 = tpu.memref_squeeze %dma_wait3A_47 : memref<1x128xi32, #tpu.memory_space<vmem>> -> memref<128xi32, #tpu.memory_space<vmem>>
      %dma_wait3A_49 = arith.constant 0 : i32
      %dma_wait3A_50 = arith.constant 0 : i32
      %dma_wait3A_51 = tpu.memref_slice %arg10[%dma_wait3A_49, %dma_wait3A_50] : memref<10240x128xf32, #tpu.memory_space<vmem_shared>> -> memref<10240x128xf32, #tpu.memory_space<vmem_shared>>
      tpu.wait_indirect_dma semaphore(%arg14 : memref<!tpu.dma_semaphore, #tpu.memory_space<semaphore_mem>>) src(%arg9 : memref<128x128xf32, #tpu.memory_space<vmem>>) dst(%dma_wait3A_51 : memref<10240x128xf32, #tpu.memory_space<vmem_shared>>)
      "tpu.region"() ({
        %run_scoped3A = tpu.sem_alloc : memref<!tpu.dma_semaphore, #tpu.memory_space<semaphore_mem>>
        %dma_start3A_97 = arith.constant 40 : i32
        %dma_start3A_98 = arith.constant 0 : i32
        %dma_start3A_99 = tpu.memref_slice %arg3[%arg1, %dma_start3A_97, %dma_start3A_98] : memref<16x80x128xi32, #tpu.memory_space<hbm>> -> memref<1x40x128xi32, #tpu.memory_space<hbm>>
        %dma_start3A_100 = tpu.memref_squeeze %dma_start3A_99 : memref<1x40x128xi32, #tpu.memory_space<hbm>> -> memref<40x128xi32, #tpu.memory_space<hbm>>
        %dma_start3A_101 = arith.constant 40 : i32
        %dma_start3A_102 = arith.constant 0 : i32
        %dma_start3A_103 = tpu.memref_slice %arg3[%arg1, %dma_start3A_101, %dma_start3A_102] : memref<16x80x128xi32, #tpu.memory_space<hbm>> -> memref<1x40x128xi32, #tpu.memory_space<hbm>>
        %dma_start3A_104 = tpu.memref_squeeze %dma_start3A_103 : memref<1x40x128xi32, #tpu.memory_space<hbm>> -> memref<40x128xi32, #tpu.memory_space<hbm>>
        tpu.enqueue_dma source(%dma_start3A_104 : memref<40x128xi32, #tpu.memory_space<hbm>>) target(%arg6 : memref<40x128xi32, #tpu.memory_space<vmem>>) target_semaphore(%run_scoped3A : memref<!tpu.dma_semaphore, #tpu.memory_space<semaphore_mem>>)
        %dma_wait3A_105 = arith.constant 40 : i32
        %dma_wait3A_106 = arith.constant 0 : i32
        %dma_wait3A_107 = tpu.memref_slice %arg3[%arg1, %dma_wait3A_105, %dma_wait3A_106] : memref<16x80x128xi32, #tpu.memory_space<hbm>> -> memref<1x40x128xi32, #tpu.memory_space<hbm>>
        %dma_wait3A_108 = tpu.memref_squeeze %dma_wait3A_107 : memref<1x40x128xi32, #tpu.memory_space<hbm>> -> memref<40x128xi32, #tpu.memory_space<hbm>>
        %dma_wait3A_109 = arith.constant 40 : i32
        %dma_wait3A_110 = arith.constant 0 : i32
        %dma_wait3A_111 = tpu.memref_slice %arg3[%arg1, %dma_wait3A_109, %dma_wait3A_110] : memref<16x80x128xi32, #tpu.memory_space<hbm>> -> memref<1x40x128xi32, #tpu.memory_space<hbm>>
        %dma_wait3A_112 = tpu.memref_squeeze %dma_wait3A_111 : memref<1x40x128xi32, #tpu.memory_space<hbm>> -> memref<40x128xi32, #tpu.memory_space<hbm>>
        tpu.wait_dma2 semaphore(%run_scoped3A : memref<!tpu.dma_semaphore, #tpu.memory_space<semaphore_mem>>) src(%dma_wait3A_112 : memref<40x128xi32, #tpu.memory_space<hbm>>) dst(%arg6 : memref<40x128xi32, #tpu.memory_space<vmem>>)
        tpu.yield
      }) : () -> ()
      "tpu.region"() ({
        %run_scoped3A = tpu.sem_alloc : memref<!tpu.dma_semaphore, #tpu.memory_space<semaphore_mem>>
        %dma_start3A_97 = arith.constant 40 : i32
        %dma_start3A_98 = arith.constant 0 : i32
        %dma_start3A_99 = tpu.memref_slice %arg4[%arg1, %dma_start3A_97, %dma_start3A_98] : memref<16x80x128xi32, #tpu.memory_space<hbm>> -> memref<1x40x128xi32, #tpu.memory_space<hbm>>
        %dma_start3A_100 = tpu.memref_squeeze %dma_start3A_99 : memref<1x40x128xi32, #tpu.memory_space<hbm>> -> memref<40x128xi32, #tpu.memory_space<hbm>>
        %dma_start3A_101 = arith.constant 40 : i32
        %dma_start3A_102 = arith.constant 0 : i32
        %dma_start3A_103 = tpu.memref_slice %arg4[%arg1, %dma_start3A_101, %dma_start3A_102] : memref<16x80x128xi32, #tpu.memory_space<hbm>> -> memref<1x40x128xi32, #tpu.memory_space<hbm>>
        %dma_start3A_104 = tpu.memref_squeeze %dma_start3A_103 : memref<1x40x128xi32, #tpu.memory_space<hbm>> -> memref<40x128xi32, #tpu.memory_space<hbm>>
        tpu.enqueue_dma source(%dma_start3A_104 : memref<40x128xi32, #tpu.memory_space<hbm>>) target(%arg7 : memref<40x128xi32, #tpu.memory_space<vmem>>) target_semaphore(%run_scoped3A : memref<!tpu.dma_semaphore, #tpu.memory_space<semaphore_mem>>)
        %dma_wait3A_105 = arith.constant 40 : i32
        %dma_wait3A_106 = arith.constant 0 : i32
        %dma_wait3A_107 = tpu.memref_slice %arg4[%arg1, %dma_wait3A_105, %dma_wait3A_106] : memref<16x80x128xi32, #tpu.memory_space<hbm>> -> memref<1x40x128xi32, #tpu.memory_space<hbm>>
        %dma_wait3A_108 = tpu.memref_squeeze %dma_wait3A_107 : memref<1x40x128xi32, #tpu.memory_space<hbm>> -> memref<40x128xi32, #tpu.memory_space<hbm>>
        %dma_wait3A_109 = arith.constant 40 : i32
        %dma_wait3A_110 = arith.constant 0 : i32
        %dma_wait3A_111 = tpu.memref_slice %arg4[%arg1, %dma_wait3A_109, %dma_wait3A_110] : memref<16x80x128xi32, #tpu.memory_space<hbm>> -> memref<1x40x128xi32, #tpu.memory_space<hbm>>
        %dma_wait3A_112 = tpu.memref_squeeze %dma_wait3A_111 : memref<1x40x128xi32, #tpu.memory_space<hbm>> -> memref<40x128xi32, #tpu.memory_space<hbm>>
        tpu.wait_dma2 semaphore(%run_scoped3A : memref<!tpu.dma_semaphore, #tpu.memory_space<semaphore_mem>>) src(%dma_wait3A_112 : memref<40x128xi32, #tpu.memory_space<hbm>>) dst(%arg7 : memref<40x128xi32, #tpu.memory_space<vmem>>)
        tpu.yield
      }) : () -> ()
      %dma_start3A_52 = arith.constant 3 : i32
      %dma_start3A_53 = arith.constant 0 : i32
      %dma_start3A_54 = arith.constant 0 : i32
      %dma_start3A_55 = tpu.memref_slice %arg6[%dma_start3A_53, %dma_start3A_54] : memref<40x128xi32, #tpu.memory_space<vmem>> -> memref<1x128xi32, #tpu.memory_space<vmem>>
      %dma_start3A_56 = tpu.memref_squeeze %dma_start3A_55 : memref<1x128xi32, #tpu.memory_space<vmem>> -> memref<128xi32, #tpu.memory_space<vmem>>
      %dma_start3A_57 = arith.constant 0 : i32
      %dma_start3A_58 = arith.constant 0 : i32
      %dma_start3A_59 = tpu.memref_slice %arg2[%dma_start3A_52, %dma_start3A_57, %dma_start3A_58] : memref<4x10000x128xf32, #tpu.memory_space<hbm>> -> memref<1x10000x128xf32, #tpu.memory_space<hbm>>
      %dma_start3A_60 = tpu.memref_squeeze %dma_start3A_59 : memref<1x10000x128xf32, #tpu.memory_space<hbm>> -> memref<10000x128xf32, #tpu.memory_space<hbm>>
      %dma_start3A_61 = arith.constant 0 : i32
      %dma_start3A_62 = arith.constant 0 : i32
      %dma_start3A_63 = tpu.memref_slice %dma_start3A_60[%dma_start3A_61, %dma_start3A_62] : memref<10000x128xf32, #tpu.memory_space<hbm>> -> memref<10000x128xf32, #tpu.memory_space<hbm>>
      tpu.enqueue_indirect_dma source(%dma_start3A_63 : memref<10000x128xf32, #tpu.memory_space<hbm>>) target(%arg8 : memref<128x128xf32, #tpu.memory_space<vmem>>) offsets(%dma_start3A_56 : memref<128xi32, #tpu.memory_space<vmem>>) semaphore(%arg11 : memref<!tpu.dma_semaphore, #tpu.memory_space<semaphore_mem>>)
      %scan3A_64 = arith.constant 0 : i32
      %scan3A_65 = arith.constant 3 : i32
      %scan3A_66 = arith.constant 0 : i32
      %scan3A_67 = arith.constant 20 : i32
      %scan3A_68 = arith.addi %scan3A_66, %scan3A_67 : i32
      %scan3A_69 = arith.constant 1 : i32
      scf.for %scan3A_97 = %scan3A_66 to %scan3A_68 step %scan3A_69  : i32 {
        %mul3A_98 = arith.constant 2 : i32
        %mul3A_99 = arith.muli %mul3A_98, %scan3A_97 : i32
        %add3A = arith.constant 1 : i32
        %add3A_100 = arith.addi %mul3A_99, %add3A : i32
        %dma_wait3A_101 = arith.constant 0 : i32
        %dma_wait3A_102 = tpu.memref_slice %arg6[%mul3A_99, %dma_wait3A_101] : memref<40x128xi32, #tpu.memory_space<vmem>> -> memref<1x128xi32, #tpu.memory_space<vmem>>
        %dma_wait3A_103 = tpu.memref_squeeze %dma_wait3A_102 : memref<1x128xi32, #tpu.memory_space<vmem>> -> memref<128xi32, #tpu.memory_space<vmem>>
        %dma_wait3A_104 = arith.constant 0 : i32
        %dma_wait3A_105 = arith.constant 0 : i32
        %dma_wait3A_106 = tpu.memref_slice %arg2[%scan3A_65, %dma_wait3A_104, %dma_wait3A_105] : memref<4x10000x128xf32, #tpu.memory_space<hbm>> -> memref<1x10000x128xf32, #tpu.memory_space<hbm>>
        %dma_wait3A_107 = tpu.memref_squeeze %dma_wait3A_106 : memref<1x10000x128xf32, #tpu.memory_space<hbm>> -> memref<10000x128xf32, #tpu.memory_space<hbm>>
        %dma_wait3A_108 = arith.constant 0 : i32
        %dma_wait3A_109 = arith.constant 0 : i32
        %dma_wait3A_110 = tpu.memref_slice %dma_wait3A_107[%dma_wait3A_108, %dma_wait3A_109] : memref<10000x128xf32, #tpu.memory_space<hbm>> -> memref<10000x128xf32, #tpu.memory_space<hbm>>
        tpu.wait_indirect_dma semaphore(%arg11 : memref<!tpu.dma_semaphore, #tpu.memory_space<semaphore_mem>>) src(%dma_wait3A_110 : memref<10000x128xf32, #tpu.memory_space<hbm>>) dst(%arg8 : memref<128x128xf32, #tpu.memory_space<vmem>>)
        %gt3A = arith.constant 0 : i32
        %gt3A_111 = arith.cmpi sgt, %scan3A_97, %gt3A : i32
        %convert_element_type3A_112 = arith.extui %gt3A_111 : i1 to i32
        %cond3A_113 = arith.constant 0 : i32
        %cond3A_114 = arith.cmpi ne, %convert_element_type3A_112, %cond3A_113 : i32
        scf.if %cond3A_114 {
          %sub3A = arith.constant 1 : i32
          %sub3A_160 = arith.subi %mul3A_99, %sub3A : i32
          %dma_wait3A_161 = arith.constant 0 : i32
          %dma_wait3A_162 = tpu.memref_slice %arg7[%sub3A_160, %dma_wait3A_161] : memref<40x128xi32, #tpu.memory_space<vmem>> -> memref<1x128xi32, #tpu.memory_space<vmem>>
          %dma_wait3A_163 = tpu.memref_squeeze %dma_wait3A_162 : memref<1x128xi32, #tpu.memory_space<vmem>> -> memref<128xi32, #tpu.memory_space<vmem>>
          %dma_wait3A_164 = arith.constant 0 : i32
          %dma_wait3A_165 = arith.constant 0 : i32
          %dma_wait3A_166 = tpu.memref_slice %arg10[%dma_wait3A_164, %dma_wait3A_165] : memref<10240x128xf32, #tpu.memory_space<vmem_shared>> -> memref<10240x128xf32, #tpu.memory_space<vmem_shared>>
          tpu.wait_indirect_dma semaphore(%arg14 : memref<!tpu.dma_semaphore, #tpu.memory_space<semaphore_mem>>) src(%arg9 : memref<128x128xf32, #tpu.memory_space<vmem>>) dst(%dma_wait3A_166 : memref<10240x128xf32, #tpu.memory_space<vmem_shared>>)
        } else {
        }
        %dma_start3A_115 = arith.constant 0 : i32
        %dma_start3A_116 = tpu.memref_slice %arg6[%add3A_100, %dma_start3A_115] : memref<40x128xi32, #tpu.memory_space<vmem>> -> memref<1x128xi32, #tpu.memory_space<vmem>>
        %dma_start3A_117 = tpu.memref_squeeze %dma_start3A_116 : memref<1x128xi32, #tpu.memory_space<vmem>> -> memref<128xi32, #tpu.memory_space<vmem>>
        %dma_start3A_118 = arith.constant 0 : i32
        %dma_start3A_119 = arith.constant 0 : i32
        %dma_start3A_120 = tpu.memref_slice %arg2[%scan3A_65, %dma_start3A_118, %dma_start3A_119] : memref<4x10000x128xf32, #tpu.memory_space<hbm>> -> memref<1x10000x128xf32, #tpu.memory_space<hbm>>
        %dma_start3A_121 = tpu.memref_squeeze %dma_start3A_120 : memref<1x10000x128xf32, #tpu.memory_space<hbm>> -> memref<10000x128xf32, #tpu.memory_space<hbm>>
        %dma_start3A_122 = arith.constant 0 : i32
        %dma_start3A_123 = arith.constant 0 : i32
        %dma_start3A_124 = tpu.memref_slice %dma_start3A_121[%dma_start3A_122, %dma_start3A_123] : memref<10000x128xf32, #tpu.memory_space<hbm>> -> memref<10000x128xf32, #tpu.memory_space<hbm>>
        tpu.enqueue_indirect_dma source(%dma_start3A_124 : memref<10000x128xf32, #tpu.memory_space<hbm>>) target(%arg9 : memref<128x128xf32, #tpu.memory_space<vmem>>) offsets(%dma_start3A_117 : memref<128xi32, #tpu.memory_space<vmem>>) semaphore(%arg12 : memref<!tpu.dma_semaphore, #tpu.memory_space<semaphore_mem>>)
        %dma_start3A_125 = arith.constant 0 : i32
        %dma_start3A_126 = tpu.memref_slice %arg7[%mul3A_99, %dma_start3A_125] : memref<40x128xi32, #tpu.memory_space<vmem>> -> memref<1x128xi32, #tpu.memory_space<vmem>>
        %dma_start3A_127 = tpu.memref_squeeze %dma_start3A_126 : memref<1x128xi32, #tpu.memory_space<vmem>> -> memref<128xi32, #tpu.memory_space<vmem>>
        %dma_start3A_128 = arith.constant 0 : i32
        %dma_start3A_129 = arith.constant 0 : i32
        %dma_start3A_130 = tpu.memref_slice %arg10[%dma_start3A_128, %dma_start3A_129] : memref<10240x128xf32, #tpu.memory_space<vmem_shared>> -> memref<10240x128xf32, #tpu.memory_space<vmem_shared>>
        tpu.enqueue_indirect_dma source(%arg8 : memref<128x128xf32, #tpu.memory_space<vmem>>) target(%dma_start3A_130 : memref<10240x128xf32, #tpu.memory_space<vmem_shared>>) offsets(%dma_start3A_127 : memref<128xi32, #tpu.memory_space<vmem>>) semaphore(%arg13 : memref<!tpu.dma_semaphore, #tpu.memory_space<semaphore_mem>>) {add = true}
        %dma_wait3A_131 = arith.constant 0 : i32
        %dma_wait3A_132 = tpu.memref_slice %arg6[%add3A_100, %dma_wait3A_131] : memref<40x128xi32, #tpu.memory_space<vmem>> -> memref<1x128xi32, #tpu.memory_space<vmem>>
        %dma_wait3A_133 = tpu.memref_squeeze %dma_wait3A_132 : memref<1x128xi32, #tpu.memory_space<vmem>> -> memref<128xi32, #tpu.memory_space<vmem>>
        %dma_wait3A_134 = arith.constant 0 : i32
        %dma_wait3A_135 = arith.constant 0 : i32
        %dma_wait3A_136 = tpu.memref_slice %arg2[%scan3A_65, %dma_wait3A_134, %dma_wait3A_135] : memref<4x10000x128xf32, #tpu.memory_space<hbm>> -> memref<1x10000x128xf32, #tpu.memory_space<hbm>>
        %dma_wait3A_137 = tpu.memref_squeeze %dma_wait3A_136 : memref<1x10000x128xf32, #tpu.memory_space<hbm>> -> memref<10000x128xf32, #tpu.memory_space<hbm>>
        %dma_wait3A_138 = arith.constant 0 : i32
        %dma_wait3A_139 = arith.constant 0 : i32
        %dma_wait3A_140 = tpu.memref_slice %dma_wait3A_137[%dma_wait3A_138, %dma_wait3A_139] : memref<10000x128xf32, #tpu.memory_space<hbm>> -> memref<10000x128xf32, #tpu.memory_space<hbm>>
        tpu.wait_indirect_dma semaphore(%arg12 : memref<!tpu.dma_semaphore, #tpu.memory_space<semaphore_mem>>) src(%dma_wait3A_140 : memref<10000x128xf32, #tpu.memory_space<hbm>>) dst(%arg9 : memref<128x128xf32, #tpu.memory_space<vmem>>)
        %dma_wait3A_141 = arith.constant 0 : i32
        %dma_wait3A_142 = tpu.memref_slice %arg7[%mul3A_99, %dma_wait3A_141] : memref<40x128xi32, #tpu.memory_space<vmem>> -> memref<1x128xi32, #tpu.memory_space<vmem>>
        %dma_wait3A_143 = tpu.memref_squeeze %dma_wait3A_142 : memref<1x128xi32, #tpu.memory_space<vmem>> -> memref<128xi32, #tpu.memory_space<vmem>>
        %dma_wait3A_144 = arith.constant 0 : i32
        %dma_wait3A_145 = arith.constant 0 : i32
        %dma_wait3A_146 = tpu.memref_slice %arg10[%dma_wait3A_144, %dma_wait3A_145] : memref<10240x128xf32, #tpu.memory_space<vmem_shared>> -> memref<10240x128xf32, #tpu.memory_space<vmem_shared>>
        tpu.wait_indirect_dma semaphore(%arg13 : memref<!tpu.dma_semaphore, #tpu.memory_space<semaphore_mem>>) src(%arg8 : memref<128x128xf32, #tpu.memory_space<vmem>>) dst(%dma_wait3A_146 : memref<10240x128xf32, #tpu.memory_space<vmem_shared>>)
        %add3A_147 = arith.constant 1 : i32
        %add3A_148 = arith.addi %add3A_100, %add3A_147 : i32
        %lt3A_149 = arith.constant 40 : i32
        %lt3A_150 = arith.cmpi slt, %add3A_148, %lt3A_149 : i32
        %convert_element_type3A_151 = arith.extui %lt3A_150 : i1 to i32
        %cond3A_152 = arith.constant 0 : i32
        %cond3A_153 = arith.cmpi ne, %convert_element_type3A_151, %cond3A_152 : i32
        scf.if %cond3A_153 {
          %add3A_160 = arith.constant 1 : i32
          %add3A_161 = arith.addi %add3A_100, %add3A_160 : i32
          %dma_start3A_162 = arith.constant 0 : i32
          %dma_start3A_163 = tpu.memref_slice %arg6[%add3A_161, %dma_start3A_162] : memref<40x128xi32, #tpu.memory_space<vmem>> -> memref<1x128xi32, #tpu.memory_space<vmem>>
          %dma_start3A_164 = tpu.memref_squeeze %dma_start3A_163 : memref<1x128xi32, #tpu.memory_space<vmem>> -> memref<128xi32, #tpu.memory_space<vmem>>
          %dma_start3A_165 = arith.constant 0 : i32
          %dma_start3A_166 = arith.constant 0 : i32
          %dma_start3A_167 = tpu.memref_slice %arg2[%scan3A_65, %dma_start3A_165, %dma_start3A_166] : memref<4x10000x128xf32, #tpu.memory_space<hbm>> -> memref<1x10000x128xf32, #tpu.memory_space<hbm>>
          %dma_start3A_168 = tpu.memref_squeeze %dma_start3A_167 : memref<1x10000x128xf32, #tpu.memory_space<hbm>> -> memref<10000x128xf32, #tpu.memory_space<hbm>>
          %dma_start3A_169 = arith.constant 0 : i32
          %dma_start3A_170 = arith.constant 0 : i32
          %dma_start3A_171 = tpu.memref_slice %dma_start3A_168[%dma_start3A_169, %dma_start3A_170] : memref<10000x128xf32, #tpu.memory_space<hbm>> -> memref<10000x128xf32, #tpu.memory_space<hbm>>
          tpu.enqueue_indirect_dma source(%dma_start3A_171 : memref<10000x128xf32, #tpu.memory_space<hbm>>) target(%arg8 : memref<128x128xf32, #tpu.memory_space<vmem>>) offsets(%dma_start3A_164 : memref<128xi32, #tpu.memory_space<vmem>>) semaphore(%arg11 : memref<!tpu.dma_semaphore, #tpu.memory_space<semaphore_mem>>)
        } else {
        }
        %dma_start3A_154 = arith.constant 0 : i32
        %dma_start3A_155 = tpu.memref_slice %arg7[%add3A_100, %dma_start3A_154] : memref<40x128xi32, #tpu.memory_space<vmem>> -> memref<1x128xi32, #tpu.memory_space<vmem>>
        %dma_start3A_156 = tpu.memref_squeeze %dma_start3A_155 : memref<1x128xi32, #tpu.memory_space<vmem>> -> memref<128xi32, #tpu.memory_space<vmem>>
        %dma_start3A_157 = arith.constant 0 : i32
        %dma_start3A_158 = arith.constant 0 : i32
        %dma_start3A_159 = tpu.memref_slice %arg10[%dma_start3A_157, %dma_start3A_158] : memref<10240x128xf32, #tpu.memory_space<vmem_shared>> -> memref<10240x128xf32, #tpu.memory_space<vmem_shared>>
        tpu.enqueue_indirect_dma source(%arg9 : memref<128x128xf32, #tpu.memory_space<vmem>>) target(%dma_start3A_159 : memref<10240x128xf32, #tpu.memory_space<vmem_shared>>) offsets(%dma_start3A_156 : memref<128xi32, #tpu.memory_space<vmem>>) semaphore(%arg14 : memref<!tpu.dma_semaphore, #tpu.memory_space<semaphore_mem>>) {add = true}
      }
      %scan3A_70 = arith.constant 20 : i32
      %dma_wait3A_71 = arith.constant 39 : i32
      %dma_wait3A_72 = arith.constant 0 : i32
      %dma_wait3A_73 = tpu.memref_slice %arg7[%dma_wait3A_71, %dma_wait3A_72] : memref<40x128xi32, #tpu.memory_space<vmem>> -> memref<1x128xi32, #tpu.memory_space<vmem>>
      %dma_wait3A_74 = tpu.memref_squeeze %dma_wait3A_73 : memref<1x128xi32, #tpu.memory_space<vmem>> -> memref<128xi32, #tpu.memory_space<vmem>>
      %dma_wait3A_75 = arith.constant 0 : i32
      %dma_wait3A_76 = arith.constant 0 : i32
      %dma_wait3A_77 = tpu.memref_slice %arg10[%dma_wait3A_75, %dma_wait3A_76] : memref<10240x128xf32, #tpu.memory_space<vmem_shared>> -> memref<10240x128xf32, #tpu.memory_space<vmem_shared>>
      tpu.wait_indirect_dma semaphore(%arg14 : memref<!tpu.dma_semaphore, #tpu.memory_space<semaphore_mem>>) src(%arg9 : memref<128x128xf32, #tpu.memory_space<vmem>>) dst(%dma_wait3A_77 : memref<10240x128xf32, #tpu.memory_space<vmem_shared>>)
      %barrier3A_78 = arith.constant 0 : index
      tpu.barrier barrier_id(%barrier3A_78)
      %mul3A_79 = arith.constant 640 : i32
      %mul3A_80 = arith.muli %arg1, %mul3A_79 : i32
      %lt3A_81 = arith.constant 15 : i32
      %lt3A_82 = arith.cmpi slt, %arg1, %lt3A_81 : i32
      %jit3A_83 = arith.constant 8 : i32
      %jit3A_84 = arith.constant 5 : i32
      %select_n3A_85 = arith.select %lt3A_82, %jit3A_83, %jit3A_84 : i32
      %while3A_86 = arith.constant 0 : i32
      %while3A_87 = arith.constant 0 : i32
      %while3A_88 = arith.subi %select_n3A_85, %while3A_87 : i32
      %while3A_89 = arith.addi %while3A_87, %while3A_88 : i32
      %while3A_90 = arith.constant 1 : i32
      %while3A_91 = arith.divsi %while3A_88, %while3A_90 : i32
      %while3A_92 = arith.muli %while3A_91, %while3A_90 : i32
      %while3A_93 = arith.addi %while3A_87, %while3A_92 : i32
      %while3A_94 = arith.constant 1 : i32
      scf.for %while3A_97 = %while3A_87 to %while3A_93 step %while3A_94  : i32 {
        %mul3A_98 = arith.constant 80 : i32
        %mul3A_99 = arith.muli %while3A_97, %mul3A_98 : i32
        %add3A = arith.addi %mul3A_80, %mul3A_99 : i32
        %run_scoped3A = arith.constant 3 : i32
        "tpu.region"() ({
          %run_scoped3A_100 = tpu.sem_alloc : memref<!tpu.dma_semaphore, #tpu.memory_space<semaphore_mem>>
          %dma_start3A_101 = arith.constant 0 : i32
          %dma_start3A_102 = tpu.memref_slice %arg5[%run_scoped3A, %add3A, %dma_start3A_101] : memref<4x10000x128xf32, #tpu.memory_space<hbm>> -> memref<1x80x128xf32, #tpu.memory_space<hbm>>
          %dma_start3A_103 = tpu.memref_squeeze %dma_start3A_102 : memref<1x80x128xf32, #tpu.memory_space<hbm>> -> memref<80x128xf32, #tpu.memory_space<hbm>>
          %dma_start3A_104 = arith.constant 0 : i32
          %dma_start3A_105 = tpu.memref_slice %arg10[%add3A, %dma_start3A_104] : memref<10240x128xf32, #tpu.memory_space<vmem_shared>> -> memref<80x128xf32, #tpu.memory_space<vmem_shared>>
          tpu.enqueue_dma source(%dma_start3A_105 : memref<80x128xf32, #tpu.memory_space<vmem_shared>>) target(%dma_start3A_103 : memref<80x128xf32, #tpu.memory_space<hbm>>) target_semaphore(%run_scoped3A_100 : memref<!tpu.dma_semaphore, #tpu.memory_space<semaphore_mem>>)
          %dma_wait3A_106 = arith.constant 0 : i32
          %dma_wait3A_107 = tpu.memref_slice %arg5[%run_scoped3A, %add3A, %dma_wait3A_106] : memref<4x10000x128xf32, #tpu.memory_space<hbm>> -> memref<1x80x128xf32, #tpu.memory_space<hbm>>
          %dma_wait3A_108 = tpu.memref_squeeze %dma_wait3A_107 : memref<1x80x128xf32, #tpu.memory_space<hbm>> -> memref<80x128xf32, #tpu.memory_space<hbm>>
          %dma_wait3A_109 = arith.constant 0 : i32
          %dma_wait3A_110 = tpu.memref_slice %arg10[%add3A, %dma_wait3A_109] : memref<10240x128xf32, #tpu.memory_space<vmem_shared>> -> memref<80x128xf32, #tpu.memory_space<vmem_shared>>
          tpu.wait_dma2 semaphore(%run_scoped3A_100 : memref<!tpu.dma_semaphore, #tpu.memory_space<semaphore_mem>>) src(%dma_wait3A_110 : memref<80x128xf32, #tpu.memory_space<vmem_shared>>) dst(%dma_wait3A_108 : memref<80x128xf32, #tpu.memory_space<hbm>>)
          tpu.yield
        }) : () -> ()
      }
      %while3A_95 = arith.constant 1 : i32
      scf.for %while3A_97 = %while3A_93 to %while3A_89 step %while3A_95  : i32 {
        %mul3A_98 = arith.constant 80 : i32
        %mul3A_99 = arith.muli %while3A_97, %mul3A_98 : i32
        %add3A = arith.addi %mul3A_80, %mul3A_99 : i32
        %run_scoped3A = arith.constant 3 : i32
        "tpu.region"() ({
          %run_scoped3A_100 = tpu.sem_alloc : memref<!tpu.dma_semaphore, #tpu.memory_space<semaphore_mem>>
          %dma_start3A_101 = arith.constant 0 : i32
          %dma_start3A_102 = tpu.memref_slice %arg5[%run_scoped3A, %add3A, %dma_start3A_101] : memref<4x10000x128xf32, #tpu.memory_space<hbm>> -> memref<1x80x128xf32, #tpu.memory_space<hbm>>
          %dma_start3A_103 = tpu.memref_squeeze %dma_start3A_102 : memref<1x80x128xf32, #tpu.memory_space<hbm>> -> memref<80x128xf32, #tpu.memory_space<hbm>>
          %dma_start3A_104 = arith.constant 0 : i32
          %dma_start3A_105 = tpu.memref_slice %arg10[%add3A, %dma_start3A_104] : memref<10240x128xf32, #tpu.memory_space<vmem_shared>> -> memref<80x128xf32, #tpu.memory_space<vmem_shared>>
          tpu.enqueue_dma source(%dma_start3A_105 : memref<80x128xf32, #tpu.memory_space<vmem_shared>>) target(%dma_start3A_103 : memref<80x128xf32, #tpu.memory_space<hbm>>) target_semaphore(%run_scoped3A_100 : memref<!tpu.dma_semaphore, #tpu.memory_space<semaphore_mem>>)
          %dma_wait3A_106 = arith.constant 0 : i32
          %dma_wait3A_107 = tpu.memref_slice %arg5[%run_scoped3A, %add3A, %dma_wait3A_106] : memref<4x10000x128xf32, #tpu.memory_space<hbm>> -> memref<1x80x128xf32, #tpu.memory_space<hbm>>
          %dma_wait3A_108 = tpu.memref_squeeze %dma_wait3A_107 : memref<1x80x128xf32, #tpu.memory_space<hbm>> -> memref<80x128xf32, #tpu.memory_space<hbm>>
          %dma_wait3A_109 = arith.constant 0 : i32
          %dma_wait3A_110 = tpu.memref_slice %arg10[%add3A, %dma_wait3A_109] : memref<10240x128xf32, #tpu.memory_space<vmem_shared>> -> memref<80x128xf32, #tpu.memory_space<vmem_shared>>
          tpu.wait_dma2 semaphore(%run_scoped3A_100 : memref<!tpu.dma_semaphore, #tpu.memory_space<semaphore_mem>>) src(%dma_wait3A_110 : memref<80x128xf32, #tpu.memory_space<vmem_shared>>) dst(%dma_wait3A_108 : memref<80x128xf32, #tpu.memory_space<hbm>>)
          tpu.yield
        }) : () -> ()
      }
      %barrier3A_96 = arith.constant 0 : index
      tpu.barrier barrier_id(%barrier3A_96)
    } else {
    }
    return
  }
}

#map = affine_map<(d0, d1) -> (0, 0)>
#map1 = affine_map<(d0, d1) -> (0, 0, 0)>
module attributes {stable_mosaic.version = 14 : i64} {
  func.func @prop_kernel(%arg0: i32, %arg1: i32, %arg2: memref<10000x128xf32, #tpu.memory_space<hbm>>, %arg3: memref<32x40x128xi32, #tpu.memory_space<hbm>>, %arg4: memref<32x40x128xi32, #tpu.memory_space<hbm>>, %arg5: memref<2x10000x128xf32, #tpu.memory_space<hbm>>, %arg6: memref<40x128xi32, #tpu.memory_space<vmem>>, %arg7: memref<40x128xi32, #tpu.memory_space<vmem>>, %arg8: memref<128x128xf32, #tpu.memory_space<vmem>>, %arg9: memref<128x128xf32, #tpu.memory_space<vmem>>, %arg10: memref<10240x128xf32, #tpu.memory_space<vmem_shared>>, %arg11: memref<!tpu.dma_semaphore, #tpu.memory_space<semaphore_mem>>, %arg12: memref<!tpu.dma_semaphore, #tpu.memory_space<semaphore_mem>>, %arg13: memref<!tpu.dma_semaphore, #tpu.memory_space<semaphore_mem>>, %arg14: memref<!tpu.dma_semaphore, #tpu.memory_space<semaphore_mem>>) attributes {dimension_semantics = [#tpu.dimension_semantics<core_parallel>, #tpu.dimension_semantics<subcore_parallel>], iteration_bounds = array<i64: 2, 16>, scalar_prefetch = 0 : i64, scratch_operands = 9 : i64, tpu.core_type = #tpu.core_type<sc_vector_subcore>, window_params = [{transform_indices = #map}, {transform_indices = #map1}, {transform_indices = #map1}, {transform_indices = #map1}]} {
    %mul3A = arith.constant 16 : i32
    %mul3A_0 = arith.muli %arg0, %mul3A : i32
    %add3A = arith.addi %mul3A_0, %arg1 : i32
    "tpu.region"() ({
      %run_scoped3A = tpu.sem_alloc : memref<!tpu.dma_semaphore, #tpu.memory_space<semaphore_mem>>
      %dma_start3A_49 = arith.constant 0 : i32
      %dma_start3A_50 = arith.constant 0 : i32
      %dma_start3A_51 = tpu.memref_slice %arg3[%add3A, %dma_start3A_49, %dma_start3A_50] : memref<32x40x128xi32, #tpu.memory_space<hbm>> -> memref<1x40x128xi32, #tpu.memory_space<hbm>>
      %dma_start3A_52 = tpu.memref_squeeze %dma_start3A_51 : memref<1x40x128xi32, #tpu.memory_space<hbm>> -> memref<40x128xi32, #tpu.memory_space<hbm>>
      %dma_start3A_53 = arith.constant 0 : i32
      %dma_start3A_54 = arith.constant 0 : i32
      %dma_start3A_55 = tpu.memref_slice %arg3[%add3A, %dma_start3A_53, %dma_start3A_54] : memref<32x40x128xi32, #tpu.memory_space<hbm>> -> memref<1x40x128xi32, #tpu.memory_space<hbm>>
      %dma_start3A_56 = tpu.memref_squeeze %dma_start3A_55 : memref<1x40x128xi32, #tpu.memory_space<hbm>> -> memref<40x128xi32, #tpu.memory_space<hbm>>
      tpu.enqueue_dma source(%dma_start3A_56 : memref<40x128xi32, #tpu.memory_space<hbm>>) target(%arg6 : memref<40x128xi32, #tpu.memory_space<vmem>>) target_semaphore(%run_scoped3A : memref<!tpu.dma_semaphore, #tpu.memory_space<semaphore_mem>>)
      %dma_wait3A_57 = arith.constant 0 : i32
      %dma_wait3A_58 = arith.constant 0 : i32
      %dma_wait3A_59 = tpu.memref_slice %arg3[%add3A, %dma_wait3A_57, %dma_wait3A_58] : memref<32x40x128xi32, #tpu.memory_space<hbm>> -> memref<1x40x128xi32, #tpu.memory_space<hbm>>
      %dma_wait3A_60 = tpu.memref_squeeze %dma_wait3A_59 : memref<1x40x128xi32, #tpu.memory_space<hbm>> -> memref<40x128xi32, #tpu.memory_space<hbm>>
      %dma_wait3A_61 = arith.constant 0 : i32
      %dma_wait3A_62 = arith.constant 0 : i32
      %dma_wait3A_63 = tpu.memref_slice %arg3[%add3A, %dma_wait3A_61, %dma_wait3A_62] : memref<32x40x128xi32, #tpu.memory_space<hbm>> -> memref<1x40x128xi32, #tpu.memory_space<hbm>>
      %dma_wait3A_64 = tpu.memref_squeeze %dma_wait3A_63 : memref<1x40x128xi32, #tpu.memory_space<hbm>> -> memref<40x128xi32, #tpu.memory_space<hbm>>
      tpu.wait_dma2 semaphore(%run_scoped3A : memref<!tpu.dma_semaphore, #tpu.memory_space<semaphore_mem>>) src(%dma_wait3A_64 : memref<40x128xi32, #tpu.memory_space<hbm>>) dst(%arg6 : memref<40x128xi32, #tpu.memory_space<vmem>>)
      tpu.yield
    }) : () -> ()
    "tpu.region"() ({
      %run_scoped3A = tpu.sem_alloc : memref<!tpu.dma_semaphore, #tpu.memory_space<semaphore_mem>>
      %dma_start3A_49 = arith.constant 0 : i32
      %dma_start3A_50 = arith.constant 0 : i32
      %dma_start3A_51 = tpu.memref_slice %arg4[%add3A, %dma_start3A_49, %dma_start3A_50] : memref<32x40x128xi32, #tpu.memory_space<hbm>> -> memref<1x40x128xi32, #tpu.memory_space<hbm>>
      %dma_start3A_52 = tpu.memref_squeeze %dma_start3A_51 : memref<1x40x128xi32, #tpu.memory_space<hbm>> -> memref<40x128xi32, #tpu.memory_space<hbm>>
      %dma_start3A_53 = arith.constant 0 : i32
      %dma_start3A_54 = arith.constant 0 : i32
      %dma_start3A_55 = tpu.memref_slice %arg4[%add3A, %dma_start3A_53, %dma_start3A_54] : memref<32x40x128xi32, #tpu.memory_space<hbm>> -> memref<1x40x128xi32, #tpu.memory_space<hbm>>
      %dma_start3A_56 = tpu.memref_squeeze %dma_start3A_55 : memref<1x40x128xi32, #tpu.memory_space<hbm>> -> memref<40x128xi32, #tpu.memory_space<hbm>>
      tpu.enqueue_dma source(%dma_start3A_56 : memref<40x128xi32, #tpu.memory_space<hbm>>) target(%arg7 : memref<40x128xi32, #tpu.memory_space<vmem>>) target_semaphore(%run_scoped3A : memref<!tpu.dma_semaphore, #tpu.memory_space<semaphore_mem>>)
      %dma_wait3A_57 = arith.constant 0 : i32
      %dma_wait3A_58 = arith.constant 0 : i32
      %dma_wait3A_59 = tpu.memref_slice %arg4[%add3A, %dma_wait3A_57, %dma_wait3A_58] : memref<32x40x128xi32, #tpu.memory_space<hbm>> -> memref<1x40x128xi32, #tpu.memory_space<hbm>>
      %dma_wait3A_60 = tpu.memref_squeeze %dma_wait3A_59 : memref<1x40x128xi32, #tpu.memory_space<hbm>> -> memref<40x128xi32, #tpu.memory_space<hbm>>
      %dma_wait3A_61 = arith.constant 0 : i32
      %dma_wait3A_62 = arith.constant 0 : i32
      %dma_wait3A_63 = tpu.memref_slice %arg4[%add3A, %dma_wait3A_61, %dma_wait3A_62] : memref<32x40x128xi32, #tpu.memory_space<hbm>> -> memref<1x40x128xi32, #tpu.memory_space<hbm>>
      %dma_wait3A_64 = tpu.memref_squeeze %dma_wait3A_63 : memref<1x40x128xi32, #tpu.memory_space<hbm>> -> memref<40x128xi32, #tpu.memory_space<hbm>>
      tpu.wait_dma2 semaphore(%run_scoped3A : memref<!tpu.dma_semaphore, #tpu.memory_space<semaphore_mem>>) src(%dma_wait3A_64 : memref<40x128xi32, #tpu.memory_space<hbm>>) dst(%arg7 : memref<40x128xi32, #tpu.memory_space<vmem>>)
      tpu.yield
    }) : () -> ()
    %mul3A_1 = arith.constant 640 : i32
    %mul3A_2 = arith.muli %arg1, %mul3A_1 : i32
    %lt3A = arith.constant 15 : i32
    %lt3A_3 = arith.cmpi slt, %arg1, %lt3A : i32
    %jit3A = arith.constant 8 : i32
    %jit3A_4 = arith.constant 5 : i32
    %select_n3A = arith.select %lt3A_3, %jit3A, %jit3A_4 : i32
    %while3A = arith.constant 0 : i32
    %while3A_5 = arith.constant 0 : i32
    %while3A_6 = arith.subi %select_n3A, %while3A_5 : i32
    %while3A_7 = arith.addi %while3A_5, %while3A_6 : i32
    %while3A_8 = arith.constant 1 : i32
    %while3A_9 = arith.divsi %while3A_6, %while3A_8 : i32
    %while3A_10 = arith.muli %while3A_9, %while3A_8 : i32
    %while3A_11 = arith.addi %while3A_5, %while3A_10 : i32
    %while3A_12 = arith.constant 1 : i32
    scf.for %while3A_49 = %while3A_5 to %while3A_11 step %while3A_12  : i32 {
      %mul3A_50 = arith.constant 80 : i32
      %mul3A_51 = arith.muli %while3A_49, %mul3A_50 : i32
      %add3A_52 = arith.addi %mul3A_2, %mul3A_51 : i32
      "tpu.region"() ({
        %run_scoped3A = tpu.sem_alloc : memref<!tpu.dma_semaphore, #tpu.memory_space<semaphore_mem>>
        %dma_start3A_53 = arith.constant 0 : i32
        %dma_start3A_54 = tpu.memref_slice %arg10[%add3A_52, %dma_start3A_53] : memref<10240x128xf32, #tpu.memory_space<vmem_shared>> -> memref<80x128xf32, #tpu.memory_space<vmem_shared>>
        %dma_start3A_55 = arith.constant 0 : i32
        %dma_start3A_56 = tpu.memref_slice %arg2[%add3A_52, %dma_start3A_55] : memref<10000x128xf32, #tpu.memory_space<hbm>> -> memref<80x128xf32, #tpu.memory_space<hbm>>
        tpu.enqueue_dma source(%dma_start3A_56 : memref<80x128xf32, #tpu.memory_space<hbm>>) target(%dma_start3A_54 : memref<80x128xf32, #tpu.memory_space<vmem_shared>>) target_semaphore(%run_scoped3A : memref<!tpu.dma_semaphore, #tpu.memory_space<semaphore_mem>>)
        %dma_wait3A_57 = arith.constant 0 : i32
        %dma_wait3A_58 = tpu.memref_slice %arg10[%add3A_52, %dma_wait3A_57] : memref<10240x128xf32, #tpu.memory_space<vmem_shared>> -> memref<80x128xf32, #tpu.memory_space<vmem_shared>>
        %dma_wait3A_59 = arith.constant 0 : i32
        %dma_wait3A_60 = tpu.memref_slice %arg2[%add3A_52, %dma_wait3A_59] : memref<10000x128xf32, #tpu.memory_space<hbm>> -> memref<80x128xf32, #tpu.memory_space<hbm>>
        tpu.wait_dma2 semaphore(%run_scoped3A : memref<!tpu.dma_semaphore, #tpu.memory_space<semaphore_mem>>) src(%dma_wait3A_60 : memref<80x128xf32, #tpu.memory_space<hbm>>) dst(%dma_wait3A_58 : memref<80x128xf32, #tpu.memory_space<vmem_shared>>)
        tpu.yield
      }) : () -> ()
    }
    %while3A_13 = arith.constant 1 : i32
    scf.for %while3A_49 = %while3A_11 to %while3A_7 step %while3A_13  : i32 {
      %mul3A_50 = arith.constant 80 : i32
      %mul3A_51 = arith.muli %while3A_49, %mul3A_50 : i32
      %add3A_52 = arith.addi %mul3A_2, %mul3A_51 : i32
      "tpu.region"() ({
        %run_scoped3A = tpu.sem_alloc : memref<!tpu.dma_semaphore, #tpu.memory_space<semaphore_mem>>
        %dma_start3A_53 = arith.constant 0 : i32
        %dma_start3A_54 = tpu.memref_slice %arg10[%add3A_52, %dma_start3A_53] : memref<10240x128xf32, #tpu.memory_space<vmem_shared>> -> memref<80x128xf32, #tpu.memory_space<vmem_shared>>
        %dma_start3A_55 = arith.constant 0 : i32
        %dma_start3A_56 = tpu.memref_slice %arg2[%add3A_52, %dma_start3A_55] : memref<10000x128xf32, #tpu.memory_space<hbm>> -> memref<80x128xf32, #tpu.memory_space<hbm>>
        tpu.enqueue_dma source(%dma_start3A_56 : memref<80x128xf32, #tpu.memory_space<hbm>>) target(%dma_start3A_54 : memref<80x128xf32, #tpu.memory_space<vmem_shared>>) target_semaphore(%run_scoped3A : memref<!tpu.dma_semaphore, #tpu.memory_space<semaphore_mem>>)
        %dma_wait3A_57 = arith.constant 0 : i32
        %dma_wait3A_58 = tpu.memref_slice %arg10[%add3A_52, %dma_wait3A_57] : memref<10240x128xf32, #tpu.memory_space<vmem_shared>> -> memref<80x128xf32, #tpu.memory_space<vmem_shared>>
        %dma_wait3A_59 = arith.constant 0 : i32
        %dma_wait3A_60 = tpu.memref_slice %arg2[%add3A_52, %dma_wait3A_59] : memref<10000x128xf32, #tpu.memory_space<hbm>> -> memref<80x128xf32, #tpu.memory_space<hbm>>
        tpu.wait_dma2 semaphore(%run_scoped3A : memref<!tpu.dma_semaphore, #tpu.memory_space<semaphore_mem>>) src(%dma_wait3A_60 : memref<80x128xf32, #tpu.memory_space<hbm>>) dst(%dma_wait3A_58 : memref<80x128xf32, #tpu.memory_space<vmem_shared>>)
        tpu.yield
      }) : () -> ()
    }
    %barrier3A = arith.constant 0 : index
    tpu.barrier barrier_id(%barrier3A)
    %dma_start3A = arith.constant 0 : i32
    %dma_start3A_14 = arith.constant 0 : i32
    %dma_start3A_15 = tpu.memref_slice %arg6[%dma_start3A, %dma_start3A_14] : memref<40x128xi32, #tpu.memory_space<vmem>> -> memref<1x128xi32, #tpu.memory_space<vmem>>
    %dma_start3A_16 = tpu.memref_squeeze %dma_start3A_15 : memref<1x128xi32, #tpu.memory_space<vmem>> -> memref<128xi32, #tpu.memory_space<vmem>>
    %dma_start3A_17 = arith.constant 0 : i32
    %dma_start3A_18 = arith.constant 0 : i32
    %dma_start3A_19 = tpu.memref_slice %arg2[%dma_start3A_17, %dma_start3A_18] : memref<10000x128xf32, #tpu.memory_space<hbm>> -> memref<10000x128xf32, #tpu.memory_space<hbm>>
    tpu.enqueue_indirect_dma source(%dma_start3A_19 : memref<10000x128xf32, #tpu.memory_space<hbm>>) target(%arg8 : memref<128x128xf32, #tpu.memory_space<vmem>>) offsets(%dma_start3A_16 : memref<128xi32, #tpu.memory_space<vmem>>) semaphore(%arg11 : memref<!tpu.dma_semaphore, #tpu.memory_space<semaphore_mem>>)
    %scan3A = arith.constant 0 : i32
    %scan3A_20 = arith.constant 0 : i32
    %scan3A_21 = arith.constant 20 : i32
    %scan3A_22 = arith.addi %scan3A_20, %scan3A_21 : i32
    %scan3A_23 = arith.constant 1 : i32
    scf.for %scan3A_49 = %scan3A_20 to %scan3A_22 step %scan3A_23  : i32 {
      %mul3A_50 = arith.constant 2 : i32
      %mul3A_51 = arith.muli %mul3A_50, %scan3A_49 : i32
      %add3A_52 = arith.constant 1 : i32
      %add3A_53 = arith.addi %mul3A_51, %add3A_52 : i32
      %dma_wait3A_54 = arith.constant 0 : i32
      %dma_wait3A_55 = tpu.memref_slice %arg6[%mul3A_51, %dma_wait3A_54] : memref<40x128xi32, #tpu.memory_space<vmem>> -> memref<1x128xi32, #tpu.memory_space<vmem>>
      %dma_wait3A_56 = tpu.memref_squeeze %dma_wait3A_55 : memref<1x128xi32, #tpu.memory_space<vmem>> -> memref<128xi32, #tpu.memory_space<vmem>>
      %dma_wait3A_57 = arith.constant 0 : i32
      %dma_wait3A_58 = arith.constant 0 : i32
      %dma_wait3A_59 = tpu.memref_slice %arg2[%dma_wait3A_57, %dma_wait3A_58] : memref<10000x128xf32, #tpu.memory_space<hbm>> -> memref<10000x128xf32, #tpu.memory_space<hbm>>
      tpu.wait_indirect_dma semaphore(%arg11 : memref<!tpu.dma_semaphore, #tpu.memory_space<semaphore_mem>>) src(%dma_wait3A_59 : memref<10000x128xf32, #tpu.memory_space<hbm>>) dst(%arg8 : memref<128x128xf32, #tpu.memory_space<vmem>>)
      %gt3A = arith.constant 0 : i32
      %gt3A_60 = arith.cmpi sgt, %scan3A_49, %gt3A : i32
      %convert_element_type3A = arith.extui %gt3A_60 : i1 to i32
      %cond3A = arith.constant 0 : i32
      %cond3A_61 = arith.cmpi ne, %convert_element_type3A, %cond3A : i32
      scf.if %cond3A_61 {
        %sub3A = arith.constant 1 : i32
        %sub3A_99 = arith.subi %mul3A_51, %sub3A : i32
        %dma_wait3A_100 = arith.constant 0 : i32
        %dma_wait3A_101 = tpu.memref_slice %arg7[%sub3A_99, %dma_wait3A_100] : memref<40x128xi32, #tpu.memory_space<vmem>> -> memref<1x128xi32, #tpu.memory_space<vmem>>
        %dma_wait3A_102 = tpu.memref_squeeze %dma_wait3A_101 : memref<1x128xi32, #tpu.memory_space<vmem>> -> memref<128xi32, #tpu.memory_space<vmem>>
        %dma_wait3A_103 = arith.constant 0 : i32
        %dma_wait3A_104 = arith.constant 0 : i32
        %dma_wait3A_105 = tpu.memref_slice %arg10[%dma_wait3A_103, %dma_wait3A_104] : memref<10240x128xf32, #tpu.memory_space<vmem_shared>> -> memref<10240x128xf32, #tpu.memory_space<vmem_shared>>
        tpu.wait_indirect_dma semaphore(%arg14 : memref<!tpu.dma_semaphore, #tpu.memory_space<semaphore_mem>>) src(%arg9 : memref<128x128xf32, #tpu.memory_space<vmem>>) dst(%dma_wait3A_105 : memref<10240x128xf32, #tpu.memory_space<vmem_shared>>)
      } else {
      }
      %dma_start3A_62 = arith.constant 0 : i32
      %dma_start3A_63 = tpu.memref_slice %arg6[%add3A_53, %dma_start3A_62] : memref<40x128xi32, #tpu.memory_space<vmem>> -> memref<1x128xi32, #tpu.memory_space<vmem>>
      %dma_start3A_64 = tpu.memref_squeeze %dma_start3A_63 : memref<1x128xi32, #tpu.memory_space<vmem>> -> memref<128xi32, #tpu.memory_space<vmem>>
      %dma_start3A_65 = arith.constant 0 : i32
      %dma_start3A_66 = arith.constant 0 : i32
      %dma_start3A_67 = tpu.memref_slice %arg2[%dma_start3A_65, %dma_start3A_66] : memref<10000x128xf32, #tpu.memory_space<hbm>> -> memref<10000x128xf32, #tpu.memory_space<hbm>>
      tpu.enqueue_indirect_dma source(%dma_start3A_67 : memref<10000x128xf32, #tpu.memory_space<hbm>>) target(%arg9 : memref<128x128xf32, #tpu.memory_space<vmem>>) offsets(%dma_start3A_64 : memref<128xi32, #tpu.memory_space<vmem>>) semaphore(%arg12 : memref<!tpu.dma_semaphore, #tpu.memory_space<semaphore_mem>>)
      %dma_start3A_68 = arith.constant 0 : i32
      %dma_start3A_69 = tpu.memref_slice %arg7[%mul3A_51, %dma_start3A_68] : memref<40x128xi32, #tpu.memory_space<vmem>> -> memref<1x128xi32, #tpu.memory_space<vmem>>
      %dma_start3A_70 = tpu.memref_squeeze %dma_start3A_69 : memref<1x128xi32, #tpu.memory_space<vmem>> -> memref<128xi32, #tpu.memory_space<vmem>>
      %dma_start3A_71 = arith.constant 0 : i32
      %dma_start3A_72 = arith.constant 0 : i32
      %dma_start3A_73 = tpu.memref_slice %arg10[%dma_start3A_71, %dma_start3A_72] : memref<10240x128xf32, #tpu.memory_space<vmem_shared>> -> memref<10240x128xf32, #tpu.memory_space<vmem_shared>>
      tpu.enqueue_indirect_dma source(%arg8 : memref<128x128xf32, #tpu.memory_space<vmem>>) target(%dma_start3A_73 : memref<10240x128xf32, #tpu.memory_space<vmem_shared>>) offsets(%dma_start3A_70 : memref<128xi32, #tpu.memory_space<vmem>>) semaphore(%arg13 : memref<!tpu.dma_semaphore, #tpu.memory_space<semaphore_mem>>) {add = true}
      %dma_wait3A_74 = arith.constant 0 : i32
      %dma_wait3A_75 = tpu.memref_slice %arg6[%add3A_53, %dma_wait3A_74] : memref<40x128xi32, #tpu.memory_space<vmem>> -> memref<1x128xi32, #tpu.memory_space<vmem>>
      %dma_wait3A_76 = tpu.memref_squeeze %dma_wait3A_75 : memref<1x128xi32, #tpu.memory_space<vmem>> -> memref<128xi32, #tpu.memory_space<vmem>>
      %dma_wait3A_77 = arith.constant 0 : i32
      %dma_wait3A_78 = arith.constant 0 : i32
      %dma_wait3A_79 = tpu.memref_slice %arg2[%dma_wait3A_77, %dma_wait3A_78] : memref<10000x128xf32, #tpu.memory_space<hbm>> -> memref<10000x128xf32, #tpu.memory_space<hbm>>
      tpu.wait_indirect_dma semaphore(%arg12 : memref<!tpu.dma_semaphore, #tpu.memory_space<semaphore_mem>>) src(%dma_wait3A_79 : memref<10000x128xf32, #tpu.memory_space<hbm>>) dst(%arg9 : memref<128x128xf32, #tpu.memory_space<vmem>>)
      %dma_wait3A_80 = arith.constant 0 : i32
      %dma_wait3A_81 = tpu.memref_slice %arg7[%mul3A_51, %dma_wait3A_80] : memref<40x128xi32, #tpu.memory_space<vmem>> -> memref<1x128xi32, #tpu.memory_space<vmem>>
      %dma_wait3A_82 = tpu.memref_squeeze %dma_wait3A_81 : memref<1x128xi32, #tpu.memory_space<vmem>> -> memref<128xi32, #tpu.memory_space<vmem>>
      %dma_wait3A_83 = arith.constant 0 : i32
      %dma_wait3A_84 = arith.constant 0 : i32
      %dma_wait3A_85 = tpu.memref_slice %arg10[%dma_wait3A_83, %dma_wait3A_84] : memref<10240x128xf32, #tpu.memory_space<vmem_shared>> -> memref<10240x128xf32, #tpu.memory_space<vmem_shared>>
      tpu.wait_indirect_dma semaphore(%arg13 : memref<!tpu.dma_semaphore, #tpu.memory_space<semaphore_mem>>) src(%arg8 : memref<128x128xf32, #tpu.memory_space<vmem>>) dst(%dma_wait3A_85 : memref<10240x128xf32, #tpu.memory_space<vmem_shared>>)
      %add3A_86 = arith.constant 1 : i32
      %add3A_87 = arith.addi %add3A_53, %add3A_86 : i32
      %lt3A_88 = arith.constant 40 : i32
      %lt3A_89 = arith.cmpi slt, %add3A_87, %lt3A_88 : i32
      %convert_element_type3A_90 = arith.extui %lt3A_89 : i1 to i32
      %cond3A_91 = arith.constant 0 : i32
      %cond3A_92 = arith.cmpi ne, %convert_element_type3A_90, %cond3A_91 : i32
      scf.if %cond3A_92 {
        %add3A_99 = arith.constant 1 : i32
        %add3A_100 = arith.addi %add3A_53, %add3A_99 : i32
        %dma_start3A_101 = arith.constant 0 : i32
        %dma_start3A_102 = tpu.memref_slice %arg6[%add3A_100, %dma_start3A_101] : memref<40x128xi32, #tpu.memory_space<vmem>> -> memref<1x128xi32, #tpu.memory_space<vmem>>
        %dma_start3A_103 = tpu.memref_squeeze %dma_start3A_102 : memref<1x128xi32, #tpu.memory_space<vmem>> -> memref<128xi32, #tpu.memory_space<vmem>>
        %dma_start3A_104 = arith.constant 0 : i32
        %dma_start3A_105 = arith.constant 0 : i32
        %dma_start3A_106 = tpu.memref_slice %arg2[%dma_start3A_104, %dma_start3A_105] : memref<10000x128xf32, #tpu.memory_space<hbm>> -> memref<10000x128xf32, #tpu.memory_space<hbm>>
        tpu.enqueue_indirect_dma source(%dma_start3A_106 : memref<10000x128xf32, #tpu.memory_space<hbm>>) target(%arg8 : memref<128x128xf32, #tpu.memory_space<vmem>>) offsets(%dma_start3A_103 : memref<128xi32, #tpu.memory_space<vmem>>) semaphore(%arg11 : memref<!tpu.dma_semaphore, #tpu.memory_space<semaphore_mem>>)
      } else {
      }
      %dma_start3A_93 = arith.constant 0 : i32
      %dma_start3A_94 = tpu.memref_slice %arg7[%add3A_53, %dma_start3A_93] : memref<40x128xi32, #tpu.memory_space<vmem>> -> memref<1x128xi32, #tpu.memory_space<vmem>>
      %dma_start3A_95 = tpu.memref_squeeze %dma_start3A_94 : memref<1x128xi32, #tpu.memory_space<vmem>> -> memref<128xi32, #tpu.memory_space<vmem>>
      %dma_start3A_96 = arith.constant 0 : i32
      %dma_start3A_97 = arith.constant 0 : i32
      %dma_start3A_98 = tpu.memref_slice %arg10[%dma_start3A_96, %dma_start3A_97] : memref<10240x128xf32, #tpu.memory_space<vmem_shared>> -> memref<10240x128xf32, #tpu.memory_space<vmem_shared>>
      tpu.enqueue_indirect_dma source(%arg9 : memref<128x128xf32, #tpu.memory_space<vmem>>) target(%dma_start3A_98 : memref<10240x128xf32, #tpu.memory_space<vmem_shared>>) offsets(%dma_start3A_95 : memref<128xi32, #tpu.memory_space<vmem>>) semaphore(%arg14 : memref<!tpu.dma_semaphore, #tpu.memory_space<semaphore_mem>>) {add = true}
    }
    %scan3A_24 = arith.constant 20 : i32
    %dma_wait3A = arith.constant 39 : i32
    %dma_wait3A_25 = arith.constant 0 : i32
    %dma_wait3A_26 = tpu.memref_slice %arg7[%dma_wait3A, %dma_wait3A_25] : memref<40x128xi32, #tpu.memory_space<vmem>> -> memref<1x128xi32, #tpu.memory_space<vmem>>
    %dma_wait3A_27 = tpu.memref_squeeze %dma_wait3A_26 : memref<1x128xi32, #tpu.memory_space<vmem>> -> memref<128xi32, #tpu.memory_space<vmem>>
    %dma_wait3A_28 = arith.constant 0 : i32
    %dma_wait3A_29 = arith.constant 0 : i32
    %dma_wait3A_30 = tpu.memref_slice %arg10[%dma_wait3A_28, %dma_wait3A_29] : memref<10240x128xf32, #tpu.memory_space<vmem_shared>> -> memref<10240x128xf32, #tpu.memory_space<vmem_shared>>
    tpu.wait_indirect_dma semaphore(%arg14 : memref<!tpu.dma_semaphore, #tpu.memory_space<semaphore_mem>>) src(%arg9 : memref<128x128xf32, #tpu.memory_space<vmem>>) dst(%dma_wait3A_30 : memref<10240x128xf32, #tpu.memory_space<vmem_shared>>)
    %barrier3A_31 = arith.constant 0 : index
    tpu.barrier barrier_id(%barrier3A_31)
    %mul3A_32 = arith.constant 640 : i32
    %mul3A_33 = arith.muli %arg1, %mul3A_32 : i32
    %lt3A_34 = arith.constant 15 : i32
    %lt3A_35 = arith.cmpi slt, %arg1, %lt3A_34 : i32
    %jit3A_36 = arith.constant 8 : i32
    %jit3A_37 = arith.constant 5 : i32
    %select_n3A_38 = arith.select %lt3A_35, %jit3A_36, %jit3A_37 : i32
    %while3A_39 = arith.constant 0 : i32
    %while3A_40 = arith.constant 0 : i32
    %while3A_41 = arith.subi %select_n3A_38, %while3A_40 : i32
    %while3A_42 = arith.addi %while3A_40, %while3A_41 : i32
    %while3A_43 = arith.constant 1 : i32
    %while3A_44 = arith.divsi %while3A_41, %while3A_43 : i32
    %while3A_45 = arith.muli %while3A_44, %while3A_43 : i32
    %while3A_46 = arith.addi %while3A_40, %while3A_45 : i32
    %while3A_47 = arith.constant 1 : i32
    scf.for %while3A_49 = %while3A_40 to %while3A_46 step %while3A_47  : i32 {
      %mul3A_50 = arith.constant 80 : i32
      %mul3A_51 = arith.muli %while3A_49, %mul3A_50 : i32
      %add3A_52 = arith.addi %mul3A_33, %mul3A_51 : i32
      "tpu.region"() ({
        %run_scoped3A = tpu.sem_alloc : memref<!tpu.dma_semaphore, #tpu.memory_space<semaphore_mem>>
        %dma_start3A_53 = arith.constant 0 : i32
        %dma_start3A_54 = tpu.memref_slice %arg5[%arg0, %add3A_52, %dma_start3A_53] : memref<2x10000x128xf32, #tpu.memory_space<hbm>> -> memref<1x80x128xf32, #tpu.memory_space<hbm>>
        %dma_start3A_55 = tpu.memref_squeeze %dma_start3A_54 : memref<1x80x128xf32, #tpu.memory_space<hbm>> -> memref<80x128xf32, #tpu.memory_space<hbm>>
        %dma_start3A_56 = arith.constant 0 : i32
        %dma_start3A_57 = tpu.memref_slice %arg10[%add3A_52, %dma_start3A_56] : memref<10240x128xf32, #tpu.memory_space<vmem_shared>> -> memref<80x128xf32, #tpu.memory_space<vmem_shared>>
        tpu.enqueue_dma source(%dma_start3A_57 : memref<80x128xf32, #tpu.memory_space<vmem_shared>>) target(%dma_start3A_55 : memref<80x128xf32, #tpu.memory_space<hbm>>) target_semaphore(%run_scoped3A : memref<!tpu.dma_semaphore, #tpu.memory_space<semaphore_mem>>)
        %dma_wait3A_58 = arith.constant 0 : i32
        %dma_wait3A_59 = tpu.memref_slice %arg5[%arg0, %add3A_52, %dma_wait3A_58] : memref<2x10000x128xf32, #tpu.memory_space<hbm>> -> memref<1x80x128xf32, #tpu.memory_space<hbm>>
        %dma_wait3A_60 = tpu.memref_squeeze %dma_wait3A_59 : memref<1x80x128xf32, #tpu.memory_space<hbm>> -> memref<80x128xf32, #tpu.memory_space<hbm>>
        %dma_wait3A_61 = arith.constant 0 : i32
        %dma_wait3A_62 = tpu.memref_slice %arg10[%add3A_52, %dma_wait3A_61] : memref<10240x128xf32, #tpu.memory_space<vmem_shared>> -> memref<80x128xf32, #tpu.memory_space<vmem_shared>>
        tpu.wait_dma2 semaphore(%run_scoped3A : memref<!tpu.dma_semaphore, #tpu.memory_space<semaphore_mem>>) src(%dma_wait3A_62 : memref<80x128xf32, #tpu.memory_space<vmem_shared>>) dst(%dma_wait3A_60 : memref<80x128xf32, #tpu.memory_space<hbm>>)
        tpu.yield
      }) : () -> ()
    }
    %while3A_48 = arith.constant 1 : i32
    scf.for %while3A_49 = %while3A_46 to %while3A_42 step %while3A_48  : i32 {
      %mul3A_50 = arith.constant 80 : i32
      %mul3A_51 = arith.muli %while3A_49, %mul3A_50 : i32
      %add3A_52 = arith.addi %mul3A_33, %mul3A_51 : i32
      "tpu.region"() ({
        %run_scoped3A = tpu.sem_alloc : memref<!tpu.dma_semaphore, #tpu.memory_space<semaphore_mem>>
        %dma_start3A_53 = arith.constant 0 : i32
        %dma_start3A_54 = tpu.memref_slice %arg5[%arg0, %add3A_52, %dma_start3A_53] : memref<2x10000x128xf32, #tpu.memory_space<hbm>> -> memref<1x80x128xf32, #tpu.memory_space<hbm>>
        %dma_start3A_55 = tpu.memref_squeeze %dma_start3A_54 : memref<1x80x128xf32, #tpu.memory_space<hbm>> -> memref<80x128xf32, #tpu.memory_space<hbm>>
        %dma_start3A_56 = arith.constant 0 : i32
        %dma_start3A_57 = tpu.memref_slice %arg10[%add3A_52, %dma_start3A_56] : memref<10240x128xf32, #tpu.memory_space<vmem_shared>> -> memref<80x128xf32, #tpu.memory_space<vmem_shared>>
        tpu.enqueue_dma source(%dma_start3A_57 : memref<80x128xf32, #tpu.memory_space<vmem_shared>>) target(%dma_start3A_55 : memref<80x128xf32, #tpu.memory_space<hbm>>) target_semaphore(%run_scoped3A : memref<!tpu.dma_semaphore, #tpu.memory_space<semaphore_mem>>)
        %dma_wait3A_58 = arith.constant 0 : i32
        %dma_wait3A_59 = tpu.memref_slice %arg5[%arg0, %add3A_52, %dma_wait3A_58] : memref<2x10000x128xf32, #tpu.memory_space<hbm>> -> memref<1x80x128xf32, #tpu.memory_space<hbm>>
        %dma_wait3A_60 = tpu.memref_squeeze %dma_wait3A_59 : memref<1x80x128xf32, #tpu.memory_space<hbm>> -> memref<80x128xf32, #tpu.memory_space<hbm>>
        %dma_wait3A_61 = arith.constant 0 : i32
        %dma_wait3A_62 = tpu.memref_slice %arg10[%add3A_52, %dma_wait3A_61] : memref<10240x128xf32, #tpu.memory_space<vmem_shared>> -> memref<80x128xf32, #tpu.memory_space<vmem_shared>>
        tpu.wait_dma2 semaphore(%run_scoped3A : memref<!tpu.dma_semaphore, #tpu.memory_space<semaphore_mem>>) src(%dma_wait3A_62 : memref<80x128xf32, #tpu.memory_space<vmem_shared>>) dst(%dma_wait3A_60 : memref<80x128xf32, #tpu.memory_space<hbm>>)
        tpu.yield
      }) : () -> ()
    }
    return
  }
}

#map = affine_map<(d0, d1) -> (0, 0, 0)>
#map1 = affine_map<(d0, d1) -> (0)>
module attributes {stable_mosaic.version = 14 : i64} {
  func.func @deg_kernel(%arg0: i32, %arg1: i32, %arg2: memref<32x40x128xi32, #tpu.memory_space<hbm>>, %arg3: memref<20480xf32, #tpu.memory_space<hbm>>, %arg4: memref<40x128xi32, #tpu.memory_space<vmem>>, %arg5: memref<128xf32, #tpu.memory_space<vmem>>, %arg6: memref<640xf32, #tpu.memory_space<vmem>>, %arg7: memref<10240xf32, #tpu.memory_space<vmem_shared>>) attributes {dimension_semantics = [#tpu.dimension_semantics<core_parallel>, #tpu.dimension_semantics<subcore_parallel>], iteration_bounds = array<i64: 2, 16>, scalar_prefetch = 0 : i64, scratch_operands = 4 : i64, tpu.core_type = #tpu.core_type<sc_vector_subcore>, window_params = [{transform_indices = #map}, {transform_indices = #map1}]} {
    %mul3A = arith.constant 16 : i32
    %mul3A_0 = arith.muli %arg0, %mul3A : i32
    %add3A = arith.addi %mul3A_0, %arg1 : i32
    %broadcast_in_dim3A = arith.constant 1.000000e+00 : f32
    %broadcast_in_dim3A_1 = vector.broadcast %broadcast_in_dim3A : f32 to vector<16xf32>
    %swap3A = arith.constant 0 : index
    %swap3A_2 = tpu.vector_load %arg5[%swap3A] {strides = array<i32>} : memref<128xf32, #tpu.memory_space<vmem>>, vector<16xf32>,
    %swap3A_3 = vector.shape_cast %swap3A_2 : vector<16xf32> to vector<16xf32>
    %swap3A_4 = vector.shape_cast %broadcast_in_dim3A_1 : vector<16xf32> to vector<16xf32>
    tpu.vector_store %arg5[%swap3A], %swap3A_4 {strides = array<i32>} : memref<128xf32, #tpu.memory_space<vmem>>, vector<16xf32>,
    %broadcast_in_dim3A_5 = arith.constant 1.000000e+00 : f32
    %broadcast_in_dim3A_6 = vector.broadcast %broadcast_in_dim3A_5 : f32 to vector<16xf32>
    %swap3A_7 = arith.constant 16 : index
    %swap3A_8 = tpu.vector_load %arg5[%swap3A_7] {strides = array<i32>} : memref<128xf32, #tpu.memory_space<vmem>>, vector<16xf32>,
    %swap3A_9 = vector.shape_cast %swap3A_8 : vector<16xf32> to vector<16xf32>
    %swap3A_10 = vector.shape_cast %broadcast_in_dim3A_6 : vector<16xf32> to vector<16xf32>
    tpu.vector_store %arg5[%swap3A_7], %swap3A_10 {strides = array<i32>} : memref<128xf32, #tpu.memory_space<vmem>>, vector<16xf32>,
    %broadcast_in_dim3A_11 = arith.constant 1.000000e+00 : f32
    %broadcast_in_dim3A_12 = vector.broadcast %broadcast_in_dim3A_11 : f32 to vector<16xf32>
    %swap3A_13 = arith.constant 32 : index
    %swap3A_14 = tpu.vector_load %arg5[%swap3A_13] {strides = array<i32>} : memref<128xf32, #tpu.memory_space<vmem>>, vector<16xf32>,
    %swap3A_15 = vector.shape_cast %swap3A_14 : vector<16xf32> to vector<16xf32>
    %swap3A_16 = vector.shape_cast %broadcast_in_dim3A_12 : vector<16xf32> to vector<16xf32>
    tpu.vector_store %arg5[%swap3A_13], %swap3A_16 {strides = array<i32>} : memref<128xf32, #tpu.memory_space<vmem>>, vector<16xf32>,
    %broadcast_in_dim3A_17 = arith.constant 1.000000e+00 : f32
    %broadcast_in_dim3A_18 = vector.broadcast %broadcast_in_dim3A_17 : f32 to vector<16xf32>
    %swap3A_19 = arith.constant 48 : index
    %swap3A_20 = tpu.vector_load %arg5[%swap3A_19] {strides = array<i32>} : memref<128xf32, #tpu.memory_space<vmem>>, vector<16xf32>,
    %swap3A_21 = vector.shape_cast %swap3A_20 : vector<16xf32> to vector<16xf32>
    %swap3A_22 = vector.shape_cast %broadcast_in_dim3A_18 : vector<16xf32> to vector<16xf32>
    tpu.vector_store %arg5[%swap3A_19], %swap3A_22 {strides = array<i32>} : memref<128xf32, #tpu.memory_space<vmem>>, vector<16xf32>,
    %broadcast_in_dim3A_23 = arith.constant 1.000000e+00 : f32
    %broadcast_in_dim3A_24 = vector.broadcast %broadcast_in_dim3A_23 : f32 to vector<16xf32>
    %swap3A_25 = arith.constant 64 : index
    %swap3A_26 = tpu.vector_load %arg5[%swap3A_25] {strides = array<i32>} : memref<128xf32, #tpu.memory_space<vmem>>, vector<16xf32>,
    %swap3A_27 = vector.shape_cast %swap3A_26 : vector<16xf32> to vector<16xf32>
    %swap3A_28 = vector.shape_cast %broadcast_in_dim3A_24 : vector<16xf32> to vector<16xf32>
    tpu.vector_store %arg5[%swap3A_25], %swap3A_28 {strides = array<i32>} : memref<128xf32, #tpu.memory_space<vmem>>, vector<16xf32>,
    %broadcast_in_dim3A_29 = arith.constant 1.000000e+00 : f32
    %broadcast_in_dim3A_30 = vector.broadcast %broadcast_in_dim3A_29 : f32 to vector<16xf32>
    %swap3A_31 = arith.constant 80 : index
    %swap3A_32 = tpu.vector_load %arg5[%swap3A_31] {strides = array<i32>} : memref<128xf32, #tpu.memory_space<vmem>>, vector<16xf32>,
    %swap3A_33 = vector.shape_cast %swap3A_32 : vector<16xf32> to vector<16xf32>
    %swap3A_34 = vector.shape_cast %broadcast_in_dim3A_30 : vector<16xf32> to vector<16xf32>
    tpu.vector_store %arg5[%swap3A_31], %swap3A_34 {strides = array<i32>} : memref<128xf32, #tpu.memory_space<vmem>>, vector<16xf32>,
    %broadcast_in_dim3A_35 = arith.constant 1.000000e+00 : f32
    %broadcast_in_dim3A_36 = vector.broadcast %broadcast_in_dim3A_35 : f32 to vector<16xf32>
    %swap3A_37 = arith.constant 96 : index
    %swap3A_38 = tpu.vector_load %arg5[%swap3A_37] {strides = array<i32>} : memref<128xf32, #tpu.memory_space<vmem>>, vector<16xf32>,
    %swap3A_39 = vector.shape_cast %swap3A_38 : vector<16xf32> to vector<16xf32>
    %swap3A_40 = vector.shape_cast %broadcast_in_dim3A_36 : vector<16xf32> to vector<16xf32>
    tpu.vector_store %arg5[%swap3A_37], %swap3A_40 {strides = array<i32>} : memref<128xf32, #tpu.memory_space<vmem>>, vector<16xf32>,
    %broadcast_in_dim3A_41 = arith.constant 1.000000e+00 : f32
    %broadcast_in_dim3A_42 = vector.broadcast %broadcast_in_dim3A_41 : f32 to vector<16xf32>
    %swap3A_43 = arith.constant 112 : index
    %swap3A_44 = tpu.vector_load %arg5[%swap3A_43] {strides = array<i32>} : memref<128xf32, #tpu.memory_space<vmem>>, vector<16xf32>,
    %swap3A_45 = vector.shape_cast %swap3A_44 : vector<16xf32> to vector<16xf32>
    %swap3A_46 = vector.shape_cast %broadcast_in_dim3A_42 : vector<16xf32> to vector<16xf32>
    tpu.vector_store %arg5[%swap3A_43], %swap3A_46 {strides = array<i32>} : memref<128xf32, #tpu.memory_space<vmem>>, vector<16xf32>,
    %broadcast_in_dim3A_47 = arith.constant 0.000000e+00 : f32
    %broadcast_in_dim3A_48 = vector.broadcast %broadcast_in_dim3A_47 : f32 to vector<16xf32>
    %swap3A_49 = arith.constant 0 : index
    %swap3A_50 = tpu.vector_load %arg6[%swap3A_49] {strides = array<i32>} : memref<640xf32, #tpu.memory_space<vmem>>, vector<16xf32>,
    %swap3A_51 = vector.shape_cast %swap3A_50 : vector<16xf32> to vector<16xf32>
    %swap3A_52 = vector.shape_cast %broadcast_in_dim3A_48 : vector<16xf32> to vector<16xf32>
    tpu.vector_store %arg6[%swap3A_49], %swap3A_52 {strides = array<i32>} : memref<640xf32, #tpu.memory_space<vmem>>, vector<16xf32>,
    %broadcast_in_dim3A_53 = arith.constant 0.000000e+00 : f32
    %broadcast_in_dim3A_54 = vector.broadcast %broadcast_in_dim3A_53 : f32 to vector<16xf32>
    %swap3A_55 = arith.constant 16 : index
    %swap3A_56 = tpu.vector_load %arg6[%swap3A_55] {strides = array<i32>} : memref<640xf32, #tpu.memory_space<vmem>>, vector<16xf32>,
    %swap3A_57 = vector.shape_cast %swap3A_56 : vector<16xf32> to vector<16xf32>
    %swap3A_58 = vector.shape_cast %broadcast_in_dim3A_54 : vector<16xf32> to vector<16xf32>
    tpu.vector_store %arg6[%swap3A_55], %swap3A_58 {strides = array<i32>} : memref<640xf32, #tpu.memory_space<vmem>>, vector<16xf32>,
    %broadcast_in_dim3A_59 = arith.constant 0.000000e+00 : f32
    %broadcast_in_dim3A_60 = vector.broadcast %broadcast_in_dim3A_59 : f32 to vector<16xf32>
    %swap3A_61 = arith.constant 32 : index
    %swap3A_62 = tpu.vector_load %arg6[%swap3A_61] {strides = array<i32>} : memref<640xf32, #tpu.memory_space<vmem>>, vector<16xf32>,
    %swap3A_63 = vector.shape_cast %swap3A_62 : vector<16xf32> to vector<16xf32>
    %swap3A_64 = vector.shape_cast %broadcast_in_dim3A_60 : vector<16xf32> to vector<16xf32>
    tpu.vector_store %arg6[%swap3A_61], %swap3A_64 {strides = array<i32>} : memref<640xf32, #tpu.memory_space<vmem>>, vector<16xf32>,
    %broadcast_in_dim3A_65 = arith.constant 0.000000e+00 : f32
    %broadcast_in_dim3A_66 = vector.broadcast %broadcast_in_dim3A_65 : f32 to vector<16xf32>
    %swap3A_67 = arith.constant 48 : index
    %swap3A_68 = tpu.vector_load %arg6[%swap3A_67] {strides = array<i32>} : memref<640xf32, #tpu.memory_space<vmem>>, vector<16xf32>,
    %swap3A_69 = vector.shape_cast %swap3A_68 : vector<16xf32> to vector<16xf32>
    %swap3A_70 = vector.shape_cast %broadcast_in_dim3A_66 : vector<16xf32> to vector<16xf32>
    tpu.vector_store %arg6[%swap3A_67], %swap3A_70 {strides = array<i32>} : memref<640xf32, #tpu.memory_space<vmem>>, vector<16xf32>,
    %broadcast_in_dim3A_71 = arith.constant 0.000000e+00 : f32
    %broadcast_in_dim3A_72 = vector.broadcast %broadcast_in_dim3A_71 : f32 to vector<16xf32>
    %swap3A_73 = arith.constant 64 : index
    %swap3A_74 = tpu.vector_load %arg6[%swap3A_73] {strides = array<i32>} : memref<640xf32, #tpu.memory_space<vmem>>, vector<16xf32>,
    %swap3A_75 = vector.shape_cast %swap3A_74 : vector<16xf32> to vector<16xf32>
    %swap3A_76 = vector.shape_cast %broadcast_in_dim3A_72 : vector<16xf32> to vector<16xf32>
    tpu.vector_store %arg6[%swap3A_73], %swap3A_76 {strides = array<i32>} : memref<640xf32, #tpu.memory_space<vmem>>, vector<16xf32>,
    %broadcast_in_dim3A_77 = arith.constant 0.000000e+00 : f32
    %broadcast_in_dim3A_78 = vector.broadcast %broadcast_in_dim3A_77 : f32 to vector<16xf32>
    %swap3A_79 = arith.constant 80 : index
    %swap3A_80 = tpu.vector_load %arg6[%swap3A_79] {strides = array<i32>} : memref<640xf32, #tpu.memory_space<vmem>>, vector<16xf32>,
    %swap3A_81 = vector.shape_cast %swap3A_80 : vector<16xf32> to vector<16xf32>
    %swap3A_82 = vector.shape_cast %broadcast_in_dim3A_78 : vector<16xf32> to vector<16xf32>
    tpu.vector_store %arg6[%swap3A_79], %swap3A_82 {strides = array<i32>} : memref<640xf32, #tpu.memory_space<vmem>>, vector<16xf32>,
    %broadcast_in_dim3A_83 = arith.constant 0.000000e+00 : f32
    %broadcast_in_dim3A_84 = vector.broadcast %broadcast_in_dim3A_83 : f32 to vector<16xf32>
    %swap3A_85 = arith.constant 96 : index
    %swap3A_86 = tpu.vector_load %arg6[%swap3A_85] {strides = array<i32>} : memref<640xf32, #tpu.memory_space<vmem>>, vector<16xf32>,
    %swap3A_87 = vector.shape_cast %swap3A_86 : vector<16xf32> to vector<16xf32>
    %swap3A_88 = vector.shape_cast %broadcast_in_dim3A_84 : vector<16xf32> to vector<16xf32>
    tpu.vector_store %arg6[%swap3A_85], %swap3A_88 {strides = array<i32>} : memref<640xf32, #tpu.memory_space<vmem>>, vector<16xf32>,
    %broadcast_in_dim3A_89 = arith.constant 0.000000e+00 : f32
    %broadcast_in_dim3A_90 = vector.broadcast %broadcast_in_dim3A_89 : f32 to vector<16xf32>
    %swap3A_91 = arith.constant 112 : index
    %swap3A_92 = tpu.vector_load %arg6[%swap3A_91] {strides = array<i32>} : memref<640xf32, #tpu.memory_space<vmem>>, vector<16xf32>,
    %swap3A_93 = vector.shape_cast %swap3A_92 : vector<16xf32> to vector<16xf32>
    %swap3A_94 = vector.shape_cast %broadcast_in_dim3A_90 : vector<16xf32> to vector<16xf32>
    tpu.vector_store %arg6[%swap3A_91], %swap3A_94 {strides = array<i32>} : memref<640xf32, #tpu.memory_space<vmem>>, vector<16xf32>,
    %broadcast_in_dim3A_95 = arith.constant 0.000000e+00 : f32
    %broadcast_in_dim3A_96 = vector.broadcast %broadcast_in_dim3A_95 : f32 to vector<16xf32>
    %swap3A_97 = arith.constant 128 : index
    %swap3A_98 = tpu.vector_load %arg6[%swap3A_97] {strides = array<i32>} : memref<640xf32, #tpu.memory_space<vmem>>, vector<16xf32>,
    %swap3A_99 = vector.shape_cast %swap3A_98 : vector<16xf32> to vector<16xf32>
    %swap3A_100 = vector.shape_cast %broadcast_in_dim3A_96 : vector<16xf32> to vector<16xf32>
    tpu.vector_store %arg6[%swap3A_97], %swap3A_100 {strides = array<i32>} : memref<640xf32, #tpu.memory_space<vmem>>, vector<16xf32>,
    %broadcast_in_dim3A_101 = arith.constant 0.000000e+00 : f32
    %broadcast_in_dim3A_102 = vector.broadcast %broadcast_in_dim3A_101 : f32 to vector<16xf32>
    %swap3A_103 = arith.constant 144 : index
    %swap3A_104 = tpu.vector_load %arg6[%swap3A_103] {strides = array<i32>} : memref<640xf32, #tpu.memory_space<vmem>>, vector<16xf32>,
    %swap3A_105 = vector.shape_cast %swap3A_104 : vector<16xf32> to vector<16xf32>
    %swap3A_106 = vector.shape_cast %broadcast_in_dim3A_102 : vector<16xf32> to vector<16xf32>
    tpu.vector_store %arg6[%swap3A_103], %swap3A_106 {strides = array<i32>} : memref<640xf32, #tpu.memory_space<vmem>>, vector<16xf32>,
    %broadcast_in_dim3A_107 = arith.constant 0.000000e+00 : f32
    %broadcast_in_dim3A_108 = vector.broadcast %broadcast_in_dim3A_107 : f32 to vector<16xf32>
    %swap3A_109 = arith.constant 160 : index
    %swap3A_110 = tpu.vector_load %arg6[%swap3A_109] {strides = array<i32>} : memref<640xf32, #tpu.memory_space<vmem>>, vector<16xf32>,
    %swap3A_111 = vector.shape_cast %swap3A_110 : vector<16xf32> to vector<16xf32>
    %swap3A_112 = vector.shape_cast %broadcast_in_dim3A_108 : vector<16xf32> to vector<16xf32>
    tpu.vector_store %arg6[%swap3A_109], %swap3A_112 {strides = array<i32>} : memref<640xf32, #tpu.memory_space<vmem>>, vector<16xf32>,
    %broadcast_in_dim3A_113 = arith.constant 0.000000e+00 : f32
    %broadcast_in_dim3A_114 = vector.broadcast %broadcast_in_dim3A_113 : f32 to vector<16xf32>
    %swap3A_115 = arith.constant 176 : index
    %swap3A_116 = tpu.vector_load %arg6[%swap3A_115] {strides = array<i32>} : memref<640xf32, #tpu.memory_space<vmem>>, vector<16xf32>,
    %swap3A_117 = vector.shape_cast %swap3A_116 : vector<16xf32> to vector<16xf32>
    %swap3A_118 = vector.shape_cast %broadcast_in_dim3A_114 : vector<16xf32> to vector<16xf32>
    tpu.vector_store %arg6[%swap3A_115], %swap3A_118 {strides = array<i32>} : memref<640xf32, #tpu.memory_space<vmem>>, vector<16xf32>,
    %broadcast_in_dim3A_119 = arith.constant 0.000000e+00 : f32
    %broadcast_in_dim3A_120 = vector.broadcast %broadcast_in_dim3A_119 : f32 to vector<16xf32>
    %swap3A_121 = arith.constant 192 : index
    %swap3A_122 = tpu.vector_load %arg6[%swap3A_121] {strides = array<i32>} : memref<640xf32, #tpu.memory_space<vmem>>, vector<16xf32>,
    %swap3A_123 = vector.shape_cast %swap3A_122 : vector<16xf32> to vector<16xf32>
    %swap3A_124 = vector.shape_cast %broadcast_in_dim3A_120 : vector<16xf32> to vector<16xf32>
    tpu.vector_store %arg6[%swap3A_121], %swap3A_124 {strides = array<i32>} : memref<640xf32, #tpu.memory_space<vmem>>, vector<16xf32>,
    %broadcast_in_dim3A_125 = arith.constant 0.000000e+00 : f32
    %broadcast_in_dim3A_126 = vector.broadcast %broadcast_in_dim3A_125 : f32 to vector<16xf32>
    %swap3A_127 = arith.constant 208 : index
    %swap3A_128 = tpu.vector_load %arg6[%swap3A_127] {strides = array<i32>} : memref<640xf32, #tpu.memory_space<vmem>>, vector<16xf32>,
    %swap3A_129 = vector.shape_cast %swap3A_128 : vector<16xf32> to vector<16xf32>
    %swap3A_130 = vector.shape_cast %broadcast_in_dim3A_126 : vector<16xf32> to vector<16xf32>
    tpu.vector_store %arg6[%swap3A_127], %swap3A_130 {strides = array<i32>} : memref<640xf32, #tpu.memory_space<vmem>>, vector<16xf32>,
    %broadcast_in_dim3A_131 = arith.constant 0.000000e+00 : f32
    %broadcast_in_dim3A_132 = vector.broadcast %broadcast_in_dim3A_131 : f32 to vector<16xf32>
    %swap3A_133 = arith.constant 224 : index
    %swap3A_134 = tpu.vector_load %arg6[%swap3A_133] {strides = array<i32>} : memref<640xf32, #tpu.memory_space<vmem>>, vector<16xf32>,
    %swap3A_135 = vector.shape_cast %swap3A_134 : vector<16xf32> to vector<16xf32>
    %swap3A_136 = vector.shape_cast %broadcast_in_dim3A_132 : vector<16xf32> to vector<16xf32>
    tpu.vector_store %arg6[%swap3A_133], %swap3A_136 {strides = array<i32>} : memref<640xf32, #tpu.memory_space<vmem>>, vector<16xf32>,
    %broadcast_in_dim3A_137 = arith.constant 0.000000e+00 : f32
    %broadcast_in_dim3A_138 = vector.broadcast %broadcast_in_dim3A_137 : f32 to vector<16xf32>
    %swap3A_139 = arith.constant 240 : index
    %swap3A_140 = tpu.vector_load %arg6[%swap3A_139] {strides = array<i32>} : memref<640xf32, #tpu.memory_space<vmem>>, vector<16xf32>,
    %swap3A_141 = vector.shape_cast %swap3A_140 : vector<16xf32> to vector<16xf32>
    %swap3A_142 = vector.shape_cast %broadcast_in_dim3A_138 : vector<16xf32> to vector<16xf32>
    tpu.vector_store %arg6[%swap3A_139], %swap3A_142 {strides = array<i32>} : memref<640xf32, #tpu.memory_space<vmem>>, vector<16xf32>,
    %broadcast_in_dim3A_143 = arith.constant 0.000000e+00 : f32
    %broadcast_in_dim3A_144 = vector.broadcast %broadcast_in_dim3A_143 : f32 to vector<16xf32>
    %swap3A_145 = arith.constant 256 : index
    %swap3A_146 = tpu.vector_load %arg6[%swap3A_145] {strides = array<i32>} : memref<640xf32, #tpu.memory_space<vmem>>, vector<16xf32>,
    %swap3A_147 = vector.shape_cast %swap3A_146 : vector<16xf32> to vector<16xf32>
    %swap3A_148 = vector.shape_cast %broadcast_in_dim3A_144 : vector<16xf32> to vector<16xf32>
    tpu.vector_store %arg6[%swap3A_145], %swap3A_148 {strides = array<i32>} : memref<640xf32, #tpu.memory_space<vmem>>, vector<16xf32>,
    %broadcast_in_dim3A_149 = arith.constant 0.000000e+00 : f32
    %broadcast_in_dim3A_150 = vector.broadcast %broadcast_in_dim3A_149 : f32 to vector<16xf32>
    %swap3A_151 = arith.constant 272 : index
    %swap3A_152 = tpu.vector_load %arg6[%swap3A_151] {strides = array<i32>} : memref<640xf32, #tpu.memory_space<vmem>>, vector<16xf32>,
    %swap3A_153 = vector.shape_cast %swap3A_152 : vector<16xf32> to vector<16xf32>
    %swap3A_154 = vector.shape_cast %broadcast_in_dim3A_150 : vector<16xf32> to vector<16xf32>
    tpu.vector_store %arg6[%swap3A_151], %swap3A_154 {strides = array<i32>} : memref<640xf32, #tpu.memory_space<vmem>>, vector<16xf32>,
    %broadcast_in_dim3A_155 = arith.constant 0.000000e+00 : f32
    %broadcast_in_dim3A_156 = vector.broadcast %broadcast_in_dim3A_155 : f32 to vector<16xf32>
    %swap3A_157 = arith.constant 288 : index
    %swap3A_158 = tpu.vector_load %arg6[%swap3A_157] {strides = array<i32>} : memref<640xf32, #tpu.memory_space<vmem>>, vector<16xf32>,
    %swap3A_159 = vector.shape_cast %swap3A_158 : vector<16xf32> to vector<16xf32>
    %swap3A_160 = vector.shape_cast %broadcast_in_dim3A_156 : vector<16xf32> to vector<16xf32>
    tpu.vector_store %arg6[%swap3A_157], %swap3A_160 {strides = array<i32>} : memref<640xf32, #tpu.memory_space<vmem>>, vector<16xf32>,
    %broadcast_in_dim3A_161 = arith.constant 0.000000e+00 : f32
    %broadcast_in_dim3A_162 = vector.broadcast %broadcast_in_dim3A_161 : f32 to vector<16xf32>
    %swap3A_163 = arith.constant 304 : index
    %swap3A_164 = tpu.vector_load %arg6[%swap3A_163] {strides = array<i32>} : memref<640xf32, #tpu.memory_space<vmem>>, vector<16xf32>,
    %swap3A_165 = vector.shape_cast %swap3A_164 : vector<16xf32> to vector<16xf32>
    %swap3A_166 = vector.shape_cast %broadcast_in_dim3A_162 : vector<16xf32> to vector<16xf32>
    tpu.vector_store %arg6[%swap3A_163], %swap3A_166 {strides = array<i32>} : memref<640xf32, #tpu.memory_space<vmem>>, vector<16xf32>,
    %broadcast_in_dim3A_167 = arith.constant 0.000000e+00 : f32
    %broadcast_in_dim3A_168 = vector.broadcast %broadcast_in_dim3A_167 : f32 to vector<16xf32>
    %swap3A_169 = arith.constant 320 : index
    %swap3A_170 = tpu.vector_load %arg6[%swap3A_169] {strides = array<i32>} : memref<640xf32, #tpu.memory_space<vmem>>, vector<16xf32>,
    %swap3A_171 = vector.shape_cast %swap3A_170 : vector<16xf32> to vector<16xf32>
    %swap3A_172 = vector.shape_cast %broadcast_in_dim3A_168 : vector<16xf32> to vector<16xf32>
    tpu.vector_store %arg6[%swap3A_169], %swap3A_172 {strides = array<i32>} : memref<640xf32, #tpu.memory_space<vmem>>, vector<16xf32>,
    %broadcast_in_dim3A_173 = arith.constant 0.000000e+00 : f32
    %broadcast_in_dim3A_174 = vector.broadcast %broadcast_in_dim3A_173 : f32 to vector<16xf32>
    %swap3A_175 = arith.constant 336 : index
    %swap3A_176 = tpu.vector_load %arg6[%swap3A_175] {strides = array<i32>} : memref<640xf32, #tpu.memory_space<vmem>>, vector<16xf32>,
    %swap3A_177 = vector.shape_cast %swap3A_176 : vector<16xf32> to vector<16xf32>
    %swap3A_178 = vector.shape_cast %broadcast_in_dim3A_174 : vector<16xf32> to vector<16xf32>
    tpu.vector_store %arg6[%swap3A_175], %swap3A_178 {strides = array<i32>} : memref<640xf32, #tpu.memory_space<vmem>>, vector<16xf32>,
    %broadcast_in_dim3A_179 = arith.constant 0.000000e+00 : f32
    %broadcast_in_dim3A_180 = vector.broadcast %broadcast_in_dim3A_179 : f32 to vector<16xf32>
    %swap3A_181 = arith.constant 352 : index
    %swap3A_182 = tpu.vector_load %arg6[%swap3A_181] {strides = array<i32>} : memref<640xf32, #tpu.memory_space<vmem>>, vector<16xf32>,
    %swap3A_183 = vector.shape_cast %swap3A_182 : vector<16xf32> to vector<16xf32>
    %swap3A_184 = vector.shape_cast %broadcast_in_dim3A_180 : vector<16xf32> to vector<16xf32>
    tpu.vector_store %arg6[%swap3A_181], %swap3A_184 {strides = array<i32>} : memref<640xf32, #tpu.memory_space<vmem>>, vector<16xf32>,
    %broadcast_in_dim3A_185 = arith.constant 0.000000e+00 : f32
    %broadcast_in_dim3A_186 = vector.broadcast %broadcast_in_dim3A_185 : f32 to vector<16xf32>
    %swap3A_187 = arith.constant 368 : index
    %swap3A_188 = tpu.vector_load %arg6[%swap3A_187] {strides = array<i32>} : memref<640xf32, #tpu.memory_space<vmem>>, vector<16xf32>,
    %swap3A_189 = vector.shape_cast %swap3A_188 : vector<16xf32> to vector<16xf32>
    %swap3A_190 = vector.shape_cast %broadcast_in_dim3A_186 : vector<16xf32> to vector<16xf32>
    tpu.vector_store %arg6[%swap3A_187], %swap3A_190 {strides = array<i32>} : memref<640xf32, #tpu.memory_space<vmem>>, vector<16xf32>,
    %broadcast_in_dim3A_191 = arith.constant 0.000000e+00 : f32
    %broadcast_in_dim3A_192 = vector.broadcast %broadcast_in_dim3A_191 : f32 to vector<16xf32>
    %swap3A_193 = arith.constant 384 : index
    %swap3A_194 = tpu.vector_load %arg6[%swap3A_193] {strides = array<i32>} : memref<640xf32, #tpu.memory_space<vmem>>, vector<16xf32>,
    %swap3A_195 = vector.shape_cast %swap3A_194 : vector<16xf32> to vector<16xf32>
    %swap3A_196 = vector.shape_cast %broadcast_in_dim3A_192 : vector<16xf32> to vector<16xf32>
    tpu.vector_store %arg6[%swap3A_193], %swap3A_196 {strides = array<i32>} : memref<640xf32, #tpu.memory_space<vmem>>, vector<16xf32>,
    %broadcast_in_dim3A_197 = arith.constant 0.000000e+00 : f32
    %broadcast_in_dim3A_198 = vector.broadcast %broadcast_in_dim3A_197 : f32 to vector<16xf32>
    %swap3A_199 = arith.constant 400 : index
    %swap3A_200 = tpu.vector_load %arg6[%swap3A_199] {strides = array<i32>} : memref<640xf32, #tpu.memory_space<vmem>>, vector<16xf32>,
    %swap3A_201 = vector.shape_cast %swap3A_200 : vector<16xf32> to vector<16xf32>
    %swap3A_202 = vector.shape_cast %broadcast_in_dim3A_198 : vector<16xf32> to vector<16xf32>
    tpu.vector_store %arg6[%swap3A_199], %swap3A_202 {strides = array<i32>} : memref<640xf32, #tpu.memory_space<vmem>>, vector<16xf32>,
    %broadcast_in_dim3A_203 = arith.constant 0.000000e+00 : f32
    %broadcast_in_dim3A_204 = vector.broadcast %broadcast_in_dim3A_203 : f32 to vector<16xf32>
    %swap3A_205 = arith.constant 416 : index
    %swap3A_206 = tpu.vector_load %arg6[%swap3A_205] {strides = array<i32>} : memref<640xf32, #tpu.memory_space<vmem>>, vector<16xf32>,
    %swap3A_207 = vector.shape_cast %swap3A_206 : vector<16xf32> to vector<16xf32>
    %swap3A_208 = vector.shape_cast %broadcast_in_dim3A_204 : vector<16xf32> to vector<16xf32>
    tpu.vector_store %arg6[%swap3A_205], %swap3A_208 {strides = array<i32>} : memref<640xf32, #tpu.memory_space<vmem>>, vector<16xf32>,
    %broadcast_in_dim3A_209 = arith.constant 0.000000e+00 : f32
    %broadcast_in_dim3A_210 = vector.broadcast %broadcast_in_dim3A_209 : f32 to vector<16xf32>
    %swap3A_211 = arith.constant 432 : index
    %swap3A_212 = tpu.vector_load %arg6[%swap3A_211] {strides = array<i32>} : memref<640xf32, #tpu.memory_space<vmem>>, vector<16xf32>,
    %swap3A_213 = vector.shape_cast %swap3A_212 : vector<16xf32> to vector<16xf32>
    %swap3A_214 = vector.shape_cast %broadcast_in_dim3A_210 : vector<16xf32> to vector<16xf32>
    tpu.vector_store %arg6[%swap3A_211], %swap3A_214 {strides = array<i32>} : memref<640xf32, #tpu.memory_space<vmem>>, vector<16xf32>,
    %broadcast_in_dim3A_215 = arith.constant 0.000000e+00 : f32
    %broadcast_in_dim3A_216 = vector.broadcast %broadcast_in_dim3A_215 : f32 to vector<16xf32>
    %swap3A_217 = arith.constant 448 : index
    %swap3A_218 = tpu.vector_load %arg6[%swap3A_217] {strides = array<i32>} : memref<640xf32, #tpu.memory_space<vmem>>, vector<16xf32>,
    %swap3A_219 = vector.shape_cast %swap3A_218 : vector<16xf32> to vector<16xf32>
    %swap3A_220 = vector.shape_cast %broadcast_in_dim3A_216 : vector<16xf32> to vector<16xf32>
    tpu.vector_store %arg6[%swap3A_217], %swap3A_220 {strides = array<i32>} : memref<640xf32, #tpu.memory_space<vmem>>, vector<16xf32>,
    %broadcast_in_dim3A_221 = arith.constant 0.000000e+00 : f32
    %broadcast_in_dim3A_222 = vector.broadcast %broadcast_in_dim3A_221 : f32 to vector<16xf32>
    %swap3A_223 = arith.constant 464 : index
    %swap3A_224 = tpu.vector_load %arg6[%swap3A_223] {strides = array<i32>} : memref<640xf32, #tpu.memory_space<vmem>>, vector<16xf32>,
    %swap3A_225 = vector.shape_cast %swap3A_224 : vector<16xf32> to vector<16xf32>
    %swap3A_226 = vector.shape_cast %broadcast_in_dim3A_222 : vector<16xf32> to vector<16xf32>
    tpu.vector_store %arg6[%swap3A_223], %swap3A_226 {strides = array<i32>} : memref<640xf32, #tpu.memory_space<vmem>>, vector<16xf32>,
    %broadcast_in_dim3A_227 = arith.constant 0.000000e+00 : f32
    %broadcast_in_dim3A_228 = vector.broadcast %broadcast_in_dim3A_227 : f32 to vector<16xf32>
    %swap3A_229 = arith.constant 480 : index
    %swap3A_230 = tpu.vector_load %arg6[%swap3A_229] {strides = array<i32>} : memref<640xf32, #tpu.memory_space<vmem>>, vector<16xf32>,
    %swap3A_231 = vector.shape_cast %swap3A_230 : vector<16xf32> to vector<16xf32>
    %swap3A_232 = vector.shape_cast %broadcast_in_dim3A_228 : vector<16xf32> to vector<16xf32>
    tpu.vector_store %arg6[%swap3A_229], %swap3A_232 {strides = array<i32>} : memref<640xf32, #tpu.memory_space<vmem>>, vector<16xf32>,
    %broadcast_in_dim3A_233 = arith.constant 0.000000e+00 : f32
    %broadcast_in_dim3A_234 = vector.broadcast %broadcast_in_dim3A_233 : f32 to vector<16xf32>
    %swap3A_235 = arith.constant 496 : index
    %swap3A_236 = tpu.vector_load %arg6[%swap3A_235] {strides = array<i32>} : memref<640xf32, #tpu.memory_space<vmem>>, vector<16xf32>,
    %swap3A_237 = vector.shape_cast %swap3A_236 : vector<16xf32> to vector<16xf32>
    %swap3A_238 = vector.shape_cast %broadcast_in_dim3A_234 : vector<16xf32> to vector<16xf32>
    tpu.vector_store %arg6[%swap3A_235], %swap3A_238 {strides = array<i32>} : memref<640xf32, #tpu.memory_space<vmem>>, vector<16xf32>,
    %broadcast_in_dim3A_239 = arith.constant 0.000000e+00 : f32
    %broadcast_in_dim3A_240 = vector.broadcast %broadcast_in_dim3A_239 : f32 to vector<16xf32>
    %swap3A_241 = arith.constant 512 : index
    %swap3A_242 = tpu.vector_load %arg6[%swap3A_241] {strides = array<i32>} : memref<640xf32, #tpu.memory_space<vmem>>, vector<16xf32>,
    %swap3A_243 = vector.shape_cast %swap3A_242 : vector<16xf32> to vector<16xf32>
    %swap3A_244 = vector.shape_cast %broadcast_in_dim3A_240 : vector<16xf32> to vector<16xf32>
    tpu.vector_store %arg6[%swap3A_241], %swap3A_244 {strides = array<i32>} : memref<640xf32, #tpu.memory_space<vmem>>, vector<16xf32>,
    %broadcast_in_dim3A_245 = arith.constant 0.000000e+00 : f32
    %broadcast_in_dim3A_246 = vector.broadcast %broadcast_in_dim3A_245 : f32 to vector<16xf32>
    %swap3A_247 = arith.constant 528 : index
    %swap3A_248 = tpu.vector_load %arg6[%swap3A_247] {strides = array<i32>} : memref<640xf32, #tpu.memory_space<vmem>>, vector<16xf32>,
    %swap3A_249 = vector.shape_cast %swap3A_248 : vector<16xf32> to vector<16xf32>
    %swap3A_250 = vector.shape_cast %broadcast_in_dim3A_246 : vector<16xf32> to vector<16xf32>
    tpu.vector_store %arg6[%swap3A_247], %swap3A_250 {strides = array<i32>} : memref<640xf32, #tpu.memory_space<vmem>>, vector<16xf32>,
    %broadcast_in_dim3A_251 = arith.constant 0.000000e+00 : f32
    %broadcast_in_dim3A_252 = vector.broadcast %broadcast_in_dim3A_251 : f32 to vector<16xf32>
    %swap3A_253 = arith.constant 544 : index
    %swap3A_254 = tpu.vector_load %arg6[%swap3A_253] {strides = array<i32>} : memref<640xf32, #tpu.memory_space<vmem>>, vector<16xf32>,
    %swap3A_255 = vector.shape_cast %swap3A_254 : vector<16xf32> to vector<16xf32>
    %swap3A_256 = vector.shape_cast %broadcast_in_dim3A_252 : vector<16xf32> to vector<16xf32>
    tpu.vector_store %arg6[%swap3A_253], %swap3A_256 {strides = array<i32>} : memref<640xf32, #tpu.memory_space<vmem>>, vector<16xf32>,
    %broadcast_in_dim3A_257 = arith.constant 0.000000e+00 : f32
    %broadcast_in_dim3A_258 = vector.broadcast %broadcast_in_dim3A_257 : f32 to vector<16xf32>
    %swap3A_259 = arith.constant 560 : index
    %swap3A_260 = tpu.vector_load %arg6[%swap3A_259] {strides = array<i32>} : memref<640xf32, #tpu.memory_space<vmem>>, vector<16xf32>,
    %swap3A_261 = vector.shape_cast %swap3A_260 : vector<16xf32> to vector<16xf32>
    %swap3A_262 = vector.shape_cast %broadcast_in_dim3A_258 : vector<16xf32> to vector<16xf32>
    tpu.vector_store %arg6[%swap3A_259], %swap3A_262 {strides = array<i32>} : memref<640xf32, #tpu.memory_space<vmem>>, vector<16xf32>,
    %broadcast_in_dim3A_263 = arith.constant 0.000000e+00 : f32
    %broadcast_in_dim3A_264 = vector.broadcast %broadcast_in_dim3A_263 : f32 to vector<16xf32>
    %swap3A_265 = arith.constant 576 : index
    %swap3A_266 = tpu.vector_load %arg6[%swap3A_265] {strides = array<i32>} : memref<640xf32, #tpu.memory_space<vmem>>, vector<16xf32>,
    %swap3A_267 = vector.shape_cast %swap3A_266 : vector<16xf32> to vector<16xf32>
    %swap3A_268 = vector.shape_cast %broadcast_in_dim3A_264 : vector<16xf32> to vector<16xf32>
    tpu.vector_store %arg6[%swap3A_265], %swap3A_268 {strides = array<i32>} : memref<640xf32, #tpu.memory_space<vmem>>, vector<16xf32>,
    %broadcast_in_dim3A_269 = arith.constant 0.000000e+00 : f32
    %broadcast_in_dim3A_270 = vector.broadcast %broadcast_in_dim3A_269 : f32 to vector<16xf32>
    %swap3A_271 = arith.constant 592 : index
    %swap3A_272 = tpu.vector_load %arg6[%swap3A_271] {strides = array<i32>} : memref<640xf32, #tpu.memory_space<vmem>>, vector<16xf32>,
    %swap3A_273 = vector.shape_cast %swap3A_272 : vector<16xf32> to vector<16xf32>
    %swap3A_274 = vector.shape_cast %broadcast_in_dim3A_270 : vector<16xf32> to vector<16xf32>
    tpu.vector_store %arg6[%swap3A_271], %swap3A_274 {strides = array<i32>} : memref<640xf32, #tpu.memory_space<vmem>>, vector<16xf32>,
    %broadcast_in_dim3A_275 = arith.constant 0.000000e+00 : f32
    %broadcast_in_dim3A_276 = vector.broadcast %broadcast_in_dim3A_275 : f32 to vector<16xf32>
    %swap3A_277 = arith.constant 608 : index
    %swap3A_278 = tpu.vector_load %arg6[%swap3A_277] {strides = array<i32>} : memref<640xf32, #tpu.memory_space<vmem>>, vector<16xf32>,
    %swap3A_279 = vector.shape_cast %swap3A_278 : vector<16xf32> to vector<16xf32>
    %swap3A_280 = vector.shape_cast %broadcast_in_dim3A_276 : vector<16xf32> to vector<16xf32>
    tpu.vector_store %arg6[%swap3A_277], %swap3A_280 {strides = array<i32>} : memref<640xf32, #tpu.memory_space<vmem>>, vector<16xf32>,
    %broadcast_in_dim3A_281 = arith.constant 0.000000e+00 : f32
    %broadcast_in_dim3A_282 = vector.broadcast %broadcast_in_dim3A_281 : f32 to vector<16xf32>
    %swap3A_283 = arith.constant 624 : index
    %swap3A_284 = tpu.vector_load %arg6[%swap3A_283] {strides = array<i32>} : memref<640xf32, #tpu.memory_space<vmem>>, vector<16xf32>,
    %swap3A_285 = vector.shape_cast %swap3A_284 : vector<16xf32> to vector<16xf32>
    %swap3A_286 = vector.shape_cast %broadcast_in_dim3A_282 : vector<16xf32> to vector<16xf32>
    tpu.vector_store %arg6[%swap3A_283], %swap3A_286 {strides = array<i32>} : memref<640xf32, #tpu.memory_space<vmem>>, vector<16xf32>,
    "tpu.region"() ({
      %run_scoped3A = tpu.sem_alloc : memref<!tpu.dma_semaphore, #tpu.memory_space<semaphore_mem>>
      %dma_start3A = arith.constant 0 : i32
      %dma_start3A_302 = arith.constant 0 : i32
      %dma_start3A_303 = tpu.memref_slice %arg2[%add3A, %dma_start3A, %dma_start3A_302] : memref<32x40x128xi32, #tpu.memory_space<hbm>> -> memref<1x40x128xi32, #tpu.memory_space<hbm>>
      %dma_start3A_304 = tpu.memref_squeeze %dma_start3A_303 : memref<1x40x128xi32, #tpu.memory_space<hbm>> -> memref<40x128xi32, #tpu.memory_space<hbm>>
      %dma_start3A_305 = arith.constant 0 : i32
      %dma_start3A_306 = arith.constant 0 : i32
      %dma_start3A_307 = tpu.memref_slice %arg2[%add3A, %dma_start3A_305, %dma_start3A_306] : memref<32x40x128xi32, #tpu.memory_space<hbm>> -> memref<1x40x128xi32, #tpu.memory_space<hbm>>
      %dma_start3A_308 = tpu.memref_squeeze %dma_start3A_307 : memref<1x40x128xi32, #tpu.memory_space<hbm>> -> memref<40x128xi32, #tpu.memory_space<hbm>>
      tpu.enqueue_dma source(%dma_start3A_308 : memref<40x128xi32, #tpu.memory_space<hbm>>) target(%arg4 : memref<40x128xi32, #tpu.memory_space<vmem>>) target_semaphore(%run_scoped3A : memref<!tpu.dma_semaphore, #tpu.memory_space<semaphore_mem>>)
      %dma_wait3A = arith.constant 0 : i32
      %dma_wait3A_309 = arith.constant 0 : i32
      %dma_wait3A_310 = tpu.memref_slice %arg2[%add3A, %dma_wait3A, %dma_wait3A_309] : memref<32x40x128xi32, #tpu.memory_space<hbm>> -> memref<1x40x128xi32, #tpu.memory_space<hbm>>
      %dma_wait3A_311 = tpu.memref_squeeze %dma_wait3A_310 : memref<1x40x128xi32, #tpu.memory_space<hbm>> -> memref<40x128xi32, #tpu.memory_space<hbm>>
      %dma_wait3A_312 = arith.constant 0 : i32
      %dma_wait3A_313 = arith.constant 0 : i32
      %dma_wait3A_314 = tpu.memref_slice %arg2[%add3A, %dma_wait3A_312, %dma_wait3A_313] : memref<32x40x128xi32, #tpu.memory_space<hbm>> -> memref<1x40x128xi32, #tpu.memory_space<hbm>>
      %dma_wait3A_315 = tpu.memref_squeeze %dma_wait3A_314 : memref<1x40x128xi32, #tpu.memory_space<hbm>> -> memref<40x128xi32, #tpu.memory_space<hbm>>
      tpu.wait_dma2 semaphore(%run_scoped3A : memref<!tpu.dma_semaphore, #tpu.memory_space<semaphore_mem>>) src(%dma_wait3A_315 : memref<40x128xi32, #tpu.memory_space<hbm>>) dst(%arg4 : memref<40x128xi32, #tpu.memory_space<vmem>>)
      tpu.yield
    }) : () -> ()
    %mul3A_287 = arith.constant 640 : i32
    %mul3A_288 = arith.muli %arg1, %mul3A_287 : i32
    "tpu.region"() ({
      %run_scoped3A = tpu.sem_alloc : memref<!tpu.dma_semaphore, #tpu.memory_space<semaphore_mem>>
      %dma_start3A = tpu.memref_slice %arg7[%mul3A_288] : memref<10240xf32, #tpu.memory_space<vmem_shared>> -> memref<640xf32, #tpu.memory_space<vmem_shared>>
      %dma_start3A_302 = tpu.memref_slice %arg7[%mul3A_288] : memref<10240xf32, #tpu.memory_space<vmem_shared>> -> memref<640xf32, #tpu.memory_space<vmem_shared>>
      tpu.enqueue_dma source(%arg6 : memref<640xf32, #tpu.memory_space<vmem>>) target(%dma_start3A_302 : memref<640xf32, #tpu.memory_space<vmem_shared>>) target_semaphore(%run_scoped3A : memref<!tpu.dma_semaphore, #tpu.memory_space<semaphore_mem>>)
      %dma_wait3A = tpu.memref_slice %arg7[%mul3A_288] : memref<10240xf32, #tpu.memory_space<vmem_shared>> -> memref<640xf32, #tpu.memory_space<vmem_shared>>
      %dma_wait3A_303 = tpu.memref_slice %arg7[%mul3A_288] : memref<10240xf32, #tpu.memory_space<vmem_shared>> -> memref<640xf32, #tpu.memory_space<vmem_shared>>
      tpu.wait_dma2 semaphore(%run_scoped3A : memref<!tpu.dma_semaphore, #tpu.memory_space<semaphore_mem>>) src(%arg6 : memref<640xf32, #tpu.memory_space<vmem>>) dst(%dma_wait3A_303 : memref<640xf32, #tpu.memory_space<vmem_shared>>)
      tpu.yield
    }) : () -> ()
    %barrier3A = arith.constant 0 : index
    tpu.barrier barrier_id(%barrier3A)
    %scan3A = arith.constant 0 : i32
    %scan3A_289 = arith.constant 0 : i32
    %scan3A_290 = arith.constant 40 : i32
    %scan3A_291 = arith.addi %scan3A_289, %scan3A_290 : i32
    %scan3A_292 = arith.constant 1 : i32
    scf.for %scan3A_302 = %scan3A_289 to %scan3A_291 step %scan3A_292  : i32 {
      "tpu.region"() ({
        %run_scoped3A = tpu.sem_alloc : memref<!tpu.dma_semaphore, #tpu.memory_space<semaphore_mem>>
        %dma_start3A = arith.constant 0 : i32
        %dma_start3A_303 = tpu.memref_slice %arg4[%scan3A_302, %dma_start3A] : memref<40x128xi32, #tpu.memory_space<vmem>> -> memref<1x128xi32, #tpu.memory_space<vmem>>
        %dma_start3A_304 = tpu.memref_squeeze %dma_start3A_303 : memref<1x128xi32, #tpu.memory_space<vmem>> -> memref<128xi32, #tpu.memory_space<vmem>>
        %dma_start3A_305 = arith.constant 0 : i32
        %dma_start3A_306 = tpu.memref_slice %arg7[%dma_start3A_305] : memref<10240xf32, #tpu.memory_space<vmem_shared>> -> memref<10240xf32, #tpu.memory_space<vmem_shared>>
        tpu.enqueue_indirect_dma source(%arg5 : memref<128xf32, #tpu.memory_space<vmem>>) target(%dma_start3A_306 : memref<10240xf32, #tpu.memory_space<vmem_shared>>) offsets(%dma_start3A_304 : memref<128xi32, #tpu.memory_space<vmem>>) semaphore(%run_scoped3A : memref<!tpu.dma_semaphore, #tpu.memory_space<semaphore_mem>>) {add = true}
        %dma_wait3A = arith.constant 0 : i32
        %dma_wait3A_307 = tpu.memref_slice %arg4[%scan3A_302, %dma_wait3A] : memref<40x128xi32, #tpu.memory_space<vmem>> -> memref<1x128xi32, #tpu.memory_space<vmem>>
        %dma_wait3A_308 = tpu.memref_squeeze %dma_wait3A_307 : memref<1x128xi32, #tpu.memory_space<vmem>> -> memref<128xi32, #tpu.memory_space<vmem>>
        %dma_wait3A_309 = arith.constant 0 : i32
        %dma_wait3A_310 = tpu.memref_slice %arg7[%dma_wait3A_309] : memref<10240xf32, #tpu.memory_space<vmem_shared>> -> memref<10240xf32, #tpu.memory_space<vmem_shared>>
        tpu.wait_indirect_dma semaphore(%run_scoped3A : memref<!tpu.dma_semaphore, #tpu.memory_space<semaphore_mem>>) src(%arg5 : memref<128xf32, #tpu.memory_space<vmem>>) dst(%dma_wait3A_310 : memref<10240xf32, #tpu.memory_space<vmem_shared>>)
        tpu.yield
      }) : () -> ()
    }
    %scan3A_293 = arith.constant 40 : i32
    %barrier3A_294 = arith.constant 0 : index
    tpu.barrier barrier_id(%barrier3A_294)
    %mul3A_295 = arith.constant 640 : i32
    %mul3A_296 = arith.muli %arg1, %mul3A_295 : i32
    %mul3A_297 = arith.constant 10240 : i32
    %mul3A_298 = arith.muli %arg0, %mul3A_297 : i32
    %mul3A_299 = arith.constant 640 : i32
    %mul3A_300 = arith.muli %arg1, %mul3A_299 : i32
    %add3A_301 = arith.addi %mul3A_298, %mul3A_300 : i32
    "tpu.region"() ({
      %run_scoped3A = tpu.sem_alloc : memref<!tpu.dma_semaphore, #tpu.memory_space<semaphore_mem>>
      %dma_start3A = tpu.memref_slice %arg3[%add3A_301] : memref<20480xf32, #tpu.memory_space<hbm>> -> memref<640xf32, #tpu.memory_space<hbm>>
      %dma_start3A_302 = tpu.memref_slice %arg7[%mul3A_296] : memref<10240xf32, #tpu.memory_space<vmem_shared>> -> memref<640xf32, #tpu.memory_space<vmem_shared>>
      tpu.enqueue_dma source(%dma_start3A_302 : memref<640xf32, #tpu.memory_space<vmem_shared>>) target(%dma_start3A : memref<640xf32, #tpu.memory_space<hbm>>) target_semaphore(%run_scoped3A : memref<!tpu.dma_semaphore, #tpu.memory_space<semaphore_mem>>)
      %dma_wait3A = tpu.memref_slice %arg3[%add3A_301] : memref<20480xf32, #tpu.memory_space<hbm>> -> memref<640xf32, #tpu.memory_space<hbm>>
      %dma_wait3A_303 = tpu.memref_slice %arg7[%mul3A_296] : memref<10240xf32, #tpu.memory_space<vmem_shared>> -> memref<640xf32, #tpu.memory_space<vmem_shared>>
      tpu.wait_dma2 semaphore(%run_scoped3A : memref<!tpu.dma_semaphore, #tpu.memory_space<semaphore_mem>>) src(%dma_wait3A_303 : memref<640xf32, #tpu.memory_space<vmem_shared>>) dst(%dma_wait3A : memref<640xf32, #tpu.memory_space<hbm>>)
      tpu.yield
    }) : () -> ()
    return
  }
}

module attributes {stable_mosaic.version = 14 : i64} {
  func.func @_mm1_kernel(%arg0: i32, %arg1: i32, %arg2: memref<2048x256xf32, #tpu.memory_space<vmem>>, %arg3: memref<256x256xf32, #tpu.memory_space<vmem>>, %arg4: memref<2x2048xf32, #tpu.memory_space<vmem>>, %arg5: memref<2x2048x128xf32, #tpu.memory_space<vmem>>) attributes {dimension_semantics = [#tpu.dimension_semantics<arbitrary>, #tpu.dimension_semantics<arbitrary>], iteration_bounds = array<i64: 5, 2>, scalar_prefetch = 0 : i64, scratch_operands = 0 : i64, tpu.core_type = #tpu.core_type<tc>, window_params = [{transform_indices = @transform_0, window_bounds = array<i64: 2048, 256>}, {transform_indices = @transform_1, window_bounds = array<i64: 256, 256>}, {transform_indices = @transform_2, window_bounds = array<i64: 2, 2048>}, {transform_indices = @transform_3, window_bounds = array<i64: 2, 2048, 128>}]} {
    %get3A = arith.constant 0 : index
    %get3A_0 = arith.constant 0 : index
    %get3A_1 = vector.load %arg4[%get3A, %get3A_0] : memref<2x2048xf32, #tpu.memory_space<vmem>>, vector<1x2048xf32>
    %get3A_2 = vector.shape_cast %get3A_1 : vector<1x2048xf32> to vector<2048xf32>
    %get3A_3 = arith.constant 1 : index
    %get3A_4 = arith.constant 0 : index
    %get3A_5 = vector.load %arg4[%get3A_3, %get3A_4] : memref<2x2048xf32, #tpu.memory_space<vmem>>, vector<1x2048xf32>
    %get3A_6 = vector.shape_cast %get3A_5 : vector<1x2048xf32> to vector<2048xf32>
    %add3A = arith.addf %get3A_2, %get3A_6 : vector<2048xf32>
    %add3A_7 = arith.constant 1.000000e+00 : f32
    %add3A_8 = vector.broadcast %add3A_7 : f32 to vector<2048xf32>
    %add3A_9 = arith.addf %add3A, %add3A_8 : vector<2048xf32>
    %max3A = arith.constant 1.000000e+00 : f32
    %max3A_10 = vector.broadcast %max3A : f32 to vector<2048xf32>
    %max3A_11 = arith.maximumf %add3A_9, %max3A_10 : vector<2048xf32>
    %rsqrt3A = math.rsqrt %max3A_11 : vector<2048xf32>
    %get3A_12 = arith.constant 0 : index
    %get3A_13 = arith.constant 0 : index
    %get3A_14 = vector.load %arg2[%get3A_12, %get3A_13] : memref<2048x256xf32, #tpu.memory_space<vmem>>, vector<2048x256xf32>
    %get3A_15 = arith.constant 0 : index
    %get3A_16 = arith.constant 0 : index
    %get3A_17 = vector.load %arg3[%get3A_15, %get3A_16] : memref<256x256xf32, #tpu.memory_space<vmem>>, vector<256x256xf32>
    %dot_general3A = arith.constant dense<0.000000e+00> : vector<2048x256xf32>
    %dot_general3A_18 = tpu.matmul %get3A_14, %get3A_17, %dot_general3A {dimension_numbers = #tpu.dot_dimension_numbers<[1], [0], [0], [1], [0, 0, 1, 1], [], []>, transpose_lhs_hint = false} : vector<2048x256xf32>, vector<256x256xf32>, vector<2048x256xf32> -> vector<2048x256xf32>
    %broadcast_in_dim3A = vector.shape_cast %rsqrt3A : vector<2048xf32> to vector<2048x1xf32>
    %mul3A = vector.broadcast %broadcast_in_dim3A : vector<2048x1xf32> to vector<2048x256xf32>
    %mul3A_19 = arith.mulf %dot_general3A_18, %mul3A : vector<2048x256xf32>
    %slice3A = vector.extract_strided_slice %mul3A_19 {offsets = [0, 0], sizes = [2048, 128], strides = [1, 1]} : vector<2048x256xf32> to vector<2048x128xf32>
    %swap3A = arith.constant 0 : index
    %swap3A_20 = arith.constant 0 : index
    %swap3A_21 = arith.constant 0 : index
    %swap3A_22 = vector.load %arg5[%swap3A, %swap3A_20, %swap3A_21] : memref<2x2048x128xf32, #tpu.memory_space<vmem>>, vector<1x2048x128xf32>
    %swap3A_23 = vector.shape_cast %swap3A_22 : vector<1x2048x128xf32> to vector<2048x128xf32>
    %swap3A_24 = vector.shape_cast %slice3A : vector<2048x128xf32> to vector<1x2048x128xf32>
    tpu.vector_store %arg5[%swap3A, %swap3A_20, %swap3A_21], %swap3A_24 {strides = array<i32>} : memref<2x2048x128xf32, #tpu.memory_space<vmem>>, vector<1x2048x128xf32>,
    %slice3A_25 = vector.extract_strided_slice %mul3A_19 {offsets = [0, 128], sizes = [2048, 128], strides = [1, 1]} : vector<2048x256xf32> to vector<2048x128xf32>
    %swap3A_26 = arith.constant 1 : index
    %swap3A_27 = arith.constant 0 : index
    %swap3A_28 = arith.constant 0 : index
    %swap3A_29 = vector.load %arg5[%swap3A_26, %swap3A_27, %swap3A_28] : memref<2x2048x128xf32, #tpu.memory_space<vmem>>, vector<1x2048x128xf32>
    %swap3A_30 = vector.shape_cast %swap3A_29 : vector<1x2048x128xf32> to vector<2048x128xf32>
    %swap3A_31 = vector.shape_cast %slice3A_25 : vector<2048x128xf32> to vector<1x2048x128xf32>
    tpu.vector_store %arg5[%swap3A_26, %swap3A_27, %swap3A_28], %swap3A_31 {strides = array<i32>} : memref<2x2048x128xf32, #tpu.memory_space<vmem>>, vector<1x2048x128xf32>,
    return
  }
  func.func @transform_0(%arg0: i32, %arg1: i32) -> (i32, i32) {
    %c0_i32 = arith.constant 0 : i32
    %c0_i32_0 = arith.constant 0 : i32
    return %arg0, %c0_i32 : i32, i32
  }
  func.func @transform_1(%arg0: i32, %arg1: i32) -> (i32, i32) {
    %c0_i32 = arith.constant 0 : i32
    %c0_i32_0 = arith.constant 0 : i32
    return %c0_i32, %arg1 : i32, i32
  }
  func.func @transform_2(%arg0: i32, %arg1: i32) -> (i32, i32) {
    %c0_i32 = arith.constant 0 : i32
    %c0_i32_0 = arith.constant 0 : i32
    return %c0_i32, %arg0 : i32, i32
  }
  func.func @transform_3(%arg0: i32, %arg1: i32) -> (i32, i32, i32) {
    %c0_i32 = arith.constant 0 : i32
    %c0_i32_0 = arith.constant 0 : i32
    return %arg1, %arg0, %c0_i32 : i32, i32, i32
  }
}

module attributes {stable_mosaic.version = 14 : i64} {
  func.func @_fin_kernel(%arg0: i32, %arg1: memref<2x2048x128xf32, #tpu.memory_space<vmem>>, %arg2: memref<2048x128xf32, #tpu.memory_space<vmem>>, %arg3: memref<2x2048xf32, #tpu.memory_space<vmem>>, %arg4: memref<1x128xf32, #tpu.memory_space<vmem>>, %arg5: memref<2048x128xf32, #tpu.memory_space<vmem>>) attributes {dimension_semantics = [#tpu.dimension_semantics<arbitrary>], iteration_bounds = array<i64: 5>, scalar_prefetch = 0 : i64, scratch_operands = 0 : i64, tpu.core_type = #tpu.core_type<tc>, window_params = [{transform_indices = @transform_0, window_bounds = array<i64: 2, 2048, 128>}, {transform_indices = @transform_1, window_bounds = array<i64: 2048, 128>}, {transform_indices = @transform_2, window_bounds = array<i64: 2, 2048>}, {pipeline_mode = #tpu.pipeline_mode<synchronous>, transform_indices = @transform_3, window_bounds = array<i64: 1, 128>}, {transform_indices = @transform_4, window_bounds = array<i64: 2048, 128>}]} {
    %get3A = arith.constant 0 : index
    %get3A_0 = arith.constant 0 : index
    %get3A_1 = vector.load %arg3[%get3A, %get3A_0] : memref<2x2048xf32, #tpu.memory_space<vmem>>, vector<1x2048xf32>
    %get3A_2 = vector.shape_cast %get3A_1 : vector<1x2048xf32> to vector<2048xf32>
    %get3A_3 = arith.constant 1 : index
    %get3A_4 = arith.constant 0 : index
    %get3A_5 = vector.load %arg3[%get3A_3, %get3A_4] : memref<2x2048xf32, #tpu.memory_space<vmem>>, vector<1x2048xf32>
    %get3A_6 = vector.shape_cast %get3A_5 : vector<1x2048xf32> to vector<2048xf32>
    %add3A = arith.addf %get3A_2, %get3A_6 : vector<2048xf32>
    %add3A_7 = arith.constant 1.000000e+00 : f32
    %add3A_8 = vector.broadcast %add3A_7 : f32 to vector<2048xf32>
    %add3A_9 = arith.addf %add3A, %add3A_8 : vector<2048xf32>
    %max3A = arith.constant 1.000000e+00 : f32
    %max3A_10 = vector.broadcast %max3A : f32 to vector<2048xf32>
    %max3A_11 = arith.maximumf %add3A_9, %max3A_10 : vector<2048xf32>
    %rsqrt3A = math.rsqrt %max3A_11 : vector<2048xf32>
    %get3A_12 = arith.constant 0 : index
    %get3A_13 = arith.constant 0 : index
    %get3A_14 = arith.constant 0 : index
    %get3A_15 = vector.load %arg1[%get3A_12, %get3A_13, %get3A_14] : memref<2x2048x128xf32, #tpu.memory_space<vmem>>, vector<1x2048x128xf32>
    %get3A_16 = vector.shape_cast %get3A_15 : vector<1x2048x128xf32> to vector<2048x128xf32>
    %get3A_17 = arith.constant 1 : index
    %get3A_18 = arith.constant 0 : index
    %get3A_19 = arith.constant 0 : index
    %get3A_20 = vector.load %arg1[%get3A_17, %get3A_18, %get3A_19] : memref<2x2048x128xf32, #tpu.memory_space<vmem>>, vector<1x2048x128xf32>
    %get3A_21 = vector.shape_cast %get3A_20 : vector<1x2048x128xf32> to vector<2048x128xf32>
    %add3A_22 = arith.addf %get3A_16, %get3A_21 : vector<2048x128xf32>
    %get3A_23 = arith.constant 0 : index
    %get3A_24 = arith.constant 0 : index
    %get3A_25 = vector.load %arg2[%get3A_23, %get3A_24] : memref<2048x128xf32, #tpu.memory_space<vmem>>, vector<2048x128xf32>
    %sub3A = arith.subf %add3A_22, %get3A_25 : vector<2048x128xf32>
    %broadcast_in_dim3A = vector.shape_cast %rsqrt3A : vector<2048xf32> to vector<2048x1xf32>
    %mul3A = vector.broadcast %broadcast_in_dim3A : vector<2048x1xf32> to vector<2048x128xf32>
    %mul3A_26 = arith.mulf %sub3A, %mul3A : vector<2048x128xf32>
    %get3A_27 = arith.constant 0 : index
    %get3A_28 = arith.constant 0 : index
    %get3A_29 = vector.load %arg4[%get3A_27, %get3A_28] : memref<1x128xf32, #tpu.memory_space<vmem>>, vector<1x128xf32>
    %get3A_30 = vector.shape_cast %get3A_29 : vector<1x128xf32> to vector<128xf32>
    %broadcast_in_dim3A_31 = vector.shape_cast %get3A_30 : vector<128xf32> to vector<1x128xf32>
    %add3A_32 = vector.broadcast %broadcast_in_dim3A_31 : vector<1x128xf32> to vector<2048x128xf32>
    %add3A_33 = arith.addf %mul3A_26, %add3A_32 : vector<2048x128xf32>
    %swap3A = arith.constant 0 : index
    %swap3A_34 = arith.constant 0 : index
    %swap3A_35 = vector.load %arg5[%swap3A, %swap3A_34] : memref<2048x128xf32, #tpu.memory_space<vmem>>, vector<2048x128xf32>
    tpu.vector_store %arg5[%swap3A, %swap3A_34], %add3A_33 {strides = array<i32>} : memref<2048x128xf32, #tpu.memory_space<vmem>>, vector<2048x128xf32>,
    return
  }
  func.func @transform_0(%arg0: i32) -> (i32, i32, i32) {
    %c0_i32 = arith.constant 0 : i32
    %c0_i32_0 = arith.constant 0 : i32
    %c0_i32_1 = arith.constant 0 : i32
    return %c0_i32, %arg0, %c0_i32_0 : i32, i32, i32
  }
  func.func @transform_1(%arg0: i32) -> (i32, i32) {
    %c0_i32 = arith.constant 0 : i32
    %c0_i32_0 = arith.constant 0 : i32
    return %arg0, %c0_i32 : i32, i32
  }
  func.func @transform_2(%arg0: i32) -> (i32, i32) {
    %c0_i32 = arith.constant 0 : i32
    %c0_i32_0 = arith.constant 0 : i32
    return %c0_i32, %arg0 : i32, i32
  }
  func.func @transform_3(%arg0: i32) -> (i32, i32) {
    %c0_i32 = arith.constant 0 : i32
    %c0_i32_0 = arith.constant 0 : i32
    %c0_i32_1 = arith.constant 0 : i32
    return %c0_i32, %c0_i32_0 : i32, i32
  }
  func.func @transform_4(%arg0: i32) -> (i32, i32) {
    %c0_i32 = arith.constant 0 : i32
    %c0_i32_0 = arith.constant 0 : i32
    return %arg0, %c0_i32 : i32, i32
  }
}

module attributes {stable_mosaic.version = 14 : i64} {
  func.func @_mid_kernel(%arg0: i32, %arg1: memref<4x2048x128xf32, #tpu.memory_space<vmem>>, %arg2: memref<2x2048xf32, #tpu.memory_space<vmem>>, %arg3: memref<1x512xf32, #tpu.memory_space<vmem>>, %arg4: memref<512x128xf32, #tpu.memory_space<vmem>>, %arg5: memref<2048x512xf32, #tpu.memory_space<vmem>>, %arg6: memref<2048x128xf32, #tpu.memory_space<vmem>>) attributes {dimension_semantics = [#tpu.dimension_semantics<arbitrary>], iteration_bounds = array<i64: 5>, scalar_prefetch = 0 : i64, scratch_operands = 0 : i64, tpu.core_type = #tpu.core_type<tc>, window_params = [{transform_indices = @transform_0, window_bounds = array<i64: 4, 2048, 128>}, {transform_indices = @transform_1, window_bounds = array<i64: 2, 2048>}, {pipeline_mode = #tpu.pipeline_mode<synchronous>, transform_indices = @transform_2, window_bounds = array<i64: 1, 512>}, {pipeline_mode = #tpu.pipeline_mode<synchronous>, transform_indices = @transform_3, window_bounds = array<i64: 512, 128>}, {transform_indices = @transform_4, window_bounds = array<i64: 2048, 512>}, {transform_indices = @transform_5, window_bounds = array<i64: 2048, 128>}]} {
    %get3A = arith.constant 0 : index
    %get3A_0 = arith.constant 0 : index
    %get3A_1 = vector.load %arg2[%get3A, %get3A_0] : memref<2x2048xf32, #tpu.memory_space<vmem>>, vector<1x2048xf32>
    %get3A_2 = vector.shape_cast %get3A_1 : vector<1x2048xf32> to vector<2048xf32>
    %get3A_3 = arith.constant 1 : index
    %get3A_4 = arith.constant 0 : index
    %get3A_5 = vector.load %arg2[%get3A_3, %get3A_4] : memref<2x2048xf32, #tpu.memory_space<vmem>>, vector<1x2048xf32>
    %get3A_6 = vector.shape_cast %get3A_5 : vector<1x2048xf32> to vector<2048xf32>
    %add3A = arith.addf %get3A_2, %get3A_6 : vector<2048xf32>
    %add3A_7 = arith.constant 1.000000e+00 : f32
    %add3A_8 = vector.broadcast %add3A_7 : f32 to vector<2048xf32>
    %add3A_9 = arith.addf %add3A, %add3A_8 : vector<2048xf32>
    %max3A = arith.constant 1.000000e+00 : f32
    %max3A_10 = vector.broadcast %max3A : f32 to vector<2048xf32>
    %max3A_11 = arith.maximumf %add3A_9, %max3A_10 : vector<2048xf32>
    %rsqrt3A = math.rsqrt %max3A_11 : vector<2048xf32>
    %get3A_12 = arith.constant 0 : index
    %get3A_13 = arith.constant 0 : index
    %get3A_14 = arith.constant 0 : index
    %get3A_15 = vector.load %arg1[%get3A_12, %get3A_13, %get3A_14] : memref<4x2048x128xf32, #tpu.memory_space<vmem>>, vector<1x2048x128xf32>
    %get3A_16 = vector.shape_cast %get3A_15 : vector<1x2048x128xf32> to vector<2048x128xf32>
    %get3A_17 = arith.constant 1 : index
    %get3A_18 = arith.constant 0 : index
    %get3A_19 = arith.constant 0 : index
    %get3A_20 = vector.load %arg1[%get3A_17, %get3A_18, %get3A_19] : memref<4x2048x128xf32, #tpu.memory_space<vmem>>, vector<1x2048x128xf32>
    %get3A_21 = vector.shape_cast %get3A_20 : vector<1x2048x128xf32> to vector<2048x128xf32>
    %get3A_22 = arith.constant 2 : index
    %get3A_23 = arith.constant 0 : index
    %get3A_24 = arith.constant 0 : index
    %get3A_25 = vector.load %arg1[%get3A_22, %get3A_23, %get3A_24] : memref<4x2048x128xf32, #tpu.memory_space<vmem>>, vector<1x2048x128xf32>
    %get3A_26 = vector.shape_cast %get3A_25 : vector<1x2048x128xf32> to vector<2048x128xf32>
    %get3A_27 = arith.constant 3 : index
    %get3A_28 = arith.constant 0 : index
    %get3A_29 = arith.constant 0 : index
    %get3A_30 = vector.load %arg1[%get3A_27, %get3A_28, %get3A_29] : memref<4x2048x128xf32, #tpu.memory_space<vmem>>, vector<1x2048x128xf32>
    %get3A_31 = vector.shape_cast %get3A_30 : vector<1x2048x128xf32> to vector<2048x128xf32>
    %concatenate3A = tpu.concatenate %get3A_16, %get3A_21, %get3A_26, %get3A_31 in 1 : vector<2048x128xf32>, vector<2048x128xf32>, vector<2048x128xf32>, vector<2048x128xf32> -> vector<2048x512xf32>
    %broadcast_in_dim3A = vector.shape_cast %rsqrt3A : vector<2048xf32> to vector<2048x1xf32>
    %mul3A = vector.broadcast %broadcast_in_dim3A : vector<2048x1xf32> to vector<2048x512xf32>
    %mul3A_32 = arith.mulf %concatenate3A, %mul3A : vector<2048x512xf32>
    %get3A_33 = arith.constant 0 : index
    %get3A_34 = arith.constant 0 : index
    %get3A_35 = vector.load %arg3[%get3A_33, %get3A_34] : memref<1x512xf32, #tpu.memory_space<vmem>>, vector<1x512xf32>
    %get3A_36 = vector.shape_cast %get3A_35 : vector<1x512xf32> to vector<512xf32>
    %broadcast_in_dim3A_37 = vector.shape_cast %get3A_36 : vector<512xf32> to vector<1x512xf32>
    %add3A_38 = vector.broadcast %broadcast_in_dim3A_37 : vector<1x512xf32> to vector<2048x512xf32>
    %add3A_39 = arith.addf %mul3A_32, %add3A_38 : vector<2048x512xf32>
    %max3A_40 = arith.constant 0.000000e+00 : f32
    %max3A_41 = vector.broadcast %max3A_40 : f32 to vector<2048x512xf32>
    %max3A_42 = arith.maximumf %add3A_39, %max3A_41 : vector<2048x512xf32>
    %swap3A = arith.constant 0 : index
    %swap3A_43 = arith.constant 0 : index
    %swap3A_44 = vector.load %arg5[%swap3A, %swap3A_43] : memref<2048x512xf32, #tpu.memory_space<vmem>>, vector<2048x512xf32>
    tpu.vector_store %arg5[%swap3A, %swap3A_43], %max3A_42 {strides = array<i32>} : memref<2048x512xf32, #tpu.memory_space<vmem>>, vector<2048x512xf32>,
    %get3A_45 = arith.constant 0 : index
    %get3A_46 = arith.constant 0 : index
    %get3A_47 = vector.load %arg4[%get3A_45, %get3A_46] : memref<512x128xf32, #tpu.memory_space<vmem>>, vector<512x128xf32>
    %dot_general3A = arith.constant dense<0.000000e+00> : vector<2048x128xf32>
    %dot_general3A_48 = tpu.matmul %max3A_42, %get3A_47, %dot_general3A {dimension_numbers = #tpu.dot_dimension_numbers<[1], [0], [0], [1], [0, 0, 1, 1], [], []>, transpose_lhs_hint = false} : vector<2048x512xf32>, vector<512x128xf32>, vector<2048x128xf32> -> vector<2048x128xf32>
    %broadcast_in_dim3A_49 = vector.shape_cast %rsqrt3A : vector<2048xf32> to vector<2048x1xf32>
    %mul3A_50 = vector.broadcast %broadcast_in_dim3A_49 : vector<2048x1xf32> to vector<2048x128xf32>
    %mul3A_51 = arith.mulf %dot_general3A_48, %mul3A_50 : vector<2048x128xf32>
    %swap3A_52 = arith.constant 0 : index
    %swap3A_53 = arith.constant 0 : index
    %swap3A_54 = vector.load %arg6[%swap3A_52, %swap3A_53] : memref<2048x128xf32, #tpu.memory_space<vmem>>, vector<2048x128xf32>
    tpu.vector_store %arg6[%swap3A_52, %swap3A_53], %mul3A_51 {strides = array<i32>} : memref<2048x128xf32, #tpu.memory_space<vmem>>, vector<2048x128xf32>,
    return
  }
  func.func @transform_0(%arg0: i32) -> (i32, i32, i32) {
    %c0_i32 = arith.constant 0 : i32
    %c0_i32_0 = arith.constant 0 : i32
    %c0_i32_1 = arith.constant 0 : i32
    return %c0_i32, %arg0, %c0_i32_0 : i32, i32, i32
  }
  func.func @transform_1(%arg0: i32) -> (i32, i32) {
    %c0_i32 = arith.constant 0 : i32
    %c0_i32_0 = arith.constant 0 : i32
    return %c0_i32, %arg0 : i32, i32
  }
  func.func @transform_2(%arg0: i32) -> (i32, i32) {
    %c0_i32 = arith.constant 0 : i32
    %c0_i32_0 = arith.constant 0 : i32
    %c0_i32_1 = arith.constant 0 : i32
    return %c0_i32, %c0_i32_0 : i32, i32
  }
  func.func @transform_3(%arg0: i32) -> (i32, i32) {
    %c0_i32 = arith.constant 0 : i32
    %c0_i32_0 = arith.constant 0 : i32
    %c0_i32_1 = arith.constant 0 : i32
    return %c0_i32, %c0_i32_0 : i32, i32
  }
  func.func @transform_4(%arg0: i32) -> (i32, i32) {
    %c0_i32 = arith.constant 0 : i32
    %c0_i32_0 = arith.constant 0 : i32
    return %arg0, %c0_i32 : i32, i32
  }
  func.func @transform_5(%arg0: i32) -> (i32, i32) {
    %c0_i32 = arith.constant 0 : i32
    %c0_i32_0 = arith.constant 0 : i32
    return %arg0, %c0_i32 : i32, i32
  }
}

</mosaic_0001>

<sc_bundles>
// kernel: kernel.11.cloned.1.call-start
scs
__scs_entry_jumppad:
0x0: {  	(pc) =	sbr.rel $0x88, $3  }
0x1: {  	(tag) =	ssettag $0x0;
	lr =	simm.s32 $0x1  }
0x2: {  	[smem:$0x3F9B] =	sst lr;
	_ =	strace $0xD0000000  }
0x3: {  	_ = 	snop  }
0x4: {  	_ = 	snop  }
0x5: {  	_ = 	snop  }
0x6: {  	_ = 	snop  }
0x7: {  	_ = 	snop  }
__scs_overlays_trampoline_lowered:
0x8: {  	[smem:$0x3FAA] =	sst s0  }
0x9: {  	[smem:$0x3FAB] =	sst s1  }
0xa: {  	[smem:$0x3FAC] =	sst s2  }
0xb: {  	[smem:$0x3FAD] =	sst s3  }
0xc: {  	[smem:$0x3FAE] =	sst s4  }
0xd: {  	[smem:$0x3FAF] =	sst s5  }
0xe: {  	[smem:$0x3FB0] =	sst s6  }
0xf: {  	[smem:$0x3FB1] =	sst s7  }
0x10: {  	[smem:$0x3FB2] =	sst s8  }
0x11: {  	[smem:$0x3FB3] =	sst s9;
	s0 =	simm.s32 @!p0 $0x0  }
0x12: {  	s1 =	sld [smem:$0x3F99];
	s0 =	simm.s32 @p0 $0x1  }
0x13: {  	[smem:$0x3FB4] =	sst s0;
	s0 =	simm.s32 @!p1 $0x0  }
0x14: {  	s2 =	sld [smem:$0x3F98];
	s0 =	simm.s32 @p1 $0x1  }
0x15: {  	[smem:$0x3FB5] =	sst s0;
	s0 =	simm.s32 @!p2 $0x0  }
0x16: {  	s3 =	sld [smem:$0x3FDB];
	s0 =	simm.s32 @p2 $0x1  }
0x17: {  	s4 =	simm.s32 $0x1BF5;
	[smem:$0x3FB7] =	sst s0  }
0x18: {  	s0 =	sld [smem:$0x3F9A];
	_ =	swait.ge [sflag:s4], $0x0  }
0x19: {  	s7 =	sld [smem:$0x3F9B]  }
0x1a: {  	s8 =	sadd.s32 $0xFFFFE003, lr  }
0x1b: {  	s9 =	sadd.s32 $0xFFFFFEF7, lr;
	s5 =	simm.s32 $0xFFFFFFFF;
	p2 =	slt.u32 s8, $0xFFFFF086  }
0x1c: {  	p1 =	slt.u32 s9, $0xF7A;
	s5 =	simm.s32 @!p2 $0x0  }
0x1d: {  	s5 =	simm.s32 @p1 $0x1;
	p0 =	seq.s32 s7, s2  }
0x1e: {  	s7 =	smul.u32 @!p0 $0xF7A, s2;
	p2 =	seq.s32 @!p0 s5, $0x0  }
0x1f: {  	s9 =	smul.u32 $0xF7A, s1;
	s8 =	simm.s32 @!p0 $0x1BF5;
	p2 =	por !p2, p0  }
0x20: {  	[sflag:s8] =	ssyncset.s32 @!p0 $0xFFFFF086;
	s6 =	sadd.s32 @!p0 s3, s7;
	s7 =	simm.s32 @!p0 $0x108  }
0x21: {  	s3 =	sadd.s32 s3, s9;
	s6 =	sadd.s32 @!p0 $0x88, s6;
	s7 =	simm.s32 @p2 $0x1082  }
0x22: {  	[simem:s7], [sflag:s8] =	dma.local @!p0 [hbm:s6], $0xF7A  }
0x23: {  	s9 =	sor.u32 $0xD0000000, s2;
	s6 =	simm.s32 $0x108;
	_ =	swait.ge @!p0 [sflag:s8], $0x0  }
0x24: {  	s3 =	sadd.s32 $0x88, s3;
	s6 =	simm.s32 @!p1 $0x1082;
	[sflag:s4] =	ssyncset.s32 $0xFFFFF086  }
0x25: {  	[simem:s6], [sflag:s4] =	dma.local [hbm:s3], $0xF7A  }
0x26: {  	[smem:$0x3F9B] =	sst s1;
	(tag) =	ssettag s2;
	_ =	strace s9  }
0x27: {  	s1 =	sld [smem:$0x3FAB]  }
0x28: {  	s2 =	sld [smem:$0x3FAC]  }
0x29: {  	s4 =	sld [smem:$0x3FAE]  }
0x2a: {  	p0 =	seq.s32 s5, $0x0;
	s5 =	sld [smem:$0x3FAF]  }
0x2b: {  	s6 =	sld [smem:$0x3FB0]  }
0x2c: {  	s7 =	sld [smem:$0x3FB1]  }
0x2d: {  	s3 =	simm.s32 $0x108;
	s8 =	sld [smem:$0x3FB2]  }
0x2e: {  	s3 =	simm.s32 @!p0 $0x1082;
	s9 =	sld [smem:$0x3FB3]  }
0x2f: {  	lr =	sadd.s32 s0, s3;
	s0 =	sld [smem:$0x3FAA]  }
0x30: {  	s3 =	sld [smem:$0x3FAD]  }
0x31: {  	[smem:$0x3FB6] =	sst s10  }
0x32: {  	s10 =	sld [smem:$0x3FB4];
	_ =	sdelay $0x3  }
0x33: {  	p0 =	seq.s32 s10, $0x1;
	s10 =	sld [smem:$0x3FB6];
	_ =	sdelay $0x3  }
0x34: {  	[smem:$0x3FB6] =	sst s10  }
0x35: {  	s10 =	sld [smem:$0x3FB5];
	_ =	sdelay $0x3  }
0x36: {  	p1 =	seq.s32 s10, $0x1;
	s10 =	sld [smem:$0x3FB6];
	_ =	sdelay $0x3  }
0x37: {  	[smem:$0x3FB6] =	sst s10  }
0x38: {  	s10 =	sld [smem:$0x3FB7]  }
0x39: {  	_ = 	snop;
	(pc) =	sbr.ind lr, $3  }
0x3a: {  	_ = 	snop  }
0x3b: {  	_ = 	snop  }
0x3c: {  	p2 =	seq.s32 s10, $0x1;
	s10 =	sld [smem:$0x3FB6]  }
0x3d: {  	_ =	shalt  }
0x3e: {  	_ =	shalt  }
0x3f: {  	_ =	shalt  }
0x40: {  	_ =	shalt  }
0x41: {  	_ =	shalt  }
0x42: {  	_ =	shalt  }
0x43: {  	_ =	shalt  }
0x44: {  	_ =	shalt  }
0x45: {  	_ =	shalt  }
0x46: {  	_ =	shalt  }
0x47: {  	_ =	shalt  }
0x48: {  	_ =	shalt  }
0x49: {  	_ =	shalt  }
0x4a: {  	_ =	shalt  }
0x4b: {  	_ =	shalt  }
0x4c: {  	_ =	shalt  }
0x4d: {  	_ =	shalt  }
0x4e: {  	_ =	shalt  }
0x4f: {  	_ =	shalt  }
0x50: {  	_ =	shalt  }
0x51: {  	_ =	shalt  }
0x52: {  	_ =	shalt  }
0x53: {  	_ =	shalt  }
0x54: {  	_ =	shalt  }
0x55: {  	_ =	shalt  }
0x56: {  	_ =	shalt  }
0x57: {  	_ =	shalt  }
0x58: {  	_ =	shalt  }
0x59: {  	_ =	shalt  }
0x5a: {  	_ =	shalt  }
0x5b: {  	_ =	shalt  }
0x5c: {  	_ =	shalt  }
0x5d: {  	_ =	shalt  }
0x5e: {  	_ =	shalt  }
0x5f: {  	_ =	shalt  }
0x60: {  	_ =	shalt  }
0x61: {  	_ =	shalt  }
0x62: {  	_ =	shalt  }
0x63: {  	_ =	shalt  }
0x64: {  	_ =	shalt  }
0x65: {  	_ =	shalt  }
0x66: {  	_ =	shalt  }
0x67: {  	_ =	shalt  }
0x68: {  	_ =	shalt  }
0x69: {  	_ =	shalt  }
0x6a: {  	_ =	shalt  }
0x6b: {  	_ =	shalt  }
0x6c: {  	_ =	shalt  }
0x6d: {  	_ =	shalt  }
0x6e: {  	_ =	shalt  }
0x6f: {  	_ =	shalt  }
0x70: {  	_ =	shalt  }
0x71: {  	_ =	shalt  }
0x72: {  	_ =	shalt  }
0x73: {  	_ =	shalt  }
0x74: {  	_ =	shalt  }
0x75: {  	_ =	shalt  }
0x76: {  	_ =	shalt  }
0x77: {  	_ =	shalt  }
0x78: {  	_ =	shalt  }
0x79: {  	_ =	shalt  }
0x7a: {  	_ =	shalt  }
0x7b: {  	_ =	shalt  }
0x7c: {  	_ =	shalt  }
0x7d: {  	_ =	shalt  }
0x7e: {  	_ =	shalt  }
0x7f: {  	_ =	shalt  }
0x80: {  	_ =	shalt  }
0x81: {  	_ =	shalt  }
0x82: {  	_ =	shalt  }
0x83: {  	_ =	shalt  }
0x84: {  	_ =	shalt  }
0x85: {  	_ =	shalt  }
0x86: {  	_ =	shalt  }
0x87: {  	_ =	shalt  }
.Lfunc_end0:
.L_simem_size_0:
called_computation.1_lowered:
.L_overlay_start_0:
0x88: {  	s2 =	sld [smem:$0x3FD9]  }
0x89: {  	s3 =	sld [smem:$0x3FFE];
	_ =	sdelay $0x1  }
0x8a: {  	s1 =	srdreg.scid  }
0x8b: {  	s0 =	sand.u32 $0x1, s1  }
0x8c: {  	s14 =	sshll.u32 s0, $0xA;
	s2 =	sadd.s32 s3, s2  }
0x8d: {  	s2 =	sadd.s32 s2, s14  }
0x8e: {  	[smem:$0x3FC2] =	sst s2  }
0x8f: {  	_ = 	snop  }
0x90: {  	s2 =	sld [smem:$0x3FD0];
	_ =	sdelay $0x2  }
0x91: {  	s15 =	simm.s32 $0xA;
	s4 =	simm.s32 $0x10  }
0x92: {  	[smem:s4], [sflag:s15] =	dma.local [hbm:s2], $0x1  }
0x93: {  	_ =	swait.eq [sflag:s15], $0x1  }
0x94: {  	[sflag:s15] =	ssyncset.done $0x0  }
0x95: {  	[sflag:s15] =	ssyncadd.s32 $0xFFFFFFFF  }
0x96: {  	s16 =	sld [smem:$0x11];
	(tm) =	ssettm $0x1  }
0x97: {  	s17 =	sld [smem:$0x3FFB];
	_ =	sdelay $0x3  }
0x98: {  	_ =	strace s17  }
0x99: {  	s3 =	sld [smem:$0x3FFC];
	_ =	sdelay $0x3  }
0x9a: {  	_ =	strace s3  }
0x9b: {  	s3 =	sld [smem:$0x3FFD];
	_ =	sdelay $0x3  }
0x9c: {  	_ =	strace s3  }
0x9d: {  	_ =	strace $0x8FFFFFFF  }
0x9e: {  	s18 =	sld [smem:$0x3FDB];
	_ =	sdelay $0x1  }
0x9f: {  	s19 =	simm.s32 $_scs_section_size  }
0xa0: {  	s5 =	simm.s32 $_size__tile_overlayer_lowered;
	s6 =	simm.s32 $_tile_overlayer_lowered  }
0xa1: {  	s22 =	simm.s32 $0x1BFF;
	s21 =	sshll.u32 s6, $0x1;
	s3 =	sadd.s32 s19, s18  }
0xa2: {  	s7 =	simm.s32 $0x0;
	s20 =	sshll.u32 s5, $0x1;
	s5 =	sadd.s32 s21, s3  }
0xa3: {  	[timem:s7], [sflag:s22] =	dma.local [hbm:s5], s20  }
0xa4: {  	_ =	swait.ge [sflag:s22], s20  }
0xa5: {  	s4 =	ssub.s32 $0x0, s20;
	[sflag:s22] =	ssyncset.done $0x0  }
0xa6: {  	[sflag:s22] =	ssyncadd.s32 s4;
	_ =	sdelay $0x1  }
0xa7: {  	s23 =	simm.s32 $0x1B8B  }
0xa8: {  	_ =	swait.ge [sflag:s23], $0x1  }
0xa9: {  	[sflag:s23] =	ssyncset.done $0x0  }
0xaa: {  	s25 =	simm.s32 $0x1B8E;
	s24 =	sld [smem:$0x3FFE];
	[sflag:s23] =	ssyncadd.s32 $0xFFFFFFFF  }
0xab: {  	s26 =	simm.s32 $execute0_lowered;
	[smem:$0x3FD2] =	sst s25  }
0xac: {  	s5 =	sshll.u32 s26, $0x1;
	_ =	strace $0x80000049;
	[dreg:$0x1] =	wrdreg $0xFFFFFFFF  }
0xad: {  	s28 =	simm.s32 $_size_execute0_lowered;
	s3 =	sadd.s32 s3, s5;
	[dreg:$0x0] =	wrdreg $0x0  }
0xae: {  	s5 =	sshll.u32 s28, $0x1;
	[dreg:$0x2] =	wrdreg s3  }
0xaf: {  	[dreg:$0x3] =	wrdreg s5  }
0xb0: {  	[dreg:$0x4] =	wrdreg $0xC0  }
0xb1: {  	_ =	task [dreg:s7], $0x5FFFF  }
0xb2: {  	[dreg:$0x1] =	wrdreg $0xFFFFFFFF  }
0xb3: {  	[dreg:$0x0] =	wrdreg $0x60  }
0xb4: {  	[dreg:$0x2] =	wrdreg s16  }
0xb5: {  	[dreg:$0x3] =	wrdreg s24  }
0xb6: {  	[dreg:$0x4] =	wrdreg $0xA8000  }
0xb7: {  	[dreg:$0x5] =	wrdreg $0x9  }
0xb8: {  	_ =	task.clear_ibuf [dreg:s7], $0x6FFFF;
	_ =	strace $0x90000049  }
0xb9: {  	s29 =	simm.s32 $0x9;
	_ =	strace $0x8000004B  }
0xba: {  	_ =	swait.ge [sflag:s29], $0x1  }
0xbb: {  	[sflag:s29] =	ssyncadd.s32 $0xFFFFFFFF  }
0xbc: {  	_ =	strace $0x9000004B  }
0xbd: {  	_ =	sfence  }
0xbe: {  	s30 =	sld [smem:$0x0];
	_ =	sdelay $0x2  }
0xbf: {  	s31 =	sshll.u32 s1, $0xD;
	s1 =	sshrl.u32 s1, $0x2  }
0xc0: {  	s3 =	sand.u32 $0x4000, s31;
	s1 =	sadd.s32 s1, s30  }
0xc1: {  	s0 =	sor.u32 s3, s0;
	s1 =	sshll.u32 s1, $0x11  }
0xc2: {  	s0 =	sor.u32 s1, s0  }
0xc3: {  	s0 =	sadd.s32 $0x8F2B, s0  }
0xc4: {  	[sflag:s0] =	ssyncadd.remote.s32 $0x1  }
0xc5: {  	_ =	sfence.sel $0xFFFF  }
0xc6: {  	[dreg:$0x0] =	wrdreg $0xFFFFFFFF;
	(pc) =	sbr.abs _section_cstart, $3  }
0xc7: {  	[dreg:$0x1] =	wrdreg $0xFFFFFFFF  }
0xc8: {  	_ =	task.clear_ibuf [dreg:s7], $0x2FFFF;
	_ =	strace $0x9FFFFFFF  }
0xc9: {  	(tm) =	ssettm $0x7FFFFFFF  }
tec
execute0_lowered:
.L_overlay_start_1:
0x0: {  	(tag) =	ssettag $0x1  }
0x1: {  	s1 =	rddreg [dreg:$0x0]  }
0x2: {  	s0 =	rddreg [dreg:$0x1]  }
0x3: {  	s2 =	rddreg [dreg:$0x2]  }
0x4: {  	s3 =	simm.s32 $0x0;
	s4 =	srdreg.scid;
	s9 =	stileid.u32  }
0x5: {  	s7 =	simm.s32 $0x5;
	s28 =	simm.s32 $0x2;
	s29 =	simm.s32 $0x3  }
0x6: {  	s30 =	simm.s32 $0x100;
	s31 =	simm.s32 $0x1480;
	[smem:$0x7FF] =	sst s3  }
0x7: {  	s8 =	sadd.s32 $0x6800, s0;
	s4 =	sand.u32 $0x1, s4;
	s11 =	sadd.s32 $0x1800, s0  }
0x8: {  	s5 =	sadd.s32 $0xB800, s0;
	s15 =	smul.u32 $0x2800, s9;
	p1 =	seq.s32 s9, $0xF  }
0x9: {  	s22 =	smul.u32 $0x50000, s9;
	s13 =	sadd.s32 $0x4E200, s1;
	s14 =	sadd.s32 $0x75300, s1  }
0xa: {  	s16 =	smul.u32 $0x14000, s9;
	_ =	strace $0x8000004A;
	s6 =	ssub.s32 $0x2, s4  }
0xb: {  	p0 =	seq.s32 s4, $0x1;
	s7 =	simm.s32 @!p1 $0x8;
	s19 =	sshrl.u32 s6, $0x1  }
0xc: {  	s20 =	sshrl.u32 s15, $0x3;
	s23 =	sadd.s32 s15, s1;
	s24 =	sadd.s32 s15, s5  }
0xd: {  	s25 =	sadd.s32 $0x138800, s16;
	s26 =	sadd.s32 $0x3A9800, s16;
	[dreg:$0x8] =	wrdreg s23  }
0xe: {  	s0 =	ssub.s32 s6, s19;
	s6 =	simm.s32 $0x5;
	[dreg:$0x9] =	wrdreg s24  }
0xf: {  	s10 =	sadd.s32 s8, s20;
	s12 =	sadd.s32 $0x280, s20;
	[dreg:$0xa] =	wrdreg s25  }
0x10: {  	s4 =	sadd.s32 s11, s20;
	s20 =	sadd.s32 $0x271000, s16;
	[dreg:$0xb] =	wrdreg s26  }
0x11: {  	s23 =	simm.s32 $0x80;
	s24 =	simm.s32 $0x2800;
	s25 =	simm.s32 $0x1  }
.Ltmp0:
0x12: {  	s26 =	simm.s32 $0x6800;
	[dreg:$0x4] =	wrdreg s10;
	(pc) =	sbr.rel .LBB2_1-.Ltmp0, $4  }
0x13: {  	[dreg:$0x5] =	wrdreg s4;
	s21 =	sadd.s32 s8, s12;
	s11 =	sadd.s32 s11, s12  }
0x14: {  	s12 =	sadd.s32 $0x27100, s1;
	s0 =	smax.u32 s0, $0x1;
	[dreg:$0x6] =	wrdreg s21  }
0x15: {  	s4 =	sshrl.u32 s22, $0x2;
	s22 =	simm.s32 $0x1400;
	[dreg:$0x7] =	wrdreg s0  }
0x16: {  	s8 =	sadd.s32 s4, s2;
	s0 =	simm.s32 $0x4;
	s4 =	simm.s32 $0x0  }
.LBB2_22:
0x17: {  	[sflag:s6] =	ssyncset.done $0x0  }
0x18: {  	[sflag:s6] =	ssyncadd.s32 $0xFFFFFB00  }
.LBB2_44:
0x19: {  	s4 =	sadd.s32 $0x1, s4;
	s9 =	rddreg [dreg:$0x7]  }
0x1a: {  	p1 =	sne.s32 s4, s9  }
.Ltmp1:
0x1b: {  	_ = 	snop;
	(pc) =	sbr.rel @!p1 .LBB2_45-.Ltmp1, $2  }
0x1c: {  	_ =	sdelay $0x1  }
0x1d: {  	[bflag:$0x0] =	sbarrier.arrive $0xFFFF;
	_ =	sdelay $0x1  }
.LBB2_1:
.Ltmp2:
0x1e: {  	(pc) =	sbr.rel @!p0 .LBB2_2-.Ltmp2, $3  }
0x1f: {  	_ =	sdelay $0x1  }
0x20: {  	s9 =	stileid.u32  }
0x21: {  	s16 =	sshll.u32 s9, $0x6  }
0x22: {  	p1 =	sne.s32 s7, $0x1  }
.Ltmp3:
0x23: {  	_ = 	snop;
	(pc) =	sbr.rel @!p1 .LBB2_25-.Ltmp3, $4  }
0x24: {  	s9 =	sshrl.u32 s20, $0x3  }
0x25: {  	s10 =	sshrl.u32 s8, $0x3;
	s15 =	sor.u32 $0x1C05, s16;
	s18 =	sadd.s32 $0xFFFFFFFF, s7  }
0x26: {  	s19 =	sadd.s32 $0x2800, s20;
	s21 =	smov.u32 s8;
	s9 =	sadd.s32 s1, s9  }
0x27: {  	[spmem:s10], [sflag:s15] =	dma.local [hbm:s9], $0x500  }
.LBB2_24:
0x28: {  	_ =	swait.ge [sflag:s6], $0x500  }
0x29: {  	s21 =	sadd.s32 $0x2800, s21;
	s9 =	sshrl.u32 s19, $0x3;
	p1 =	sne.s32 s18, $0x1  }
.Ltmp4:
0x2a: {  	s10 =	sshrl.u32 s21, $0x3;
	[sflag:s6] =	ssyncset.done $0x0;
	(pc) =	sbr.rel @p1 .LBB2_24-.Ltmp4, $4  }
0x2b: {  	s15 =	sor.u32 $0x1C05, s16;
	s9 =	sadd.s32 s1, s9;
	[sflag:s6] =	ssyncadd.s32 $0xFFFFFB00  }
0x2c: {  	[spmem:s10], [sflag:s15] =	dma.local [hbm:s9], $0x500  }
0x2d: {  	s18 =	sadd.s32 $0xFFFFFFFF, s18  }
0x2e: {  	s19 =	sadd.s32 $0x2800, s19  }
.LBB2_25:
0x2f: {  	_ =	swait.ge [sflag:s6], $0x500  }
0x30: {  	[sflag:s6] =	ssyncset.done $0x0  }
0x31: {  	[sflag:s6] =	ssyncadd.s32 $0xFFFFFB00  }
0x32: {  	[bflag:$0x0] =	sbarrier.arrive $0xFFFF  }
0x33: {  	s9 =	rddreg [dreg:$0x4]  }
0x34: {  	[tilespmem:s3], [sflag:$0x5] =	stream.linear.gather [hbm4b:s9+s3], $0x1400, $0x38;
	[tilespmem:$0x1E800] =	vst v63  }
0x35: {  	_ =	swait.ge [sflag:s6], $0x1400  }
0x36: {  	[sflag:s6] =	ssyncset.done $0x0  }
0x37: {  	s21 =	rddreg [dreg:$0x5];
	[sflag:s6] =	ssyncadd.s32 $0xFFFFEC00  }
0x38: {  	[tilespmem:s22], [sflag:$0x5] =	stream.linear.gather [hbm4b:s21+s3], $0x1400, $0x38;
	[tilespmem:$0x1E800] =	vst v63  }
0x39: {  	_ =	swait.ge [sflag:s6], $0x1400  }
0x3a: {  	[sflag:s6] =	ssyncset.done $0x0  }
0x3b: {  	[sflag:s6] =	ssyncadd.s32 $0xFFFFEC00  }
0x3c: {  	[tilespmem:s24], [sflag:$0x1] =	stream.indirect.gather [hbm4b:s13+s23], $0x80, s3, s23, $0xb8;
	[tilespmem:$0x1E800] =	vst v63  }
0x3d: {  	_ =	swait.ge [sflag:s25], $0x4000  }
0x3e: {  	[sflag:s25] =	ssyncset.done $0x0  }
0x3f: {  	[sflag:s25] =	ssyncadd.s32 $0xFFFFC000  }
0x40: {  	[tilespmem:s26], [sflag:$0x2] =	stream.indirect.gather [hbm4b:s13+s23], $0x80, s23, s23, $0xb8;
	[tilespmem:$0x1E800] =	vst v63  }
0x41: {  	_ = 	snop  }
0x42: {  	[spmem:s2] =	stream.indirect.scatter.add.f32 [tilespmem:s24], [sflag:$0x3], $0x80, s22, s23, $0xb8;
	[tilespmem:$0x1E800] =	vst v63  }
0x43: {  	_ =	swait.ge [sflag:s28], $0x4000  }
0x44: {  	[sflag:s28] =	ssyncset.done $0x0  }
0x45: {  	[sflag:s28] =	ssyncadd.s32 $0xFFFFC000  }
0x46: {  	_ =	swait.ge [sflag:s29], $0x4000  }
0x47: {  	[sflag:s29] =	ssyncset.done $0x0  }
0x48: {  	[sflag:s29] =	ssyncadd.s32 $0xFFFFC000  }
0x49: {  	[tilespmem:s24], [sflag:$0x1] =	stream.indirect.gather [hbm4b:s13+s23], $0x80, s30, s23, $0xb8;
	[tilespmem:$0x1E800] =	vst v63  }
0x4a: {  	s16 =	simm.s32 $0xFFFFB800  }
0x4b: {  	[spmem:s2] =	stream.indirect.scatter.add.f32 [tilespmem:s26], [sflag:$0x4], $0x80, s31, s23, $0xb8;
	[tilespmem:$0x1E800] =	vst v63  }
.LBB2_26:
0x4c: {  	_ =	swait.ge [sflag:s25], $0x4000  }
0x4d: {  	[sflag:s25] =	ssyncset.done $0x0  }
0x4e: {  	[sflag:s25] =	ssyncadd.s32 $0xFFFFC000  }
0x4f: {  	_ =	swait.ge [sflag:s0], $0x4000  }
0x50: {  	s17 =	sshra.s32 s16, $0x2;
	[sflag:s0] =	ssyncset.done $0x0  }
0x51: {  	s9 =	sadd.s32 $0x1380, s17;
	[sflag:s0] =	ssyncadd.s32 $0xFFFFC000  }
0x52: {  	[tilespmem:s26], [sflag:$0x2] =	stream.indirect.gather [hbm4b:s13+s23], $0x80, s9, s23, $0xb8;
	[tilespmem:$0x1E800] =	vst v63  }
0x53: {  	s21 =	sadd.s32 $0x2700, s17  }
0x54: {  	[spmem:s2] =	stream.indirect.scatter.add.f32 [tilespmem:s24], [sflag:$0x3], $0x80, s21, s23, $0xb8;
	[tilespmem:$0x1E800] =	vst v63  }
0x55: {  	p1 =	seq.s32 s16, $0x0;
	_ =	swait.ge [sflag:s28], $0x4000  }
.Ltmp5:
0x56: {  	[sflag:s28] =	ssyncset.done $0x0;
	(pc) =	sbr.rel @p1 .LBB2_28-.Ltmp5, $4  }
0x57: {  	[sflag:s28] =	ssyncadd.s32 $0xFFFFC000  }
0x58: {  	_ =	swait.ge [sflag:s29], $0x4000  }
0x59: {  	[sflag:s29] =	ssyncset.done $0x0  }
0x5a: {  	s18 =	sadd.s32 $0x2780, s17;
	[sflag:s29] =	ssyncadd.s32 $0xFFFFC000  }
.Ltmp6:
0x5b: {  	(pc) =	sbr.rel .LBB2_26-.Ltmp6, $4  }
0x5c: {  	s9 =	sadd.s32 $0x1400, s17  }
0x5d: {  	[tilespmem:s24], [sflag:$0x1] =	stream.indirect.gather [hbm4b:s13+s23], $0x80, s9, s23, $0xb8;
	[tilespmem:$0x1E800] =	vst v63  }
0x5e: {  	s16 =	sadd.s32 $0x400, s16  }
0x5f: {  	[spmem:s2] =	stream.indirect.scatter.add.f32 [tilespmem:s26], [sflag:$0x4], $0x80, s18, s23, $0xb8;
	[tilespmem:$0x1E800] =	vst v63  }
.LBB2_2:
0x60: {  	p1 =	sne.s32 s7, $0x1  }
.Ltmp7:
0x61: {  	_ = 	snop;
	(pc) =	sbr.rel @!p1 .LBB2_4-.Ltmp7, $4  }
0x62: {  	s15 =	sor.u32 $0x1C05, s16  }
0x63: {  	s17 =	sshrl.u32 s8, $0x3;
	s9 =	rddreg [dreg:$0x8];
	s18 =	sadd.s32 $0xFFFFFFFF, s7  }
0x64: {  	[spmem:s17], [sflag:s15] =	dma.local [hbm:s9], $0x500  }
0x65: {  	s19 =	sadd.s32 $0x500, s9;
	s17 =	smov.u32 s8;
	_ =	swait.ge [sflag:s6], $0x500  }
.LBB2_3:
0x66: {  	[sflag:s6] =	ssyncset.done $0x0  }
0x67: {  	s17 =	sadd.s32 $0x2800, s17;
	s15 =	sor.u32 $0x1C05, s16;
	p1 =	sne.s32 s18, $0x1  }
.Ltmp8:
0x68: {  	s21 =	sshrl.u32 s17, $0x3;
	[sflag:s6] =	ssyncadd.s32 $0xFFFFFB00;
	(pc) =	sbr.rel @p1 .LBB2_3-.Ltmp8, $3  }
0x69: {  	[spmem:s21], [sflag:s15] =	dma.local [hbm:s19], $0x500  }
0x6a: {  	s18 =	sadd.s32 $0xFFFFFFFF, s18;
	_ =	sdelay $0x1  }
0x6b: {  	s19 =	sadd.s32 $0x500, s19;
	_ =	swait.ge [sflag:s6], $0x500  }
.LBB2_4:
0x6c: {  	[sflag:s6] =	ssyncset.done $0x0  }
0x6d: {  	[sflag:s6] =	ssyncadd.s32 $0xFFFFFB00  }
0x6e: {  	[bflag:$0x0] =	sbarrier.arrive $0xFFFF  }
0x6f: {  	s9 =	rddreg [dreg:$0x4]  }
0x70: {  	[tilespmem:s3], [sflag:$0x5] =	stream.linear.gather [hbm4b:s9+s3], $0x1400, $0x38;
	[tilespmem:$0x1E800] =	vst v63  }
0x71: {  	_ =	swait.ge [sflag:s6], $0x1400  }
0x72: {  	[sflag:s6] =	ssyncset.done $0x0  }
0x73: {  	s21 =	rddreg [dreg:$0x5];
	[sflag:s6] =	ssyncadd.s32 $0xFFFFEC00  }
0x74: {  	[tilespmem:s22], [sflag:$0x5] =	stream.linear.gather [hbm4b:s21+s3], $0x1400, $0x38;
	[tilespmem:$0x1E800] =	vst v63  }
0x75: {  	_ =	swait.ge [sflag:s6], $0x1400  }
0x76: {  	[sflag:s6] =	ssyncset.done $0x0  }
0x77: {  	[sflag:s6] =	ssyncadd.s32 $0xFFFFEC00  }
0x78: {  	[tilespmem:s24], [sflag:$0x1] =	stream.indirect.gather [hbm4b:s1+s23], $0x80, s3, s23, $0xb8;
	[tilespmem:$0x1E800] =	vst v63  }
0x79: {  	_ =	swait.ge [sflag:s25], $0x4000  }
0x7a: {  	[sflag:s25] =	ssyncset.done $0x0  }
0x7b: {  	[sflag:s25] =	ssyncadd.s32 $0xFFFFC000  }
0x7c: {  	[tilespmem:s26], [sflag:$0x2] =	stream.indirect.gather [hbm4b:s1+s23], $0x80, s23, s23, $0xb8;
	[tilespmem:$0x1E800] =	vst v63  }
0x7d: {  	_ = 	snop  }
0x7e: {  	[spmem:s2] =	stream.indirect.scatter.add.f32 [tilespmem:s24], [sflag:$0x3], $0x80, s22, s23, $0xb8;
	[tilespmem:$0x1E800] =	vst v63  }
0x7f: {  	_ =	swait.ge [sflag:s28], $0x4000  }
0x80: {  	[sflag:s28] =	ssyncset.done $0x0  }
0x81: {  	[sflag:s28] =	ssyncadd.s32 $0xFFFFC000  }
0x82: {  	_ =	swait.ge [sflag:s29], $0x4000  }
0x83: {  	[sflag:s29] =	ssyncset.done $0x0  }
0x84: {  	[sflag:s29] =	ssyncadd.s32 $0xFFFFC000  }
0x85: {  	[tilespmem:s24], [sflag:$0x1] =	stream.indirect.gather [hbm4b:s1+s23], $0x80, s30, s23, $0xb8;
	[tilespmem:$0x1E800] =	vst v63  }
0x86: {  	s16 =	simm.s32 $0xFFFFB800  }
0x87: {  	[spmem:s2] =	stream.indirect.scatter.add.f32 [tilespmem:s26], [sflag:$0x4], $0x80, s31, s23, $0xb8;
	[tilespmem:$0x1E800] =	vst v63  }
.LBB2_5:
0x88: {  	_ =	swait.ge [sflag:s25], $0x4000  }
0x89: {  	[sflag:s25] =	ssyncset.done $0x0  }
0x8a: {  	[sflag:s25] =	ssyncadd.s32 $0xFFFFC000  }
0x8b: {  	_ =	swait.ge [sflag:s0], $0x4000  }
0x8c: {  	s17 =	sshra.s32 s16, $0x2;
	[sflag:s0] =	ssyncset.done $0x0  }
0x8d: {  	s18 =	sadd.s32 $0x1380, s17;
	[sflag:s0] =	ssyncadd.s32 $0xFFFFC000  }
0x8e: {  	[tilespmem:s26], [sflag:$0x2] =	stream.indirect.gather [hbm4b:s1+s23], $0x80, s18, s23, $0xb8;
	[tilespmem:$0x1E800] =	vst v63  }
0x8f: {  	s21 =	sadd.s32 $0x2700, s17  }
0x90: {  	[spmem:s2] =	stream.indirect.scatter.add.f32 [tilespmem:s24], [sflag:$0x3], $0x80, s21, s23, $0xb8;
	[tilespmem:$0x1E800] =	vst v63  }
0x91: {  	p1 =	seq.s32 s16, $0x0;
	_ =	swait.ge [sflag:s28], $0x4000  }
.Ltmp9:
0x92: {  	[sflag:s28] =	ssyncset.done $0x0;
	(pc) =	sbr.rel @p1 .LBB2_7-.Ltmp9, $4  }
0x93: {  	[sflag:s28] =	ssyncadd.s32 $0xFFFFC000  }
0x94: {  	_ =	swait.ge [sflag:s29], $0x4000  }
0x95: {  	[sflag:s29] =	ssyncset.done $0x0  }
0x96: {  	s18 =	sadd.s32 $0x2780, s17;
	[sflag:s29] =	ssyncadd.s32 $0xFFFFC000  }
.Ltmp10:
0x97: {  	(pc) =	sbr.rel .LBB2_5-.Ltmp10, $4  }
0x98: {  	s17 =	sadd.s32 $0x1400, s17  }
0x99: {  	[tilespmem:s24], [sflag:$0x1] =	stream.indirect.gather [hbm4b:s1+s23], $0x80, s17, s23, $0xb8;
	[tilespmem:$0x1E800] =	vst v63  }
0x9a: {  	s16 =	sadd.s32 $0x400, s16  }
0x9b: {  	[spmem:s2] =	stream.indirect.scatter.add.f32 [tilespmem:s26], [sflag:$0x4], $0x80, s18, s23, $0xb8;
	[tilespmem:$0x1E800] =	vst v63  }
.LBB2_28:
0x9c: {  	[spmem:s2] =	stream.indirect.scatter.add.f32 [tilespmem:s26], [sflag:$0x4], $0x80, s18, s23, $0xb8;
	[tilespmem:$0x1E800] =	vst v63  }
0x9d: {  	_ =	swait.ge [sflag:s0], $0x4000  }
0x9e: {  	[sflag:s0] =	ssyncset.done $0x0  }
0x9f: {  	s9 =	rddreg [dreg:$0x6];
	[sflag:s0] =	ssyncadd.s32 $0xFFFFC000  }
0xa0: {  	[tilespmem:s3], [sflag:$0x5] =	stream.linear.gather [hbm4b:s9+s3], $0x1400, $0x38;
	[tilespmem:$0x1E800] =	vst v63  }
0xa1: {  	_ =	swait.ge [sflag:s6], $0x1400  }
0xa2: {  	[sflag:s6] =	ssyncset.done $0x0  }
0xa3: {  	[sflag:s6] =	ssyncadd.s32 $0xFFFFEC00  }
0xa4: {  	[tilespmem:s22], [sflag:$0x5] =	stream.linear.gather [hbm4b:s11+s3], $0x1400, $0x38;
	[tilespmem:$0x1E800] =	vst v63  }
0xa5: {  	_ =	swait.ge [sflag:s6], $0x1400  }
0xa6: {  	[sflag:s6] =	ssyncset.done $0x0  }
0xa7: {  	[sflag:s6] =	ssyncadd.s32 $0xFFFFEC00  }
0xa8: {  	[tilespmem:s24], [sflag:$0x1] =	stream.indirect.gather [hbm4b:s13+s23], $0x80, s3, s23, $0xb8;
	[tilespmem:$0x1E800] =	vst v63  }
0xa9: {  	_ =	swait.ge [sflag:s25], $0x4000  }
0xaa: {  	[sflag:s25] =	ssyncset.done $0x0  }
0xab: {  	[sflag:s25] =	ssyncadd.s32 $0xFFFFC000  }
0xac: {  	[tilespmem:s26], [sflag:$0x2] =	stream.indirect.gather [hbm4b:s13+s23], $0x80, s23, s23, $0xb8;
	[tilespmem:$0x1E800] =	vst v63  }
0xad: {  	_ = 	snop  }
0xae: {  	[spmem:s2] =	stream.indirect.scatter.add.f32 [tilespmem:s24], [sflag:$0x3], $0x80, s22, s23, $0xb8;
	[tilespmem:$0x1E800] =	vst v63  }
0xaf: {  	_ =	swait.ge [sflag:s28], $0x4000  }
0xb0: {  	[sflag:s28] =	ssyncset.done $0x0  }
0xb1: {  	[sflag:s28] =	ssyncadd.s32 $0xFFFFC000  }
0xb2: {  	_ =	swait.ge [sflag:s29], $0x4000  }
0xb3: {  	[sflag:s29] =	ssyncset.done $0x0  }
0xb4: {  	[sflag:s29] =	ssyncadd.s32 $0xFFFFC000  }
0xb5: {  	[tilespmem:s24], [sflag:$0x1] =	stream.indirect.gather [hbm4b:s13+s23], $0x80, s30, s23, $0xb8;
	[tilespmem:$0x1E800] =	vst v63  }
0xb6: {  	s16 =	simm.s32 $0xFFFFB800  }
0xb7: {  	[spmem:s2] =	stream.indirect.scatter.add.f32 [tilespmem:s26], [sflag:$0x4], $0x80, s31, s23, $0xb8;
	[tilespmem:$0x1E800] =	vst v63  }
.LBB2_29:
0xb8: {  	_ =	swait.ge [sflag:s25], $0x4000  }
0xb9: {  	[sflag:s25] =	ssyncset.done $0x0  }
0xba: {  	[sflag:s25] =	ssyncadd.s32 $0xFFFFC000  }
0xbb: {  	_ =	swait.ge [sflag:s0], $0x4000  }
0xbc: {  	s17 =	sshra.s32 s16, $0x2;
	[sflag:s0] =	ssyncset.done $0x0  }
0xbd: {  	s9 =	sadd.s32 $0x1380, s17;
	[sflag:s0] =	ssyncadd.s32 $0xFFFFC000  }
0xbe: {  	[tilespmem:s26], [sflag:$0x2] =	stream.indirect.gather [hbm4b:s13+s23], $0x80, s9, s23, $0xb8;
	[tilespmem:$0x1E800] =	vst v63  }
0xbf: {  	s21 =	sadd.s32 $0x2700, s17  }
0xc0: {  	[spmem:s2] =	stream.indirect.scatter.add.f32 [tilespmem:s24], [sflag:$0x3], $0x80, s21, s23, $0xb8;
	[tilespmem:$0x1E800] =	vst v63  }
0xc1: {  	p1 =	seq.s32 s16, $0x0;
	_ =	swait.ge [sflag:s28], $0x4000  }
.Ltmp11:
0xc2: {  	[sflag:s28] =	ssyncset.done $0x0;
	(pc) =	sbr.rel @p1 .LBB2_31-.Ltmp11, $4  }
0xc3: {  	[sflag:s28] =	ssyncadd.s32 $0xFFFFC000  }
0xc4: {  	_ =	swait.ge [sflag:s29], $0x4000  }
0xc5: {  	[sflag:s29] =	ssyncset.done $0x0  }
0xc6: {  	s18 =	sadd.s32 $0x2780, s17;
	[sflag:s29] =	ssyncadd.s32 $0xFFFFC000  }
.Ltmp12:
0xc7: {  	(pc) =	sbr.rel .LBB2_29-.Ltmp12, $4  }
0xc8: {  	s9 =	sadd.s32 $0x1400, s17  }
0xc9: {  	[tilespmem:s24], [sflag:$0x1] =	stream.indirect.gather [hbm4b:s13+s23], $0x80, s9, s23, $0xb8;
	[tilespmem:$0x1E800] =	vst v63  }
0xca: {  	s16 =	sadd.s32 $0x400, s16  }
0xcb: {  	[spmem:s2] =	stream.indirect.scatter.add.f32 [tilespmem:s26], [sflag:$0x4], $0x80, s18, s23, $0xb8;
	[tilespmem:$0x1E800] =	vst v63  }
.LBB2_7:
0xcc: {  	[spmem:s2] =	stream.indirect.scatter.add.f32 [tilespmem:s26], [sflag:$0x4], $0x80, s18, s23, $0xb8;
	[tilespmem:$0x1E800] =	vst v63  }
0xcd: {  	_ =	swait.ge [sflag:s0], $0x4000  }
0xce: {  	[sflag:s0] =	ssyncset.done $0x0  }
0xcf: {  	s9 =	rddreg [dreg:$0x6];
	[sflag:s0] =	ssyncadd.s32 $0xFFFFC000  }
0xd0: {  	[tilespmem:s3], [sflag:$0x5] =	stream.linear.gather [hbm4b:s9+s3], $0x1400, $0x38;
	[tilespmem:$0x1E800] =	vst v63  }
0xd1: {  	_ =	swait.ge [sflag:s6], $0x1400  }
0xd2: {  	[sflag:s6] =	ssyncset.done $0x0  }
0xd3: {  	[sflag:s6] =	ssyncadd.s32 $0xFFFFEC00  }
0xd4: {  	[tilespmem:s22], [sflag:$0x5] =	stream.linear.gather [hbm4b:s11+s3], $0x1400, $0x38;
	[tilespmem:$0x1E800] =	vst v63  }
0xd5: {  	_ =	swait.ge [sflag:s6], $0x1400  }
0xd6: {  	[sflag:s6] =	ssyncset.done $0x0  }
0xd7: {  	[sflag:s6] =	ssyncadd.s32 $0xFFFFEC00  }
0xd8: {  	[tilespmem:s24], [sflag:$0x1] =	stream.indirect.gather [hbm4b:s1+s23], $0x80, s3, s23, $0xb8;
	[tilespmem:$0x1E800] =	vst v63  }
0xd9: {  	_ =	swait.ge [sflag:s25], $0x4000  }
0xda: {  	[sflag:s25] =	ssyncset.done $0x0  }
0xdb: {  	[sflag:s25] =	ssyncadd.s32 $0xFFFFC000  }
0xdc: {  	[tilespmem:s26], [sflag:$0x2] =	stream.indirect.gather [hbm4b:s1+s23], $0x80, s23, s23, $0xb8;
	[tilespmem:$0x1E800] =	vst v63  }
0xdd: {  	_ = 	snop  }
0xde: {  	[spmem:s2] =	stream.indirect.scatter.add.f32 [tilespmem:s24], [sflag:$0x3], $0x80, s22, s23, $0xb8;
	[tilespmem:$0x1E800] =	vst v63  }
0xdf: {  	_ =	swait.ge [sflag:s28], $0x4000  }
0xe0: {  	[sflag:s28] =	ssyncset.done $0x0  }
0xe1: {  	[sflag:s28] =	ssyncadd.s32 $0xFFFFC000  }
0xe2: {  	_ =	swait.ge [sflag:s29], $0x4000  }
0xe3: {  	[sflag:s29] =	ssyncset.done $0x0  }
0xe4: {  	[sflag:s29] =	ssyncadd.s32 $0xFFFFC000  }
0xe5: {  	[tilespmem:s24], [sflag:$0x1] =	stream.indirect.gather [hbm4b:s1+s23], $0x80, s30, s23, $0xb8;
	[tilespmem:$0x1E800] =	vst v63  }
0xe6: {  	s16 =	simm.s32 $0xFFFFB800  }
0xe7: {  	[spmem:s2] =	stream.indirect.scatter.add.f32 [tilespmem:s26], [sflag:$0x4], $0x80, s31, s23, $0xb8;
	[tilespmem:$0x1E800] =	vst v63  }
.LBB2_8:
0xe8: {  	_ =	swait.ge [sflag:s25], $0x4000  }
0xe9: {  	[sflag:s25] =	ssyncset.done $0x0  }
0xea: {  	[sflag:s25] =	ssyncadd.s32 $0xFFFFC000  }
0xeb: {  	_ =	swait.ge [sflag:s0], $0x4000  }
0xec: {  	s17 =	sshra.s32 s16, $0x2;
	[sflag:s0] =	ssyncset.done $0x0  }
0xed: {  	s18 =	sadd.s32 $0x1380, s17;
	[sflag:s0] =	ssyncadd.s32 $0xFFFFC000  }
0xee: {  	[tilespmem:s26], [sflag:$0x2] =	stream.indirect.gather [hbm4b:s1+s23], $0x80, s18, s23, $0xb8;
	[tilespmem:$0x1E800] =	vst v63  }
0xef: {  	s21 =	sadd.s32 $0x2700, s17  }
0xf0: {  	[spmem:s2] =	stream.indirect.scatter.add.f32 [tilespmem:s24], [sflag:$0x3], $0x80, s21, s23, $0xb8;
	[tilespmem:$0x1E800] =	vst v63  }
0xf1: {  	p1 =	seq.s32 s16, $0x0;
	_ =	swait.ge [sflag:s28], $0x4000  }
.Ltmp13:
0xf2: {  	[sflag:s28] =	ssyncset.done $0x0;
	(pc) =	sbr.rel @p1 .LBB2_10-.Ltmp13, $4  }
0xf3: {  	[sflag:s28] =	ssyncadd.s32 $0xFFFFC000  }
0xf4: {  	_ =	swait.ge [sflag:s29], $0x4000  }
0xf5: {  	[sflag:s29] =	ssyncset.done $0x0  }
0xf6: {  	s18 =	sadd.s32 $0x2780, s17;
	[sflag:s29] =	ssyncadd.s32 $0xFFFFC000  }
.Ltmp14:
0xf7: {  	(pc) =	sbr.rel .LBB2_8-.Ltmp14, $4  }
0xf8: {  	s17 =	sadd.s32 $0x1400, s17  }
0xf9: {  	[tilespmem:s24], [sflag:$0x1] =	stream.indirect.gather [hbm4b:s1+s23], $0x80, s17, s23, $0xb8;
	[tilespmem:$0x1E800] =	vst v63  }
0xfa: {  	s16 =	sadd.s32 $0x400, s16  }
0xfb: {  	[spmem:s2] =	stream.indirect.scatter.add.f32 [tilespmem:s26], [sflag:$0x4], $0x80, s18, s23, $0xb8;
	[tilespmem:$0x1E800] =	vst v63  }
.LBB2_31:
0xfc: {  	[spmem:s2] =	stream.indirect.scatter.add.f32 [tilespmem:s26], [sflag:$0x4], $0x80, s18, s23, $0xb8;
	[tilespmem:$0x1E800] =	vst v63  }
0xfd: {  	p1 =	sne.s32 s7, $0x1;
	_ =	swait.ge [sflag:s0], $0x4000  }
.Ltmp15:
0xfe: {  	[sflag:s0] =	ssyncset.done $0x0;
	(pc) =	sbr.rel @!p1 .LBB2_33-.Ltmp15, $4  }
0xff: {  	s9 =	sshrl.u32 s20, $0x3;
	s16 =	sshrl.u32 s8, $0x3;
	[sflag:s0] =	ssyncadd.s32 $0xFFFFC000  }
0x100: {  	s18 =	sadd.s32 $0xFFFFFFFF, s7;
	s9 =	sadd.s32 s5, s9;
	[bflag:$0x0] =	sbarrier.arrive $0xFFFF  }
0x101: {  	[hbm:s9], [sflag:s15] =	dma.local [spmem:s16], $0x500  }
0x102: {  	s19 =	sadd.s32 $0x2800, s20;
	s17 =	smov.u32 s8;
	_ =	swait.ge [sflag:s6], $0x500  }
.LBB2_32:
0x103: {  	s9 =	sshrl.u32 s19, $0x3;
	[sflag:s6] =	ssyncset.done $0x0  }
0x104: {  	s17 =	sadd.s32 $0x2800, s17;
	p2 =	sne.s32 s18, $0x1;
	s9 =	sadd.s32 s5, s9  }
.Ltmp16:
0x105: {  	s10 =	sshrl.u32 s17, $0x3;
	[sflag:s6] =	ssyncadd.s32 $0xFFFFFB00;
	(pc) =	sbr.rel @p2 .LBB2_32-.Ltmp16, $3  }
0x106: {  	[hbm:s9], [sflag:s15] =	dma.local [spmem:s10], $0x500  }
0x107: {  	s18 =	sadd.s32 $0xFFFFFFFF, s18;
	_ =	sdelay $0x1  }
0x108: {  	s19 =	sadd.s32 $0x2800, s19;
	_ =	swait.ge [sflag:s6], $0x500  }
.LBB2_33:
.Ltmp17:
0x109: {  	[sflag:s6] =	ssyncset.done $0x0;
	s10 =	rddreg [dreg:$0xb];
	(pc) =	sbr.rel @!p1 .LBB2_35-.Ltmp17, $4  }
0x10a: {  	[sflag:s6] =	ssyncadd.s32 $0xFFFFFB00;
	s18 =	sshrl.u32 s10, $0x3  }
0x10b: {  	s19 =	sadd.s32 $0xFFFFFFFF, s7;
	[bflag:$0x0] =	sbarrier.arrive $0xFFFF;
	s9 =	sadd.s32 s1, s18  }
0x10c: {  	[spmem:s16], [sflag:s15] =	dma.local [hbm:s9], $0x500  }
0x10d: {  	s17 =	smov.u32 s8;
	s21 =	sadd.s32 $0x2800, s10;
	_ =	swait.ge [sflag:s6], $0x500  }
.LBB2_34:
0x10e: {  	s9 =	sshrl.u32 s21, $0x3;
	[sflag:s6] =	ssyncset.done $0x0  }
0x10f: {  	s17 =	sadd.s32 $0x2800, s17;
	p2 =	sne.s32 s19, $0x1;
	s9 =	sadd.s32 s1, s9  }
.Ltmp18:
0x110: {  	s10 =	sshrl.u32 s17, $0x3;
	[sflag:s6] =	ssyncadd.s32 $0xFFFFFB00;
	(pc) =	sbr.rel @p2 .LBB2_34-.Ltmp18, $3  }
0x111: {  	[spmem:s10], [sflag:s15] =	dma.local [hbm:s9], $0x500  }
0x112: {  	s19 =	sadd.s32 $0xFFFFFFFF, s19;
	_ =	sdelay $0x1  }
0x113: {  	s21 =	sadd.s32 $0x2800, s21;
	_ =	swait.ge [sflag:s6], $0x500  }
.LBB2_35:
0x114: {  	[sflag:s6] =	ssyncset.done $0x0  }
0x115: {  	[sflag:s6] =	ssyncadd.s32 $0xFFFFFB00  }
0x116: {  	[bflag:$0x0] =	sbarrier.arrive $0xFFFF  }
0x117: {  	s9 =	rddreg [dreg:$0x4]  }
0x118: {  	[tilespmem:s3], [sflag:$0x5] =	stream.linear.gather [hbm4b:s9+s3], $0x1400, $0x38;
	[tilespmem:$0x1E800] =	vst v63  }
0x119: {  	_ =	swait.ge [sflag:s6], $0x1400  }
0x11a: {  	[sflag:s6] =	ssyncset.done $0x0  }
0x11b: {  	s21 =	rddreg [dreg:$0x5];
	[sflag:s6] =	ssyncadd.s32 $0xFFFFEC00  }
0x11c: {  	[tilespmem:s22], [sflag:$0x5] =	stream.linear.gather [hbm4b:s21+s3], $0x1400, $0x38;
	[tilespmem:$0x1E800] =	vst v63  }
0x11d: {  	_ =	swait.ge [sflag:s6], $0x1400  }
0x11e: {  	[sflag:s6] =	ssyncset.done $0x0  }
0x11f: {  	[sflag:s6] =	ssyncadd.s32 $0xFFFFEC00  }
0x120: {  	[tilespmem:s24], [sflag:$0x1] =	stream.indirect.gather [hbm4b:s14+s23], $0x80, s3, s23, $0xb8;
	[tilespmem:$0x1E800] =	vst v63  }
0x121: {  	_ =	swait.ge [sflag:s25], $0x4000  }
0x122: {  	[sflag:s25] =	ssyncset.done $0x0  }
0x123: {  	[sflag:s25] =	ssyncadd.s32 $0xFFFFC000  }
0x124: {  	[tilespmem:s26], [sflag:$0x2] =	stream.indirect.gather [hbm4b:s14+s23], $0x80, s23, s23, $0xb8;
	[tilespmem:$0x1E800] =	vst v63  }
0x125: {  	_ = 	snop  }
0x126: {  	[spmem:s2] =	stream.indirect.scatter.add.f32 [tilespmem:s24], [sflag:$0x3], $0x80, s22, s23, $0xb8;
	[tilespmem:$0x1E800] =	vst v63  }
0x127: {  	_ =	swait.ge [sflag:s28], $0x4000  }
0x128: {  	[sflag:s28] =	ssyncset.done $0x0  }
0x129: {  	[sflag:s28] =	ssyncadd.s32 $0xFFFFC000  }
0x12a: {  	_ =	swait.ge [sflag:s29], $0x4000  }
0x12b: {  	[sflag:s29] =	ssyncset.done $0x0  }
0x12c: {  	[sflag:s29] =	ssyncadd.s32 $0xFFFFC000  }
0x12d: {  	[tilespmem:s24], [sflag:$0x1] =	stream.indirect.gather [hbm4b:s14+s23], $0x80, s30, s23, $0xb8;
	[tilespmem:$0x1E800] =	vst v63  }
0x12e: {  	s19 =	simm.s32 $0xFFFFB800  }
0x12f: {  	[spmem:s2] =	stream.indirect.scatter.add.f32 [tilespmem:s26], [sflag:$0x4], $0x80, s31, s23, $0xb8;
	[tilespmem:$0x1E800] =	vst v63  }
.LBB2_36:
0x130: {  	_ =	swait.ge [sflag:s25], $0x4000  }
0x131: {  	[sflag:s25] =	ssyncset.done $0x0  }
0x132: {  	[sflag:s25] =	ssyncadd.s32 $0xFFFFC000  }
0x133: {  	_ =	swait.ge [sflag:s0], $0x4000  }
0x134: {  	s17 =	sshra.s32 s19, $0x2;
	[sflag:s0] =	ssyncset.done $0x0  }
0x135: {  	s9 =	sadd.s32 $0x1380, s17;
	[sflag:s0] =	ssyncadd.s32 $0xFFFFC000  }
0x136: {  	[tilespmem:s26], [sflag:$0x2] =	stream.indirect.gather [hbm4b:s14+s23], $0x80, s9, s23, $0xb8;
	[tilespmem:$0x1E800] =	vst v63  }
0x137: {  	s21 =	sadd.s32 $0x2700, s17  }
0x138: {  	[spmem:s2] =	stream.indirect.scatter.add.f32 [tilespmem:s24], [sflag:$0x3], $0x80, s21, s23, $0xb8;
	[tilespmem:$0x1E800] =	vst v63  }
0x139: {  	p2 =	seq.s32 s19, $0x0;
	_ =	swait.ge [sflag:s28], $0x4000  }
.Ltmp19:
0x13a: {  	[sflag:s28] =	ssyncset.done $0x0;
	(pc) =	sbr.rel @p2 .LBB2_38-.Ltmp19, $4  }
0x13b: {  	[sflag:s28] =	ssyncadd.s32 $0xFFFFC000  }
0x13c: {  	_ =	swait.ge [sflag:s29], $0x4000  }
0x13d: {  	[sflag:s29] =	ssyncset.done $0x0  }
0x13e: {  	s21 =	sadd.s32 $0x2780, s17;
	[sflag:s29] =	ssyncadd.s32 $0xFFFFC000  }
.Ltmp20:
0x13f: {  	(pc) =	sbr.rel .LBB2_36-.Ltmp20, $4  }
0x140: {  	s9 =	sadd.s32 $0x1400, s17  }
0x141: {  	[tilespmem:s24], [sflag:$0x1] =	stream.indirect.gather [hbm4b:s14+s23], $0x80, s9, s23, $0xb8;
	[tilespmem:$0x1E800] =	vst v63  }
0x142: {  	s19 =	sadd.s32 $0x400, s19  }
0x143: {  	[spmem:s2] =	stream.indirect.scatter.add.f32 [tilespmem:s26], [sflag:$0x4], $0x80, s21, s23, $0xb8;
	[tilespmem:$0x1E800] =	vst v63  }
.LBB2_10:
0x144: {  	[spmem:s2] =	stream.indirect.scatter.add.f32 [tilespmem:s26], [sflag:$0x4], $0x80, s18, s23, $0xb8;
	[tilespmem:$0x1E800] =	vst v63  }
0x145: {  	_ =	swait.ge [sflag:s0], $0x4000  }
0x146: {  	[sflag:s0] =	ssyncset.done $0x0  }
0x147: {  	p1 =	sne.s32 s7, $0x1;
	[sflag:s0] =	ssyncadd.s32 $0xFFFFC000  }
.Ltmp21:
0x148: {  	[bflag:$0x0] =	sbarrier.arrive $0xFFFF;
	(pc) =	sbr.rel @!p1 .LBB2_12-.Ltmp21, $4  }
0x149: {  	s16 =	sshrl.u32 s8, $0x3;
	s19 =	rddreg [dreg:$0x9]  }
0x14a: {  	[hbm:s19], [sflag:s15] =	dma.local [spmem:s16], $0x500  }
0x14b: {  	_ =	swait.ge [sflag:s6], $0x500  }
0x14c: {  	s18 =	sadd.s32 $0xFFFFFFFF, s7;
	s17 =	sadd.s32 $0x2800, s8;
	[sflag:s6] =	ssyncset.done $0x0  }
.LBB2_11:
0x14d: {  	s21 =	sshrl.u32 s17, $0x3  }
0x14e: {  	[sflag:s6] =	ssyncadd.s32 $0xFFFFFB00;
	s19 =	sadd.s32 $0x500, s19;
	p2 =	sne.s32 s18, $0x1  }
0x14f: {  	[hbm:s19], [sflag:s15] =	dma.local [spmem:s21], $0x500  }
.Ltmp22:
0x150: {  	_ = 	snop;
	(pc) =	sbr.rel @p2 .LBB2_11-.Ltmp22, $4  }
0x151: {  	_ = 	snop  }
0x152: {  	s18 =	sadd.s32 $0xFFFFFFFF, s18  }
0x153: {  	_ =	swait.ge [sflag:s6], $0x500  }
0x154: {  	s17 =	sadd.s32 $0x2800, s17;
	[sflag:s6] =	ssyncset.done $0x0  }
.LBB2_12:
.Ltmp23:
0x155: {  	s9 =	rddreg [dreg:$0xa];
	(pc) =	sbr.rel @!p1 .LBB2_14-.Ltmp23, $4  }
0x156: {  	[sflag:s6] =	ssyncadd.s32 $0xFFFFFB00;
	s18 =	sshrl.u32 s9, $0x3  }
0x157: {  	s19 =	sadd.s32 $0xFFFFFFFF, s7;
	[bflag:$0x0] =	sbarrier.arrive $0xFFFF;
	s17 =	sadd.s32 s1, s18  }
0x158: {  	[spmem:s16], [sflag:s15] =	dma.local [hbm:s17], $0x500  }
0x159: {  	s21 =	sadd.s32 $0x2800, s9;
	s17 =	smov.u32 s8;
	_ =	swait.ge [sflag:s6], $0x500  }
.LBB2_13:
0x15a: {  	s9 =	sshrl.u32 s21, $0x3;
	[sflag:s6] =	ssyncset.done $0x0  }
0x15b: {  	s17 =	sadd.s32 $0x2800, s17;
	p1 =	sne.s32 s19, $0x1;
	s9 =	sadd.s32 s1, s9  }
.Ltmp24:
0x15c: {  	s10 =	sshrl.u32 s17, $0x3;
	[sflag:s6] =	ssyncadd.s32 $0xFFFFFB00;
	(pc) =	sbr.rel @p1 .LBB2_13-.Ltmp24, $3  }
0x15d: {  	[spmem:s10], [sflag:s15] =	dma.local [hbm:s9], $0x500  }
0x15e: {  	s19 =	sadd.s32 $0xFFFFFFFF, s19;
	_ =	sdelay $0x1  }
0x15f: {  	s21 =	sadd.s32 $0x2800, s21;
	_ =	swait.ge [sflag:s6], $0x500  }
.LBB2_14:
0x160: {  	[sflag:s6] =	ssyncset.done $0x0  }
0x161: {  	[sflag:s6] =	ssyncadd.s32 $0xFFFFFB00  }
0x162: {  	[bflag:$0x0] =	sbarrier.arrive $0xFFFF  }
0x163: {  	s9 =	rddreg [dreg:$0x4]  }
0x164: {  	[tilespmem:s3], [sflag:$0x5] =	stream.linear.gather [hbm4b:s9+s3], $0x1400, $0x38;
	[tilespmem:$0x1E800] =	vst v63  }
0x165: {  	_ =	swait.ge [sflag:s6], $0x1400  }
0x166: {  	[sflag:s6] =	ssyncset.done $0x0  }
0x167: {  	s21 =	rddreg [dreg:$0x5];
	[sflag:s6] =	ssyncadd.s32 $0xFFFFEC00  }
0x168: {  	[tilespmem:s22], [sflag:$0x5] =	stream.linear.gather [hbm4b:s21+s3], $0x1400, $0x38;
	[tilespmem:$0x1E800] =	vst v63  }
0x169: {  	_ =	swait.ge [sflag:s6], $0x1400  }
0x16a: {  	[sflag:s6] =	ssyncset.done $0x0  }
0x16b: {  	[sflag:s6] =	ssyncadd.s32 $0xFFFFEC00  }
0x16c: {  	[tilespmem:s24], [sflag:$0x1] =	stream.indirect.gather [hbm4b:s12+s23], $0x80, s3, s23, $0xb8;
	[tilespmem:$0x1E800] =	vst v63  }
0x16d: {  	_ =	swait.ge [sflag:s25], $0x4000  }
0x16e: {  	[sflag:s25] =	ssyncset.done $0x0  }
0x16f: {  	[sflag:s25] =	ssyncadd.s32 $0xFFFFC000  }
0x170: {  	[tilespmem:s26], [sflag:$0x2] =	stream.indirect.gather [hbm4b:s12+s23], $0x80, s23, s23, $0xb8;
	[tilespmem:$0x1E800] =	vst v63  }
0x171: {  	_ = 	snop  }
0x172: {  	[spmem:s2] =	stream.indirect.scatter.add.f32 [tilespmem:s24], [sflag:$0x3], $0x80, s22, s23, $0xb8;
	[tilespmem:$0x1E800] =	vst v63  }
0x173: {  	_ =	swait.ge [sflag:s28], $0x4000  }
0x174: {  	[sflag:s28] =	ssyncset.done $0x0  }
0x175: {  	[sflag:s28] =	ssyncadd.s32 $0xFFFFC000  }
0x176: {  	_ =	swait.ge [sflag:s29], $0x4000  }
0x177: {  	[sflag:s29] =	ssyncset.done $0x0  }
0x178: {  	[sflag:s29] =	ssyncadd.s32 $0xFFFFC000  }
0x179: {  	[tilespmem:s24], [sflag:$0x1] =	stream.indirect.gather [hbm4b:s12+s23], $0x80, s30, s23, $0xb8;
	[tilespmem:$0x1E800] =	vst v63  }
0x17a: {  	s19 =	simm.s32 $0xFFFFB800  }
0x17b: {  	[spmem:s2] =	stream.indirect.scatter.add.f32 [tilespmem:s26], [sflag:$0x4], $0x80, s31, s23, $0xb8;
	[tilespmem:$0x1E800] =	vst v63  }
.LBB2_15:
0x17c: {  	_ =	swait.ge [sflag:s25], $0x4000  }
0x17d: {  	[sflag:s25] =	ssyncset.done $0x0  }
0x17e: {  	[sflag:s25] =	ssyncadd.s32 $0xFFFFC000  }
0x17f: {  	_ =	swait.ge [sflag:s0], $0x4000  }
0x180: {  	s17 =	sshra.s32 s19, $0x2;
	[sflag:s0] =	ssyncset.done $0x0  }
0x181: {  	s9 =	sadd.s32 $0x1380, s17;
	[sflag:s0] =	ssyncadd.s32 $0xFFFFC000  }
0x182: {  	[tilespmem:s26], [sflag:$0x2] =	stream.indirect.gather [hbm4b:s12+s23], $0x80, s9, s23, $0xb8;
	[tilespmem:$0x1E800] =	vst v63  }
0x183: {  	s21 =	sadd.s32 $0x2700, s17  }
0x184: {  	[spmem:s2] =	stream.indirect.scatter.add.f32 [tilespmem:s24], [sflag:$0x3], $0x80, s21, s23, $0xb8;
	[tilespmem:$0x1E800] =	vst v63  }
0x185: {  	p1 =	seq.s32 s19, $0x0;
	_ =	swait.ge [sflag:s28], $0x4000  }
.Ltmp25:
0x186: {  	[sflag:s28] =	ssyncset.done $0x0;
	(pc) =	sbr.rel @p1 .LBB2_17-.Ltmp25, $4  }
0x187: {  	[sflag:s28] =	ssyncadd.s32 $0xFFFFC000  }
0x188: {  	_ =	swait.ge [sflag:s29], $0x4000  }
0x189: {  	[sflag:s29] =	ssyncset.done $0x0  }
0x18a: {  	s21 =	sadd.s32 $0x2780, s17;
	[sflag:s29] =	ssyncadd.s32 $0xFFFFC000  }
.Ltmp26:
0x18b: {  	(pc) =	sbr.rel .LBB2_15-.Ltmp26, $4  }
0x18c: {  	s9 =	sadd.s32 $0x1400, s17  }
0x18d: {  	[tilespmem:s24], [sflag:$0x1] =	stream.indirect.gather [hbm4b:s12+s23], $0x80, s9, s23, $0xb8;
	[tilespmem:$0x1E800] =	vst v63  }
0x18e: {  	s19 =	sadd.s32 $0x400, s19  }
0x18f: {  	[spmem:s2] =	stream.indirect.scatter.add.f32 [tilespmem:s26], [sflag:$0x4], $0x80, s21, s23, $0xb8;
	[tilespmem:$0x1E800] =	vst v63  }
.LBB2_38:
0x190: {  	[spmem:s2] =	stream.indirect.scatter.add.f32 [tilespmem:s26], [sflag:$0x4], $0x80, s21, s23, $0xb8;
	[tilespmem:$0x1E800] =	vst v63  }
0x191: {  	_ =	swait.ge [sflag:s0], $0x4000  }
0x192: {  	[sflag:s0] =	ssyncset.done $0x0  }
0x193: {  	s9 =	rddreg [dreg:$0x6];
	[sflag:s0] =	ssyncadd.s32 $0xFFFFC000  }
0x194: {  	[tilespmem:s3], [sflag:$0x5] =	stream.linear.gather [hbm4b:s9+s3], $0x1400, $0x38;
	[tilespmem:$0x1E800] =	vst v63  }
0x195: {  	_ =	swait.ge [sflag:s6], $0x1400  }
0x196: {  	[sflag:s6] =	ssyncset.done $0x0  }
0x197: {  	[sflag:s6] =	ssyncadd.s32 $0xFFFFEC00  }
0x198: {  	[tilespmem:s22], [sflag:$0x5] =	stream.linear.gather [hbm4b:s11+s3], $0x1400, $0x38;
	[tilespmem:$0x1E800] =	vst v63  }
0x199: {  	_ =	swait.ge [sflag:s6], $0x1400  }
0x19a: {  	[sflag:s6] =	ssyncset.done $0x0  }
0x19b: {  	[sflag:s6] =	ssyncadd.s32 $0xFFFFEC00  }
0x19c: {  	[tilespmem:s24], [sflag:$0x1] =	stream.indirect.gather [hbm4b:s14+s23], $0x80, s3, s23, $0xb8;
	[tilespmem:$0x1E800] =	vst v63  }
0x19d: {  	_ =	swait.ge [sflag:s25], $0x4000  }
0x19e: {  	[sflag:s25] =	ssyncset.done $0x0  }
0x19f: {  	[sflag:s25] =	ssyncadd.s32 $0xFFFFC000  }
0x1a0: {  	[tilespmem:s26], [sflag:$0x2] =	stream.indirect.gather [hbm4b:s14+s23], $0x80, s23, s23, $0xb8;
	[tilespmem:$0x1E800] =	vst v63  }
0x1a1: {  	_ = 	snop  }
0x1a2: {  	[spmem:s2] =	stream.indirect.scatter.add.f32 [tilespmem:s24], [sflag:$0x3], $0x80, s22, s23, $0xb8;
	[tilespmem:$0x1E800] =	vst v63  }
0x1a3: {  	_ =	swait.ge [sflag:s28], $0x4000  }
0x1a4: {  	[sflag:s28] =	ssyncset.done $0x0  }
0x1a5: {  	[sflag:s28] =	ssyncadd.s32 $0xFFFFC000  }
0x1a6: {  	_ =	swait.ge [sflag:s29], $0x4000  }
0x1a7: {  	[sflag:s29] =	ssyncset.done $0x0  }
0x1a8: {  	[sflag:s29] =	ssyncadd.s32 $0xFFFFC000  }
0x1a9: {  	[tilespmem:s24], [sflag:$0x1] =	stream.indirect.gather [hbm4b:s14+s23], $0x80, s30, s23, $0xb8;
	[tilespmem:$0x1E800] =	vst v63  }
0x1aa: {  	s19 =	simm.s32 $0xFFFFB800  }
0x1ab: {  	[spmem:s2] =	stream.indirect.scatter.add.f32 [tilespmem:s26], [sflag:$0x4], $0x80, s31, s23, $0xb8;
	[tilespmem:$0x1E800] =	vst v63  }
.LBB2_39:
0x1ac: {  	_ =	swait.ge [sflag:s25], $0x4000  }
0x1ad: {  	[sflag:s25] =	ssyncset.done $0x0  }
0x1ae: {  	[sflag:s25] =	ssyncadd.s32 $0xFFFFC000  }
0x1af: {  	_ =	swait.ge [sflag:s0], $0x4000  }
0x1b0: {  	s17 =	sshra.s32 s19, $0x2;
	[sflag:s0] =	ssyncset.done $0x0  }
0x1b1: {  	s9 =	sadd.s32 $0x1380, s17;
	[sflag:s0] =	ssyncadd.s32 $0xFFFFC000  }
0x1b2: {  	[tilespmem:s26], [sflag:$0x2] =	stream.indirect.gather [hbm4b:s14+s23], $0x80, s9, s23, $0xb8;
	[tilespmem:$0x1E800] =	vst v63  }
0x1b3: {  	s21 =	sadd.s32 $0x2700, s17  }
0x1b4: {  	[spmem:s2] =	stream.indirect.scatter.add.f32 [tilespmem:s24], [sflag:$0x3], $0x80, s21, s23, $0xb8;
	[tilespmem:$0x1E800] =	vst v63  }
0x1b5: {  	p2 =	seq.s32 s19, $0x0;
	_ =	swait.ge [sflag:s28], $0x4000  }
.Ltmp27:
0x1b6: {  	[sflag:s28] =	ssyncset.done $0x0;
	(pc) =	sbr.rel @p2 .LBB2_41-.Ltmp27, $4  }
0x1b7: {  	[sflag:s28] =	ssyncadd.s32 $0xFFFFC000  }
0x1b8: {  	_ =	swait.ge [sflag:s29], $0x4000  }
0x1b9: {  	[sflag:s29] =	ssyncset.done $0x0  }
0x1ba: {  	s21 =	sadd.s32 $0x2780, s17;
	[sflag:s29] =	ssyncadd.s32 $0xFFFFC000  }
.Ltmp28:
0x1bb: {  	(pc) =	sbr.rel .LBB2_39-.Ltmp28, $4  }
0x1bc: {  	s9 =	sadd.s32 $0x1400, s17  }
0x1bd: {  	[tilespmem:s24], [sflag:$0x1] =	stream.indirect.gather [hbm4b:s14+s23], $0x80, s9, s23, $0xb8;
	[tilespmem:$0x1E800] =	vst v63  }
0x1be: {  	s19 =	sadd.s32 $0x400, s19  }
0x1bf: {  	[spmem:s2] =	stream.indirect.scatter.add.f32 [tilespmem:s26], [sflag:$0x4], $0x80, s21, s23, $0xb8;
	[tilespmem:$0x1E800] =	vst v63  }
.LBB2_17:
0x1c0: {  	[spmem:s2] =	stream.indirect.scatter.add.f32 [tilespmem:s26], [sflag:$0x4], $0x80, s21, s23, $0xb8;
	[tilespmem:$0x1E800] =	vst v63  }
0x1c1: {  	_ =	swait.ge [sflag:s0], $0x4000  }
0x1c2: {  	[sflag:s0] =	ssyncset.done $0x0  }
0x1c3: {  	s9 =	rddreg [dreg:$0x6];
	[sflag:s0] =	ssyncadd.s32 $0xFFFFC000  }
0x1c4: {  	[tilespmem:s3], [sflag:$0x5] =	stream.linear.gather [hbm4b:s9+s3], $0x1400, $0x38;
	[tilespmem:$0x1E800] =	vst v63  }
0x1c5: {  	_ =	swait.ge [sflag:s6], $0x1400  }
0x1c6: {  	[sflag:s6] =	ssyncset.done $0x0  }
0x1c7: {  	[sflag:s6] =	ssyncadd.s32 $0xFFFFEC00  }
0x1c8: {  	[tilespmem:s22], [sflag:$0x5] =	stream.linear.gather [hbm4b:s11+s3], $0x1400, $0x38;
	[tilespmem:$0x1E800] =	vst v63  }
0x1c9: {  	_ =	swait.ge [sflag:s6], $0x1400  }
0x1ca: {  	[sflag:s6] =	ssyncset.done $0x0  }
0x1cb: {  	[sflag:s6] =	ssyncadd.s32 $0xFFFFEC00  }
0x1cc: {  	[tilespmem:s24], [sflag:$0x1] =	stream.indirect.gather [hbm4b:s12+s23], $0x80, s3, s23, $0xb8;
	[tilespmem:$0x1E800] =	vst v63  }
0x1cd: {  	_ =	swait.ge [sflag:s25], $0x4000  }
0x1ce: {  	[sflag:s25] =	ssyncset.done $0x0  }
0x1cf: {  	[sflag:s25] =	ssyncadd.s32 $0xFFFFC000  }
0x1d0: {  	[tilespmem:s26], [sflag:$0x2] =	stream.indirect.gather [hbm4b:s12+s23], $0x80, s23, s23, $0xb8;
	[tilespmem:$0x1E800] =	vst v63  }
0x1d1: {  	_ = 	snop  }
0x1d2: {  	[spmem:s2] =	stream.indirect.scatter.add.f32 [tilespmem:s24], [sflag:$0x3], $0x80, s22, s23, $0xb8;
	[tilespmem:$0x1E800] =	vst v63  }
0x1d3: {  	_ =	swait.ge [sflag:s28], $0x4000  }
0x1d4: {  	[sflag:s28] =	ssyncset.done $0x0  }
0x1d5: {  	[sflag:s28] =	ssyncadd.s32 $0xFFFFC000  }
0x1d6: {  	_ =	swait.ge [sflag:s29], $0x4000  }
0x1d7: {  	[sflag:s29] =	ssyncset.done $0x0  }
0x1d8: {  	[sflag:s29] =	ssyncadd.s32 $0xFFFFC000  }
0x1d9: {  	[tilespmem:s24], [sflag:$0x1] =	stream.indirect.gather [hbm4b:s12+s23], $0x80, s30, s23, $0xb8;
	[tilespmem:$0x1E800] =	vst v63  }
0x1da: {  	s19 =	simm.s32 $0xFFFFB800  }
0x1db: {  	[spmem:s2] =	stream.indirect.scatter.add.f32 [tilespmem:s26], [sflag:$0x4], $0x80, s31, s23, $0xb8;
	[tilespmem:$0x1E800] =	vst v63  }
.LBB2_18:
0x1dc: {  	_ =	swait.ge [sflag:s25], $0x4000  }
0x1dd: {  	[sflag:s25] =	ssyncset.done $0x0  }
0x1de: {  	[sflag:s25] =	ssyncadd.s32 $0xFFFFC000  }
0x1df: {  	_ =	swait.ge [sflag:s0], $0x4000  }
0x1e0: {  	s17 =	sshra.s32 s19, $0x2;
	[sflag:s0] =	ssyncset.done $0x0  }
0x1e1: {  	s9 =	sadd.s32 $0x1380, s17;
	[sflag:s0] =	ssyncadd.s32 $0xFFFFC000  }
0x1e2: {  	[tilespmem:s26], [sflag:$0x2] =	stream.indirect.gather [hbm4b:s12+s23], $0x80, s9, s23, $0xb8;
	[tilespmem:$0x1E800] =	vst v63  }
0x1e3: {  	s21 =	sadd.s32 $0x2700, s17  }
0x1e4: {  	[spmem:s2] =	stream.indirect.scatter.add.f32 [tilespmem:s24], [sflag:$0x3], $0x80, s21, s23, $0xb8;
	[tilespmem:$0x1E800] =	vst v63  }
0x1e5: {  	p1 =	seq.s32 s19, $0x0;
	_ =	swait.ge [sflag:s28], $0x4000  }
.Ltmp29:
0x1e6: {  	[sflag:s28] =	ssyncset.done $0x0;
	(pc) =	sbr.rel @p1 .LBB2_20-.Ltmp29, $4  }
0x1e7: {  	[sflag:s28] =	ssyncadd.s32 $0xFFFFC000  }
0x1e8: {  	_ =	swait.ge [sflag:s29], $0x4000  }
0x1e9: {  	[sflag:s29] =	ssyncset.done $0x0  }
0x1ea: {  	s21 =	sadd.s32 $0x2780, s17;
	[sflag:s29] =	ssyncadd.s32 $0xFFFFC000  }
.Ltmp30:
0x1eb: {  	(pc) =	sbr.rel .LBB2_18-.Ltmp30, $4  }
0x1ec: {  	s9 =	sadd.s32 $0x1400, s17  }
0x1ed: {  	[tilespmem:s24], [sflag:$0x1] =	stream.indirect.gather [hbm4b:s12+s23], $0x80, s9, s23, $0xb8;
	[tilespmem:$0x1E800] =	vst v63  }
0x1ee: {  	s19 =	sadd.s32 $0x400, s19  }
0x1ef: {  	[spmem:s2] =	stream.indirect.scatter.add.f32 [tilespmem:s26], [sflag:$0x4], $0x80, s21, s23, $0xb8;
	[tilespmem:$0x1E800] =	vst v63  }
.LBB2_41:
0x1f0: {  	[spmem:s2] =	stream.indirect.scatter.add.f32 [tilespmem:s26], [sflag:$0x4], $0x80, s21, s23, $0xb8;
	[tilespmem:$0x1E800] =	vst v63  }
0x1f1: {  	_ =	swait.ge [sflag:s0], $0x4000  }
0x1f2: {  	[sflag:s0] =	ssyncset.done $0x0  }
0x1f3: {  	[sflag:s0] =	ssyncadd.s32 $0xFFFFC000  }
.Ltmp31:
0x1f4: {  	s9 =	sadd.s32 s5, s18;
	[bflag:$0x0] =	sbarrier.arrive $0xFFFF;
	(pc) =	sbr.rel @!p1 .LBB2_43-.Ltmp31, $4  }
0x1f5: {  	[hbm:s9], [sflag:s15] =	dma.local [spmem:s16], $0x500  }
0x1f6: {  	_ =	swait.ge [sflag:s6], $0x500  }
0x1f7: {  	s21 =	rddreg [dreg:$0xb]  }
0x1f8: {  	s17 =	smov.u32 s8;
	s16 =	sadd.s32 $0xFFFFFFFF, s7;
	s18 =	sadd.s32 $0x2800, s21  }
.LBB2_42:
0x1f9: {  	s9 =	sshrl.u32 s18, $0x3;
	[sflag:s6] =	ssyncset.done $0x0  }
0x1fa: {  	s17 =	sadd.s32 $0x2800, s17;
	p1 =	sne.s32 s16, $0x1;
	s9 =	sadd.s32 s5, s9  }
.Ltmp32:
0x1fb: {  	s10 =	sshrl.u32 s17, $0x3;
	[sflag:s6] =	ssyncadd.s32 $0xFFFFFB00;
	(pc) =	sbr.rel @p1 .LBB2_42-.Ltmp32, $3  }
0x1fc: {  	[hbm:s9], [sflag:s15] =	dma.local [spmem:s10], $0x500  }
0x1fd: {  	s16 =	sadd.s32 $0xFFFFFFFF, s16;
	_ =	sdelay $0x1  }
0x1fe: {  	s18 =	sadd.s32 $0x2800, s18;
	_ =	swait.ge [sflag:s6], $0x500  }
.LBB2_43:
.Ltmp33:
0x1ff: {  	(pc) =	sbr.rel .LBB2_44-.Ltmp33, $3  }
0x200: {  	_ =	sdelay $0x1  }
0x201: {  	[sflag:s6] =	ssyncset.done $0x0  }
0x202: {  	[sflag:s6] =	ssyncadd.s32 $0xFFFFFB00  }
.LBB2_20:
0x203: {  	[spmem:s2] =	stream.indirect.scatter.add.f32 [tilespmem:s26], [sflag:$0x4], $0x80, s21, s23, $0xb8;
	[tilespmem:$0x1E800] =	vst v63  }
0x204: {  	_ =	swait.ge [sflag:s0], $0x4000  }
0x205: {  	[sflag:s0] =	ssyncset.done $0x0  }
0x206: {  	p1 =	seq.s32 s7, $0x1;
	[sflag:s0] =	ssyncadd.s32 $0xFFFFC000  }
.Ltmp34:
0x207: {  	s9 =	sadd.s32 s5, s18;
	[bflag:$0x0] =	sbarrier.arrive $0xFFFF;
	(pc) =	sbr.rel @p1 .LBB2_22-.Ltmp34, $4  }
0x208: {  	[hbm:s9], [sflag:s15] =	dma.local [spmem:s16], $0x500  }
0x209: {  	_ =	swait.ge [sflag:s6], $0x500  }
0x20a: {  	s21 =	rddreg [dreg:$0xa]  }
0x20b: {  	s17 =	smov.u32 s8;
	s16 =	sadd.s32 $0xFFFFFFFF, s7;
	s18 =	sadd.s32 $0x2800, s21  }
.LBB2_21:
0x20c: {  	s9 =	sshrl.u32 s18, $0x3;
	[sflag:s6] =	ssyncset.done $0x0  }
0x20d: {  	s17 =	sadd.s32 $0x2800, s17;
	p1 =	seq.s32 s16, $0x1;
	s9 =	sadd.s32 s5, s9  }
.Ltmp35:
0x20e: {  	s10 =	sshrl.u32 s17, $0x3;
	[sflag:s6] =	ssyncadd.s32 $0xFFFFFB00;
	(pc) =	sbr.rel @!p1 .LBB2_21-.Ltmp35, $3  }
0x20f: {  	[hbm:s9], [sflag:s15] =	dma.local [spmem:s10], $0x500  }
0x210: {  	s16 =	sadd.s32 $0xFFFFFFFF, s16;
	_ =	sdelay $0x1  }
0x211: {  	s18 =	sadd.s32 $0x2800, s18;
	_ =	swait.ge [sflag:s6], $0x500  }
.Ltmp36:
0x212: {  	_ = 	snop;
	(pc) =	sbr.rel .LBB2_22-.Ltmp36, $1  }
0x213: {  	_ =	sdelay $0x3  }
.LBB2_45:
0x214: {  	_ =	sfence.sel $0x180000  }
0x215: {  	[bflag:$0x0] =	sbarrier.arrive $0xFFFF  }
0x216: {  	_ =	strace $0x9000004A  }
0x217: {  	s0 =	stileid.u32;
	[bflag:$0x2] =	sbarrier.arrive $0xFFFF  }
0x218: {  	p0 =	sne.s32 s0, $0x0;
	s0 =	rddreg [dreg:$0x3]  }
0x219: {  	s0 =	sadd.s32 @!p0 $0x100000, s0  }
0x21a: {  	[sflag:s0] =	ssyncadd.tile.s32 @!p0 $0x1;
	_ =	shalt  }
.Lfunc_end2:
_tile_overlayer_lowered:
.L_overlay_start_2:
0x21b: {  	(tag) =	ssettag $0x2  }
0x21c: {  	s0 =	rddreg [dreg:$0x0];
	s2 =	stileid.u32  }
0x21d: {  	s1 =	rddreg [dreg:$0x1];
	p0 =	sne.s32 s2, $0x0  }
0x21e: {  	s3 =	rddreg [dreg:$0x2];
	[bflag:$0x3] =	sbarrier.arrive $0xFFFF;
	s2 =	simm.s32 @!p0 $0x1C05  }
0x21f: {  	[timem:s3], [sflag:s2] =	dma.local @!p0 [hbm:s0], s1  }
0x220: {  	s0 =	simm.s32 @!p0 $0x5  }
0x221: {  	_ =	swait.ge @!p0 [sflag:s0], s1  }
0x222: {  	s1 =	ssub.s32 @!p0 $0x0, s1;
	[sflag:s0] =	ssyncset.done @!p0 $0x0  }
0x223: {  	[sflag:s0] =	ssyncadd.s32 @!p0 s1  }
0x224: {  	[bflag:$0x3] =	sbarrier.arrive $0xFFFF  }
0x225: {  	_ =	shalt  }

// kernel: kernel.14.cloned.1.call-start
scs
__scs_entry_jumppad:
0x0: {  	(pc) =	sbr.rel $0x88, $3  }
0x1: {  	(tag) =	ssettag $0x0;
	lr =	simm.s32 $0x1  }
0x2: {  	[smem:$0x3F9B] =	sst lr;
	_ =	strace $0xD0000000  }
0x3: {  	_ = 	snop  }
0x4: {  	_ = 	snop  }
0x5: {  	_ = 	snop  }
0x6: {  	_ = 	snop  }
0x7: {  	_ = 	snop  }
__scs_overlays_trampoline_lowered:
0x8: {  	[smem:$0x3FAA] =	sst s0  }
0x9: {  	[smem:$0x3FAB] =	sst s1  }
0xa: {  	[smem:$0x3FAC] =	sst s2  }
0xb: {  	[smem:$0x3FAD] =	sst s3  }
0xc: {  	[smem:$0x3FAE] =	sst s4  }
0xd: {  	[smem:$0x3FAF] =	sst s5  }
0xe: {  	[smem:$0x3FB0] =	sst s6  }
0xf: {  	[smem:$0x3FB1] =	sst s7  }
0x10: {  	[smem:$0x3FB2] =	sst s8  }
0x11: {  	[smem:$0x3FB3] =	sst s9;
	s0 =	simm.s32 @!p0 $0x0  }
0x12: {  	s1 =	sld [smem:$0x3F99];
	s0 =	simm.s32 @p0 $0x1  }
0x13: {  	[smem:$0x3FB4] =	sst s0;
	s0 =	simm.s32 @!p1 $0x0  }
0x14: {  	s2 =	sld [smem:$0x3F98];
	s0 =	simm.s32 @p1 $0x1  }
0x15: {  	[smem:$0x3FB5] =	sst s0;
	s0 =	simm.s32 @!p2 $0x0  }
0x16: {  	s3 =	sld [smem:$0x3FDB];
	s0 =	simm.s32 @p2 $0x1  }
0x17: {  	s4 =	simm.s32 $0x1BF5;
	[smem:$0x3FB7] =	sst s0  }
0x18: {  	s0 =	sld [smem:$0x3F9A];
	_ =	swait.ge [sflag:s4], $0x0  }
0x19: {  	s7 =	sld [smem:$0x3F9B]  }
0x1a: {  	s8 =	sadd.s32 $0xFFFFE003, lr  }
0x1b: {  	s9 =	sadd.s32 $0xFFFFFEF7, lr;
	s5 =	simm.s32 $0xFFFFFFFF;
	p2 =	slt.u32 s8, $0xFFFFF086  }
0x1c: {  	p1 =	slt.u32 s9, $0xF7A;
	s5 =	simm.s32 @!p2 $0x0  }
0x1d: {  	s5 =	simm.s32 @p1 $0x1;
	p0 =	seq.s32 s7, s2  }
0x1e: {  	s7 =	smul.u32 @!p0 $0xF7A, s2;
	p2 =	seq.s32 @!p0 s5, $0x0  }
0x1f: {  	s9 =	smul.u32 $0xF7A, s1;
	s8 =	simm.s32 @!p0 $0x1BF5;
	p2 =	por !p2, p0  }
0x20: {  	[sflag:s8] =	ssyncset.s32 @!p0 $0xFFFFF086;
	s6 =	sadd.s32 @!p0 s3, s7;
	s7 =	simm.s32 @!p0 $0x108  }
0x21: {  	s3 =	sadd.s32 s3, s9;
	s6 =	sadd.s32 @!p0 $0x88, s6;
	s7 =	simm.s32 @p2 $0x1082  }
0x22: {  	[simem:s7], [sflag:s8] =	dma.local @!p0 [hbm:s6], $0xF7A  }
0x23: {  	s9 =	sor.u32 $0xD0000000, s2;
	s6 =	simm.s32 $0x108;
	_ =	swait.ge @!p0 [sflag:s8], $0x0  }
0x24: {  	s3 =	sadd.s32 $0x88, s3;
	s6 =	simm.s32 @!p1 $0x1082;
	[sflag:s4] =	ssyncset.s32 $0xFFFFF086  }
0x25: {  	[simem:s6], [sflag:s4] =	dma.local [hbm:s3], $0xF7A  }
0x26: {  	[smem:$0x3F9B] =	sst s1;
	(tag) =	ssettag s2;
	_ =	strace s9  }
0x27: {  	s1 =	sld [smem:$0x3FAB]  }
0x28: {  	s2 =	sld [smem:$0x3FAC]  }
0x29: {  	s4 =	sld [smem:$0x3FAE]  }
0x2a: {  	p0 =	seq.s32 s5, $0x0;
	s5 =	sld [smem:$0x3FAF]  }
0x2b: {  	s6 =	sld [smem:$0x3FB0]  }
0x2c: {  	s7 =	sld [smem:$0x3FB1]  }
0x2d: {  	s3 =	simm.s32 $0x108;
	s8 =	sld [smem:$0x3FB2]  }
0x2e: {  	s3 =	simm.s32 @!p0 $0x1082;
	s9 =	sld [smem:$0x3FB3]  }
0x2f: {  	lr =	sadd.s32 s0, s3;
	s0 =	sld [smem:$0x3FAA]  }
0x30: {  	s3 =	sld [smem:$0x3FAD]  }
0x31: {  	[smem:$0x3FB6] =	sst s10  }
0x32: {  	s10 =	sld [smem:$0x3FB4];
	_ =	sdelay $0x3  }
0x33: {  	p0 =	seq.s32 s10, $0x1;
	s10 =	sld [smem:$0x3FB6];
	_ =	sdelay $0x3  }
0x34: {  	[smem:$0x3FB6] =	sst s10  }
0x35: {  	s10 =	sld [smem:$0x3FB5];
	_ =	sdelay $0x3  }
0x36: {  	p1 =	seq.s32 s10, $0x1;
	s10 =	sld [smem:$0x3FB6];
	_ =	sdelay $0x3  }
0x37: {  	[smem:$0x3FB6] =	sst s10  }
0x38: {  	s10 =	sld [smem:$0x3FB7]  }
0x39: {  	_ = 	snop;
	(pc) =	sbr.ind lr, $3  }
0x3a: {  	_ = 	snop  }
0x3b: {  	_ = 	snop  }
0x3c: {  	p2 =	seq.s32 s10, $0x1;
	s10 =	sld [smem:$0x3FB6]  }
0x3d: {  	_ =	shalt  }
0x3e: {  	_ =	shalt  }
0x3f: {  	_ =	shalt  }
0x40: {  	_ =	shalt  }
0x41: {  	_ =	shalt  }
0x42: {  	_ =	shalt  }
0x43: {  	_ =	shalt  }
0x44: {  	_ =	shalt  }
0x45: {  	_ =	shalt  }
0x46: {  	_ =	shalt  }
0x47: {  	_ =	shalt  }
0x48: {  	_ =	shalt  }
0x49: {  	_ =	shalt  }
0x4a: {  	_ =	shalt  }
0x4b: {  	_ =	shalt  }
0x4c: {  	_ =	shalt  }
0x4d: {  	_ =	shalt  }
0x4e: {  	_ =	shalt  }
0x4f: {  	_ =	shalt  }
0x50: {  	_ =	shalt  }
0x51: {  	_ =	shalt  }
0x52: {  	_ =	shalt  }
0x53: {  	_ =	shalt  }
0x54: {  	_ =	shalt  }
0x55: {  	_ =	shalt  }
0x56: {  	_ =	shalt  }
0x57: {  	_ =	shalt  }
0x58: {  	_ =	shalt  }
0x59: {  	_ =	shalt  }
0x5a: {  	_ =	shalt  }
0x5b: {  	_ =	shalt  }
0x5c: {  	_ =	shalt  }
0x5d: {  	_ =	shalt  }
0x5e: {  	_ =	shalt  }
0x5f: {  	_ =	shalt  }
0x60: {  	_ =	shalt  }
0x61: {  	_ =	shalt  }
0x62: {  	_ =	shalt  }
0x63: {  	_ =	shalt  }
0x64: {  	_ =	shalt  }
0x65: {  	_ =	shalt  }
0x66: {  	_ =	shalt  }
0x67: {  	_ =	shalt  }
0x68: {  	_ =	shalt  }
0x69: {  	_ =	shalt  }
0x6a: {  	_ =	shalt  }
0x6b: {  	_ =	shalt  }
0x6c: {  	_ =	shalt  }
0x6d: {  	_ =	shalt  }
0x6e: {  	_ =	shalt  }
0x6f: {  	_ =	shalt  }
0x70: {  	_ =	shalt  }
0x71: {  	_ =	shalt  }
0x72: {  	_ =	shalt  }
0x73: {  	_ =	shalt  }
0x74: {  	_ =	shalt  }
0x75: {  	_ =	shalt  }
0x76: {  	_ =	shalt  }
0x77: {  	_ =	shalt  }
0x78: {  	_ =	shalt  }
0x79: {  	_ =	shalt  }
0x7a: {  	_ =	shalt  }
0x7b: {  	_ =	shalt  }
0x7c: {  	_ =	shalt  }
0x7d: {  	_ =	shalt  }
0x7e: {  	_ =	shalt  }
0x7f: {  	_ =	shalt  }
0x80: {  	_ =	shalt  }
0x81: {  	_ =	shalt  }
0x82: {  	_ =	shalt  }
0x83: {  	_ =	shalt  }
0x84: {  	_ =	shalt  }
0x85: {  	_ =	shalt  }
0x86: {  	_ =	shalt  }
0x87: {  	_ =	shalt  }
.Lfunc_end0:
.L_simem_size_0:
called_computation.2_lowered:
.L_overlay_start_0:
0x88: {  	s2 =	sld [smem:$0x3FD9]  }
0x89: {  	s3 =	sld [smem:$0x3FFE];
	_ =	sdelay $0x1  }
0x8a: {  	s1 =	srdreg.scid  }
0x8b: {  	s0 =	sand.u32 $0x1, s1  }
0x8c: {  	s14 =	sshll.u32 s0, $0xA;
	s2 =	sadd.s32 s3, s2  }
0x8d: {  	s2 =	sadd.s32 s2, s14  }
0x8e: {  	[smem:$0x3FC2] =	sst s2  }
0x8f: {  	_ = 	snop  }
0x90: {  	s2 =	sld [smem:$0x3FD0];
	_ =	sdelay $0x2  }
0x91: {  	s15 =	simm.s32 $0xA;
	s4 =	simm.s32 $0x10  }
0x92: {  	[smem:s4], [sflag:s15] =	dma.local [hbm:s2], $0x1  }
0x93: {  	_ =	swait.eq [sflag:s15], $0x1  }
0x94: {  	[sflag:s15] =	ssyncset.done $0x0  }
0x95: {  	[sflag:s15] =	ssyncadd.s32 $0xFFFFFFFF  }
0x96: {  	s16 =	sld [smem:$0x10];
	(tm) =	ssettm $0x1  }
0x97: {  	s17 =	sld [smem:$0x3FFB];
	_ =	sdelay $0x3  }
0x98: {  	_ =	strace s17  }
0x99: {  	s3 =	sld [smem:$0x3FFC];
	_ =	sdelay $0x3  }
0x9a: {  	_ =	strace s3  }
0x9b: {  	s3 =	sld [smem:$0x3FFD];
	_ =	sdelay $0x3  }
0x9c: {  	_ =	strace s3  }
0x9d: {  	_ =	strace $0x8FFFFFFF  }
0x9e: {  	s18 =	sld [smem:$0x3FDB];
	_ =	sdelay $0x1  }
0x9f: {  	s19 =	simm.s32 $_scs_section_size  }
0xa0: {  	s5 =	simm.s32 $_size__tile_overlayer_lowered;
	s6 =	simm.s32 $_tile_overlayer_lowered  }
0xa1: {  	s22 =	simm.s32 $0x1BFF;
	s21 =	sshll.u32 s6, $0x1;
	s3 =	sadd.s32 s19, s18  }
0xa2: {  	s7 =	simm.s32 $0x0;
	s20 =	sshll.u32 s5, $0x1;
	s5 =	sadd.s32 s21, s3  }
0xa3: {  	[timem:s7], [sflag:s22] =	dma.local [hbm:s5], s20  }
0xa4: {  	_ =	swait.ge [sflag:s22], s20  }
0xa5: {  	s4 =	ssub.s32 $0x0, s20;
	[sflag:s22] =	ssyncset.done $0x0  }
0xa6: {  	[sflag:s22] =	ssyncadd.s32 s4;
	_ =	sdelay $0x1  }
0xa7: {  	s23 =	simm.s32 $0x1B8B  }
0xa8: {  	_ =	swait.ge [sflag:s23], $0x1  }
0xa9: {  	[sflag:s23] =	ssyncset.done $0x0  }
0xaa: {  	s25 =	simm.s32 $0x1B8E;
	s24 =	sld [smem:$0x3FFE];
	[sflag:s23] =	ssyncadd.s32 $0xFFFFFFFF  }
0xab: {  	s26 =	simm.s32 $execute0_lowered;
	[smem:$0x3FD2] =	sst s25  }
0xac: {  	s5 =	sshll.u32 s26, $0x1;
	_ =	strace $0x8000004C;
	[dreg:$0x1] =	wrdreg $0xFFFFFFFF  }
0xad: {  	s28 =	simm.s32 $_size_execute0_lowered;
	s3 =	sadd.s32 s3, s5;
	[dreg:$0x0] =	wrdreg $0x0  }
0xae: {  	s5 =	sshll.u32 s28, $0x1;
	[dreg:$0x2] =	wrdreg s3  }
0xaf: {  	[dreg:$0x3] =	wrdreg s5  }
0xb0: {  	[dreg:$0x4] =	wrdreg $0xC0  }
0xb1: {  	_ =	task [dreg:s7], $0x5FFFF  }
0xb2: {  	[dreg:$0x1] =	wrdreg $0xFFFFFFFF  }
0xb3: {  	[dreg:$0x0] =	wrdreg $0x60  }
0xb4: {  	[dreg:$0x2] =	wrdreg s16  }
0xb5: {  	[dreg:$0x3] =	wrdreg s24  }
0xb6: {  	[dreg:$0x4] =	wrdreg $0xA8000  }
0xb7: {  	[dreg:$0x5] =	wrdreg $0x9  }
0xb8: {  	_ =	task.clear_ibuf [dreg:s7], $0x6FFFF;
	_ =	strace $0x9000004C  }
0xb9: {  	s29 =	simm.s32 $0x9;
	_ =	strace $0x8000004E  }
0xba: {  	_ =	swait.ge [sflag:s29], $0x1  }
0xbb: {  	[sflag:s29] =	ssyncadd.s32 $0xFFFFFFFF  }
0xbc: {  	_ =	strace $0x9000004E  }
0xbd: {  	_ =	sfence  }
0xbe: {  	s30 =	sld [smem:$0x0];
	_ =	sdelay $0x2  }
0xbf: {  	s31 =	sshll.u32 s1, $0xD;
	s1 =	sshrl.u32 s1, $0x2  }
0xc0: {  	s3 =	sand.u32 $0x4000, s31;
	s1 =	sadd.s32 s1, s30  }
0xc1: {  	s0 =	sor.u32 s3, s0;
	s1 =	sshll.u32 s1, $0x11  }
0xc2: {  	s0 =	sor.u32 s1, s0  }
0xc3: {  	s0 =	sadd.s32 $0x8F2B, s0  }
0xc4: {  	[sflag:s0] =	ssyncadd.remote.s32 $0x1  }
0xc5: {  	_ =	sfence.sel $0xFFFF  }
0xc6: {  	[dreg:$0x0] =	wrdreg $0xFFFFFFFF;
	(pc) =	sbr.abs _section_cstart, $3  }
0xc7: {  	[dreg:$0x1] =	wrdreg $0xFFFFFFFF  }
0xc8: {  	_ =	task.clear_ibuf [dreg:s7], $0x2FFFF;
	_ =	strace $0x9FFFFFFF  }
0xc9: {  	(tm) =	ssettm $0x7FFFFFFF  }
tec
execute0_lowered:
.L_overlay_start_1:
0x0: {  	(tag) =	ssettag $0x1  }
0x1: {  	s1 =	rddreg [dreg:$0x0]  }
0x2: {  	s5 =	rddreg [dreg:$0x1]  }
0x3: {  	s0 =	srdreg.scid;
	s3 =	rddreg [dreg:$0x2]  }
0x4: {  	s4 =	simm.s32 $0x0;
	s16 =	simm.s32 $0x80;
	s17 =	simm.s32 $0x2800  }
0x5: {  	s18 =	simm.s32 $0x1;
	s19 =	simm.s32 $0x6800;
	s20 =	simm.s32 $0x2  }
0x6: {  	s21 =	simm.s32 $0x3;
	s22 =	simm.s32 $0x100;
	s6 =	sand.u32 $0x1, s0  }
0x7: {  	s23 =	simm.s32 $0x1480;
	s0 =	stileid.u32;
	s13 =	smul.u32 $0x138800, s6  }
0x8: {  	s24 =	simm.s32 $0x4;
	s25 =	simm.s32 $0x0;
	s11 =	smul.u32 $0x2800, s0  }
0x9: {  	[smem:$0x7FF] =	sst s4;
	s2 =	sshll.u32 s6, $0x4;
	s12 =	smul.u32 $0x50000, s0  }
0xa: {  	s8 =	ssub.s32 $0x2, s6;
	p0 =	seq.s32 s0, $0xF;
	s14 =	smul.u32 $0x14000, s0  }
0xb: {  	s15 =	sshll.u32 s0, $0x6;
	s7 =	sor.u32 s0, s2;
	s2 =	rddreg [dreg:$0x3]  }
0xc: {  	_ =	strace $0x8000004D;
	s9 =	sshrl.u32 s8, $0x1;
	s15 =	sor.u32 $0x1C05, s15  }
0xd: {  	s7 =	smul.u32 $0x280, s7;
	s10 =	ssub.s32 s8, s9;
	s8 =	simm.s32 $0x5  }
0xe: {  	s9 =	simm.s32 $0x5;
	s11 =	sadd.s32 s11, s1;
	s12 =	sshrl.u32 s12, $0x2  }
0xf: {  	s13 =	sadd.s32 s14, s13;
	s14 =	simm.s32 $0x1400;
	s8 =	simm.s32 @!p0 $0x8  }
0x10: {  	s10 =	smax.u32 s10, $0x1;
	s12 =	sadd.s32 s12, s3;
	s7 =	sadd.s32 s7, s5  }
0x11: {  	s5 =	sadd.s32 $0xB800, s5;
	s6 =	sadd.s32 $0x6800, s7;
	s7 =	sadd.s32 $0x1800, s7  }
.LBB2_1:
0x12: {  	[tilespmem:s4], [sflag:$0x5] =	stream.linear.gather [hbm4b:s6+s4], $0x1400, $0x38;
	[tilespmem:$0x1E800] =	vst v63  }
0x13: {  	_ =	swait.ge [sflag:s9], $0x1400  }
0x14: {  	[sflag:s9] =	ssyncset.done $0x0  }
0x15: {  	[sflag:s9] =	ssyncadd.s32 $0xFFFFEC00  }
0x16: {  	[tilespmem:s14], [sflag:$0x5] =	stream.linear.gather [hbm4b:s7+s4], $0x1400, $0x38;
	[tilespmem:$0x1E800] =	vst v63  }
0x17: {  	p0 =	sne.s32 s8, $0x1;
	_ =	swait.ge [sflag:s9], $0x1400  }
.Ltmp0:
0x18: {  	[sflag:s9] =	ssyncset.done $0x0;
	(pc) =	sbr.rel @!p0 .LBB2_3-.Ltmp0, $4  }
0x19: {  	s26 =	sshrl.u32 s12, $0x3;
	[sflag:s9] =	ssyncadd.s32 $0xFFFFEC00  }
0x1a: {  	[spmem:s26], [sflag:s15] =	dma.local [hbm:s11], $0x500  }
0x1b: {  	s28 =	sadd.s32 $0xFFFFFFFF, s8;
	_ =	swait.ge [sflag:s9], $0x500  }
0x1c: {  	s29 =	sadd.s32 $0x2800, s12;
	s30 =	smov.u32 s11;
	[sflag:s9] =	ssyncset.done $0x0  }
.LBB2_2:
0x1d: {  	s31 =	sshrl.u32 s29, $0x3  }
0x1e: {  	[sflag:s9] =	ssyncadd.s32 $0xFFFFFB00;
	s30 =	sadd.s32 $0x500, s30;
	p1 =	sne.s32 s28, $0x1  }
0x1f: {  	[spmem:s31], [sflag:s15] =	dma.local [hbm:s30], $0x500  }
.Ltmp1:
0x20: {  	_ = 	snop;
	(pc) =	sbr.rel @p1 .LBB2_2-.Ltmp1, $4  }
0x21: {  	_ = 	snop  }
0x22: {  	s28 =	sadd.s32 $0xFFFFFFFF, s28  }
0x23: {  	_ =	swait.ge [sflag:s9], $0x500  }
0x24: {  	s29 =	sadd.s32 $0x2800, s29;
	[sflag:s9] =	ssyncset.done $0x0  }
.LBB2_3:
0x25: {  	[sflag:s9] =	ssyncadd.s32 $0xFFFFFB00  }
0x26: {  	[bflag:$0x0] =	sbarrier.arrive $0xFFFF  }
0x27: {  	[tilespmem:s17], [sflag:$0x1] =	stream.indirect.gather [hbm4b:s1+s16], $0x80, s4, s16, $0xb8;
	[tilespmem:$0x1E800] =	vst v63  }
0x28: {  	_ =	swait.ge [sflag:s18], $0x4000  }
0x29: {  	[sflag:s18] =	ssyncset.done $0x0  }
0x2a: {  	[sflag:s18] =	ssyncadd.s32 $0xFFFFC000  }
0x2b: {  	[tilespmem:s19], [sflag:$0x2] =	stream.indirect.gather [hbm4b:s1+s16], $0x80, s16, s16, $0xb8;
	[tilespmem:$0x1E800] =	vst v63  }
0x2c: {  	_ = 	snop  }
0x2d: {  	[spmem:s3] =	stream.indirect.scatter.add.f32 [tilespmem:s17], [sflag:$0x3], $0x80, s14, s16, $0xb8;
	[tilespmem:$0x1E800] =	vst v63  }
0x2e: {  	_ =	swait.ge [sflag:s20], $0x4000  }
0x2f: {  	[sflag:s20] =	ssyncset.done $0x0  }
0x30: {  	[sflag:s20] =	ssyncadd.s32 $0xFFFFC000  }
0x31: {  	_ =	swait.ge [sflag:s21], $0x4000  }
0x32: {  	[sflag:s21] =	ssyncset.done $0x0  }
0x33: {  	[sflag:s21] =	ssyncadd.s32 $0xFFFFC000  }
0x34: {  	[tilespmem:s17], [sflag:$0x1] =	stream.indirect.gather [hbm4b:s1+s16], $0x80, s22, s16, $0xb8;
	[tilespmem:$0x1E800] =	vst v63  }
0x35: {  	s28 =	simm.s32 $0xFFFFB800  }
0x36: {  	[spmem:s3] =	stream.indirect.scatter.add.f32 [tilespmem:s19], [sflag:$0x4], $0x80, s23, s16, $0xb8;
	[tilespmem:$0x1E800] =	vst v63  }
.LBB2_4:
0x37: {  	_ =	swait.ge [sflag:s18], $0x4000  }
0x38: {  	[sflag:s18] =	ssyncset.done $0x0  }
0x39: {  	[sflag:s18] =	ssyncadd.s32 $0xFFFFC000  }
0x3a: {  	_ =	swait.ge [sflag:s24], $0x4000  }
0x3b: {  	s29 =	sshra.s32 s28, $0x2;
	[sflag:s24] =	ssyncset.done $0x0  }
0x3c: {  	s30 =	sadd.s32 $0x1380, s29;
	[sflag:s24] =	ssyncadd.s32 $0xFFFFC000  }
0x3d: {  	[tilespmem:s19], [sflag:$0x2] =	stream.indirect.gather [hbm4b:s1+s16], $0x80, s30, s16, $0xb8;
	[tilespmem:$0x1E800] =	vst v63  }
0x3e: {  	s30 =	sadd.s32 $0x2700, s29  }
0x3f: {  	[spmem:s3] =	stream.indirect.scatter.add.f32 [tilespmem:s17], [sflag:$0x3], $0x80, s30, s16, $0xb8;
	[tilespmem:$0x1E800] =	vst v63  }
0x40: {  	p1 =	seq.s32 s28, $0x0;
	_ =	swait.ge [sflag:s20], $0x4000  }
.Ltmp2:
0x41: {  	[sflag:s20] =	ssyncset.done $0x0;
	(pc) =	sbr.rel @p1 .LBB2_6-.Ltmp2, $4  }
0x42: {  	[sflag:s20] =	ssyncadd.s32 $0xFFFFC000  }
0x43: {  	_ =	swait.ge [sflag:s21], $0x4000  }
0x44: {  	[sflag:s21] =	ssyncset.done $0x0  }
0x45: {  	s30 =	sadd.s32 $0x2780, s29;
	[sflag:s21] =	ssyncadd.s32 $0xFFFFC000  }
.Ltmp3:
0x46: {  	(pc) =	sbr.rel .LBB2_4-.Ltmp3, $4  }
0x47: {  	s29 =	sadd.s32 $0x1400, s29  }
0x48: {  	[tilespmem:s17], [sflag:$0x1] =	stream.indirect.gather [hbm4b:s1+s16], $0x80, s29, s16, $0xb8;
	[tilespmem:$0x1E800] =	vst v63  }
0x49: {  	s28 =	sadd.s32 $0x400, s28  }
0x4a: {  	[spmem:s3] =	stream.indirect.scatter.add.f32 [tilespmem:s19], [sflag:$0x4], $0x80, s30, s16, $0xb8;
	[tilespmem:$0x1E800] =	vst v63  }
.LBB2_6:
0x4b: {  	[spmem:s3] =	stream.indirect.scatter.add.f32 [tilespmem:s19], [sflag:$0x4], $0x80, s30, s16, $0xb8;
	[tilespmem:$0x1E800] =	vst v63  }
0x4c: {  	_ =	swait.ge [sflag:s24], $0x4000  }
.Ltmp4:
0x4d: {  	[sflag:s24] =	ssyncset.done $0x0;
	(pc) =	sbr.rel @!p0 .LBB2_8-.Ltmp4, $4  }
0x4e: {  	s28 =	sshrl.u32 s13, $0x3;
	[sflag:s24] =	ssyncadd.s32 $0xFFFFC000  }
0x4f: {  	s29 =	smov.u32 s12;
	s28 =	sadd.s32 s5, s28;
	[bflag:$0x0] =	sbarrier.arrive $0xFFFF  }
0x50: {  	[hbm:s28], [sflag:s15] =	dma.local [spmem:s26], $0x500  }
0x51: {  	s26 =	sadd.s32 $0xFFFFFFFF, s8;
	s28 =	sadd.s32 $0x2800, s13;
	_ =	swait.ge [sflag:s9], $0x500  }
.LBB2_7:
0x52: {  	s30 =	sshrl.u32 s28, $0x3;
	[sflag:s9] =	ssyncset.done $0x0  }
0x53: {  	s29 =	sadd.s32 $0x2800, s29;
	p0 =	sne.s32 s26, $0x1;
	s30 =	sadd.s32 s5, s30  }
.Ltmp5:
0x54: {  	s31 =	sshrl.u32 s29, $0x3;
	[sflag:s9] =	ssyncadd.s32 $0xFFFFFB00;
	(pc) =	sbr.rel @p0 .LBB2_7-.Ltmp5, $3  }
0x55: {  	[hbm:s30], [sflag:s15] =	dma.local [spmem:s31], $0x500  }
0x56: {  	s26 =	sadd.s32 $0xFFFFFFFF, s26;
	_ =	sdelay $0x1  }
0x57: {  	s28 =	sadd.s32 $0x2800, s28;
	_ =	swait.ge [sflag:s9], $0x500  }
.LBB2_8:
0x58: {  	s25 =	sadd.s32 $0x1, s25  }
0x59: {  	p0 =	sne.s32 s25, s10  }
.Ltmp6:
0x5a: {  	_ = 	snop;
	(pc) =	sbr.rel @p0 .LBB2_1-.Ltmp6, $3  }
0x5b: {  	_ =	sdelay $0x1  }
0x5c: {  	[sflag:s9] =	ssyncset.done $0x0  }
0x5d: {  	[sflag:s9] =	ssyncadd.s32 $0xFFFFFB00  }
0x5e: {  	_ =	sfence.sel $0x180000  }
0x5f: {  	[bflag:$0x0] =	sbarrier.arrive $0xFFFF  }
0x60: {  	p0 =	sne.s32 s0, $0x0;
	_ =	strace $0x9000004D  }
0x61: {  	s0 =	sadd.s32 @!p0 $0x100000, s2;
	[bflag:$0x2] =	sbarrier.arrive $0xFFFF  }
0x62: {  	[sflag:s0] =	ssyncadd.tile.s32 @!p0 $0x1;
	_ =	shalt  }
.Lfunc_end2:
_tile_overlayer_lowered:
.L_overlay_start_2:
0x63: {  	(tag) =	ssettag $0x2  }
0x64: {  	s0 =	rddreg [dreg:$0x0];
	s2 =	stileid.u32  }
0x65: {  	s1 =	rddreg [dreg:$0x1];
	p0 =	sne.s32 s2, $0x0  }
0x66: {  	s3 =	rddreg [dreg:$0x2];
	[bflag:$0x3] =	sbarrier.arrive $0xFFFF;
	s2 =	simm.s32 @!p0 $0x1C05  }
0x67: {  	[timem:s3], [sflag:s2] =	dma.local @!p0 [hbm:s0], s1  }
0x68: {  	s0 =	simm.s32 @!p0 $0x5  }
0x69: {  	_ =	swait.ge @!p0 [sflag:s0], s1  }
0x6a: {  	s1 =	ssub.s32 @!p0 $0x0, s1;
	[sflag:s0] =	ssyncset.done @!p0 $0x0  }
0x6b: {  	[sflag:s0] =	ssyncadd.s32 @!p0 s1  }
0x6c: {  	[bflag:$0x3] =	sbarrier.arrive $0xFFFF  }
0x6d: {  	_ =	shalt  }

// kernel: kernel.8.cloned.1.call-start
scs
__scs_entry_jumppad:
0x0: {  	(pc) =	sbr.rel $0x88, $3  }
0x1: {  	(tag) =	ssettag $0x0;
	lr =	simm.s32 $0x1  }
0x2: {  	[smem:$0x3F9B] =	sst lr;
	_ =	strace $0xD0000000  }
0x3: {  	_ = 	snop  }
0x4: {  	_ = 	snop  }
0x5: {  	_ = 	snop  }
0x6: {  	_ = 	snop  }
0x7: {  	_ = 	snop  }
__scs_overlays_trampoline_lowered:
0x8: {  	[smem:$0x3FAA] =	sst s0  }
0x9: {  	[smem:$0x3FAB] =	sst s1  }
0xa: {  	[smem:$0x3FAC] =	sst s2  }
0xb: {  	[smem:$0x3FAD] =	sst s3  }
0xc: {  	[smem:$0x3FAE] =	sst s4  }
0xd: {  	[smem:$0x3FAF] =	sst s5  }
0xe: {  	[smem:$0x3FB0] =	sst s6  }
0xf: {  	[smem:$0x3FB1] =	sst s7  }
0x10: {  	[smem:$0x3FB2] =	sst s8  }
0x11: {  	[smem:$0x3FB3] =	sst s9;
	s0 =	simm.s32 @!p0 $0x0  }
0x12: {  	s1 =	sld [smem:$0x3F99];
	s0 =	simm.s32 @p0 $0x1  }
0x13: {  	[smem:$0x3FB4] =	sst s0;
	s0 =	simm.s32 @!p1 $0x0  }
0x14: {  	s2 =	sld [smem:$0x3F98];
	s0 =	simm.s32 @p1 $0x1  }
0x15: {  	[smem:$0x3FB5] =	sst s0;
	s0 =	simm.s32 @!p2 $0x0  }
0x16: {  	s3 =	sld [smem:$0x3FDB];
	s0 =	simm.s32 @p2 $0x1  }
0x17: {  	s4 =	simm.s32 $0x1BF5;
	[smem:$0x3FB7] =	sst s0  }
0x18: {  	s0 =	sld [smem:$0x3F9A];
	_ =	swait.ge [sflag:s4], $0x0  }
0x19: {  	s7 =	sld [smem:$0x3F9B]  }
0x1a: {  	s8 =	sadd.s32 $0xFFFFE003, lr  }
0x1b: {  	s9 =	sadd.s32 $0xFFFFFEF7, lr;
	s5 =	simm.s32 $0xFFFFFFFF;
	p2 =	slt.u32 s8, $0xFFFFF086  }
0x1c: {  	p1 =	slt.u32 s9, $0xF7A;
	s5 =	simm.s32 @!p2 $0x0  }
0x1d: {  	s5 =	simm.s32 @p1 $0x1;
	p0 =	seq.s32 s7, s2  }
0x1e: {  	s7 =	smul.u32 @!p0 $0xF7A, s2;
	p2 =	seq.s32 @!p0 s5, $0x0  }
0x1f: {  	s9 =	smul.u32 $0xF7A, s1;
	s8 =	simm.s32 @!p0 $0x1BF5;
	p2 =	por !p2, p0  }
0x20: {  	[sflag:s8] =	ssyncset.s32 @!p0 $0xFFFFF086;
	s6 =	sadd.s32 @!p0 s3, s7;
	s7 =	simm.s32 @!p0 $0x108  }
0x21: {  	s3 =	sadd.s32 s3, s9;
	s6 =	sadd.s32 @!p0 $0x88, s6;
	s7 =	simm.s32 @p2 $0x1082  }
0x22: {  	[simem:s7], [sflag:s8] =	dma.local @!p0 [hbm:s6], $0xF7A  }
0x23: {  	s9 =	sor.u32 $0xD0000000, s2;
	s6 =	simm.s32 $0x108;
	_ =	swait.ge @!p0 [sflag:s8], $0x0  }
0x24: {  	s3 =	sadd.s32 $0x88, s3;
	s6 =	simm.s32 @!p1 $0x1082;
	[sflag:s4] =	ssyncset.s32 $0xFFFFF086  }
0x25: {  	[simem:s6], [sflag:s4] =	dma.local [hbm:s3], $0xF7A  }
0x26: {  	[smem:$0x3F9B] =	sst s1;
	(tag) =	ssettag s2;
	_ =	strace s9  }
0x27: {  	s1 =	sld [smem:$0x3FAB]  }
0x28: {  	s2 =	sld [smem:$0x3FAC]  }
0x29: {  	s4 =	sld [smem:$0x3FAE]  }
0x2a: {  	p0 =	seq.s32 s5, $0x0;
	s5 =	sld [smem:$0x3FAF]  }
0x2b: {  	s6 =	sld [smem:$0x3FB0]  }
0x2c: {  	s7 =	sld [smem:$0x3FB1]  }
0x2d: {  	s3 =	simm.s32 $0x108;
	s8 =	sld [smem:$0x3FB2]  }
0x2e: {  	s3 =	simm.s32 @!p0 $0x1082;
	s9 =	sld [smem:$0x3FB3]  }
0x2f: {  	lr =	sadd.s32 s0, s3;
	s0 =	sld [smem:$0x3FAA]  }
0x30: {  	s3 =	sld [smem:$0x3FAD]  }
0x31: {  	[smem:$0x3FB6] =	sst s10  }
0x32: {  	s10 =	sld [smem:$0x3FB4];
	_ =	sdelay $0x3  }
0x33: {  	p0 =	seq.s32 s10, $0x1;
	s10 =	sld [smem:$0x3FB6];
	_ =	sdelay $0x3  }
0x34: {  	[smem:$0x3FB6] =	sst s10  }
0x35: {  	s10 =	sld [smem:$0x3FB5];
	_ =	sdelay $0x3  }
0x36: {  	p1 =	seq.s32 s10, $0x1;
	s10 =	sld [smem:$0x3FB6];
	_ =	sdelay $0x3  }
0x37: {  	[smem:$0x3FB6] =	sst s10  }
0x38: {  	s10 =	sld [smem:$0x3FB7]  }
0x39: {  	_ = 	snop;
	(pc) =	sbr.ind lr, $3  }
0x3a: {  	_ = 	snop  }
0x3b: {  	_ = 	snop  }
0x3c: {  	p2 =	seq.s32 s10, $0x1;
	s10 =	sld [smem:$0x3FB6]  }
0x3d: {  	_ =	shalt  }
0x3e: {  	_ =	shalt  }
0x3f: {  	_ =	shalt  }
0x40: {  	_ =	shalt  }
0x41: {  	_ =	shalt  }
0x42: {  	_ =	shalt  }
0x43: {  	_ =	shalt  }
0x44: {  	_ =	shalt  }
0x45: {  	_ =	shalt  }
0x46: {  	_ =	shalt  }
0x47: {  	_ =	shalt  }
0x48: {  	_ =	shalt  }
0x49: {  	_ =	shalt  }
0x4a: {  	_ =	shalt  }
0x4b: {  	_ =	shalt  }
0x4c: {  	_ =	shalt  }
0x4d: {  	_ =	shalt  }
0x4e: {  	_ =	shalt  }
0x4f: {  	_ =	shalt  }
0x50: {  	_ =	shalt  }
0x51: {  	_ =	shalt  }
0x52: {  	_ =	shalt  }
0x53: {  	_ =	shalt  }
0x54: {  	_ =	shalt  }
0x55: {  	_ =	shalt  }
0x56: {  	_ =	shalt  }
0x57: {  	_ =	shalt  }
0x58: {  	_ =	shalt  }
0x59: {  	_ =	shalt  }
0x5a: {  	_ =	shalt  }
0x5b: {  	_ =	shalt  }
0x5c: {  	_ =	shalt  }
0x5d: {  	_ =	shalt  }
0x5e: {  	_ =	shalt  }
0x5f: {  	_ =	shalt  }
0x60: {  	_ =	shalt  }
0x61: {  	_ =	shalt  }
0x62: {  	_ =	shalt  }
0x63: {  	_ =	shalt  }
0x64: {  	_ =	shalt  }
0x65: {  	_ =	shalt  }
0x66: {  	_ =	shalt  }
0x67: {  	_ =	shalt  }
0x68: {  	_ =	shalt  }
0x69: {  	_ =	shalt  }
0x6a: {  	_ =	shalt  }
0x6b: {  	_ =	shalt  }
0x6c: {  	_ =	shalt  }
0x6d: {  	_ =	shalt  }
0x6e: {  	_ =	shalt  }
0x6f: {  	_ =	shalt  }
0x70: {  	_ =	shalt  }
0x71: {  	_ =	shalt  }
0x72: {  	_ =	shalt  }
0x73: {  	_ =	shalt  }
0x74: {  	_ =	shalt  }
0x75: {  	_ =	shalt  }
0x76: {  	_ =	shalt  }
0x77: {  	_ =	shalt  }
0x78: {  	_ =	shalt  }
0x79: {  	_ =	shalt  }
0x7a: {  	_ =	shalt  }
0x7b: {  	_ =	shalt  }
0x7c: {  	_ =	shalt  }
0x7d: {  	_ =	shalt  }
0x7e: {  	_ =	shalt  }
0x7f: {  	_ =	shalt  }
0x80: {  	_ =	shalt  }
0x81: {  	_ =	shalt  }
0x82: {  	_ =	shalt  }
0x83: {  	_ =	shalt  }
0x84: {  	_ =	shalt  }
0x85: {  	_ =	shalt  }
0x86: {  	_ =	shalt  }
0x87: {  	_ =	shalt  }
.Lfunc_end0:
.L_simem_size_0:
called_computation_lowered:
.L_overlay_start_0:
0x88: {  	s2 =	sld [smem:$0x3FD9]  }
0x89: {  	s3 =	sld [smem:$0x3FFE];
	_ =	sdelay $0x1  }
0x8a: {  	s1 =	srdreg.scid  }
0x8b: {  	s0 =	sand.u32 $0x1, s1  }
0x8c: {  	s14 =	sshll.u32 s0, $0xA;
	s2 =	sadd.s32 s3, s2  }
0x8d: {  	s2 =	sadd.s32 s2, s14  }
0x8e: {  	[smem:$0x3FC2] =	sst s2  }
0x8f: {  	_ = 	snop  }
0x90: {  	s2 =	sld [smem:$0x3FD0];
	_ =	sdelay $0x2  }
0x91: {  	s15 =	simm.s32 $0xA;
	s4 =	simm.s32 $0x10  }
0x92: {  	[smem:s4], [sflag:s15] =	dma.local [hbm:s2], $0x1  }
0x93: {  	_ =	swait.eq [sflag:s15], $0x1  }
0x94: {  	[sflag:s15] =	ssyncset.done $0x0  }
0x95: {  	[sflag:s15] =	ssyncadd.s32 $0xFFFFFFFF  }
0x96: {  	s16 =	sld [smem:$0x10];
	(tm) =	ssettm $0x1  }
0x97: {  	s17 =	sld [smem:$0x3FFB];
	_ =	sdelay $0x3  }
0x98: {  	_ =	strace s17  }
0x99: {  	s3 =	sld [smem:$0x3FFC];
	_ =	sdelay $0x3  }
0x9a: {  	_ =	strace s3  }
0x9b: {  	s3 =	sld [smem:$0x3FFD];
	_ =	sdelay $0x3  }
0x9c: {  	_ =	strace s3  }
0x9d: {  	_ =	strace $0x8FFFFFFF  }
0x9e: {  	s18 =	sld [smem:$0x3FDB];
	_ =	sdelay $0x1  }
0x9f: {  	s19 =	simm.s32 $_scs_section_size  }
0xa0: {  	s5 =	simm.s32 $_size__tile_overlayer_lowered;
	s6 =	simm.s32 $_tile_overlayer_lowered  }
0xa1: {  	s22 =	simm.s32 $0x1BFF;
	s21 =	sshll.u32 s6, $0x1;
	s3 =	sadd.s32 s19, s18  }
0xa2: {  	s7 =	simm.s32 $0x0;
	s20 =	sshll.u32 s5, $0x1;
	s5 =	sadd.s32 s21, s3  }
0xa3: {  	[timem:s7], [sflag:s22] =	dma.local [hbm:s5], s20  }
0xa4: {  	_ =	swait.ge [sflag:s22], s20  }
0xa5: {  	s4 =	ssub.s32 $0x0, s20;
	[sflag:s22] =	ssyncset.done $0x0  }
0xa6: {  	[sflag:s22] =	ssyncadd.s32 s4;
	_ =	sdelay $0x1  }
0xa7: {  	s23 =	simm.s32 $0x1B8B  }
0xa8: {  	_ =	swait.ge [sflag:s23], $0x1  }
0xa9: {  	[sflag:s23] =	ssyncset.done $0x0  }
0xaa: {  	s25 =	simm.s32 $0x1B8E;
	s24 =	sld [smem:$0x3FFE];
	[sflag:s23] =	ssyncadd.s32 $0xFFFFFFFF  }
0xab: {  	s26 =	simm.s32 $execute0_lowered;
	[smem:$0x3FD2] =	sst s25  }
0xac: {  	s5 =	sshll.u32 s26, $0x1;
	_ =	strace $0x80000046;
	[dreg:$0x1] =	wrdreg $0xFFFFFFFF  }
0xad: {  	s28 =	simm.s32 $_size_execute0_lowered;
	s3 =	sadd.s32 s3, s5;
	[dreg:$0x0] =	wrdreg $0x0  }
0xae: {  	s5 =	sshll.u32 s28, $0x1;
	[dreg:$0x2] =	wrdreg s3  }
0xaf: {  	[dreg:$0x3] =	wrdreg s5  }
0xb0: {  	[dreg:$0x4] =	wrdreg $0xC0  }
0xb1: {  	_ =	task [dreg:s7], $0x5FFFF  }
0xb2: {  	[dreg:$0x1] =	wrdreg $0xFFFFFFFF  }
0xb3: {  	[dreg:$0x0] =	wrdreg $0x60  }
0xb4: {  	[dreg:$0x2] =	wrdreg s24  }
0xb5: {  	[dreg:$0x3] =	wrdreg s16  }
0xb6: {  	[dreg:$0x4] =	wrdreg $0x17000  }
0xb7: {  	[dreg:$0x5] =	wrdreg $0x9  }
0xb8: {  	_ =	task.clear_ibuf [dreg:s7], $0x6FFFF;
	_ =	strace $0x90000046  }
0xb9: {  	s29 =	simm.s32 $0x9;
	_ =	strace $0x80000048  }
0xba: {  	_ =	swait.ge [sflag:s29], $0x1  }
0xbb: {  	[sflag:s29] =	ssyncadd.s32 $0xFFFFFFFF  }
0xbc: {  	_ =	strace $0x90000048  }
0xbd: {  	_ =	sfence  }
0xbe: {  	s30 =	sld [smem:$0x0];
	_ =	sdelay $0x2  }
0xbf: {  	s31 =	sshll.u32 s1, $0xD;
	s1 =	sshrl.u32 s1, $0x2  }
0xc0: {  	s3 =	sand.u32 $0x4000, s31;
	s1 =	sadd.s32 s1, s30  }
0xc1: {  	s0 =	sor.u32 s3, s0;
	s1 =	sshll.u32 s1, $0x11  }
0xc2: {  	s0 =	sor.u32 s1, s0  }
0xc3: {  	s0 =	sadd.s32 $0x8F2B, s0  }
0xc4: {  	[sflag:s0] =	ssyncadd.remote.s32 $0x1  }
0xc5: {  	_ =	sfence.sel $0xFFFF  }
0xc6: {  	[dreg:$0x0] =	wrdreg $0xFFFFFFFF;
	(pc) =	sbr.abs _section_cstart, $3  }
0xc7: {  	[dreg:$0x1] =	wrdreg $0xFFFFFFFF  }
0xc8: {  	_ =	task.clear_ibuf [dreg:s7], $0x2FFFF;
	_ =	strace $0x9FFFFFFF  }
0xc9: {  	(tm) =	ssettm $0x7FFFFFFF  }
tec
execute0_lowered:
.L_overlay_start_1:
0x0: {  	(tag) =	ssettag $0x1  }
0x1: {  	s4 =	rddreg [dreg:$0x0]  }
0x2: {  	s6 =	rddreg [dreg:$0x1];
	s0 =	srdreg.scid  }
0x3: {  	s2 =	rddreg [dreg:$0x2];
	s1 =	stileid.u32;
	s3 =	simm.s32 $0x0  }
0x4: {  	s11 =	simm.s32 $0x1400;
	s5 =	sand.u32 $0x1, s0;
	s0 =	rddreg [dreg:$0x3]  }
0x5: {  	s14 =	simm.s32 $0x0;
	s8 =	smul.u32 $0x280, s1;
	[smem:$0x7FF] =	sst s3  }
0x6: {  	s12 =	sshll.u32 s1, $0x6;
	s7 =	sshll.u32 s5, $0x4;
	s9 =	smul.u32 $0x2800, s5  }
0x7: {  	s5 =	ssub.s32 $0x2, s5;
	_ =	strace $0x80000047;
	s7 =	sor.u32 s1, s7  }
0x8: {  	s12 =	sor.u32 $0x1C01, s12;
	s10 =	sshrl.u32 s5, $0x1;
	s7 =	smul.u32 $0x280, s7  }
0x9: {  	s9 =	sadd.s32 s8, s9;
	s31 =	ssub.s32 s5, s10;
	s5 =	sadd.s32 s8, s2  }
0xa: {  	s8 =	simm.s32 $0x1;
	s10 =	simm.s32 $0x80;
	s9 =	sshrl.u32 s9, $0x3  }
0xb: {  	s13 =	sshrl.u32 s5, $0x3;
	s4 =	sadd.s32 s7, s4;
	s6 =	sadd.s32 s6, s9  }
0xc: {  	v0 =	vimm.f32 $1.000000000e+00;
	v1 =	vimm.f32 $0.0e+00;
	s7 =	smax.u32 s31, $0x1;
	s9 =	simm.s32 $0x1480;
	s4 =	sadd.s32 $0x1800, s4  }
.LBB2_1:
0xd: {  	[tilespmem:$0x1400] =	vst v0  }
0xe: {  	[tilespmem:$0x1410] =	vst v0  }
0xf: {  	[tilespmem:$0x1420] =	vst v0  }
0x10: {  	[tilespmem:$0x1430] =	vst v0  }
0x11: {  	[tilespmem:$0x1440] =	vst v0  }
0x12: {  	[tilespmem:$0x1450] =	vst v0  }
0x13: {  	[tilespmem:$0x1460] =	vst v0  }
0x14: {  	[tilespmem:$0x1470] =	vst v0  }
0x15: {  	[tilespmem:$0x1480] =	vst v1  }
0x16: {  	[tilespmem:$0x1490] =	vst v1  }
0x17: {  	[tilespmem:$0x14A0] =	vst v1  }
0x18: {  	[tilespmem:$0x14B0] =	vst v1  }
0x19: {  	[tilespmem:$0x14C0] =	vst v1  }
0x1a: {  	[tilespmem:$0x14D0] =	vst v1  }
0x1b: {  	[tilespmem:$0x14E0] =	vst v1  }
0x1c: {  	[tilespmem:$0x14F0] =	vst v1  }
0x1d: {  	[tilespmem:$0x1500] =	vst v1  }
0x1e: {  	[tilespmem:$0x1510] =	vst v1  }
0x1f: {  	[tilespmem:$0x1520] =	vst v1  }
0x20: {  	[tilespmem:$0x1530] =	vst v1  }
0x21: {  	[tilespmem:$0x1540] =	vst v1  }
0x22: {  	[tilespmem:$0x1550] =	vst v1  }
0x23: {  	[tilespmem:$0x1560] =	vst v1  }
0x24: {  	[tilespmem:$0x1570] =	vst v1  }
0x25: {  	[tilespmem:$0x1580] =	vst v1  }
0x26: {  	[tilespmem:$0x1590] =	vst v1  }
0x27: {  	[tilespmem:$0x15A0] =	vst v1  }
0x28: {  	[tilespmem:$0x15B0] =	vst v1  }
0x29: {  	[tilespmem:$0x15C0] =	vst v1  }
0x2a: {  	[tilespmem:$0x15D0] =	vst v1  }
0x2b: {  	[tilespmem:$0x15E0] =	vst v1  }
0x2c: {  	[tilespmem:$0x15F0] =	vst v1  }
0x2d: {  	[tilespmem:$0x1600] =	vst v1  }
0x2e: {  	[tilespmem:$0x1610] =	vst v1  }
0x2f: {  	[tilespmem:$0x1620] =	vst v1  }
0x30: {  	[tilespmem:$0x1630] =	vst v1  }
0x31: {  	[tilespmem:$0x1640] =	vst v1  }
0x32: {  	[tilespmem:$0x1650] =	vst v1  }
0x33: {  	[tilespmem:$0x1660] =	vst v1  }
0x34: {  	[tilespmem:$0x1670] =	vst v1  }
0x35: {  	[tilespmem:$0x1680] =	vst v1  }
0x36: {  	[tilespmem:$0x1690] =	vst v1  }
0x37: {  	[tilespmem:$0x16A0] =	vst v1  }
0x38: {  	[tilespmem:$0x16B0] =	vst v1  }
0x39: {  	[tilespmem:$0x16C0] =	vst v1  }
0x3a: {  	[tilespmem:$0x16D0] =	vst v1  }
0x3b: {  	[tilespmem:$0x16E0] =	vst v1  }
0x3c: {  	[tilespmem:$0x16F0] =	vst v1  }
0x3d: {  	[tilespmem:s3], [sflag:$0x1] =	stream.linear.gather [hbm4b:s4+s3], $0x1400, $0x38;
	[tilespmem:$0x1980] =	vst v63  }
0x3e: {  	_ =	swait.ge [sflag:s8], $0x1400  }
0x3f: {  	[sflag:s8] =	ssyncset.done $0x0  }
0x40: {  	[sflag:s8] =	ssyncadd.s32 $0xFFFFEC00  }
0x41: {  	[spmem:s5] =	stream.linear.scatter [tilespmem:s9], [sflag:$0x1], $0x280, $0x38;
	[tilespmem:$0x1980] =	vst v63  }
0x42: {  	_ =	swait.ge [sflag:s8], $0x280  }
0x43: {  	[sflag:s8] =	ssyncset.done $0x0  }
0x44: {  	[sflag:s8] =	ssyncadd.s32 $0xFFFFFD80  }
0x45: {  	s15 =	simm.s32 $0x0;
	[bflag:$0x0] =	sbarrier.arrive $0xFFFF  }
0x46: {  	[spmem:s2] =	stream.indirect.scatter.add.f32 [tilespmem:s11], [sflag:$0x1], $0x1, s15, s10, $0xb8;
	[tilespmem:$0x1980] =	vst v63  }
0x47: {  	_ =	swait.ge [sflag:s8], $0x80  }
0x48: {  	s15 =	simm.s32 $0x200;
	[sflag:s8] =	ssyncset.done $0x0  }
.LBB2_2:
0x49: {  	s16 =	sshra.s32 s15, $0x2;
	[sflag:s8] =	ssyncadd.s32 $0xFFFFFF80;
	p0 =	sne.s32 s15, $0x4E00  }
0x4a: {  	[spmem:s2] =	stream.indirect.scatter.add.f32 [tilespmem:s11], [sflag:$0x1], $0x1, s16, s10, $0xb8;
	[tilespmem:$0x1980] =	vst v63  }
.Ltmp0:
0x4b: {  	_ = 	snop;
	(pc) =	sbr.rel @p0 .LBB2_2-.Ltmp0, $4  }
0x4c: {  	_ = 	snop  }
0x4d: {  	s15 =	sadd.s32 $0x200, s15  }
0x4e: {  	_ =	swait.ge [sflag:s8], $0x80  }
0x4f: {  	[sflag:s8] =	ssyncset.done $0x0  }
0x50: {  	s14 =	sadd.s32 $0x1, s14  }
0x51: {  	[sflag:s8] =	ssyncadd.s32 $0xFFFFFF80;
	p0 =	sne.s32 s14, s7  }
.Ltmp1:
0x52: {  	[bflag:$0x0] =	sbarrier.arrive $0xFFFF;
	(pc) =	sbr.rel @p0 .LBB2_1-.Ltmp1, $4  }
0x53: {  	[hbm:s6], [sflag:s12] =	dma.local [spmem:s13], $0x50  }
0x54: {  	_ =	swait.ge [sflag:s8], $0x50  }
0x55: {  	[sflag:s8] =	ssyncset.done $0x0  }
0x56: {  	[sflag:s8] =	ssyncadd.s32 $0xFFFFFFB0  }
0x57: {  	_ =	sfence.sel $0x180000  }
0x58: {  	[bflag:$0x0] =	sbarrier.arrive $0xFFFF  }
0x59: {  	p0 =	sne.s32 s1, $0x0;
	_ =	strace $0x90000047  }
0x5a: {  	s0 =	sadd.s32 @!p0 $0x100000, s0;
	[bflag:$0x2] =	sbarrier.arrive $0xFFFF  }
0x5b: {  	[sflag:s0] =	ssyncadd.tile.s32 @!p0 $0x1;
	_ =	shalt  }
.Lfunc_end2:
_tile_overlayer_lowered:
.L_overlay_start_2:
0x5c: {  	(tag) =	ssettag $0x2  }
0x5d: {  	s0 =	rddreg [dreg:$0x0];
	s2 =	stileid.u32  }
0x5e: {  	s1 =	rddreg [dreg:$0x1];
	p0 =	sne.s32 s2, $0x0  }
0x5f: {  	s3 =	rddreg [dreg:$0x2];
	[bflag:$0x3] =	sbarrier.arrive $0xFFFF;
	s2 =	simm.s32 @!p0 $0x1C01  }
0x60: {  	[timem:s3], [sflag:s2] =	dma.local @!p0 [hbm:s0], s1  }
0x61: {  	s0 =	simm.s32 @!p0 $0x1  }
0x62: {  	_ =	swait.ge @!p0 [sflag:s0], s1  }
0x63: {  	s1 =	ssub.s32 @!p0 $0x0, s1;
	[sflag:s0] =	ssyncset.done @!p0 $0x0  }
0x64: {  	[sflag:s0] =	ssyncadd.s32 @!p0 s1  }
0x65: {  	[bflag:$0x3] =	sbarrier.arrive $0xFFFF  }
0x66: {  	_ =	shalt  }

</sc_bundles>
